<compile_context>
chip_gen: v7x
topology: tpu7x:2x2x1
jax: 0.10.2.dev20260603
libtpu: 0.0.44.dev20260713+nightly
codegen_flags: <defaults>
</compile_context>

<pallas_src>
import jax
import jax.numpy as jnp
from jax import lax
from jax.experimental import pallas as pl
from jax.experimental.pallas import tpu as pltpu
from jax.experimental.pallas import tpu_sc as plsc

B, Kp, C, M = 2, 256, 512, 8
Kc = Kp * M
NBLK = 2
PB = Kp // NBLK
RB = PB * M
GRID = B * NBLK
PHI_M2 = 1.6 ** (-2)
JITTER = 1e-4
BETA = 0.5
K_TARGET = 1024.0
F32 = jnp.float32

NC, NS, L = 2, 16, 16
NW = NC * NS
RPW = (B * Kp) // NW
NCHUNK = Kp // L


def _sigmoid(x):
    return 1.0 / (1.0 + jnp.exp(-x))


def _softplus(x):
    return jnp.maximum(x, 0.0) + jnp.log(1.0 + jnp.exp(-jnp.abs(x)))


def _ln(x, g, b, eps=1e-5):
    m = jnp.mean(x, axis=-1, keepdims=True)
    v = jnp.mean((x - m) ** 2, axis=-1, keepdims=True)
    return (x - m) / jnp.sqrt(v + eps) * g + b


def _inv6(s00, s01, s02, s11, s12, s22):
    c00 = s11 * s22 - s12 * s12
    c01 = s02 * s12 - s01 * s22
    c02 = s01 * s12 - s02 * s11
    c11 = s00 * s22 - s02 * s02
    c12 = s01 * s02 - s00 * s12
    c22 = s00 * s11 - s01 * s01
    rdet = 1.0 / (s00 * c00 + s01 * c01 + s02 * c02)
    return c00 * rdet, c01 * rdet, c02 * rdet, c11 * rdet, c12 * rdet, c22 * rdet


def _quad(p00, p01, p02, p11, p12, p22, dx, dy, dz):
    return (p00 * dx * dx + p11 * dy * dy + p22 * dz * dz
            + 2.0 * (p01 * dx * dy + p02 * dx * dz + p12 * dy * dz))



def _sc_body(muT_hbm, sigT_hbm, sp_hbm, n_out, snei_out,
             mvT, sgT, fb, idxv, rows, nbuf, sem):
    wid = lax.axis_index("s") * NC + lax.axis_index("c")
    bno = wid // NS
    jbase = (wid - bno * NS) * RPW

    pltpu.sync_copy(muT_hbm.at[pl.ds(bno * 3, 3), :], mvT)
    pltpu.sync_copy(sigT_hbm.at[pl.ds(bno * 9, 9), :], sgT)

    lane = lax.iota(jnp.int32, L)
    nloc_v = jnp.zeros((L,), jnp.int32)

    def feat_body(c, _):
        off = c * L
        s00 = sgT[0, pl.ds(off, L)]
        s01 = sgT[1, pl.ds(off, L)]
        s02 = sgT[2, pl.ds(off, L)]
        s11 = sgT[4, pl.ds(off, L)]
        s12 = sgT[5, pl.ds(off, L)]
        s22 = sgT[8, pl.ds(off, L)]
        p00, p01, p02, p11, p12, p22 = _inv6(s00, s01, s02, s11, s12, s22)
        fb[0, pl.ds(off, L)] = p00
        fb[1, pl.ds(off, L)] = p01
        fb[2, pl.ds(off, L)] = p02
        fb[3, pl.ds(off, L)] = p11
        fb[4, pl.ds(off, L)] = p12
        fb[5, pl.ds(off, L)] = p22
        return 0

    lax.fori_loop(0, NCHUNK, feat_body, 0)

    for r in range(RPW):
        jloc = jbase + r
        sel = lane == r
        mjx = jnp.sum(jnp.where(sel, mvT[0, pl.ds(jbase, L)], 0.0))
        mjy = jnp.sum(jnp.where(sel, mvT[1, pl.ds(jbase, L)], 0.0))
        mjz = jnp.sum(jnp.where(sel, mvT[2, pl.ds(jbase, L)], 0.0))

        def chunk_body(c, carry, mjx=mjx, mjy=mjy, mjz=mjz, jloc=jloc):
            mx, mi = carry
            off = c * L
            p00 = fb[0, pl.ds(off, L)]
            p01 = fb[1, pl.ds(off, L)]
            p02 = fb[2, pl.ds(off, L)]
            p11 = fb[3, pl.ds(off, L)]
            p12 = fb[4, pl.ds(off, L)]
            p22 = fb[5, pl.ds(off, L)]
            dx = mjx - mvT[0, pl.ds(off, L)]
            dy = mjy - mvT[1, pl.ds(off, L)]
            dz = mjz - mvT[2, pl.ds(off, L)]
            S = -0.5 * _quad(p00, p01, p02, p11, p12, p22, dx, dy, dz)
            kidx = lane + off
            S = jnp.where(kidx == jloc, -1e30, S)
            cond = S > mx
            mx = jnp.where(cond, S, mx)
            mi = jnp.where(cond, kidx.astype(F32), mi)
            return mx, mi

        mx, mi = lax.fori_loop(
            0, NCHUNK, chunk_body,
            (jnp.full((L,), -3e38, F32), jnp.zeros((L,), F32)))
        mbest = jnp.max(mx)
        nf = jnp.min(jnp.where(mx == mbest, mi, 1e9))
        nloc_v = jnp.where(sel, nf.astype(jnp.int32), nloc_v)

    nbuf[...] = nloc_v
    pltpu.sync_copy(nbuf, n_out.at[pl.ds(wid * RPW, RPW)])
    idxv[...] = nloc_v + bno * Kp
    pltpu.async_copy(sp_hbm.at[idxv], rows, sem).wait()
    pltpu.sync_copy(rows, snei_out.at[pl.ds(wid * RPW, RPW), :])


def _sc_retrieve(muT, sigT9, sp):
    mesh = plsc.VectorSubcoreMesh(core_axis_name="c", subcore_axis_name="s",
                                  num_cores=NC, num_subcores=NS)
    kern = pl.kernel(
        _sc_body,
        out_type=[jax.ShapeDtypeStruct((B * Kp,), jnp.int32),
                  jax.ShapeDtypeStruct((B * Kp, C), F32)],
        mesh=mesh,
        scratch_types=[pltpu.VMEM((3, Kp), F32),
                       pltpu.VMEM((9, Kp), F32),
                       pltpu.VMEM((6, Kp), F32),
                       pltpu.VMEM((RPW,), jnp.int32),
                       pltpu.VMEM((RPW, C), F32),
                       pltpu.VMEM((RPW,), jnp.int32),
                       pltpu.SemaphoreType.DMA],
        compiler_params=pltpu.CompilerParams(use_tc_tiling_on_sc=False,
                                             needs_layout_passes=False),
    )
    return kern(muT.reshape(B * 3, Kp), sigT9.reshape(B * 9, Kp), sp)



def _body(spb, mub, muall, sig9b, sig9all, maskb, xib, emb, nblk, sneib,
          glg, glb, gW1, gb1, gW2c, gb2,
          plg, plb, pW1, pb1, pW2c, pb2, gmW, gmb,
          out_s, out_mu, out_sig, out_g, out_gsum, out_loss):
    gid = pl.program_id(0)
    bno = gid // NBLK

    spb = spb[...]
    mub = mub[...]
    muall = muall[...]
    sig9b = sig9b[...]
    sig9all = sig9all[...]
    maskb = maskb[...]
    xib = xib[...]
    emb = emb[...]
    nblk = nblk[...]
    sneib = sneib[...]
    glg = glg[...]
    glb = glb[...]
    gW1 = gW1[...]
    gb1 = gb1[...]
    gW2c = gW2c[...]
    gb2 = gb2[...]
    plg = plg[...]
    plb = plb[...]
    pW1 = pW1[...]
    pb1 = pb1[...]
    pW2c = pW2c[...]
    pb2 = pb2[...]
    gmW = gmW[...]
    gmb = gmb[...]

    colk_i = jax.lax.broadcasted_iota(jnp.int32, (PB, Kp), 1)
    onehot = jnp.where(colk_i == nblk, 1.0, 0.0).astype(F32)

    hi = jax.lax.Precision.HIGHEST
    mu_nei = jnp.dot(onehot, muall, preferred_element_type=F32, precision=hi)
    sig_nei = jnp.dot(onehot, sig9all, preferred_element_type=F32, precision=hi)
    s_nei = sneib

    sb = [sig9b[:, i:i + 1] for i in (0, 1, 2, 4, 5, 8)]
    Pj = _inv6(*sb)
    sn = [sig_nei[:, i:i + 1] for i in (0, 1, 2, 4, 5, 8)]
    Pn = _inv6(*sn)

    a00 = sb[0] + 1e-6
    a11 = sb[3] + 1e-6
    a22 = sb[5] + 1e-6
    l11 = jnp.sqrt(a00)
    l21 = sb[1] / l11
    l31 = sb[2] / l11
    l22 = jnp.sqrt(a11 - l21 * l21)
    l32 = (sb[4] - l31 * l21) / l22
    l33 = jnp.sqrt(a22 - l31 * l31 - l32 * l32)

    hp = _ln(spb, plg, plb)
    hp = jnp.dot(hp, pW1, preferred_element_type=F32) + pb1
    hp = hp * _sigmoid(hp)
    apre = jnp.dot(hp, pW2c, preferred_element_type=F32) + pb2
    log_a = jnp.log(_softplus(apre) + 1e-8)

    def exp8(v):
        return jnp.broadcast_to(v[:, None, :], (PB, M, v.shape[1])).reshape(RB, v.shape[1])

    X = (spb[:, None, :] + emb[None, :, :]).reshape(RB, C)
    h = _ln(X, glg, glb)
    h = jnp.dot(h, gW1, preferred_element_type=F32) + gb1
    h = h * _sigmoid(h)
    blog = jnp.dot(h, gW2c, preferred_element_type=F32) + gb2
    blog = blog + BETA * exp8(log_a)
    g = _sigmoid(blog) * exp8(maskb)

    xi_bias = jnp.dot(emb, gmW, preferred_element_type=F32, precision=hi) + gmb
    xi = xib + jnp.broadcast_to(xi_bias[None, :, :], (PB, M, 3)).reshape(RB, 3)
    x1 = xi[:, 0:1]
    x2 = xi[:, 1:2]
    x3 = xi[:, 2:3]
    Le = exp8(jnp.concatenate([l11, l21, l22, l31, l32, l33], axis=1))
    mue = exp8(mub)
    mu0x = mue[:, 0:1] + Le[:, 0:1] * x1
    mu0y = mue[:, 1:2] + Le[:, 1:2] * x1 + Le[:, 2:3] * x2
    mu0z = mue[:, 2:3] + Le[:, 3:4] * x1 + Le[:, 4:5] * x2 + Le[:, 5:6] * x3

    Pje = exp8(jnp.concatenate(Pj, axis=1))
    Pne = exp8(jnp.concatenate(Pn, axis=1))
    mune = exp8(mu_nei)
    d0x = mu0x - mue[:, 0:1]
    d0y = mu0y - mue[:, 1:2]
    d0z = mu0z - mue[:, 2:3]
    d1x = mu0x - mune[:, 0:1]
    d1y = mu0y - mune[:, 1:2]
    d1z = mu0z - mune[:, 2:3]
    sc0 = -0.5 * _quad(Pje[:, 0:1], Pje[:, 1:2], Pje[:, 2:3],
                       Pje[:, 3:4], Pje[:, 4:5], Pje[:, 5:6], d0x, d0y, d0z)
    sc1 = -0.5 * _quad(Pne[:, 0:1], Pne[:, 1:2], Pne[:, 2:3],
                       Pne[:, 3:4], Pne[:, 4:5], Pne[:, 5:6], d1x, d1y, d1z)
    w0 = _sigmoid(sc0 - sc1)
    w1 = 1.0 - w0

    mcx = w0 * mue[:, 0:1] + w1 * mune[:, 0:1]
    mcy = w0 * mue[:, 1:2] + w1 * mune[:, 1:2]
    mcz = w0 * mue[:, 2:3] + w1 * mune[:, 2:3]
    out_mu[:, 0:1] = mcx
    out_mu[:, 1:2] = mcy
    out_mu[:, 2:3] = mcz

    sig6e = exp8(jnp.concatenate(sb, axis=1))
    sig6ne = exp8(jnp.concatenate(sn, axis=1))
    djx = mue[:, 0:1] - mcx
    djy = mue[:, 1:2] - mcy
    djz = mue[:, 2:3] - mcz
    dnx = mune[:, 0:1] - mcx
    dny = mune[:, 1:2] - mcy
    dnz = mune[:, 2:3] - mcz
    intra = (w0 * sig6e + w1 * sig6ne) * PHI_M2
    o00 = intra[:, 0:1] + w0 * djx * djx + w1 * dnx * dnx + JITTER
    o01 = intra[:, 1:2] + w0 * djx * djy + w1 * dnx * dny
    o02 = intra[:, 2:3] + w0 * djx * djz + w1 * dnx * dnz
    o11 = intra[:, 3:4] + w0 * djy * djy + w1 * dny * dny + JITTER
    o12 = intra[:, 4:5] + w0 * djy * djz + w1 * dny * dnz
    o22 = intra[:, 5:6] + w0 * djz * djz + w1 * dnz * dnz + JITTER
    out_sig[:, 0:1] = o00
    out_sig[:, 1:2] = o01
    out_sig[:, 2:3] = o02
    out_sig[:, 3:4] = o01
    out_sig[:, 4:5] = o11
    out_sig[:, 5:6] = o12
    out_sig[:, 6:7] = o02
    out_sig[:, 7:8] = o12
    out_sig[:, 8:9] = o22

    smix = w0 * exp8(spb) + w1 * exp8(s_nei)
    out_s[...] = g * smix
    out_g[...] = g

    @pl.when(gid == 0)
    def _init():
        out_gsum[...] = jnp.zeros((B, 1), F32)

    rowb = jax.lax.broadcasted_iota(jnp.int32, (B, 1), 0)
    out_gsum[...] += jnp.where(rowb == bno, jnp.sum(g), 0.0)

    @pl.when(gid == GRID - 1)
    def _loss():
        d = out_gsum[...] - K_TARGET
        out_loss[...] = jnp.sum(d * d, axis=0, keepdims=True) * (1.0 / B)


def kernel(s_parent, mu_p, Sigma_p, mask_parent, xi_noise, child_embed,
           gate_ln_g, gate_ln_b, gate_W1, gate_b1, gate_W2, gate_b2,
           prior_ln_g, prior_ln_b, prior_W1, prior_b1, prior_W2, prior_b2,
           geom_W, geom_b):
    f = F32
    sp = s_parent.reshape(B * Kp, C)
    mu = mu_p.reshape(B * Kp, 3)
    sig9 = Sigma_p.reshape(B * Kp, 9)
    muT = jnp.transpose(mu_p, (0, 2, 1))
    sigT9 = jnp.transpose(Sigma_p.reshape(B, Kp, 9), (0, 2, 1))
    maskf = mask_parent.reshape(B * Kp, 1)
    xif = xi_noise.reshape(B * Kc, 3)

    n_idx, s_nei = _sc_retrieve(muT, sigT9, sp)
    n2d = n_idx.reshape(B * Kp, 1)

    def bs(shape, idx):
        return pl.BlockSpec(shape, idx)

    blkmap = lambda g: (g, 0)
    batmap = lambda g: (g // NBLK, 0)
    full = lambda g: (0, 0)

    in_specs = [
        bs((PB, C), blkmap),
        bs((PB, 3), blkmap),
        bs((Kp, 3), batmap),
        bs((PB, 9), blkmap),
        bs((Kp, 9), batmap),
        bs((PB, 1), blkmap),
        bs((RB, 3), blkmap),
        bs((M, C), full),
        bs((PB, 1), blkmap),
        bs((PB, C), blkmap),
        bs((1, C), full), bs((1, C), full), bs((C, C), full), bs((1, C), full),
        bs((C, 1), full), bs((1, 1), full),
        bs((1, C), full), bs((1, C), full), bs((C, C), full), bs((1, C), full),
        bs((C, 1), full), bs((1, 1), full),
        bs((C, 3), full), bs((1, 3), full),
    ]
    out_specs = [
        bs((RB, C), blkmap),
        bs((RB, 3), blkmap),
        bs((RB, 9), blkmap),
        bs((RB, 1), blkmap),
        bs((B, 1), full),
        bs((1, 1), full),
    ]
    out_shapes = [
        jax.ShapeDtypeStruct((B * Kc, C), f),
        jax.ShapeDtypeStruct((B * Kc, 3), f),
        jax.ShapeDtypeStruct((B * Kc, 9), f),
        jax.ShapeDtypeStruct((B * Kc, 1), f),
        jax.ShapeDtypeStruct((B, 1), f),
        jax.ShapeDtypeStruct((1, 1), f),
    ]

    outs = pl.pallas_call(
        _body,
        grid=(GRID,),
        in_specs=in_specs,
        out_specs=out_specs,
        out_shape=out_shapes,
    )(sp, mu, mu, sig9, sig9, maskf, xif, child_embed, n2d, s_nei,
      gate_ln_g.reshape(1, C), gate_ln_b.reshape(1, C), gate_W1,
      gate_b1.reshape(1, C), gate_W2, gate_b2.reshape(1, 1),
      prior_ln_g.reshape(1, C), prior_ln_b.reshape(1, C), prior_W1,
      prior_b1.reshape(1, C), prior_W2, prior_b2.reshape(1, 1),
      geom_W, geom_b.reshape(1, 3))

    s_child, mu_child, sig9o, gout, _gsum, loss = outs
    return (s_child.reshape(B, Kc, C),
            mu_child.reshape(B, Kc, 3),
            sig9o.reshape(B, Kc, 3, 3),
            gout.reshape(B, Kc),
            loss.reshape(()))

# --- scband reference (transcript-rebuilt; emitter-appended) ---
"""Pipeline reference for scband-hierarchical-upsample-igamodule-74191265071610 (READ-ONLY COPY).

The authoritative reference and input builder live on the scoring server;
editing this copy changes nothing except your own understanding.
"""

import jax, jax.numpy as jnp
import numpy as np

B_, Kp_, C_, M_ = 2, 256, 512, 8
PHI, JITTER, ETA, BETA, R_ = 1.6, 1e-4, 1.0, 0.5, 2
K_TARGET = 1024.0

def _ln(x, g, b, eps=1e-5):
    m = x.mean(-1, keepdims=True)
    v = ((x - m) ** 2).mean(-1, keepdims=True)
    return (x - m) / jnp.sqrt(v + eps) * g + b

def _overlap_score(delta, sigma):
    # fused_gaussian_overlap_score: negative Mahalanobis distance under sigma
    sol = jnp.linalg.solve(sigma, delta[..., None])[..., 0]
    return -0.5 * jnp.sum(delta * sol, axis=-1)

def setup_inputs(seed: int = 0):
    key = jax.random.key(seed)
    ks = jax.random.split(key, 16)
    s_parent = jax.random.normal(ks[0], (B_, Kp_, C_), dtype=jnp.float32)
    mu_p = jax.random.normal(ks[1], (B_, Kp_, 3), dtype=jnp.float32)
    A = jax.random.normal(ks[2], (B_, Kp_, 3, 3), dtype=jnp.float32) * 0.3
    Sigma_p = jnp.einsum('bkij,bklj->bkil', A, A) + 0.1 * jnp.eye(3, dtype=jnp.float32)
    mask_parent = jnp.ones((B_, Kp_), dtype=jnp.float32)
    xi_noise = jax.random.normal(ks[3], (B_, Kp_, M_, 3), dtype=jnp.float32)
    s1 = 1.0 / np.sqrt(C_)
    child_embed = jax.random.normal(ks[4], (M_, C_), dtype=jnp.float32) * 0.02
    gate_ln_g = jnp.ones((C_,), jnp.float32); gate_ln_b = jnp.zeros((C_,), jnp.float32)
    gate_W1 = jax.random.normal(ks[5], (C_, C_), jnp.float32) * s1; gate_b1 = jnp.zeros((C_,), jnp.float32)
    gate_W2 = jax.random.normal(ks[6], (C_, 1), jnp.float32) * s1; gate_b2 = jnp.zeros((1,), jnp.float32)
    prior_ln_g = jnp.ones((C_,), jnp.float32); prior_ln_b = jnp.zeros((C_,), jnp.float32)
    prior_W1 = jax.random.normal(ks[7], (C_, C_), jnp.float32) * s1; prior_b1 = jnp.zeros((C_,), jnp.float32)
    prior_W2 = jax.random.normal(ks[8], (C_, 1), jnp.float32) * s1; prior_b2 = jnp.zeros((1,), jnp.float32)
    geom_W = jax.random.normal(ks[9], (C_, 3), jnp.float32) * 0.01; geom_b = jnp.zeros((3,), jnp.float32)
    return {"s_parent": s_parent, "mu_p": mu_p, "Sigma_p": Sigma_p, "mask_parent": mask_parent,
            "xi_noise": xi_noise, "child_embed": child_embed,
            "gate_ln_g": gate_ln_g, "gate_ln_b": gate_ln_b, "gate_W1": gate_W1, "gate_b1": gate_b1,
            "gate_W2": gate_W2, "gate_b2": gate_b2,
            "prior_ln_g": prior_ln_g, "prior_ln_b": prior_ln_b, "prior_W1": prior_W1, "prior_b1": prior_b1,
            "prior_W2": prior_W2, "prior_b2": prior_b2, "geom_W": geom_W, "geom_b": geom_b}

def reference(s_parent, mu_p, Sigma_p, mask_parent, xi_noise, child_embed,
              gate_ln_g, gate_ln_b, gate_W1, gate_b1, gate_W2, gate_b2,
              prior_ln_g, prior_ln_b, prior_W1, prior_b1, prior_W2, prior_b2,
              geom_W, geom_b):
    B, Kp, C = s_parent.shape
    M = child_embed.shape[0]
    Kcand = Kp * M
    I3 = jnp.eye(3, dtype=s_parent.dtype)
    # candidate means from parent cholesky factors + learned per-child bias
    xi_bias = child_embed @ geom_W + geom_b
    xi_total = xi_noise + xi_bias[None, None, :, :]
    L = jnp.linalg.cholesky(Sigma_p + 1e-6 * I3)
    mu0 = mu_p[:, :, None, :] + jnp.einsum('bkae,bkme->bkma', L, xi_total)
    mu0 = mu0.reshape(B, Kcand, 3)
    j0 = jnp.broadcast_to(jnp.arange(Kp)[None, :, None], (B, Kp, M)).reshape(B, Kcand)
    t_ids = jnp.broadcast_to(jnp.arange(M)[None, None, :], (B, Kp, M)).reshape(B, Kcand)
    m0 = jnp.take_along_axis(mask_parent, j0, axis=1)
    # gate
    e_t = child_embed[t_ids]
    s_j = jnp.take_along_axis(s_parent, j0[..., None], axis=1)
    h = _ln(s_j + e_t, gate_ln_g, gate_ln_b)
    h = jax.nn.silu(h @ gate_W1 + gate_b1)
    blog = (h @ gate_W2 + gate_b2)[..., 0]
    hp = _ln(s_parent, prior_ln_g, prior_ln_b)
    hp = jax.nn.silu(hp @ prior_W1 + prior_b1)
    a = jax.nn.softplus((hp @ prior_W2 + prior_b2)[..., 0])
    a_i = jnp.take_along_axis(a, j0, axis=1)
    blog = blog + BETA * jnp.log(a_i + 1e-8)
    g = jax.nn.sigmoid(blog / max(ETA, 1e-6)) * m0
    loss_count = jnp.mean((g.sum(axis=1) - K_TARGET) ** 2)
    # top-R neighbor parents by overlap (no-grad in torch)
    mu_sg = jax.lax.stop_gradient(mu_p)
    Sig_sg = jax.lax.stop_gradient(Sigma_p)
    mu_birth = jnp.take_along_axis(mu_sg, j0[..., None], axis=1)
    delta_all = mu_birth[:, :, None, :] - mu_sg[:, None, :, :]
    sig_all = jnp.broadcast_to(Sig_sg[:, None, :, :, :], (B, Kcand, Kp, 3, 3))
    score_all = _overlap_score(delta_all, sig_all)
    bi = jnp.arange(B)[:, None]
    ci = jnp.arange(Kcand)[None, :]
    score_all = score_all.at[bi, ci, j0].set(1e9)
    neigh = jax.lax.stop_gradient(jax.lax.top_k(score_all, min(R_, Kp))[1])
    bidx = jnp.arange(B)[:, None, None]
    mu_nei = mu_p[bidx, neigh]
    Sig_nei = Sigma_p[bidx, neigh]
    delta = mu0[:, :, None, :] - mu_nei
    score = _overlap_score(delta, Sig_nei)
    w = jax.nn.softmax(score, axis=-1)
    cidx = jnp.arange(Kcand)[None, :, None]
    Bmat = jnp.zeros((B, Kcand, Kp), dtype=s_parent.dtype).at[bidx, cidx, neigh].add(w)
    # moment refine
    mu_child = jnp.einsum('bik,bkd->bid', Bmat, mu_p)
    intra = jnp.einsum('bik,bkmn->bimn', Bmat, Sigma_p * PHI ** (-2))
    diff = mu_p[:, None, :, :] - mu_child[:, :, None, :]
    outer = diff[..., :, None] * diff[..., None, :]
    inter = jnp.einsum('bik,bikmn->bimn', Bmat, outer)
    Sigma_child = intra + inter + JITTER * I3
    s_mix = jnp.einsum('bik,bkc->bic', Bmat, s_parent)
    s_child0 = g[..., None] * s_mix
    return (s_child0, mu_child, Sigma_child, g, loss_count)

if __name__ == "__main__":
    import jax
    _d = setup_inputs()
    print(jax.jit(kernel)(*tuple(_d.values())))

</pallas_src>

<mosaic_0001>
#map = affine_map<(d0, d1) -> (0, 0)>
#map1 = affine_map<(d0, d1) -> (0)>
module attributes {stable_mosaic.version = 14 : i64} {
  func.func @_sc_body(%arg0: i32, %arg1: i32, %arg2: memref<6x256xf32, #tpu.memory_space<hbm>>, %arg3: memref<18x256xf32, #tpu.memory_space<hbm>>, %arg4: memref<512x512xf32, #tpu.memory_space<hbm>>, %arg5: memref<512xi32, #tpu.memory_space<hbm>>, %arg6: memref<512x512xf32, #tpu.memory_space<hbm>>, %arg7: memref<3x256xf32, #tpu.memory_space<vmem>>, %arg8: memref<9x256xf32, #tpu.memory_space<vmem>>, %arg9: memref<6x256xf32, #tpu.memory_space<vmem>>, %arg10: memref<16xi32, #tpu.memory_space<vmem>>, %arg11: memref<16x512xf32, #tpu.memory_space<vmem>>, %arg12: memref<16xi32, #tpu.memory_space<vmem>>, %arg13: memref<!tpu.dma_semaphore, #tpu.memory_space<semaphore_mem>>) attributes {dimension_semantics = [#tpu.dimension_semantics<core_parallel>, #tpu.dimension_semantics<subcore_parallel>], iteration_bounds = array<i64: 2, 16>, scalar_prefetch = 0 : i64, scratch_operands = 7 : i64, tpu.core_type = #tpu.core_type<sc_vector_subcore>, window_params = [{transform_indices = #map}, {transform_indices = #map}, {transform_indices = #map}, {transform_indices = #map1}, {transform_indices = #map}]} {
    %mul3A = arith.constant 2 : i32
    %mul3A_0 = arith.muli %arg1, %mul3A : i32
    %add3A = arith.addi %mul3A_0, %arg0 : i32
    %jit3A = arith.constant 16 : i32
    %div3A = arith.divsi %add3A, %jit3A : i32
    %sign3A = arith.constant 0 : i32
    %sign3A_1 = arith.cmpi sgt, %add3A, %sign3A : i32
    %sign3A_2 = arith.extui %sign3A_1 : i1 to i32
    %sign3A_3 = arith.constant 0 : i32
    %sign3A_4 = arith.cmpi slt, %add3A, %sign3A_3 : i32
    %sign3A_5 = arith.extui %sign3A_4 : i1 to i32
    %sign3A_6 = arith.subi %sign3A_2, %sign3A_5 : i32
    %sign3A_7 = arith.constant 0 : i32
    %sign3A_8 = arith.cmpi sgt, %jit3A, %sign3A_7 : i32
    %sign3A_9 = arith.extui %sign3A_8 : i1 to i32
    %sign3A_10 = arith.constant 0 : i32
    %sign3A_11 = arith.cmpi slt, %jit3A, %sign3A_10 : i32
    %sign3A_12 = arith.extui %sign3A_11 : i1 to i32
    %sign3A_13 = arith.subi %sign3A_9, %sign3A_12 : i32
    %ne3A = arith.cmpi ne, %sign3A_6, %sign3A_13 : i32
    %rem3A = arith.remsi %add3A, %jit3A : i32
    %ne3A_14 = arith.constant 0 : i32
    %ne3A_15 = arith.cmpi ne, %rem3A, %ne3A_14 : i32
    %and3A = arith.andi %ne3A, %ne3A_15 : i1
    %sub3A = arith.constant 1 : i32
    %sub3A_16 = arith.subi %div3A, %sub3A : i32
    %select_n3A = arith.select %and3A, %sub3A_16, %div3A : i32
    %mul3A_17 = arith.constant 16 : i32
    %mul3A_18 = arith.muli %select_n3A, %mul3A_17 : i32
    %sub3A_19 = arith.subi %add3A, %mul3A_18 : i32
    %mul3A_20 = arith.constant 16 : i32
    %mul3A_21 = arith.muli %sub3A_19, %mul3A_20 : i32
    %mul3A_22 = arith.constant 3 : i32
    %mul3A_23 = arith.muli %select_n3A, %mul3A_22 : i32
    "tpu.region"() ({
      %run_scoped3A = tpu.sem_alloc : memref<!tpu.dma_semaphore, #tpu.memory_space<semaphore_mem>>
      %dma_start3A_1066 = arith.constant 0 : i32
      %dma_start3A_1067 = tpu.memref_slice %arg2[%mul3A_23, %dma_start3A_1066] : memref<6x256xf32, #tpu.memory_space<hbm>> -> memref<3x256xf32, #tpu.memory_space<hbm>>
      %dma_start3A_1068 = arith.constant 0 : i32
      %dma_start3A_1069 = tpu.memref_slice %arg2[%mul3A_23, %dma_start3A_1068] : memref<6x256xf32, #tpu.memory_space<hbm>> -> memref<3x256xf32, #tpu.memory_space<hbm>>
      tpu.enqueue_dma source(%dma_start3A_1069 : memref<3x256xf32, #tpu.memory_space<hbm>>) target(%arg7 : memref<3x256xf32, #tpu.memory_space<vmem>>) target_semaphore(%run_scoped3A : memref<!tpu.dma_semaphore, #tpu.memory_space<semaphore_mem>>)
      %dma_wait3A_1070 = arith.constant 0 : i32
      %dma_wait3A_1071 = tpu.memref_slice %arg2[%mul3A_23, %dma_wait3A_1070] : memref<6x256xf32, #tpu.memory_space<hbm>> -> memref<3x256xf32, #tpu.memory_space<hbm>>
      %dma_wait3A_1072 = arith.constant 0 : i32
      %dma_wait3A_1073 = tpu.memref_slice %arg2[%mul3A_23, %dma_wait3A_1072] : memref<6x256xf32, #tpu.memory_space<hbm>> -> memref<3x256xf32, #tpu.memory_space<hbm>>
      tpu.wait_dma2 semaphore(%run_scoped3A : memref<!tpu.dma_semaphore, #tpu.memory_space<semaphore_mem>>) src(%dma_wait3A_1073 : memref<3x256xf32, #tpu.memory_space<hbm>>) dst(%arg7 : memref<3x256xf32, #tpu.memory_space<vmem>>)
      tpu.yield
    }) : () -> ()
    %mul3A_24 = arith.constant 9 : i32
    %mul3A_25 = arith.muli %select_n3A, %mul3A_24 : i32
    "tpu.region"() ({
      %run_scoped3A = tpu.sem_alloc : memref<!tpu.dma_semaphore, #tpu.memory_space<semaphore_mem>>
      %dma_start3A_1066 = arith.constant 0 : i32
      %dma_start3A_1067 = tpu.memref_slice %arg3[%mul3A_25, %dma_start3A_1066] : memref<18x256xf32, #tpu.memory_space<hbm>> -> memref<9x256xf32, #tpu.memory_space<hbm>>
      %dma_start3A_1068 = arith.constant 0 : i32
      %dma_start3A_1069 = tpu.memref_slice %arg3[%mul3A_25, %dma_start3A_1068] : memref<18x256xf32, #tpu.memory_space<hbm>> -> memref<9x256xf32, #tpu.memory_space<hbm>>
      tpu.enqueue_dma source(%dma_start3A_1069 : memref<9x256xf32, #tpu.memory_space<hbm>>) target(%arg8 : memref<9x256xf32, #tpu.memory_space<vmem>>) target_semaphore(%run_scoped3A : memref<!tpu.dma_semaphore, #tpu.memory_space<semaphore_mem>>)
      %dma_wait3A_1070 = arith.constant 0 : i32
      %dma_wait3A_1071 = tpu.memref_slice %arg3[%mul3A_25, %dma_wait3A_1070] : memref<18x256xf32, #tpu.memory_space<hbm>> -> memref<9x256xf32, #tpu.memory_space<hbm>>
      %dma_wait3A_1072 = arith.constant 0 : i32
      %dma_wait3A_1073 = tpu.memref_slice %arg3[%mul3A_25, %dma_wait3A_1072] : memref<18x256xf32, #tpu.memory_space<hbm>> -> memref<9x256xf32, #tpu.memory_space<hbm>>
      tpu.wait_dma2 semaphore(%run_scoped3A : memref<!tpu.dma_semaphore, #tpu.memory_space<semaphore_mem>>) src(%dma_wait3A_1073 : memref<9x256xf32, #tpu.memory_space<hbm>>) dst(%arg8 : memref<9x256xf32, #tpu.memory_space<vmem>>)
      tpu.yield
    }) : () -> ()
    %iota3A = tpu.iota {dimensions = array<i32: 0>} : vector<16xi32>
    %broadcast_in_dim3A = arith.constant 0 : i32
    %broadcast_in_dim3A_26 = vector.broadcast %broadcast_in_dim3A : i32 to vector<16xi32>
    %scan3A = arith.constant 0 : i32
    %scan3A_27 = arith.constant 0 : i32
    %scan3A_28 = arith.constant 16 : i32
    %scan3A_29 = arith.addi %scan3A_27, %scan3A_28 : i32
    %scan3A_30 = arith.constant 1 : i32
    %scan3A_31 = scf.for %scan3A_1066 = %scan3A_27 to %scan3A_29 step %scan3A_30 iter_args(%scan3A_1067 = %scan3A) -> (i32)  : i32 {
      %mul3A_1068 = arith.constant 16 : i32
      %mul3A_1069 = arith.muli %scan3A_1066, %mul3A_1068 : i32
      %get3A_1070 = arith.constant 0 : i32
      %get3A_1071 = arith.index_cast %get3A_1070 : i32 to index
      %get3A_1072 = arith.index_cast %mul3A_1069 : i32 to index
      %get3A_1073 = tpu.vector_load %arg8[%get3A_1071, %get3A_1072] {strides = array<i32>} : memref<9x256xf32, #tpu.memory_space<vmem>>, vector<16xf32>,
      %get3A_1074 = arith.constant 1 : i32
      %get3A_1075 = arith.index_cast %get3A_1074 : i32 to index
      %get3A_1076 = arith.index_cast %mul3A_1069 : i32 to index
      %get3A_1077 = tpu.vector_load %arg8[%get3A_1075, %get3A_1076] {strides = array<i32>} : memref<9x256xf32, #tpu.memory_space<vmem>>, vector<16xf32>,
      %get3A_1078 = arith.constant 2 : i32
      %get3A_1079 = arith.index_cast %get3A_1078 : i32 to index
      %get3A_1080 = arith.index_cast %mul3A_1069 : i32 to index
      %get3A_1081 = tpu.vector_load %arg8[%get3A_1079, %get3A_1080] {strides = array<i32>} : memref<9x256xf32, #tpu.memory_space<vmem>>, vector<16xf32>,
      %get3A_1082 = arith.constant 4 : i32
      %get3A_1083 = arith.index_cast %get3A_1082 : i32 to index
      %get3A_1084 = arith.index_cast %mul3A_1069 : i32 to index
      %get3A_1085 = tpu.vector_load %arg8[%get3A_1083, %get3A_1084] {strides = array<i32>} : memref<9x256xf32, #tpu.memory_space<vmem>>, vector<16xf32>,
      %get3A_1086 = arith.constant 5 : i32
      %get3A_1087 = arith.index_cast %get3A_1086 : i32 to index
      %get3A_1088 = arith.index_cast %mul3A_1069 : i32 to index
      %get3A_1089 = tpu.vector_load %arg8[%get3A_1087, %get3A_1088] {strides = array<i32>} : memref<9x256xf32, #tpu.memory_space<vmem>>, vector<16xf32>,
      %get3A_1090 = arith.constant 8 : i32
      %get3A_1091 = arith.index_cast %get3A_1090 : i32 to index
      %get3A_1092 = arith.index_cast %mul3A_1069 : i32 to index
      %get3A_1093 = tpu.vector_load %arg8[%get3A_1091, %get3A_1092] {strides = array<i32>} : memref<9x256xf32, #tpu.memory_space<vmem>>, vector<16xf32>,
      %mul3A_1094 = arith.mulf %get3A_1085, %get3A_1093 : vector<16xf32>
      %mul3A_1095 = arith.mulf %get3A_1089, %get3A_1089 : vector<16xf32>
      %sub3A_1096 = arith.subf %mul3A_1094, %mul3A_1095 : vector<16xf32>
      %mul3A_1097 = arith.mulf %get3A_1081, %get3A_1089 : vector<16xf32>
      %mul3A_1098 = arith.mulf %get3A_1077, %get3A_1093 : vector<16xf32>
      %sub3A_1099 = arith.subf %mul3A_1097, %mul3A_1098 : vector<16xf32>
      %mul3A_1100 = arith.mulf %get3A_1077, %get3A_1089 : vector<16xf32>
      %mul3A_1101 = arith.mulf %get3A_1081, %get3A_1085 : vector<16xf32>
      %sub3A_1102 = arith.subf %mul3A_1100, %mul3A_1101 : vector<16xf32>
      %mul3A_1103 = arith.mulf %get3A_1073, %get3A_1093 : vector<16xf32>
      %mul3A_1104 = arith.mulf %get3A_1081, %get3A_1081 : vector<16xf32>
      %sub3A_1105 = arith.subf %mul3A_1103, %mul3A_1104 : vector<16xf32>
      %mul3A_1106 = arith.mulf %get3A_1077, %get3A_1081 : vector<16xf32>
      %mul3A_1107 = arith.mulf %get3A_1073, %get3A_1089 : vector<16xf32>
      %sub3A_1108 = arith.subf %mul3A_1106, %mul3A_1107 : vector<16xf32>
      %mul3A_1109 = arith.mulf %get3A_1073, %get3A_1085 : vector<16xf32>
      %mul3A_1110 = arith.mulf %get3A_1077, %get3A_1077 : vector<16xf32>
      %sub3A_1111 = arith.subf %mul3A_1109, %mul3A_1110 : vector<16xf32>
      %mul3A_1112 = arith.mulf %get3A_1073, %sub3A_1096 : vector<16xf32>
      %mul3A_1113 = arith.mulf %get3A_1077, %sub3A_1099 : vector<16xf32>
      %add3A_1114 = arith.addf %mul3A_1112, %mul3A_1113 : vector<16xf32>
      %mul3A_1115 = arith.mulf %get3A_1081, %sub3A_1102 : vector<16xf32>
      %add3A_1116 = arith.addf %add3A_1114, %mul3A_1115 : vector<16xf32>
      %div3A_1117 = arith.constant 1.000000e+00 : f32
      %div3A_1118 = vector.broadcast %div3A_1117 : f32 to vector<16xf32>
      %div3A_1119 = arith.divf %div3A_1118, %add3A_1116 : vector<16xf32>
      %mul3A_1120 = arith.mulf %sub3A_1096, %div3A_1119 : vector<16xf32>
      %mul3A_1121 = arith.mulf %sub3A_1099, %div3A_1119 : vector<16xf32>
      %mul3A_1122 = arith.mulf %sub3A_1102, %div3A_1119 : vector<16xf32>
      %mul3A_1123 = arith.mulf %sub3A_1105, %div3A_1119 : vector<16xf32>
      %mul3A_1124 = arith.mulf %sub3A_1108, %div3A_1119 : vector<16xf32>
      %mul3A_1125 = arith.mulf %sub3A_1111, %div3A_1119 : vector<16xf32>
      %swap3A_1126 = arith.constant 0 : i32
      %swap3A_1127 = arith.index_cast %swap3A_1126 : i32 to index
      %swap3A_1128 = arith.index_cast %mul3A_1069 : i32 to index
      %swap3A_1129 = tpu.vector_load %arg9[%swap3A_1127, %swap3A_1128] {strides = array<i32>} : memref<6x256xf32, #tpu.memory_space<vmem>>, vector<16xf32>,
      tpu.vector_store %arg9[%swap3A_1127, %swap3A_1128], %mul3A_1120 {strides = array<i32>} : memref<6x256xf32, #tpu.memory_space<vmem>>, vector<16xf32>,
      %swap3A_1130 = arith.constant 1 : i32
      %swap3A_1131 = arith.index_cast %swap3A_1130 : i32 to index
      %swap3A_1132 = arith.index_cast %mul3A_1069 : i32 to index
      %swap3A_1133 = tpu.vector_load %arg9[%swap3A_1131, %swap3A_1132] {strides = array<i32>} : memref<6x256xf32, #tpu.memory_space<vmem>>, vector<16xf32>,
      tpu.vector_store %arg9[%swap3A_1131, %swap3A_1132], %mul3A_1121 {strides = array<i32>} : memref<6x256xf32, #tpu.memory_space<vmem>>, vector<16xf32>,
      %swap3A_1134 = arith.constant 2 : i32
      %swap3A_1135 = arith.index_cast %swap3A_1134 : i32 to index
      %swap3A_1136 = arith.index_cast %mul3A_1069 : i32 to index
      %swap3A_1137 = tpu.vector_load %arg9[%swap3A_1135, %swap3A_1136] {strides = array<i32>} : memref<6x256xf32, #tpu.memory_space<vmem>>, vector<16xf32>,
      tpu.vector_store %arg9[%swap3A_1135, %swap3A_1136], %mul3A_1122 {strides = array<i32>} : memref<6x256xf32, #tpu.memory_space<vmem>>, vector<16xf32>,
      %swap3A_1138 = arith.constant 3 : i32
      %swap3A_1139 = arith.index_cast %swap3A_1138 : i32 to index
      %swap3A_1140 = arith.index_cast %mul3A_1069 : i32 to index
      %swap3A_1141 = tpu.vector_load %arg9[%swap3A_1139, %swap3A_1140] {strides = array<i32>} : memref<6x256xf32, #tpu.memory_space<vmem>>, vector<16xf32>,
      tpu.vector_store %arg9[%swap3A_1139, %swap3A_1140], %mul3A_1123 {strides = array<i32>} : memref<6x256xf32, #tpu.memory_space<vmem>>, vector<16xf32>,
      %swap3A_1142 = arith.constant 4 : i32
      %swap3A_1143 = arith.index_cast %swap3A_1142 : i32 to index
      %swap3A_1144 = arith.index_cast %mul3A_1069 : i32 to index
      %swap3A_1145 = tpu.vector_load %arg9[%swap3A_1143, %swap3A_1144] {strides = array<i32>} : memref<6x256xf32, #tpu.memory_space<vmem>>, vector<16xf32>,
      tpu.vector_store %arg9[%swap3A_1143, %swap3A_1144], %mul3A_1124 {strides = array<i32>} : memref<6x256xf32, #tpu.memory_space<vmem>>, vector<16xf32>,
      %swap3A_1146 = arith.constant 5 : i32
      %swap3A_1147 = arith.index_cast %swap3A_1146 : i32 to index
      %swap3A_1148 = arith.index_cast %mul3A_1069 : i32 to index
      %swap3A_1149 = tpu.vector_load %arg9[%swap3A_1147, %swap3A_1148] {strides = array<i32>} : memref<6x256xf32, #tpu.memory_space<vmem>>, vector<16xf32>,
      tpu.vector_store %arg9[%swap3A_1147, %swap3A_1148], %mul3A_1125 {strides = array<i32>} : memref<6x256xf32, #tpu.memory_space<vmem>>, vector<16xf32>,
      %scan3A_1150 = arith.constant 0 : i32
      scf.yield %scan3A_1150 : i32
    }
    %scan3A_32 = arith.constant 16 : i32
    %add3A_33 = arith.constant 0 : i32
    %add3A_34 = arith.addi %mul3A_21, %add3A_33 : i32
    %eq3A = arith.constant 0 : i32
    %eq3A_35 = vector.broadcast %eq3A : i32 to vector<16xi32>
    %eq3A_36 = arith.cmpi eq, %iota3A, %eq3A_35 : vector<16xi32>
    %get3A = arith.constant 0 : i32
    %get3A_37 = arith.index_cast %get3A : i32 to index
    %get3A_38 = arith.index_cast %mul3A_21 : i32 to index
    %get3A_39 = tpu.vector_load %arg7[%get3A_37, %get3A_38] {strides = array<i32>} : memref<3x256xf32, #tpu.memory_space<vmem>>, vector<16xf32>,
    %jit3A_40 = arith.constant 0.000000e+00 : f32
    %broadcast_in_dim3A_41 = vector.broadcast %jit3A_40 : f32 to vector<16xf32>
    %select_n3A_42 = arith.select %eq3A_36, %get3A_39, %broadcast_in_dim3A_41 : vector<16xi1>, vector<16xf32>
    %reduce_sum3A = arith.constant true
    %reduce_sum3A_43 = vector.broadcast %reduce_sum3A : i1 to vector<16xi1>
    %reduce_sum3A_44 = tpu.scan <sum>, %select_n3A_42 masked %reduce_sum3A_43 : vector<16xf32>, vector<16xi1> -> vector<16xf32>
    %reduce_sum3A_45 = vector.extract %reduce_sum3A_44[15] : f32 from vector<16xf32>
    %get3A_46 = arith.constant 1 : i32
    %get3A_47 = arith.index_cast %get3A_46 : i32 to index
    %get3A_48 = arith.index_cast %mul3A_21 : i32 to index
    %get3A_49 = tpu.vector_load %arg7[%get3A_47, %get3A_48] {strides = array<i32>} : memref<3x256xf32, #tpu.memory_space<vmem>>, vector<16xf32>,
    %jit3A_50 = arith.constant 0.000000e+00 : f32
    %broadcast_in_dim3A_51 = vector.broadcast %jit3A_50 : f32 to vector<16xf32>
    %select_n3A_52 = arith.select %eq3A_36, %get3A_49, %broadcast_in_dim3A_51 : vector<16xi1>, vector<16xf32>
    %reduce_sum3A_53 = arith.constant true
    %reduce_sum3A_54 = vector.broadcast %reduce_sum3A_53 : i1 to vector<16xi1>
    %reduce_sum3A_55 = tpu.scan <sum>, %select_n3A_52 masked %reduce_sum3A_54 : vector<16xf32>, vector<16xi1> -> vector<16xf32>
    %reduce_sum3A_56 = vector.extract %reduce_sum3A_55[15] : f32 from vector<16xf32>
    %get3A_57 = arith.constant 2 : i32
    %get3A_58 = arith.index_cast %get3A_57 : i32 to index
    %get3A_59 = arith.index_cast %mul3A_21 : i32 to index
    %get3A_60 = tpu.vector_load %arg7[%get3A_58, %get3A_59] {strides = array<i32>} : memref<3x256xf32, #tpu.memory_space<vmem>>, vector<16xf32>,
    %jit3A_61 = arith.constant 0.000000e+00 : f32
    %broadcast_in_dim3A_62 = vector.broadcast %jit3A_61 : f32 to vector<16xf32>
    %select_n3A_63 = arith.select %eq3A_36, %get3A_60, %broadcast_in_dim3A_62 : vector<16xi1>, vector<16xf32>
    %reduce_sum3A_64 = arith.constant true
    %reduce_sum3A_65 = vector.broadcast %reduce_sum3A_64 : i1 to vector<16xi1>
    %reduce_sum3A_66 = tpu.scan <sum>, %select_n3A_63 masked %reduce_sum3A_65 : vector<16xf32>, vector<16xi1> -> vector<16xf32>
    %reduce_sum3A_67 = vector.extract %reduce_sum3A_66[15] : f32 from vector<16xf32>
    %broadcast_in_dim3A_68 = arith.constant -3.000000e+38 : f32
    %broadcast_in_dim3A_69 = vector.broadcast %broadcast_in_dim3A_68 : f32 to vector<16xf32>
    %broadcast_in_dim3A_70 = arith.constant 0.000000e+00 : f32
    %broadcast_in_dim3A_71 = vector.broadcast %broadcast_in_dim3A_70 : f32 to vector<16xf32>
    %scan3A_72 = arith.constant 0 : i32
    %scan3A_73 = arith.constant 16 : i32
    %scan3A_74 = arith.addi %scan3A_72, %scan3A_73 : i32
    %scan3A_75 = arith.constant 1 : i32
    %scan3A_76:2 = scf.for %scan3A_1066 = %scan3A_72 to %scan3A_74 step %scan3A_75 iter_args(%scan3A_1067 = %broadcast_in_dim3A_69, %scan3A_1068 = %broadcast_in_dim3A_71) -> (vector<16xf32>, vector<16xf32>)  : i32 {
      %mul3A_1069 = arith.constant 16 : i32
      %mul3A_1070 = arith.muli %scan3A_1066, %mul3A_1069 : i32
      %get3A_1071 = arith.constant 0 : i32
      %get3A_1072 = arith.index_cast %get3A_1071 : i32 to index
      %get3A_1073 = arith.index_cast %mul3A_1070 : i32 to index
      %get3A_1074 = tpu.vector_load %arg9[%get3A_1072, %get3A_1073] {strides = array<i32>} : memref<6x256xf32, #tpu.memory_space<vmem>>, vector<16xf32>,
      %get3A_1075 = arith.constant 1 : i32
      %get3A_1076 = arith.index_cast %get3A_1075 : i32 to index
      %get3A_1077 = arith.index_cast %mul3A_1070 : i32 to index
      %get3A_1078 = tpu.vector_load %arg9[%get3A_1076, %get3A_1077] {strides = array<i32>} : memref<6x256xf32, #tpu.memory_space<vmem>>, vector<16xf32>,
      %get3A_1079 = arith.constant 2 : i32
      %get3A_1080 = arith.index_cast %get3A_1079 : i32 to index
      %get3A_1081 = arith.index_cast %mul3A_1070 : i32 to index
      %get3A_1082 = tpu.vector_load %arg9[%get3A_1080, %get3A_1081] {strides = array<i32>} : memref<6x256xf32, #tpu.memory_space<vmem>>, vector<16xf32>,
      %get3A_1083 = arith.constant 3 : i32
      %get3A_1084 = arith.index_cast %get3A_1083 : i32 to index
      %get3A_1085 = arith.index_cast %mul3A_1070 : i32 to index
      %get3A_1086 = tpu.vector_load %arg9[%get3A_1084, %get3A_1085] {strides = array<i32>} : memref<6x256xf32, #tpu.memory_space<vmem>>, vector<16xf32>,
      %get3A_1087 = arith.constant 4 : i32
      %get3A_1088 = arith.index_cast %get3A_1087 : i32 to index
      %get3A_1089 = arith.index_cast %mul3A_1070 : i32 to index
      %get3A_1090 = tpu.vector_load %arg9[%get3A_1088, %get3A_1089] {strides = array<i32>} : memref<6x256xf32, #tpu.memory_space<vmem>>, vector<16xf32>,
      %get3A_1091 = arith.constant 5 : i32
      %get3A_1092 = arith.index_cast %get3A_1091 : i32 to index
      %get3A_1093 = arith.index_cast %mul3A_1070 : i32 to index
      %get3A_1094 = tpu.vector_load %arg9[%get3A_1092, %get3A_1093] {strides = array<i32>} : memref<6x256xf32, #tpu.memory_space<vmem>>, vector<16xf32>,
      %get3A_1095 = arith.constant 0 : i32
      %get3A_1096 = arith.index_cast %get3A_1095 : i32 to index
      %get3A_1097 = arith.index_cast %mul3A_1070 : i32 to index
      %get3A_1098 = tpu.vector_load %arg7[%get3A_1096, %get3A_1097] {strides = array<i32>} : memref<3x256xf32, #tpu.memory_space<vmem>>, vector<16xf32>,
      %sub3A_1099 = vector.broadcast %reduce_sum3A_45 : f32 to vector<16xf32>
      %sub3A_1100 = arith.subf %sub3A_1099, %get3A_1098 : vector<16xf32>
      %get3A_1101 = arith.constant 1 : i32
      %get3A_1102 = arith.index_cast %get3A_1101 : i32 to index
      %get3A_1103 = arith.index_cast %mul3A_1070 : i32 to index
      %get3A_1104 = tpu.vector_load %arg7[%get3A_1102, %get3A_1103] {strides = array<i32>} : memref<3x256xf32, #tpu.memory_space<vmem>>, vector<16xf32>,
      %sub3A_1105 = vector.broadcast %reduce_sum3A_56 : f32 to vector<16xf32>
      %sub3A_1106 = arith.subf %sub3A_1105, %get3A_1104 : vector<16xf32>
      %get3A_1107 = arith.constant 2 : i32
      %get3A_1108 = arith.index_cast %get3A_1107 : i32 to index
      %get3A_1109 = arith.index_cast %mul3A_1070 : i32 to index
      %get3A_1110 = tpu.vector_load %arg7[%get3A_1108, %get3A_1109] {strides = array<i32>} : memref<3x256xf32, #tpu.memory_space<vmem>>, vector<16xf32>,
      %sub3A_1111 = vector.broadcast %reduce_sum3A_67 : f32 to vector<16xf32>
      %sub3A_1112 = arith.subf %sub3A_1111, %get3A_1110 : vector<16xf32>
      %mul3A_1113 = arith.mulf %get3A_1074, %sub3A_1100 : vector<16xf32>
      %mul3A_1114 = arith.mulf %mul3A_1113, %sub3A_1100 : vector<16xf32>
      %mul3A_1115 = arith.mulf %get3A_1086, %sub3A_1106 : vector<16xf32>
      %mul3A_1116 = arith.mulf %mul3A_1115, %sub3A_1106 : vector<16xf32>
      %add3A_1117 = arith.addf %mul3A_1114, %mul3A_1116 : vector<16xf32>
      %mul3A_1118 = arith.mulf %get3A_1094, %sub3A_1112 : vector<16xf32>
      %mul3A_1119 = arith.mulf %mul3A_1118, %sub3A_1112 : vector<16xf32>
      %add3A_1120 = arith.addf %add3A_1117, %mul3A_1119 : vector<16xf32>
      %mul3A_1121 = arith.mulf %get3A_1078, %sub3A_1100 : vector<16xf32>
      %mul3A_1122 = arith.mulf %mul3A_1121, %sub3A_1106 : vector<16xf32>
      %mul3A_1123 = arith.mulf %get3A_1082, %sub3A_1100 : vector<16xf32>
      %mul3A_1124 = arith.mulf %mul3A_1123, %sub3A_1112 : vector<16xf32>
      %add3A_1125 = arith.addf %mul3A_1122, %mul3A_1124 : vector<16xf32>
      %mul3A_1126 = arith.mulf %get3A_1090, %sub3A_1106 : vector<16xf32>
      %mul3A_1127 = arith.mulf %mul3A_1126, %sub3A_1112 : vector<16xf32>
      %add3A_1128 = arith.addf %add3A_1125, %mul3A_1127 : vector<16xf32>
      %mul3A_1129 = arith.constant 2.000000e+00 : f32
      %mul3A_1130 = vector.broadcast %mul3A_1129 : f32 to vector<16xf32>
      %mul3A_1131 = arith.mulf %mul3A_1130, %add3A_1128 : vector<16xf32>
      %add3A_1132 = arith.addf %add3A_1120, %mul3A_1131 : vector<16xf32>
      %mul3A_1133 = arith.constant -5.000000e-01 : f32
      %mul3A_1134 = vector.broadcast %mul3A_1133 : f32 to vector<16xf32>
      %mul3A_1135 = arith.mulf %mul3A_1134, %add3A_1132 : vector<16xf32>
      %add3A_1136 = vector.broadcast %mul3A_1070 : i32 to vector<16xi32>
      %add3A_1137 = arith.addi %iota3A, %add3A_1136 : vector<16xi32>
      %eq3A_1138 = vector.broadcast %add3A_34 : i32 to vector<16xi32>
      %eq3A_1139 = arith.cmpi eq, %add3A_1137, %eq3A_1138 : vector<16xi32>
      %jit3A_1140 = arith.constant -1.000000e+30 : f32
      %broadcast_in_dim3A_1141 = vector.broadcast %jit3A_1140 : f32 to vector<16xf32>
      %select_n3A_1142 = arith.select %eq3A_1139, %broadcast_in_dim3A_1141, %mul3A_1135 : vector<16xi1>, vector<16xf32>
      %gt3A = arith.cmpf ogt, %select_n3A_1142, %scan3A_1067 : vector<16xf32>
      %select_n3A_1143 = arith.select %gt3A, %select_n3A_1142, %scan3A_1067 : vector<16xi1>, vector<16xf32>
      %convert_element_type3A_1144 = arith.sitofp %add3A_1137 : vector<16xi32> to vector<16xf32>
      %select_n3A_1145 = arith.select %gt3A, %convert_element_type3A_1144, %scan3A_1068 : vector<16xi1>, vector<16xf32>
      scf.yield %select_n3A_1143, %select_n3A_1145 : vector<16xf32>, vector<16xf32>
    }
    %scan3A_77 = arith.constant 16 : i32
    %reduce_max3A = arith.constant true
    %reduce_max3A_78 = vector.broadcast %reduce_max3A : i1 to vector<16xi1>
    %reduce_max3A_79 = tpu.scan <max>, %scan3A_76#0 masked %reduce_max3A_78 : vector<16xf32>, vector<16xi1> -> vector<16xf32>
    %reduce_max3A_80 = vector.extract %reduce_max3A_79[15] : f32 from vector<16xf32>
    %eq3A_81 = vector.broadcast %reduce_max3A_80 : f32 to vector<16xf32>
    %eq3A_82 = arith.cmpf oeq, %scan3A_76#0, %eq3A_81 : vector<16xf32>
    %jit3A_83 = arith.constant 1.000000e+09 : f32
    %broadcast_in_dim3A_84 = vector.broadcast %jit3A_83 : f32 to vector<16xf32>
    %select_n3A_85 = arith.select %eq3A_82, %scan3A_76#1, %broadcast_in_dim3A_84 : vector<16xi1>, vector<16xf32>
    %reduce_min3A = arith.constant true
    %reduce_min3A_86 = vector.broadcast %reduce_min3A : i1 to vector<16xi1>
    %reduce_min3A_87 = tpu.scan <min>, %select_n3A_85 masked %reduce_min3A_86 : vector<16xf32>, vector<16xi1> -> vector<16xf32>
    %reduce_min3A_88 = vector.extract %reduce_min3A_87[15] : f32 from vector<16xf32>
    %convert_element_type3A = arith.fptosi %reduce_min3A_88 : f32 to i32
    %broadcast_in_dim3A_89 = vector.broadcast %convert_element_type3A : i32 to vector<16xi32>
    %select_n3A_90 = arith.select %eq3A_36, %broadcast_in_dim3A_89, %broadcast_in_dim3A_26 : vector<16xi1>, vector<16xi32>
    %add3A_91 = arith.constant 1 : i32
    %add3A_92 = arith.addi %mul3A_21, %add3A_91 : i32
    %eq3A_93 = arith.constant 1 : i32
    %eq3A_94 = vector.broadcast %eq3A_93 : i32 to vector<16xi32>
    %eq3A_95 = arith.cmpi eq, %iota3A, %eq3A_94 : vector<16xi32>
    %get3A_96 = arith.constant 0 : i32
    %get3A_97 = arith.index_cast %get3A_96 : i32 to index
    %get3A_98 = arith.index_cast %mul3A_21 : i32 to index
    %get3A_99 = tpu.vector_load %arg7[%get3A_97, %get3A_98] {strides = array<i32>} : memref<3x256xf32, #tpu.memory_space<vmem>>, vector<16xf32>,
    %jit3A_100 = arith.constant 0.000000e+00 : f32
    %broadcast_in_dim3A_101 = vector.broadcast %jit3A_100 : f32 to vector<16xf32>
    %select_n3A_102 = arith.select %eq3A_95, %get3A_99, %broadcast_in_dim3A_101 : vector<16xi1>, vector<16xf32>
    %reduce_sum3A_103 = arith.constant true
    %reduce_sum3A_104 = vector.broadcast %reduce_sum3A_103 : i1 to vector<16xi1>
    %reduce_sum3A_105 = tpu.scan <sum>, %select_n3A_102 masked %reduce_sum3A_104 : vector<16xf32>, vector<16xi1> -> vector<16xf32>
    %reduce_sum3A_106 = vector.extract %reduce_sum3A_105[15] : f32 from vector<16xf32>
    %get3A_107 = arith.constant 1 : i32
    %get3A_108 = arith.index_cast %get3A_107 : i32 to index
    %get3A_109 = arith.index_cast %mul3A_21 : i32 to index
    %get3A_110 = tpu.vector_load %arg7[%get3A_108, %get3A_109] {strides = array<i32>} : memref<3x256xf32, #tpu.memory_space<vmem>>, vector<16xf32>,
    %jit3A_111 = arith.constant 0.000000e+00 : f32
    %broadcast_in_dim3A_112 = vector.broadcast %jit3A_111 : f32 to vector<16xf32>
    %select_n3A_113 = arith.select %eq3A_95, %get3A_110, %broadcast_in_dim3A_112 : vector<16xi1>, vector<16xf32>
    %reduce_sum3A_114 = arith.constant true
    %reduce_sum3A_115 = vector.broadcast %reduce_sum3A_114 : i1 to vector<16xi1>
    %reduce_sum3A_116 = tpu.scan <sum>, %select_n3A_113 masked %reduce_sum3A_115 : vector<16xf32>, vector<16xi1> -> vector<16xf32>
    %reduce_sum3A_117 = vector.extract %reduce_sum3A_116[15] : f32 from vector<16xf32>
    %get3A_118 = arith.constant 2 : i32
    %get3A_119 = arith.index_cast %get3A_118 : i32 to index
    %get3A_120 = arith.index_cast %mul3A_21 : i32 to index
    %get3A_121 = tpu.vector_load %arg7[%get3A_119, %get3A_120] {strides = array<i32>} : memref<3x256xf32, #tpu.memory_space<vmem>>, vector<16xf32>,
    %jit3A_122 = arith.constant 0.000000e+00 : f32
    %broadcast_in_dim3A_123 = vector.broadcast %jit3A_122 : f32 to vector<16xf32>
    %select_n3A_124 = arith.select %eq3A_95, %get3A_121, %broadcast_in_dim3A_123 : vector<16xi1>, vector<16xf32>
    %reduce_sum3A_125 = arith.constant true
    %reduce_sum3A_126 = vector.broadcast %reduce_sum3A_125 : i1 to vector<16xi1>
    %reduce_sum3A_127 = tpu.scan <sum>, %select_n3A_124 masked %reduce_sum3A_126 : vector<16xf32>, vector<16xi1> -> vector<16xf32>
    %reduce_sum3A_128 = vector.extract %reduce_sum3A_127[15] : f32 from vector<16xf32>
    %broadcast_in_dim3A_129 = arith.constant -3.000000e+38 : f32
    %broadcast_in_dim3A_130 = vector.broadcast %broadcast_in_dim3A_129 : f32 to vector<16xf32>
    %broadcast_in_dim3A_131 = arith.constant 0.000000e+00 : f32
    %broadcast_in_dim3A_132 = vector.broadcast %broadcast_in_dim3A_131 : f32 to vector<16xf32>
    %scan3A_133 = arith.constant 0 : i32
    %scan3A_134 = arith.constant 16 : i32
    %scan3A_135 = arith.addi %scan3A_133, %scan3A_134 : i32
    %scan3A_136 = arith.constant 1 : i32
    %scan3A_137:2 = scf.for %scan3A_1066 = %scan3A_133 to %scan3A_135 step %scan3A_136 iter_args(%scan3A_1067 = %broadcast_in_dim3A_130, %scan3A_1068 = %broadcast_in_dim3A_132) -> (vector<16xf32>, vector<16xf32>)  : i32 {
      %mul3A_1069 = arith.constant 16 : i32
      %mul3A_1070 = arith.muli %scan3A_1066, %mul3A_1069 : i32
      %get3A_1071 = arith.constant 0 : i32
      %get3A_1072 = arith.index_cast %get3A_1071 : i32 to index
      %get3A_1073 = arith.index_cast %mul3A_1070 : i32 to index
      %get3A_1074 = tpu.vector_load %arg9[%get3A_1072, %get3A_1073] {strides = array<i32>} : memref<6x256xf32, #tpu.memory_space<vmem>>, vector<16xf32>,
      %get3A_1075 = arith.constant 1 : i32
      %get3A_1076 = arith.index_cast %get3A_1075 : i32 to index
      %get3A_1077 = arith.index_cast %mul3A_1070 : i32 to index
      %get3A_1078 = tpu.vector_load %arg9[%get3A_1076, %get3A_1077] {strides = array<i32>} : memref<6x256xf32, #tpu.memory_space<vmem>>, vector<16xf32>,
      %get3A_1079 = arith.constant 2 : i32
      %get3A_1080 = arith.index_cast %get3A_1079 : i32 to index
      %get3A_1081 = arith.index_cast %mul3A_1070 : i32 to index
      %get3A_1082 = tpu.vector_load %arg9[%get3A_1080, %get3A_1081] {strides = array<i32>} : memref<6x256xf32, #tpu.memory_space<vmem>>, vector<16xf32>,
      %get3A_1083 = arith.constant 3 : i32
      %get3A_1084 = arith.index_cast %get3A_1083 : i32 to index
      %get3A_1085 = arith.index_cast %mul3A_1070 : i32 to index
      %get3A_1086 = tpu.vector_load %arg9[%get3A_1084, %get3A_1085] {strides = array<i32>} : memref<6x256xf32, #tpu.memory_space<vmem>>, vector<16xf32>,
      %get3A_1087 = arith.constant 4 : i32
      %get3A_1088 = arith.index_cast %get3A_1087 : i32 to index
      %get3A_1089 = arith.index_cast %mul3A_1070 : i32 to index
      %get3A_1090 = tpu.vector_load %arg9[%get3A_1088, %get3A_1089] {strides = array<i32>} : memref<6x256xf32, #tpu.memory_space<vmem>>, vector<16xf32>,
      %get3A_1091 = arith.constant 5 : i32
      %get3A_1092 = arith.index_cast %get3A_1091 : i32 to index
      %get3A_1093 = arith.index_cast %mul3A_1070 : i32 to index
      %get3A_1094 = tpu.vector_load %arg9[%get3A_1092, %get3A_1093] {strides = array<i32>} : memref<6x256xf32, #tpu.memory_space<vmem>>, vector<16xf32>,
      %get3A_1095 = arith.constant 0 : i32
      %get3A_1096 = arith.index_cast %get3A_1095 : i32 to index
      %get3A_1097 = arith.index_cast %mul3A_1070 : i32 to index
      %get3A_1098 = tpu.vector_load %arg7[%get3A_1096, %get3A_1097] {strides = array<i32>} : memref<3x256xf32, #tpu.memory_space<vmem>>, vector<16xf32>,
      %sub3A_1099 = vector.broadcast %reduce_sum3A_106 : f32 to vector<16xf32>
      %sub3A_1100 = arith.subf %sub3A_1099, %get3A_1098 : vector<16xf32>
      %get3A_1101 = arith.constant 1 : i32
      %get3A_1102 = arith.index_cast %get3A_1101 : i32 to index
      %get3A_1103 = arith.index_cast %mul3A_1070 : i32 to index
      %get3A_1104 = tpu.vector_load %arg7[%get3A_1102, %get3A_1103] {strides = array<i32>} : memref<3x256xf32, #tpu.memory_space<vmem>>, vector<16xf32>,
      %sub3A_1105 = vector.broadcast %reduce_sum3A_117 : f32 to vector<16xf32>
      %sub3A_1106 = arith.subf %sub3A_1105, %get3A_1104 : vector<16xf32>
      %get3A_1107 = arith.constant 2 : i32
      %get3A_1108 = arith.index_cast %get3A_1107 : i32 to index
      %get3A_1109 = arith.index_cast %mul3A_1070 : i32 to index
      %get3A_1110 = tpu.vector_load %arg7[%get3A_1108, %get3A_1109] {strides = array<i32>} : memref<3x256xf32, #tpu.memory_space<vmem>>, vector<16xf32>,
      %sub3A_1111 = vector.broadcast %reduce_sum3A_128 : f32 to vector<16xf32>
      %sub3A_1112 = arith.subf %sub3A_1111, %get3A_1110 : vector<16xf32>
      %mul3A_1113 = arith.mulf %get3A_1074, %sub3A_1100 : vector<16xf32>
      %mul3A_1114 = arith.mulf %mul3A_1113, %sub3A_1100 : vector<16xf32>
      %mul3A_1115 = arith.mulf %get3A_1086, %sub3A_1106 : vector<16xf32>
      %mul3A_1116 = arith.mulf %mul3A_1115, %sub3A_1106 : vector<16xf32>
      %add3A_1117 = arith.addf %mul3A_1114, %mul3A_1116 : vector<16xf32>
      %mul3A_1118 = arith.mulf %get3A_1094, %sub3A_1112 : vector<16xf32>
      %mul3A_1119 = arith.mulf %mul3A_1118, %sub3A_1112 : vector<16xf32>
      %add3A_1120 = arith.addf %add3A_1117, %mul3A_1119 : vector<16xf32>
      %mul3A_1121 = arith.mulf %get3A_1078, %sub3A_1100 : vector<16xf32>
      %mul3A_1122 = arith.mulf %mul3A_1121, %sub3A_1106 : vector<16xf32>
      %mul3A_1123 = arith.mulf %get3A_1082, %sub3A_1100 : vector<16xf32>
      %mul3A_1124 = arith.mulf %mul3A_1123, %sub3A_1112 : vector<16xf32>
      %add3A_1125 = arith.addf %mul3A_1122, %mul3A_1124 : vector<16xf32>
      %mul3A_1126 = arith.mulf %get3A_1090, %sub3A_1106 : vector<16xf32>
      %mul3A_1127 = arith.mulf %mul3A_1126, %sub3A_1112 : vector<16xf32>
      %add3A_1128 = arith.addf %add3A_1125, %mul3A_1127 : vector<16xf32>
      %mul3A_1129 = arith.constant 2.000000e+00 : f32
      %mul3A_1130 = vector.broadcast %mul3A_1129 : f32 to vector<16xf32>
      %mul3A_1131 = arith.mulf %mul3A_1130, %add3A_1128 : vector<16xf32>
      %add3A_1132 = arith.addf %add3A_1120, %mul3A_1131 : vector<16xf32>
      %mul3A_1133 = arith.constant -5.000000e-01 : f32
      %mul3A_1134 = vector.broadcast %mul3A_1133 : f32 to vector<16xf32>
      %mul3A_1135 = arith.mulf %mul3A_1134, %add3A_1132 : vector<16xf32>
      %add3A_1136 = vector.broadcast %mul3A_1070 : i32 to vector<16xi32>
      %add3A_1137 = arith.addi %iota3A, %add3A_1136 : vector<16xi32>
      %eq3A_1138 = vector.broadcast %add3A_92 : i32 to vector<16xi32>
      %eq3A_1139 = arith.cmpi eq, %add3A_1137, %eq3A_1138 : vector<16xi32>
      %jit3A_1140 = arith.constant -1.000000e+30 : f32
      %broadcast_in_dim3A_1141 = vector.broadcast %jit3A_1140 : f32 to vector<16xf32>
      %select_n3A_1142 = arith.select %eq3A_1139, %broadcast_in_dim3A_1141, %mul3A_1135 : vector<16xi1>, vector<16xf32>
      %gt3A = arith.cmpf ogt, %select_n3A_1142, %scan3A_1067 : vector<16xf32>
      %select_n3A_1143 = arith.select %gt3A, %select_n3A_1142, %scan3A_1067 : vector<16xi1>, vector<16xf32>
      %convert_element_type3A_1144 = arith.sitofp %add3A_1137 : vector<16xi32> to vector<16xf32>
      %select_n3A_1145 = arith.select %gt3A, %convert_element_type3A_1144, %scan3A_1068 : vector<16xi1>, vector<16xf32>
      scf.yield %select_n3A_1143, %select_n3A_1145 : vector<16xf32>, vector<16xf32>
    }
    %scan3A_138 = arith.constant 16 : i32
    %reduce_max3A_139 = arith.constant true
    %reduce_max3A_140 = vector.broadcast %reduce_max3A_139 : i1 to vector<16xi1>
    %reduce_max3A_141 = tpu.scan <max>, %scan3A_137#0 masked %reduce_max3A_140 : vector<16xf32>, vector<16xi1> -> vector<16xf32>
    %reduce_max3A_142 = vector.extract %reduce_max3A_141[15] : f32 from vector<16xf32>
    %eq3A_143 = vector.broadcast %reduce_max3A_142 : f32 to vector<16xf32>
    %eq3A_144 = arith.cmpf oeq, %scan3A_137#0, %eq3A_143 : vector<16xf32>
    %jit3A_145 = arith.constant 1.000000e+09 : f32
    %broadcast_in_dim3A_146 = vector.broadcast %jit3A_145 : f32 to vector<16xf32>
    %select_n3A_147 = arith.select %eq3A_144, %scan3A_137#1, %broadcast_in_dim3A_146 : vector<16xi1>, vector<16xf32>
    %reduce_min3A_148 = arith.constant true
    %reduce_min3A_149 = vector.broadcast %reduce_min3A_148 : i1 to vector<16xi1>
    %reduce_min3A_150 = tpu.scan <min>, %select_n3A_147 masked %reduce_min3A_149 : vector<16xf32>, vector<16xi1> -> vector<16xf32>
    %reduce_min3A_151 = vector.extract %reduce_min3A_150[15] : f32 from vector<16xf32>
    %convert_element_type3A_152 = arith.fptosi %reduce_min3A_151 : f32 to i32
    %broadcast_in_dim3A_153 = vector.broadcast %convert_element_type3A_152 : i32 to vector<16xi32>
    %select_n3A_154 = arith.select %eq3A_95, %broadcast_in_dim3A_153, %select_n3A_90 : vector<16xi1>, vector<16xi32>
    %add3A_155 = arith.constant 2 : i32
    %add3A_156 = arith.addi %mul3A_21, %add3A_155 : i32
    %eq3A_157 = arith.constant 2 : i32
    %eq3A_158 = vector.broadcast %eq3A_157 : i32 to vector<16xi32>
    %eq3A_159 = arith.cmpi eq, %iota3A, %eq3A_158 : vector<16xi32>
    %get3A_160 = arith.constant 0 : i32
    %get3A_161 = arith.index_cast %get3A_160 : i32 to index
    %get3A_162 = arith.index_cast %mul3A_21 : i32 to index
    %get3A_163 = tpu.vector_load %arg7[%get3A_161, %get3A_162] {strides = array<i32>} : memref<3x256xf32, #tpu.memory_space<vmem>>, vector<16xf32>,
    %jit3A_164 = arith.constant 0.000000e+00 : f32
    %broadcast_in_dim3A_165 = vector.broadcast %jit3A_164 : f32 to vector<16xf32>
    %select_n3A_166 = arith.select %eq3A_159, %get3A_163, %broadcast_in_dim3A_165 : vector<16xi1>, vector<16xf32>
    %reduce_sum3A_167 = arith.constant true
    %reduce_sum3A_168 = vector.broadcast %reduce_sum3A_167 : i1 to vector<16xi1>
    %reduce_sum3A_169 = tpu.scan <sum>, %select_n3A_166 masked %reduce_sum3A_168 : vector<16xf32>, vector<16xi1> -> vector<16xf32>
    %reduce_sum3A_170 = vector.extract %reduce_sum3A_169[15] : f32 from vector<16xf32>
    %get3A_171 = arith.constant 1 : i32
    %get3A_172 = arith.index_cast %get3A_171 : i32 to index
    %get3A_173 = arith.index_cast %mul3A_21 : i32 to index
    %get3A_174 = tpu.vector_load %arg7[%get3A_172, %get3A_173] {strides = array<i32>} : memref<3x256xf32, #tpu.memory_space<vmem>>, vector<16xf32>,
    %jit3A_175 = arith.constant 0.000000e+00 : f32
    %broadcast_in_dim3A_176 = vector.broadcast %jit3A_175 : f32 to vector<16xf32>
    %select_n3A_177 = arith.select %eq3A_159, %get3A_174, %broadcast_in_dim3A_176 : vector<16xi1>, vector<16xf32>
    %reduce_sum3A_178 = arith.constant true
    %reduce_sum3A_179 = vector.broadcast %reduce_sum3A_178 : i1 to vector<16xi1>
    %reduce_sum3A_180 = tpu.scan <sum>, %select_n3A_177 masked %reduce_sum3A_179 : vector<16xf32>, vector<16xi1> -> vector<16xf32>
    %reduce_sum3A_181 = vector.extract %reduce_sum3A_180[15] : f32 from vector<16xf32>
    %get3A_182 = arith.constant 2 : i32
    %get3A_183 = arith.index_cast %get3A_182 : i32 to index
    %get3A_184 = arith.index_cast %mul3A_21 : i32 to index
    %get3A_185 = tpu.vector_load %arg7[%get3A_183, %get3A_184] {strides = array<i32>} : memref<3x256xf32, #tpu.memory_space<vmem>>, vector<16xf32>,
    %jit3A_186 = arith.constant 0.000000e+00 : f32
    %broadcast_in_dim3A_187 = vector.broadcast %jit3A_186 : f32 to vector<16xf32>
    %select_n3A_188 = arith.select %eq3A_159, %get3A_185, %broadcast_in_dim3A_187 : vector<16xi1>, vector<16xf32>
    %reduce_sum3A_189 = arith.constant true
    %reduce_sum3A_190 = vector.broadcast %reduce_sum3A_189 : i1 to vector<16xi1>
    %reduce_sum3A_191 = tpu.scan <sum>, %select_n3A_188 masked %reduce_sum3A_190 : vector<16xf32>, vector<16xi1> -> vector<16xf32>
    %reduce_sum3A_192 = vector.extract %reduce_sum3A_191[15] : f32 from vector<16xf32>
    %broadcast_in_dim3A_193 = arith.constant -3.000000e+38 : f32
    %broadcast_in_dim3A_194 = vector.broadcast %broadcast_in_dim3A_193 : f32 to vector<16xf32>
    %broadcast_in_dim3A_195 = arith.constant 0.000000e+00 : f32
    %broadcast_in_dim3A_196 = vector.broadcast %broadcast_in_dim3A_195 : f32 to vector<16xf32>
    %scan3A_197 = arith.constant 0 : i32
    %scan3A_198 = arith.constant 16 : i32
    %scan3A_199 = arith.addi %scan3A_197, %scan3A_198 : i32
    %scan3A_200 = arith.constant 1 : i32
    %scan3A_201:2 = scf.for %scan3A_1066 = %scan3A_197 to %scan3A_199 step %scan3A_200 iter_args(%scan3A_1067 = %broadcast_in_dim3A_194, %scan3A_1068 = %broadcast_in_dim3A_196) -> (vector<16xf32>, vector<16xf32>)  : i32 {
      %mul3A_1069 = arith.constant 16 : i32
      %mul3A_1070 = arith.muli %scan3A_1066, %mul3A_1069 : i32
      %get3A_1071 = arith.constant 0 : i32
      %get3A_1072 = arith.index_cast %get3A_1071 : i32 to index
      %get3A_1073 = arith.index_cast %mul3A_1070 : i32 to index
      %get3A_1074 = tpu.vector_load %arg9[%get3A_1072, %get3A_1073] {strides = array<i32>} : memref<6x256xf32, #tpu.memory_space<vmem>>, vector<16xf32>,
      %get3A_1075 = arith.constant 1 : i32
      %get3A_1076 = arith.index_cast %get3A_1075 : i32 to index
      %get3A_1077 = arith.index_cast %mul3A_1070 : i32 to index
      %get3A_1078 = tpu.vector_load %arg9[%get3A_1076, %get3A_1077] {strides = array<i32>} : memref<6x256xf32, #tpu.memory_space<vmem>>, vector<16xf32>,
      %get3A_1079 = arith.constant 2 : i32
      %get3A_1080 = arith.index_cast %get3A_1079 : i32 to index
      %get3A_1081 = arith.index_cast %mul3A_1070 : i32 to index
      %get3A_1082 = tpu.vector_load %arg9[%get3A_1080, %get3A_1081] {strides = array<i32>} : memref<6x256xf32, #tpu.memory_space<vmem>>, vector<16xf32>,
      %get3A_1083 = arith.constant 3 : i32
      %get3A_1084 = arith.index_cast %get3A_1083 : i32 to index
      %get3A_1085 = arith.index_cast %mul3A_1070 : i32 to index
      %get3A_1086 = tpu.vector_load %arg9[%get3A_1084, %get3A_1085] {strides = array<i32>} : memref<6x256xf32, #tpu.memory_space<vmem>>, vector<16xf32>,
      %get3A_1087 = arith.constant 4 : i32
      %get3A_1088 = arith.index_cast %get3A_1087 : i32 to index
      %get3A_1089 = arith.index_cast %mul3A_1070 : i32 to index
      %get3A_1090 = tpu.vector_load %arg9[%get3A_1088, %get3A_1089] {strides = array<i32>} : memref<6x256xf32, #tpu.memory_space<vmem>>, vector<16xf32>,
      %get3A_1091 = arith.constant 5 : i32
      %get3A_1092 = arith.index_cast %get3A_1091 : i32 to index
      %get3A_1093 = arith.index_cast %mul3A_1070 : i32 to index
      %get3A_1094 = tpu.vector_load %arg9[%get3A_1092, %get3A_1093] {strides = array<i32>} : memref<6x256xf32, #tpu.memory_space<vmem>>, vector<16xf32>,
      %get3A_1095 = arith.constant 0 : i32
      %get3A_1096 = arith.index_cast %get3A_1095 : i32 to index
      %get3A_1097 = arith.index_cast %mul3A_1070 : i32 to index
      %get3A_1098 = tpu.vector_load %arg7[%get3A_1096, %get3A_1097] {strides = array<i32>} : memref<3x256xf32, #tpu.memory_space<vmem>>, vector<16xf32>,
      %sub3A_1099 = vector.broadcast %reduce_sum3A_170 : f32 to vector<16xf32>
      %sub3A_1100 = arith.subf %sub3A_1099, %get3A_1098 : vector<16xf32>
      %get3A_1101 = arith.constant 1 : i32
      %get3A_1102 = arith.index_cast %get3A_1101 : i32 to index
      %get3A_1103 = arith.index_cast %mul3A_1070 : i32 to index
      %get3A_1104 = tpu.vector_load %arg7[%get3A_1102, %get3A_1103] {strides = array<i32>} : memref<3x256xf32, #tpu.memory_space<vmem>>, vector<16xf32>,
      %sub3A_1105 = vector.broadcast %reduce_sum3A_181 : f32 to vector<16xf32>
      %sub3A_1106 = arith.subf %sub3A_1105, %get3A_1104 : vector<16xf32>
      %get3A_1107 = arith.constant 2 : i32
      %get3A_1108 = arith.index_cast %get3A_1107 : i32 to index
      %get3A_1109 = arith.index_cast %mul3A_1070 : i32 to index
      %get3A_1110 = tpu.vector_load %arg7[%get3A_1108, %get3A_1109] {strides = array<i32>} : memref<3x256xf32, #tpu.memory_space<vmem>>, vector<16xf32>,
      %sub3A_1111 = vector.broadcast %reduce_sum3A_192 : f32 to vector<16xf32>
      %sub3A_1112 = arith.subf %sub3A_1111, %get3A_1110 : vector<16xf32>
      %mul3A_1113 = arith.mulf %get3A_1074, %sub3A_1100 : vector<16xf32>
      %mul3A_1114 = arith.mulf %mul3A_1113, %sub3A_1100 : vector<16xf32>
      %mul3A_1115 = arith.mulf %get3A_1086, %sub3A_1106 : vector<16xf32>
      %mul3A_1116 = arith.mulf %mul3A_1115, %sub3A_1106 : vector<16xf32>
      %add3A_1117 = arith.addf %mul3A_1114, %mul3A_1116 : vector<16xf32>
      %mul3A_1118 = arith.mulf %get3A_1094, %sub3A_1112 : vector<16xf32>
      %mul3A_1119 = arith.mulf %mul3A_1118, %sub3A_1112 : vector<16xf32>
      %add3A_1120 = arith.addf %add3A_1117, %mul3A_1119 : vector<16xf32>
      %mul3A_1121 = arith.mulf %get3A_1078, %sub3A_1100 : vector<16xf32>
      %mul3A_1122 = arith.mulf %mul3A_1121, %sub3A_1106 : vector<16xf32>
      %mul3A_1123 = arith.mulf %get3A_1082, %sub3A_1100 : vector<16xf32>
      %mul3A_1124 = arith.mulf %mul3A_1123, %sub3A_1112 : vector<16xf32>
      %add3A_1125 = arith.addf %mul3A_1122, %mul3A_1124 : vector<16xf32>
      %mul3A_1126 = arith.mulf %get3A_1090, %sub3A_1106 : vector<16xf32>
      %mul3A_1127 = arith.mulf %mul3A_1126, %sub3A_1112 : vector<16xf32>
      %add3A_1128 = arith.addf %add3A_1125, %mul3A_1127 : vector<16xf32>
      %mul3A_1129 = arith.constant 2.000000e+00 : f32
      %mul3A_1130 = vector.broadcast %mul3A_1129 : f32 to vector<16xf32>
      %mul3A_1131 = arith.mulf %mul3A_1130, %add3A_1128 : vector<16xf32>
      %add3A_1132 = arith.addf %add3A_1120, %mul3A_1131 : vector<16xf32>
      %mul3A_1133 = arith.constant -5.000000e-01 : f32
      %mul3A_1134 = vector.broadcast %mul3A_1133 : f32 to vector<16xf32>
      %mul3A_1135 = arith.mulf %mul3A_1134, %add3A_1132 : vector<16xf32>
      %add3A_1136 = vector.broadcast %mul3A_1070 : i32 to vector<16xi32>
      %add3A_1137 = arith.addi %iota3A, %add3A_1136 : vector<16xi32>
      %eq3A_1138 = vector.broadcast %add3A_156 : i32 to vector<16xi32>
      %eq3A_1139 = arith.cmpi eq, %add3A_1137, %eq3A_1138 : vector<16xi32>
      %jit3A_1140 = arith.constant -1.000000e+30 : f32
      %broadcast_in_dim3A_1141 = vector.broadcast %jit3A_1140 : f32 to vector<16xf32>
      %select_n3A_1142 = arith.select %eq3A_1139, %broadcast_in_dim3A_1141, %mul3A_1135 : vector<16xi1>, vector<16xf32>
      %gt3A = arith.cmpf ogt, %select_n3A_1142, %scan3A_1067 : vector<16xf32>
      %select_n3A_1143 = arith.select %gt3A, %select_n3A_1142, %scan3A_1067 : vector<16xi1>, vector<16xf32>
      %convert_element_type3A_1144 = arith.sitofp %add3A_1137 : vector<16xi32> to vector<16xf32>
      %select_n3A_1145 = arith.select %gt3A, %convert_element_type3A_1144, %scan3A_1068 : vector<16xi1>, vector<16xf32>
      scf.yield %select_n3A_1143, %select_n3A_1145 : vector<16xf32>, vector<16xf32>
    }
    %scan3A_202 = arith.constant 16 : i32
    %reduce_max3A_203 = arith.constant true
    %reduce_max3A_204 = vector.broadcast %reduce_max3A_203 : i1 to vector<16xi1>
    %reduce_max3A_205 = tpu.scan <max>, %scan3A_201#0 masked %reduce_max3A_204 : vector<16xf32>, vector<16xi1> -> vector<16xf32>
    %reduce_max3A_206 = vector.extract %reduce_max3A_205[15] : f32 from vector<16xf32>
    %eq3A_207 = vector.broadcast %reduce_max3A_206 : f32 to vector<16xf32>
    %eq3A_208 = arith.cmpf oeq, %scan3A_201#0, %eq3A_207 : vector<16xf32>
    %jit3A_209 = arith.constant 1.000000e+09 : f32
    %broadcast_in_dim3A_210 = vector.broadcast %jit3A_209 : f32 to vector<16xf32>
    %select_n3A_211 = arith.select %eq3A_208, %scan3A_201#1, %broadcast_in_dim3A_210 : vector<16xi1>, vector<16xf32>
    %reduce_min3A_212 = arith.constant true
    %reduce_min3A_213 = vector.broadcast %reduce_min3A_212 : i1 to vector<16xi1>
    %reduce_min3A_214 = tpu.scan <min>, %select_n3A_211 masked %reduce_min3A_213 : vector<16xf32>, vector<16xi1> -> vector<16xf32>
    %reduce_min3A_215 = vector.extract %reduce_min3A_214[15] : f32 from vector<16xf32>
    %convert_element_type3A_216 = arith.fptosi %reduce_min3A_215 : f32 to i32
    %broadcast_in_dim3A_217 = vector.broadcast %convert_element_type3A_216 : i32 to vector<16xi32>
    %select_n3A_218 = arith.select %eq3A_159, %broadcast_in_dim3A_217, %select_n3A_154 : vector<16xi1>, vector<16xi32>
    %add3A_219 = arith.constant 3 : i32
    %add3A_220 = arith.addi %mul3A_21, %add3A_219 : i32
    %eq3A_221 = arith.constant 3 : i32
    %eq3A_222 = vector.broadcast %eq3A_221 : i32 to vector<16xi32>
    %eq3A_223 = arith.cmpi eq, %iota3A, %eq3A_222 : vector<16xi32>
    %get3A_224 = arith.constant 0 : i32
    %get3A_225 = arith.index_cast %get3A_224 : i32 to index
    %get3A_226 = arith.index_cast %mul3A_21 : i32 to index
    %get3A_227 = tpu.vector_load %arg7[%get3A_225, %get3A_226] {strides = array<i32>} : memref<3x256xf32, #tpu.memory_space<vmem>>, vector<16xf32>,
    %jit3A_228 = arith.constant 0.000000e+00 : f32
    %broadcast_in_dim3A_229 = vector.broadcast %jit3A_228 : f32 to vector<16xf32>
    %select_n3A_230 = arith.select %eq3A_223, %get3A_227, %broadcast_in_dim3A_229 : vector<16xi1>, vector<16xf32>
    %reduce_sum3A_231 = arith.constant true
    %reduce_sum3A_232 = vector.broadcast %reduce_sum3A_231 : i1 to vector<16xi1>
    %reduce_sum3A_233 = tpu.scan <sum>, %select_n3A_230 masked %reduce_sum3A_232 : vector<16xf32>, vector<16xi1> -> vector<16xf32>
    %reduce_sum3A_234 = vector.extract %reduce_sum3A_233[15] : f32 from vector<16xf32>
    %get3A_235 = arith.constant 1 : i32
    %get3A_236 = arith.index_cast %get3A_235 : i32 to index
    %get3A_237 = arith.index_cast %mul3A_21 : i32 to index
    %get3A_238 = tpu.vector_load %arg7[%get3A_236, %get3A_237] {strides = array<i32>} : memref<3x256xf32, #tpu.memory_space<vmem>>, vector<16xf32>,
    %jit3A_239 = arith.constant 0.000000e+00 : f32
    %broadcast_in_dim3A_240 = vector.broadcast %jit3A_239 : f32 to vector<16xf32>
    %select_n3A_241 = arith.select %eq3A_223, %get3A_238, %broadcast_in_dim3A_240 : vector<16xi1>, vector<16xf32>
    %reduce_sum3A_242 = arith.constant true
    %reduce_sum3A_243 = vector.broadcast %reduce_sum3A_242 : i1 to vector<16xi1>
    %reduce_sum3A_244 = tpu.scan <sum>, %select_n3A_241 masked %reduce_sum3A_243 : vector<16xf32>, vector<16xi1> -> vector<16xf32>
    %reduce_sum3A_245 = vector.extract %reduce_sum3A_244[15] : f32 from vector<16xf32>
    %get3A_246 = arith.constant 2 : i32
    %get3A_247 = arith.index_cast %get3A_246 : i32 to index
    %get3A_248 = arith.index_cast %mul3A_21 : i32 to index
    %get3A_249 = tpu.vector_load %arg7[%get3A_247, %get3A_248] {strides = array<i32>} : memref<3x256xf32, #tpu.memory_space<vmem>>, vector<16xf32>,
    %jit3A_250 = arith.constant 0.000000e+00 : f32
    %broadcast_in_dim3A_251 = vector.broadcast %jit3A_250 : f32 to vector<16xf32>
    %select_n3A_252 = arith.select %eq3A_223, %get3A_249, %broadcast_in_dim3A_251 : vector<16xi1>, vector<16xf32>
    %reduce_sum3A_253 = arith.constant true
    %reduce_sum3A_254 = vector.broadcast %reduce_sum3A_253 : i1 to vector<16xi1>
    %reduce_sum3A_255 = tpu.scan <sum>, %select_n3A_252 masked %reduce_sum3A_254 : vector<16xf32>, vector<16xi1> -> vector<16xf32>
    %reduce_sum3A_256 = vector.extract %reduce_sum3A_255[15] : f32 from vector<16xf32>
    %broadcast_in_dim3A_257 = arith.constant -3.000000e+38 : f32
    %broadcast_in_dim3A_258 = vector.broadcast %broadcast_in_dim3A_257 : f32 to vector<16xf32>
    %broadcast_in_dim3A_259 = arith.constant 0.000000e+00 : f32
    %broadcast_in_dim3A_260 = vector.broadcast %broadcast_in_dim3A_259 : f32 to vector<16xf32>
    %scan3A_261 = arith.constant 0 : i32
    %scan3A_262 = arith.constant 16 : i32
    %scan3A_263 = arith.addi %scan3A_261, %scan3A_262 : i32
    %scan3A_264 = arith.constant 1 : i32
    %scan3A_265:2 = scf.for %scan3A_1066 = %scan3A_261 to %scan3A_263 step %scan3A_264 iter_args(%scan3A_1067 = %broadcast_in_dim3A_258, %scan3A_1068 = %broadcast_in_dim3A_260) -> (vector<16xf32>, vector<16xf32>)  : i32 {
      %mul3A_1069 = arith.constant 16 : i32
      %mul3A_1070 = arith.muli %scan3A_1066, %mul3A_1069 : i32
      %get3A_1071 = arith.constant 0 : i32
      %get3A_1072 = arith.index_cast %get3A_1071 : i32 to index
      %get3A_1073 = arith.index_cast %mul3A_1070 : i32 to index
      %get3A_1074 = tpu.vector_load %arg9[%get3A_1072, %get3A_1073] {strides = array<i32>} : memref<6x256xf32, #tpu.memory_space<vmem>>, vector<16xf32>,
      %get3A_1075 = arith.constant 1 : i32
      %get3A_1076 = arith.index_cast %get3A_1075 : i32 to index
      %get3A_1077 = arith.index_cast %mul3A_1070 : i32 to index
      %get3A_1078 = tpu.vector_load %arg9[%get3A_1076, %get3A_1077] {strides = array<i32>} : memref<6x256xf32, #tpu.memory_space<vmem>>, vector<16xf32>,
      %get3A_1079 = arith.constant 2 : i32
      %get3A_1080 = arith.index_cast %get3A_1079 : i32 to index
      %get3A_1081 = arith.index_cast %mul3A_1070 : i32 to index
      %get3A_1082 = tpu.vector_load %arg9[%get3A_1080, %get3A_1081] {strides = array<i32>} : memref<6x256xf32, #tpu.memory_space<vmem>>, vector<16xf32>,
      %get3A_1083 = arith.constant 3 : i32
      %get3A_1084 = arith.index_cast %get3A_1083 : i32 to index
      %get3A_1085 = arith.index_cast %mul3A_1070 : i32 to index
      %get3A_1086 = tpu.vector_load %arg9[%get3A_1084, %get3A_1085] {strides = array<i32>} : memref<6x256xf32, #tpu.memory_space<vmem>>, vector<16xf32>,
      %get3A_1087 = arith.constant 4 : i32
      %get3A_1088 = arith.index_cast %get3A_1087 : i32 to index
      %get3A_1089 = arith.index_cast %mul3A_1070 : i32 to index
      %get3A_1090 = tpu.vector_load %arg9[%get3A_1088, %get3A_1089] {strides = array<i32>} : memref<6x256xf32, #tpu.memory_space<vmem>>, vector<16xf32>,
      %get3A_1091 = arith.constant 5 : i32
      %get3A_1092 = arith.index_cast %get3A_1091 : i32 to index
      %get3A_1093 = arith.index_cast %mul3A_1070 : i32 to index
      %get3A_1094 = tpu.vector_load %arg9[%get3A_1092, %get3A_1093] {strides = array<i32>} : memref<6x256xf32, #tpu.memory_space<vmem>>, vector<16xf32>,
      %get3A_1095 = arith.constant 0 : i32
      %get3A_1096 = arith.index_cast %get3A_1095 : i32 to index
      %get3A_1097 = arith.index_cast %mul3A_1070 : i32 to index
      %get3A_1098 = tpu.vector_load %arg7[%get3A_1096, %get3A_1097] {strides = array<i32>} : memref<3x256xf32, #tpu.memory_space<vmem>>, vector<16xf32>,
      %sub3A_1099 = vector.broadcast %reduce_sum3A_234 : f32 to vector<16xf32>
      %sub3A_1100 = arith.subf %sub3A_1099, %get3A_1098 : vector<16xf32>
      %get3A_1101 = arith.constant 1 : i32
      %get3A_1102 = arith.index_cast %get3A_1101 : i32 to index
      %get3A_1103 = arith.index_cast %mul3A_1070 : i32 to index
      %get3A_1104 = tpu.vector_load %arg7[%get3A_1102, %get3A_1103] {strides = array<i32>} : memref<3x256xf32, #tpu.memory_space<vmem>>, vector<16xf32>,
      %sub3A_1105 = vector.broadcast %reduce_sum3A_245 : f32 to vector<16xf32>
      %sub3A_1106 = arith.subf %sub3A_1105, %get3A_1104 : vector<16xf32>
      %get3A_1107 = arith.constant 2 : i32
      %get3A_1108 = arith.index_cast %get3A_1107 : i32 to index
      %get3A_1109 = arith.index_cast %mul3A_1070 : i32 to index
      %get3A_1110 = tpu.vector_load %arg7[%get3A_1108, %get3A_1109] {strides = array<i32>} : memref<3x256xf32, #tpu.memory_space<vmem>>, vector<16xf32>,
      %sub3A_1111 = vector.broadcast %reduce_sum3A_256 : f32 to vector<16xf32>
      %sub3A_1112 = arith.subf %sub3A_1111, %get3A_1110 : vector<16xf32>
      %mul3A_1113 = arith.mulf %get3A_1074, %sub3A_1100 : vector<16xf32>
      %mul3A_1114 = arith.mulf %mul3A_1113, %sub3A_1100 : vector<16xf32>
      %mul3A_1115 = arith.mulf %get3A_1086, %sub3A_1106 : vector<16xf32>
      %mul3A_1116 = arith.mulf %mul3A_1115, %sub3A_1106 : vector<16xf32>
      %add3A_1117 = arith.addf %mul3A_1114, %mul3A_1116 : vector<16xf32>
      %mul3A_1118 = arith.mulf %get3A_1094, %sub3A_1112 : vector<16xf32>
      %mul3A_1119 = arith.mulf %mul3A_1118, %sub3A_1112 : vector<16xf32>
      %add3A_1120 = arith.addf %add3A_1117, %mul3A_1119 : vector<16xf32>
      %mul3A_1121 = arith.mulf %get3A_1078, %sub3A_1100 : vector<16xf32>
      %mul3A_1122 = arith.mulf %mul3A_1121, %sub3A_1106 : vector<16xf32>
      %mul3A_1123 = arith.mulf %get3A_1082, %sub3A_1100 : vector<16xf32>
      %mul3A_1124 = arith.mulf %mul3A_1123, %sub3A_1112 : vector<16xf32>
      %add3A_1125 = arith.addf %mul3A_1122, %mul3A_1124 : vector<16xf32>
      %mul3A_1126 = arith.mulf %get3A_1090, %sub3A_1106 : vector<16xf32>
      %mul3A_1127 = arith.mulf %mul3A_1126, %sub3A_1112 : vector<16xf32>
      %add3A_1128 = arith.addf %add3A_1125, %mul3A_1127 : vector<16xf32>
      %mul3A_1129 = arith.constant 2.000000e+00 : f32
      %mul3A_1130 = vector.broadcast %mul3A_1129 : f32 to vector<16xf32>
      %mul3A_1131 = arith.mulf %mul3A_1130, %add3A_1128 : vector<16xf32>
      %add3A_1132 = arith.addf %add3A_1120, %mul3A_1131 : vector<16xf32>
      %mul3A_1133 = arith.constant -5.000000e-01 : f32
      %mul3A_1134 = vector.broadcast %mul3A_1133 : f32 to vector<16xf32>
      %mul3A_1135 = arith.mulf %mul3A_1134, %add3A_1132 : vector<16xf32>
      %add3A_1136 = vector.broadcast %mul3A_1070 : i32 to vector<16xi32>
      %add3A_1137 = arith.addi %iota3A, %add3A_1136 : vector<16xi32>
      %eq3A_1138 = vector.broadcast %add3A_220 : i32 to vector<16xi32>
      %eq3A_1139 = arith.cmpi eq, %add3A_1137, %eq3A_1138 : vector<16xi32>
      %jit3A_1140 = arith.constant -1.000000e+30 : f32
      %broadcast_in_dim3A_1141 = vector.broadcast %jit3A_1140 : f32 to vector<16xf32>
      %select_n3A_1142 = arith.select %eq3A_1139, %broadcast_in_dim3A_1141, %mul3A_1135 : vector<16xi1>, vector<16xf32>
      %gt3A = arith.cmpf ogt, %select_n3A_1142, %scan3A_1067 : vector<16xf32>
      %select_n3A_1143 = arith.select %gt3A, %select_n3A_1142, %scan3A_1067 : vector<16xi1>, vector<16xf32>
      %convert_element_type3A_1144 = arith.sitofp %add3A_1137 : vector<16xi32> to vector<16xf32>
      %select_n3A_1145 = arith.select %gt3A, %convert_element_type3A_1144, %scan3A_1068 : vector<16xi1>, vector<16xf32>
      scf.yield %select_n3A_1143, %select_n3A_1145 : vector<16xf32>, vector<16xf32>
    }
    %scan3A_266 = arith.constant 16 : i32
    %reduce_max3A_267 = arith.constant true
    %reduce_max3A_268 = vector.broadcast %reduce_max3A_267 : i1 to vector<16xi1>
    %reduce_max3A_269 = tpu.scan <max>, %scan3A_265#0 masked %reduce_max3A_268 : vector<16xf32>, vector<16xi1> -> vector<16xf32>
    %reduce_max3A_270 = vector.extract %reduce_max3A_269[15] : f32 from vector<16xf32>
    %eq3A_271 = vector.broadcast %reduce_max3A_270 : f32 to vector<16xf32>
    %eq3A_272 = arith.cmpf oeq, %scan3A_265#0, %eq3A_271 : vector<16xf32>
    %jit3A_273 = arith.constant 1.000000e+09 : f32
    %broadcast_in_dim3A_274 = vector.broadcast %jit3A_273 : f32 to vector<16xf32>
    %select_n3A_275 = arith.select %eq3A_272, %scan3A_265#1, %broadcast_in_dim3A_274 : vector<16xi1>, vector<16xf32>
    %reduce_min3A_276 = arith.constant true
    %reduce_min3A_277 = vector.broadcast %reduce_min3A_276 : i1 to vector<16xi1>
    %reduce_min3A_278 = tpu.scan <min>, %select_n3A_275 masked %reduce_min3A_277 : vector<16xf32>, vector<16xi1> -> vector<16xf32>
    %reduce_min3A_279 = vector.extract %reduce_min3A_278[15] : f32 from vector<16xf32>
    %convert_element_type3A_280 = arith.fptosi %reduce_min3A_279 : f32 to i32
    %broadcast_in_dim3A_281 = vector.broadcast %convert_element_type3A_280 : i32 to vector<16xi32>
    %select_n3A_282 = arith.select %eq3A_223, %broadcast_in_dim3A_281, %select_n3A_218 : vector<16xi1>, vector<16xi32>
    %add3A_283 = arith.constant 4 : i32
    %add3A_284 = arith.addi %mul3A_21, %add3A_283 : i32
    %eq3A_285 = arith.constant 4 : i32
    %eq3A_286 = vector.broadcast %eq3A_285 : i32 to vector<16xi32>
    %eq3A_287 = arith.cmpi eq, %iota3A, %eq3A_286 : vector<16xi32>
    %get3A_288 = arith.constant 0 : i32
    %get3A_289 = arith.index_cast %get3A_288 : i32 to index
    %get3A_290 = arith.index_cast %mul3A_21 : i32 to index
    %get3A_291 = tpu.vector_load %arg7[%get3A_289, %get3A_290] {strides = array<i32>} : memref<3x256xf32, #tpu.memory_space<vmem>>, vector<16xf32>,
    %jit3A_292 = arith.constant 0.000000e+00 : f32
    %broadcast_in_dim3A_293 = vector.broadcast %jit3A_292 : f32 to vector<16xf32>
    %select_n3A_294 = arith.select %eq3A_287, %get3A_291, %broadcast_in_dim3A_293 : vector<16xi1>, vector<16xf32>
    %reduce_sum3A_295 = arith.constant true
    %reduce_sum3A_296 = vector.broadcast %reduce_sum3A_295 : i1 to vector<16xi1>
    %reduce_sum3A_297 = tpu.scan <sum>, %select_n3A_294 masked %reduce_sum3A_296 : vector<16xf32>, vector<16xi1> -> vector<16xf32>
    %reduce_sum3A_298 = vector.extract %reduce_sum3A_297[15] : f32 from vector<16xf32>
    %get3A_299 = arith.constant 1 : i32
    %get3A_300 = arith.index_cast %get3A_299 : i32 to index
    %get3A_301 = arith.index_cast %mul3A_21 : i32 to index
    %get3A_302 = tpu.vector_load %arg7[%get3A_300, %get3A_301] {strides = array<i32>} : memref<3x256xf32, #tpu.memory_space<vmem>>, vector<16xf32>,
    %jit3A_303 = arith.constant 0.000000e+00 : f32
    %broadcast_in_dim3A_304 = vector.broadcast %jit3A_303 : f32 to vector<16xf32>
    %select_n3A_305 = arith.select %eq3A_287, %get3A_302, %broadcast_in_dim3A_304 : vector<16xi1>, vector<16xf32>
    %reduce_sum3A_306 = arith.constant true
    %reduce_sum3A_307 = vector.broadcast %reduce_sum3A_306 : i1 to vector<16xi1>
    %reduce_sum3A_308 = tpu.scan <sum>, %select_n3A_305 masked %reduce_sum3A_307 : vector<16xf32>, vector<16xi1> -> vector<16xf32>
    %reduce_sum3A_309 = vector.extract %reduce_sum3A_308[15] : f32 from vector<16xf32>
    %get3A_310 = arith.constant 2 : i32
    %get3A_311 = arith.index_cast %get3A_310 : i32 to index
    %get3A_312 = arith.index_cast %mul3A_21 : i32 to index
    %get3A_313 = tpu.vector_load %arg7[%get3A_311, %get3A_312] {strides = array<i32>} : memref<3x256xf32, #tpu.memory_space<vmem>>, vector<16xf32>,
    %jit3A_314 = arith.constant 0.000000e+00 : f32
    %broadcast_in_dim3A_315 = vector.broadcast %jit3A_314 : f32 to vector<16xf32>
    %select_n3A_316 = arith.select %eq3A_287, %get3A_313, %broadcast_in_dim3A_315 : vector<16xi1>, vector<16xf32>
    %reduce_sum3A_317 = arith.constant true
    %reduce_sum3A_318 = vector.broadcast %reduce_sum3A_317 : i1 to vector<16xi1>
    %reduce_sum3A_319 = tpu.scan <sum>, %select_n3A_316 masked %reduce_sum3A_318 : vector<16xf32>, vector<16xi1> -> vector<16xf32>
    %reduce_sum3A_320 = vector.extract %reduce_sum3A_319[15] : f32 from vector<16xf32>
    %broadcast_in_dim3A_321 = arith.constant -3.000000e+38 : f32
    %broadcast_in_dim3A_322 = vector.broadcast %broadcast_in_dim3A_321 : f32 to vector<16xf32>
    %broadcast_in_dim3A_323 = arith.constant 0.000000e+00 : f32
    %broadcast_in_dim3A_324 = vector.broadcast %broadcast_in_dim3A_323 : f32 to vector<16xf32>
    %scan3A_325 = arith.constant 0 : i32
    %scan3A_326 = arith.constant 16 : i32
    %scan3A_327 = arith.addi %scan3A_325, %scan3A_326 : i32
    %scan3A_328 = arith.constant 1 : i32
    %scan3A_329:2 = scf.for %scan3A_1066 = %scan3A_325 to %scan3A_327 step %scan3A_328 iter_args(%scan3A_1067 = %broadcast_in_dim3A_322, %scan3A_1068 = %broadcast_in_dim3A_324) -> (vector<16xf32>, vector<16xf32>)  : i32 {
      %mul3A_1069 = arith.constant 16 : i32
      %mul3A_1070 = arith.muli %scan3A_1066, %mul3A_1069 : i32
      %get3A_1071 = arith.constant 0 : i32
      %get3A_1072 = arith.index_cast %get3A_1071 : i32 to index
      %get3A_1073 = arith.index_cast %mul3A_1070 : i32 to index
      %get3A_1074 = tpu.vector_load %arg9[%get3A_1072, %get3A_1073] {strides = array<i32>} : memref<6x256xf32, #tpu.memory_space<vmem>>, vector<16xf32>,
      %get3A_1075 = arith.constant 1 : i32
      %get3A_1076 = arith.index_cast %get3A_1075 : i32 to index
      %get3A_1077 = arith.index_cast %mul3A_1070 : i32 to index
      %get3A_1078 = tpu.vector_load %arg9[%get3A_1076, %get3A_1077] {strides = array<i32>} : memref<6x256xf32, #tpu.memory_space<vmem>>, vector<16xf32>,
      %get3A_1079 = arith.constant 2 : i32
      %get3A_1080 = arith.index_cast %get3A_1079 : i32 to index
      %get3A_1081 = arith.index_cast %mul3A_1070 : i32 to index
      %get3A_1082 = tpu.vector_load %arg9[%get3A_1080, %get3A_1081] {strides = array<i32>} : memref<6x256xf32, #tpu.memory_space<vmem>>, vector<16xf32>,
      %get3A_1083 = arith.constant 3 : i32
      %get3A_1084 = arith.index_cast %get3A_1083 : i32 to index
      %get3A_1085 = arith.index_cast %mul3A_1070 : i32 to index
      %get3A_1086 = tpu.vector_load %arg9[%get3A_1084, %get3A_1085] {strides = array<i32>} : memref<6x256xf32, #tpu.memory_space<vmem>>, vector<16xf32>,
      %get3A_1087 = arith.constant 4 : i32
      %get3A_1088 = arith.index_cast %get3A_1087 : i32 to index
      %get3A_1089 = arith.index_cast %mul3A_1070 : i32 to index
      %get3A_1090 = tpu.vector_load %arg9[%get3A_1088, %get3A_1089] {strides = array<i32>} : memref<6x256xf32, #tpu.memory_space<vmem>>, vector<16xf32>,
      %get3A_1091 = arith.constant 5 : i32
      %get3A_1092 = arith.index_cast %get3A_1091 : i32 to index
      %get3A_1093 = arith.index_cast %mul3A_1070 : i32 to index
      %get3A_1094 = tpu.vector_load %arg9[%get3A_1092, %get3A_1093] {strides = array<i32>} : memref<6x256xf32, #tpu.memory_space<vmem>>, vector<16xf32>,
      %get3A_1095 = arith.constant 0 : i32
      %get3A_1096 = arith.index_cast %get3A_1095 : i32 to index
      %get3A_1097 = arith.index_cast %mul3A_1070 : i32 to index
      %get3A_1098 = tpu.vector_load %arg7[%get3A_1096, %get3A_1097] {strides = array<i32>} : memref<3x256xf32, #tpu.memory_space<vmem>>, vector<16xf32>,
      %sub3A_1099 = vector.broadcast %reduce_sum3A_298 : f32 to vector<16xf32>
      %sub3A_1100 = arith.subf %sub3A_1099, %get3A_1098 : vector<16xf32>
      %get3A_1101 = arith.constant 1 : i32
      %get3A_1102 = arith.index_cast %get3A_1101 : i32 to index
      %get3A_1103 = arith.index_cast %mul3A_1070 : i32 to index
      %get3A_1104 = tpu.vector_load %arg7[%get3A_1102, %get3A_1103] {strides = array<i32>} : memref<3x256xf32, #tpu.memory_space<vmem>>, vector<16xf32>,
      %sub3A_1105 = vector.broadcast %reduce_sum3A_309 : f32 to vector<16xf32>
      %sub3A_1106 = arith.subf %sub3A_1105, %get3A_1104 : vector<16xf32>
      %get3A_1107 = arith.constant 2 : i32
      %get3A_1108 = arith.index_cast %get3A_1107 : i32 to index
      %get3A_1109 = arith.index_cast %mul3A_1070 : i32 to index
      %get3A_1110 = tpu.vector_load %arg7[%get3A_1108, %get3A_1109] {strides = array<i32>} : memref<3x256xf32, #tpu.memory_space<vmem>>, vector<16xf32>,
      %sub3A_1111 = vector.broadcast %reduce_sum3A_320 : f32 to vector<16xf32>
      %sub3A_1112 = arith.subf %sub3A_1111, %get3A_1110 : vector<16xf32>
      %mul3A_1113 = arith.mulf %get3A_1074, %sub3A_1100 : vector<16xf32>
      %mul3A_1114 = arith.mulf %mul3A_1113, %sub3A_1100 : vector<16xf32>
      %mul3A_1115 = arith.mulf %get3A_1086, %sub3A_1106 : vector<16xf32>
      %mul3A_1116 = arith.mulf %mul3A_1115, %sub3A_1106 : vector<16xf32>
      %add3A_1117 = arith.addf %mul3A_1114, %mul3A_1116 : vector<16xf32>
      %mul3A_1118 = arith.mulf %get3A_1094, %sub3A_1112 : vector<16xf32>
      %mul3A_1119 = arith.mulf %mul3A_1118, %sub3A_1112 : vector<16xf32>
      %add3A_1120 = arith.addf %add3A_1117, %mul3A_1119 : vector<16xf32>
      %mul3A_1121 = arith.mulf %get3A_1078, %sub3A_1100 : vector<16xf32>
      %mul3A_1122 = arith.mulf %mul3A_1121, %sub3A_1106 : vector<16xf32>
      %mul3A_1123 = arith.mulf %get3A_1082, %sub3A_1100 : vector<16xf32>
      %mul3A_1124 = arith.mulf %mul3A_1123, %sub3A_1112 : vector<16xf32>
      %add3A_1125 = arith.addf %mul3A_1122, %mul3A_1124 : vector<16xf32>
      %mul3A_1126 = arith.mulf %get3A_1090, %sub3A_1106 : vector<16xf32>
      %mul3A_1127 = arith.mulf %mul3A_1126, %sub3A_1112 : vector<16xf32>
      %add3A_1128 = arith.addf %add3A_1125, %mul3A_1127 : vector<16xf32>
      %mul3A_1129 = arith.constant 2.000000e+00 : f32
      %mul3A_1130 = vector.broadcast %mul3A_1129 : f32 to vector<16xf32>
      %mul3A_1131 = arith.mulf %mul3A_1130, %add3A_1128 : vector<16xf32>
      %add3A_1132 = arith.addf %add3A_1120, %mul3A_1131 : vector<16xf32>
      %mul3A_1133 = arith.constant -5.000000e-01 : f32
      %mul3A_1134 = vector.broadcast %mul3A_1133 : f32 to vector<16xf32>
      %mul3A_1135 = arith.mulf %mul3A_1134, %add3A_1132 : vector<16xf32>
      %add3A_1136 = vector.broadcast %mul3A_1070 : i32 to vector<16xi32>
      %add3A_1137 = arith.addi %iota3A, %add3A_1136 : vector<16xi32>
      %eq3A_1138 = vector.broadcast %add3A_284 : i32 to vector<16xi32>
      %eq3A_1139 = arith.cmpi eq, %add3A_1137, %eq3A_1138 : vector<16xi32>
      %jit3A_1140 = arith.constant -1.000000e+30 : f32
      %broadcast_in_dim3A_1141 = vector.broadcast %jit3A_1140 : f32 to vector<16xf32>
      %select_n3A_1142 = arith.select %eq3A_1139, %broadcast_in_dim3A_1141, %mul3A_1135 : vector<16xi1>, vector<16xf32>
      %gt3A = arith.cmpf ogt, %select_n3A_1142, %scan3A_1067 : vector<16xf32>
      %select_n3A_1143 = arith.select %gt3A, %select_n3A_1142, %scan3A_1067 : vector<16xi1>, vector<16xf32>
      %convert_element_type3A_1144 = arith.sitofp %add3A_1137 : vector<16xi32> to vector<16xf32>
      %select_n3A_1145 = arith.select %gt3A, %convert_element_type3A_1144, %scan3A_1068 : vector<16xi1>, vector<16xf32>
      scf.yield %select_n3A_1143, %select_n3A_1145 : vector<16xf32>, vector<16xf32>
    }
    %scan3A_330 = arith.constant 16 : i32
    %reduce_max3A_331 = arith.constant true
    %reduce_max3A_332 = vector.broadcast %reduce_max3A_331 : i1 to vector<16xi1>
    %reduce_max3A_333 = tpu.scan <max>, %scan3A_329#0 masked %reduce_max3A_332 : vector<16xf32>, vector<16xi1> -> vector<16xf32>
    %reduce_max3A_334 = vector.extract %reduce_max3A_333[15] : f32 from vector<16xf32>
    %eq3A_335 = vector.broadcast %reduce_max3A_334 : f32 to vector<16xf32>
    %eq3A_336 = arith.cmpf oeq, %scan3A_329#0, %eq3A_335 : vector<16xf32>
    %jit3A_337 = arith.constant 1.000000e+09 : f32
    %broadcast_in_dim3A_338 = vector.broadcast %jit3A_337 : f32 to vector<16xf32>
    %select_n3A_339 = arith.select %eq3A_336, %scan3A_329#1, %broadcast_in_dim3A_338 : vector<16xi1>, vector<16xf32>
    %reduce_min3A_340 = arith.constant true
    %reduce_min3A_341 = vector.broadcast %reduce_min3A_340 : i1 to vector<16xi1>
    %reduce_min3A_342 = tpu.scan <min>, %select_n3A_339 masked %reduce_min3A_341 : vector<16xf32>, vector<16xi1> -> vector<16xf32>
    %reduce_min3A_343 = vector.extract %reduce_min3A_342[15] : f32 from vector<16xf32>
    %convert_element_type3A_344 = arith.fptosi %reduce_min3A_343 : f32 to i32
    %broadcast_in_dim3A_345 = vector.broadcast %convert_element_type3A_344 : i32 to vector<16xi32>
    %select_n3A_346 = arith.select %eq3A_287, %broadcast_in_dim3A_345, %select_n3A_282 : vector<16xi1>, vector<16xi32>
    %add3A_347 = arith.constant 5 : i32
    %add3A_348 = arith.addi %mul3A_21, %add3A_347 : i32
    %eq3A_349 = arith.constant 5 : i32
    %eq3A_350 = vector.broadcast %eq3A_349 : i32 to vector<16xi32>
    %eq3A_351 = arith.cmpi eq, %iota3A, %eq3A_350 : vector<16xi32>
    %get3A_352 = arith.constant 0 : i32
    %get3A_353 = arith.index_cast %get3A_352 : i32 to index
    %get3A_354 = arith.index_cast %mul3A_21 : i32 to index
    %get3A_355 = tpu.vector_load %arg7[%get3A_353, %get3A_354] {strides = array<i32>} : memref<3x256xf32, #tpu.memory_space<vmem>>, vector<16xf32>,
    %jit3A_356 = arith.constant 0.000000e+00 : f32
    %broadcast_in_dim3A_357 = vector.broadcast %jit3A_356 : f32 to vector<16xf32>
    %select_n3A_358 = arith.select %eq3A_351, %get3A_355, %broadcast_in_dim3A_357 : vector<16xi1>, vector<16xf32>
    %reduce_sum3A_359 = arith.constant true
    %reduce_sum3A_360 = vector.broadcast %reduce_sum3A_359 : i1 to vector<16xi1>
    %reduce_sum3A_361 = tpu.scan <sum>, %select_n3A_358 masked %reduce_sum3A_360 : vector<16xf32>, vector<16xi1> -> vector<16xf32>
    %reduce_sum3A_362 = vector.extract %reduce_sum3A_361[15] : f32 from vector<16xf32>
    %get3A_363 = arith.constant 1 : i32
    %get3A_364 = arith.index_cast %get3A_363 : i32 to index
    %get3A_365 = arith.index_cast %mul3A_21 : i32 to index
    %get3A_366 = tpu.vector_load %arg7[%get3A_364, %get3A_365] {strides = array<i32>} : memref<3x256xf32, #tpu.memory_space<vmem>>, vector<16xf32>,
    %jit3A_367 = arith.constant 0.000000e+00 : f32
    %broadcast_in_dim3A_368 = vector.broadcast %jit3A_367 : f32 to vector<16xf32>
    %select_n3A_369 = arith.select %eq3A_351, %get3A_366, %broadcast_in_dim3A_368 : vector<16xi1>, vector<16xf32>
    %reduce_sum3A_370 = arith.constant true
    %reduce_sum3A_371 = vector.broadcast %reduce_sum3A_370 : i1 to vector<16xi1>
    %reduce_sum3A_372 = tpu.scan <sum>, %select_n3A_369 masked %reduce_sum3A_371 : vector<16xf32>, vector<16xi1> -> vector<16xf32>
    %reduce_sum3A_373 = vector.extract %reduce_sum3A_372[15] : f32 from vector<16xf32>
    %get3A_374 = arith.constant 2 : i32
    %get3A_375 = arith.index_cast %get3A_374 : i32 to index
    %get3A_376 = arith.index_cast %mul3A_21 : i32 to index
    %get3A_377 = tpu.vector_load %arg7[%get3A_375, %get3A_376] {strides = array<i32>} : memref<3x256xf32, #tpu.memory_space<vmem>>, vector<16xf32>,
    %jit3A_378 = arith.constant 0.000000e+00 : f32
    %broadcast_in_dim3A_379 = vector.broadcast %jit3A_378 : f32 to vector<16xf32>
    %select_n3A_380 = arith.select %eq3A_351, %get3A_377, %broadcast_in_dim3A_379 : vector<16xi1>, vector<16xf32>
    %reduce_sum3A_381 = arith.constant true
    %reduce_sum3A_382 = vector.broadcast %reduce_sum3A_381 : i1 to vector<16xi1>
    %reduce_sum3A_383 = tpu.scan <sum>, %select_n3A_380 masked %reduce_sum3A_382 : vector<16xf32>, vector<16xi1> -> vector<16xf32>
    %reduce_sum3A_384 = vector.extract %reduce_sum3A_383[15] : f32 from vector<16xf32>
    %broadcast_in_dim3A_385 = arith.constant -3.000000e+38 : f32
    %broadcast_in_dim3A_386 = vector.broadcast %broadcast_in_dim3A_385 : f32 to vector<16xf32>
    %broadcast_in_dim3A_387 = arith.constant 0.000000e+00 : f32
    %broadcast_in_dim3A_388 = vector.broadcast %broadcast_in_dim3A_387 : f32 to vector<16xf32>
    %scan3A_389 = arith.constant 0 : i32
    %scan3A_390 = arith.constant 16 : i32
    %scan3A_391 = arith.addi %scan3A_389, %scan3A_390 : i32
    %scan3A_392 = arith.constant 1 : i32
    %scan3A_393:2 = scf.for %scan3A_1066 = %scan3A_389 to %scan3A_391 step %scan3A_392 iter_args(%scan3A_1067 = %broadcast_in_dim3A_386, %scan3A_1068 = %broadcast_in_dim3A_388) -> (vector<16xf32>, vector<16xf32>)  : i32 {
      %mul3A_1069 = arith.constant 16 : i32
      %mul3A_1070 = arith.muli %scan3A_1066, %mul3A_1069 : i32
      %get3A_1071 = arith.constant 0 : i32
      %get3A_1072 = arith.index_cast %get3A_1071 : i32 to index
      %get3A_1073 = arith.index_cast %mul3A_1070 : i32 to index
      %get3A_1074 = tpu.vector_load %arg9[%get3A_1072, %get3A_1073] {strides = array<i32>} : memref<6x256xf32, #tpu.memory_space<vmem>>, vector<16xf32>,
      %get3A_1075 = arith.constant 1 : i32
      %get3A_1076 = arith.index_cast %get3A_1075 : i32 to index
      %get3A_1077 = arith.index_cast %mul3A_1070 : i32 to index
      %get3A_1078 = tpu.vector_load %arg9[%get3A_1076, %get3A_1077] {strides = array<i32>} : memref<6x256xf32, #tpu.memory_space<vmem>>, vector<16xf32>,
      %get3A_1079 = arith.constant 2 : i32
      %get3A_1080 = arith.index_cast %get3A_1079 : i32 to index
      %get3A_1081 = arith.index_cast %mul3A_1070 : i32 to index
      %get3A_1082 = tpu.vector_load %arg9[%get3A_1080, %get3A_1081] {strides = array<i32>} : memref<6x256xf32, #tpu.memory_space<vmem>>, vector<16xf32>,
      %get3A_1083 = arith.constant 3 : i32
      %get3A_1084 = arith.index_cast %get3A_1083 : i32 to index
      %get3A_1085 = arith.index_cast %mul3A_1070 : i32 to index
      %get3A_1086 = tpu.vector_load %arg9[%get3A_1084, %get3A_1085] {strides = array<i32>} : memref<6x256xf32, #tpu.memory_space<vmem>>, vector<16xf32>,
      %get3A_1087 = arith.constant 4 : i32
      %get3A_1088 = arith.index_cast %get3A_1087 : i32 to index
      %get3A_1089 = arith.index_cast %mul3A_1070 : i32 to index
      %get3A_1090 = tpu.vector_load %arg9[%get3A_1088, %get3A_1089] {strides = array<i32>} : memref<6x256xf32, #tpu.memory_space<vmem>>, vector<16xf32>,
      %get3A_1091 = arith.constant 5 : i32
      %get3A_1092 = arith.index_cast %get3A_1091 : i32 to index
      %get3A_1093 = arith.index_cast %mul3A_1070 : i32 to index
      %get3A_1094 = tpu.vector_load %arg9[%get3A_1092, %get3A_1093] {strides = array<i32>} : memref<6x256xf32, #tpu.memory_space<vmem>>, vector<16xf32>,
      %get3A_1095 = arith.constant 0 : i32
      %get3A_1096 = arith.index_cast %get3A_1095 : i32 to index
      %get3A_1097 = arith.index_cast %mul3A_1070 : i32 to index
      %get3A_1098 = tpu.vector_load %arg7[%get3A_1096, %get3A_1097] {strides = array<i32>} : memref<3x256xf32, #tpu.memory_space<vmem>>, vector<16xf32>,
      %sub3A_1099 = vector.broadcast %reduce_sum3A_362 : f32 to vector<16xf32>
      %sub3A_1100 = arith.subf %sub3A_1099, %get3A_1098 : vector<16xf32>
      %get3A_1101 = arith.constant 1 : i32
      %get3A_1102 = arith.index_cast %get3A_1101 : i32 to index
      %get3A_1103 = arith.index_cast %mul3A_1070 : i32 to index
      %get3A_1104 = tpu.vector_load %arg7[%get3A_1102, %get3A_1103] {strides = array<i32>} : memref<3x256xf32, #tpu.memory_space<vmem>>, vector<16xf32>,
      %sub3A_1105 = vector.broadcast %reduce_sum3A_373 : f32 to vector<16xf32>
      %sub3A_1106 = arith.subf %sub3A_1105, %get3A_1104 : vector<16xf32>
      %get3A_1107 = arith.constant 2 : i32
      %get3A_1108 = arith.index_cast %get3A_1107 : i32 to index
      %get3A_1109 = arith.index_cast %mul3A_1070 : i32 to index
      %get3A_1110 = tpu.vector_load %arg7[%get3A_1108, %get3A_1109] {strides = array<i32>} : memref<3x256xf32, #tpu.memory_space<vmem>>, vector<16xf32>,
      %sub3A_1111 = vector.broadcast %reduce_sum3A_384 : f32 to vector<16xf32>
      %sub3A_1112 = arith.subf %sub3A_1111, %get3A_1110 : vector<16xf32>
      %mul3A_1113 = arith.mulf %get3A_1074, %sub3A_1100 : vector<16xf32>
      %mul3A_1114 = arith.mulf %mul3A_1113, %sub3A_1100 : vector<16xf32>
      %mul3A_1115 = arith.mulf %get3A_1086, %sub3A_1106 : vector<16xf32>
      %mul3A_1116 = arith.mulf %mul3A_1115, %sub3A_1106 : vector<16xf32>
      %add3A_1117 = arith.addf %mul3A_1114, %mul3A_1116 : vector<16xf32>
      %mul3A_1118 = arith.mulf %get3A_1094, %sub3A_1112 : vector<16xf32>
      %mul3A_1119 = arith.mulf %mul3A_1118, %sub3A_1112 : vector<16xf32>
      %add3A_1120 = arith.addf %add3A_1117, %mul3A_1119 : vector<16xf32>
      %mul3A_1121 = arith.mulf %get3A_1078, %sub3A_1100 : vector<16xf32>
      %mul3A_1122 = arith.mulf %mul3A_1121, %sub3A_1106 : vector<16xf32>
      %mul3A_1123 = arith.mulf %get3A_1082, %sub3A_1100 : vector<16xf32>
      %mul3A_1124 = arith.mulf %mul3A_1123, %sub3A_1112 : vector<16xf32>
      %add3A_1125 = arith.addf %mul3A_1122, %mul3A_1124 : vector<16xf32>
      %mul3A_1126 = arith.mulf %get3A_1090, %sub3A_1106 : vector<16xf32>
      %mul3A_1127 = arith.mulf %mul3A_1126, %sub3A_1112 : vector<16xf32>
      %add3A_1128 = arith.addf %add3A_1125, %mul3A_1127 : vector<16xf32>
      %mul3A_1129 = arith.constant 2.000000e+00 : f32
      %mul3A_1130 = vector.broadcast %mul3A_1129 : f32 to vector<16xf32>
      %mul3A_1131 = arith.mulf %mul3A_1130, %add3A_1128 : vector<16xf32>
      %add3A_1132 = arith.addf %add3A_1120, %mul3A_1131 : vector<16xf32>
      %mul3A_1133 = arith.constant -5.000000e-01 : f32
      %mul3A_1134 = vector.broadcast %mul3A_1133 : f32 to vector<16xf32>
      %mul3A_1135 = arith.mulf %mul3A_1134, %add3A_1132 : vector<16xf32>
      %add3A_1136 = vector.broadcast %mul3A_1070 : i32 to vector<16xi32>
      %add3A_1137 = arith.addi %iota3A, %add3A_1136 : vector<16xi32>
      %eq3A_1138 = vector.broadcast %add3A_348 : i32 to vector<16xi32>
      %eq3A_1139 = arith.cmpi eq, %add3A_1137, %eq3A_1138 : vector<16xi32>
      %jit3A_1140 = arith.constant -1.000000e+30 : f32
      %broadcast_in_dim3A_1141 = vector.broadcast %jit3A_1140 : f32 to vector<16xf32>
      %select_n3A_1142 = arith.select %eq3A_1139, %broadcast_in_dim3A_1141, %mul3A_1135 : vector<16xi1>, vector<16xf32>
      %gt3A = arith.cmpf ogt, %select_n3A_1142, %scan3A_1067 : vector<16xf32>
      %select_n3A_1143 = arith.select %gt3A, %select_n3A_1142, %scan3A_1067 : vector<16xi1>, vector<16xf32>
      %convert_element_type3A_1144 = arith.sitofp %add3A_1137 : vector<16xi32> to vector<16xf32>
      %select_n3A_1145 = arith.select %gt3A, %convert_element_type3A_1144, %scan3A_1068 : vector<16xi1>, vector<16xf32>
      scf.yield %select_n3A_1143, %select_n3A_1145 : vector<16xf32>, vector<16xf32>
    }
    %scan3A_394 = arith.constant 16 : i32
    %reduce_max3A_395 = arith.constant true
    %reduce_max3A_396 = vector.broadcast %reduce_max3A_395 : i1 to vector<16xi1>
    %reduce_max3A_397 = tpu.scan <max>, %scan3A_393#0 masked %reduce_max3A_396 : vector<16xf32>, vector<16xi1> -> vector<16xf32>
    %reduce_max3A_398 = vector.extract %reduce_max3A_397[15] : f32 from vector<16xf32>
    %eq3A_399 = vector.broadcast %reduce_max3A_398 : f32 to vector<16xf32>
    %eq3A_400 = arith.cmpf oeq, %scan3A_393#0, %eq3A_399 : vector<16xf32>
    %jit3A_401 = arith.constant 1.000000e+09 : f32
    %broadcast_in_dim3A_402 = vector.broadcast %jit3A_401 : f32 to vector<16xf32>
    %select_n3A_403 = arith.select %eq3A_400, %scan3A_393#1, %broadcast_in_dim3A_402 : vector<16xi1>, vector<16xf32>
    %reduce_min3A_404 = arith.constant true
    %reduce_min3A_405 = vector.broadcast %reduce_min3A_404 : i1 to vector<16xi1>
    %reduce_min3A_406 = tpu.scan <min>, %select_n3A_403 masked %reduce_min3A_405 : vector<16xf32>, vector<16xi1> -> vector<16xf32>
    %reduce_min3A_407 = vector.extract %reduce_min3A_406[15] : f32 from vector<16xf32>
    %convert_element_type3A_408 = arith.fptosi %reduce_min3A_407 : f32 to i32
    %broadcast_in_dim3A_409 = vector.broadcast %convert_element_type3A_408 : i32 to vector<16xi32>
    %select_n3A_410 = arith.select %eq3A_351, %broadcast_in_dim3A_409, %select_n3A_346 : vector<16xi1>, vector<16xi32>
    %add3A_411 = arith.constant 6 : i32
    %add3A_412 = arith.addi %mul3A_21, %add3A_411 : i32
    %eq3A_413 = arith.constant 6 : i32
    %eq3A_414 = vector.broadcast %eq3A_413 : i32 to vector<16xi32>
    %eq3A_415 = arith.cmpi eq, %iota3A, %eq3A_414 : vector<16xi32>
    %get3A_416 = arith.constant 0 : i32
    %get3A_417 = arith.index_cast %get3A_416 : i32 to index
    %get3A_418 = arith.index_cast %mul3A_21 : i32 to index
    %get3A_419 = tpu.vector_load %arg7[%get3A_417, %get3A_418] {strides = array<i32>} : memref<3x256xf32, #tpu.memory_space<vmem>>, vector<16xf32>,
    %jit3A_420 = arith.constant 0.000000e+00 : f32
    %broadcast_in_dim3A_421 = vector.broadcast %jit3A_420 : f32 to vector<16xf32>
    %select_n3A_422 = arith.select %eq3A_415, %get3A_419, %broadcast_in_dim3A_421 : vector<16xi1>, vector<16xf32>
    %reduce_sum3A_423 = arith.constant true
    %reduce_sum3A_424 = vector.broadcast %reduce_sum3A_423 : i1 to vector<16xi1>
    %reduce_sum3A_425 = tpu.scan <sum>, %select_n3A_422 masked %reduce_sum3A_424 : vector<16xf32>, vector<16xi1> -> vector<16xf32>
    %reduce_sum3A_426 = vector.extract %reduce_sum3A_425[15] : f32 from vector<16xf32>
    %get3A_427 = arith.constant 1 : i32
    %get3A_428 = arith.index_cast %get3A_427 : i32 to index
    %get3A_429 = arith.index_cast %mul3A_21 : i32 to index
    %get3A_430 = tpu.vector_load %arg7[%get3A_428, %get3A_429] {strides = array<i32>} : memref<3x256xf32, #tpu.memory_space<vmem>>, vector<16xf32>,
    %jit3A_431 = arith.constant 0.000000e+00 : f32
    %broadcast_in_dim3A_432 = vector.broadcast %jit3A_431 : f32 to vector<16xf32>
    %select_n3A_433 = arith.select %eq3A_415, %get3A_430, %broadcast_in_dim3A_432 : vector<16xi1>, vector<16xf32>
    %reduce_sum3A_434 = arith.constant true
    %reduce_sum3A_435 = vector.broadcast %reduce_sum3A_434 : i1 to vector<16xi1>
    %reduce_sum3A_436 = tpu.scan <sum>, %select_n3A_433 masked %reduce_sum3A_435 : vector<16xf32>, vector<16xi1> -> vector<16xf32>
    %reduce_sum3A_437 = vector.extract %reduce_sum3A_436[15] : f32 from vector<16xf32>
    %get3A_438 = arith.constant 2 : i32
    %get3A_439 = arith.index_cast %get3A_438 : i32 to index
    %get3A_440 = arith.index_cast %mul3A_21 : i32 to index
    %get3A_441 = tpu.vector_load %arg7[%get3A_439, %get3A_440] {strides = array<i32>} : memref<3x256xf32, #tpu.memory_space<vmem>>, vector<16xf32>,
    %jit3A_442 = arith.constant 0.000000e+00 : f32
    %broadcast_in_dim3A_443 = vector.broadcast %jit3A_442 : f32 to vector<16xf32>
    %select_n3A_444 = arith.select %eq3A_415, %get3A_441, %broadcast_in_dim3A_443 : vector<16xi1>, vector<16xf32>
    %reduce_sum3A_445 = arith.constant true
    %reduce_sum3A_446 = vector.broadcast %reduce_sum3A_445 : i1 to vector<16xi1>
    %reduce_sum3A_447 = tpu.scan <sum>, %select_n3A_444 masked %reduce_sum3A_446 : vector<16xf32>, vector<16xi1> -> vector<16xf32>
    %reduce_sum3A_448 = vector.extract %reduce_sum3A_447[15] : f32 from vector<16xf32>
    %broadcast_in_dim3A_449 = arith.constant -3.000000e+38 : f32
    %broadcast_in_dim3A_450 = vector.broadcast %broadcast_in_dim3A_449 : f32 to vector<16xf32>
    %broadcast_in_dim3A_451 = arith.constant 0.000000e+00 : f32
    %broadcast_in_dim3A_452 = vector.broadcast %broadcast_in_dim3A_451 : f32 to vector<16xf32>
    %scan3A_453 = arith.constant 0 : i32
    %scan3A_454 = arith.constant 16 : i32
    %scan3A_455 = arith.addi %scan3A_453, %scan3A_454 : i32
    %scan3A_456 = arith.constant 1 : i32
    %scan3A_457:2 = scf.for %scan3A_1066 = %scan3A_453 to %scan3A_455 step %scan3A_456 iter_args(%scan3A_1067 = %broadcast_in_dim3A_450, %scan3A_1068 = %broadcast_in_dim3A_452) -> (vector<16xf32>, vector<16xf32>)  : i32 {
      %mul3A_1069 = arith.constant 16 : i32
      %mul3A_1070 = arith.muli %scan3A_1066, %mul3A_1069 : i32
      %get3A_1071 = arith.constant 0 : i32
      %get3A_1072 = arith.index_cast %get3A_1071 : i32 to index
      %get3A_1073 = arith.index_cast %mul3A_1070 : i32 to index
      %get3A_1074 = tpu.vector_load %arg9[%get3A_1072, %get3A_1073] {strides = array<i32>} : memref<6x256xf32, #tpu.memory_space<vmem>>, vector<16xf32>,
      %get3A_1075 = arith.constant 1 : i32
      %get3A_1076 = arith.index_cast %get3A_1075 : i32 to index
      %get3A_1077 = arith.index_cast %mul3A_1070 : i32 to index
      %get3A_1078 = tpu.vector_load %arg9[%get3A_1076, %get3A_1077] {strides = array<i32>} : memref<6x256xf32, #tpu.memory_space<vmem>>, vector<16xf32>,
      %get3A_1079 = arith.constant 2 : i32
      %get3A_1080 = arith.index_cast %get3A_1079 : i32 to index
      %get3A_1081 = arith.index_cast %mul3A_1070 : i32 to index
      %get3A_1082 = tpu.vector_load %arg9[%get3A_1080, %get3A_1081] {strides = array<i32>} : memref<6x256xf32, #tpu.memory_space<vmem>>, vector<16xf32>,
      %get3A_1083 = arith.constant 3 : i32
      %get3A_1084 = arith.index_cast %get3A_1083 : i32 to index
      %get3A_1085 = arith.index_cast %mul3A_1070 : i32 to index
      %get3A_1086 = tpu.vector_load %arg9[%get3A_1084, %get3A_1085] {strides = array<i32>} : memref<6x256xf32, #tpu.memory_space<vmem>>, vector<16xf32>,
      %get3A_1087 = arith.constant 4 : i32
      %get3A_1088 = arith.index_cast %get3A_1087 : i32 to index
      %get3A_1089 = arith.index_cast %mul3A_1070 : i32 to index
      %get3A_1090 = tpu.vector_load %arg9[%get3A_1088, %get3A_1089] {strides = array<i32>} : memref<6x256xf32, #tpu.memory_space<vmem>>, vector<16xf32>,
      %get3A_1091 = arith.constant 5 : i32
      %get3A_1092 = arith.index_cast %get3A_1091 : i32 to index
      %get3A_1093 = arith.index_cast %mul3A_1070 : i32 to index
      %get3A_1094 = tpu.vector_load %arg9[%get3A_1092, %get3A_1093] {strides = array<i32>} : memref<6x256xf32, #tpu.memory_space<vmem>>, vector<16xf32>,
      %get3A_1095 = arith.constant 0 : i32
      %get3A_1096 = arith.index_cast %get3A_1095 : i32 to index
      %get3A_1097 = arith.index_cast %mul3A_1070 : i32 to index
      %get3A_1098 = tpu.vector_load %arg7[%get3A_1096, %get3A_1097] {strides = array<i32>} : memref<3x256xf32, #tpu.memory_space<vmem>>, vector<16xf32>,
      %sub3A_1099 = vector.broadcast %reduce_sum3A_426 : f32 to vector<16xf32>
      %sub3A_1100 = arith.subf %sub3A_1099, %get3A_1098 : vector<16xf32>
      %get3A_1101 = arith.constant 1 : i32
      %get3A_1102 = arith.index_cast %get3A_1101 : i32 to index
      %get3A_1103 = arith.index_cast %mul3A_1070 : i32 to index
      %get3A_1104 = tpu.vector_load %arg7[%get3A_1102, %get3A_1103] {strides = array<i32>} : memref<3x256xf32, #tpu.memory_space<vmem>>, vector<16xf32>,
      %sub3A_1105 = vector.broadcast %reduce_sum3A_437 : f32 to vector<16xf32>
      %sub3A_1106 = arith.subf %sub3A_1105, %get3A_1104 : vector<16xf32>
      %get3A_1107 = arith.constant 2 : i32
      %get3A_1108 = arith.index_cast %get3A_1107 : i32 to index
      %get3A_1109 = arith.index_cast %mul3A_1070 : i32 to index
      %get3A_1110 = tpu.vector_load %arg7[%get3A_1108, %get3A_1109] {strides = array<i32>} : memref<3x256xf32, #tpu.memory_space<vmem>>, vector<16xf32>,
      %sub3A_1111 = vector.broadcast %reduce_sum3A_448 : f32 to vector<16xf32>
      %sub3A_1112 = arith.subf %sub3A_1111, %get3A_1110 : vector<16xf32>
      %mul3A_1113 = arith.mulf %get3A_1074, %sub3A_1100 : vector<16xf32>
      %mul3A_1114 = arith.mulf %mul3A_1113, %sub3A_1100 : vector<16xf32>
      %mul3A_1115 = arith.mulf %get3A_1086, %sub3A_1106 : vector<16xf32>
      %mul3A_1116 = arith.mulf %mul3A_1115, %sub3A_1106 : vector<16xf32>
      %add3A_1117 = arith.addf %mul3A_1114, %mul3A_1116 : vector<16xf32>
      %mul3A_1118 = arith.mulf %get3A_1094, %sub3A_1112 : vector<16xf32>
      %mul3A_1119 = arith.mulf %mul3A_1118, %sub3A_1112 : vector<16xf32>
      %add3A_1120 = arith.addf %add3A_1117, %mul3A_1119 : vector<16xf32>
      %mul3A_1121 = arith.mulf %get3A_1078, %sub3A_1100 : vector<16xf32>
      %mul3A_1122 = arith.mulf %mul3A_1121, %sub3A_1106 : vector<16xf32>
      %mul3A_1123 = arith.mulf %get3A_1082, %sub3A_1100 : vector<16xf32>
      %mul3A_1124 = arith.mulf %mul3A_1123, %sub3A_1112 : vector<16xf32>
      %add3A_1125 = arith.addf %mul3A_1122, %mul3A_1124 : vector<16xf32>
      %mul3A_1126 = arith.mulf %get3A_1090, %sub3A_1106 : vector<16xf32>
      %mul3A_1127 = arith.mulf %mul3A_1126, %sub3A_1112 : vector<16xf32>
      %add3A_1128 = arith.addf %add3A_1125, %mul3A_1127 : vector<16xf32>
      %mul3A_1129 = arith.constant 2.000000e+00 : f32
      %mul3A_1130 = vector.broadcast %mul3A_1129 : f32 to vector<16xf32>
      %mul3A_1131 = arith.mulf %mul3A_1130, %add3A_1128 : vector<16xf32>
      %add3A_1132 = arith.addf %add3A_1120, %mul3A_1131 : vector<16xf32>
      %mul3A_1133 = arith.constant -5.000000e-01 : f32
      %mul3A_1134 = vector.broadcast %mul3A_1133 : f32 to vector<16xf32>
      %mul3A_1135 = arith.mulf %mul3A_1134, %add3A_1132 : vector<16xf32>
      %add3A_1136 = vector.broadcast %mul3A_1070 : i32 to vector<16xi32>
      %add3A_1137 = arith.addi %iota3A, %add3A_1136 : vector<16xi32>
      %eq3A_1138 = vector.broadcast %add3A_412 : i32 to vector<16xi32>
      %eq3A_1139 = arith.cmpi eq, %add3A_1137, %eq3A_1138 : vector<16xi32>
      %jit3A_1140 = arith.constant -1.000000e+30 : f32
      %broadcast_in_dim3A_1141 = vector.broadcast %jit3A_1140 : f32 to vector<16xf32>
      %select_n3A_1142 = arith.select %eq3A_1139, %broadcast_in_dim3A_1141, %mul3A_1135 : vector<16xi1>, vector<16xf32>
      %gt3A = arith.cmpf ogt, %select_n3A_1142, %scan3A_1067 : vector<16xf32>
      %select_n3A_1143 = arith.select %gt3A, %select_n3A_1142, %scan3A_1067 : vector<16xi1>, vector<16xf32>
      %convert_element_type3A_1144 = arith.sitofp %add3A_1137 : vector<16xi32> to vector<16xf32>
      %select_n3A_1145 = arith.select %gt3A, %convert_element_type3A_1144, %scan3A_1068 : vector<16xi1>, vector<16xf32>
      scf.yield %select_n3A_1143, %select_n3A_1145 : vector<16xf32>, vector<16xf32>
    }
    %scan3A_458 = arith.constant 16 : i32
    %reduce_max3A_459 = arith.constant true
    %reduce_max3A_460 = vector.broadcast %reduce_max3A_459 : i1 to vector<16xi1>
    %reduce_max3A_461 = tpu.scan <max>, %scan3A_457#0 masked %reduce_max3A_460 : vector<16xf32>, vector<16xi1> -> vector<16xf32>
    %reduce_max3A_462 = vector.extract %reduce_max3A_461[15] : f32 from vector<16xf32>
    %eq3A_463 = vector.broadcast %reduce_max3A_462 : f32 to vector<16xf32>
    %eq3A_464 = arith.cmpf oeq, %scan3A_457#0, %eq3A_463 : vector<16xf32>
    %jit3A_465 = arith.constant 1.000000e+09 : f32
    %broadcast_in_dim3A_466 = vector.broadcast %jit3A_465 : f32 to vector<16xf32>
    %select_n3A_467 = arith.select %eq3A_464, %scan3A_457#1, %broadcast_in_dim3A_466 : vector<16xi1>, vector<16xf32>
    %reduce_min3A_468 = arith.constant true
    %reduce_min3A_469 = vector.broadcast %reduce_min3A_468 : i1 to vector<16xi1>
    %reduce_min3A_470 = tpu.scan <min>, %select_n3A_467 masked %reduce_min3A_469 : vector<16xf32>, vector<16xi1> -> vector<16xf32>
    %reduce_min3A_471 = vector.extract %reduce_min3A_470[15] : f32 from vector<16xf32>
    %convert_element_type3A_472 = arith.fptosi %reduce_min3A_471 : f32 to i32
    %broadcast_in_dim3A_473 = vector.broadcast %convert_element_type3A_472 : i32 to vector<16xi32>
    %select_n3A_474 = arith.select %eq3A_415, %broadcast_in_dim3A_473, %select_n3A_410 : vector<16xi1>, vector<16xi32>
    %add3A_475 = arith.constant 7 : i32
    %add3A_476 = arith.addi %mul3A_21, %add3A_475 : i32
    %eq3A_477 = arith.constant 7 : i32
    %eq3A_478 = vector.broadcast %eq3A_477 : i32 to vector<16xi32>
    %eq3A_479 = arith.cmpi eq, %iota3A, %eq3A_478 : vector<16xi32>
    %get3A_480 = arith.constant 0 : i32
    %get3A_481 = arith.index_cast %get3A_480 : i32 to index
    %get3A_482 = arith.index_cast %mul3A_21 : i32 to index
    %get3A_483 = tpu.vector_load %arg7[%get3A_481, %get3A_482] {strides = array<i32>} : memref<3x256xf32, #tpu.memory_space<vmem>>, vector<16xf32>,
    %jit3A_484 = arith.constant 0.000000e+00 : f32
    %broadcast_in_dim3A_485 = vector.broadcast %jit3A_484 : f32 to vector<16xf32>
    %select_n3A_486 = arith.select %eq3A_479, %get3A_483, %broadcast_in_dim3A_485 : vector<16xi1>, vector<16xf32>
    %reduce_sum3A_487 = arith.constant true
    %reduce_sum3A_488 = vector.broadcast %reduce_sum3A_487 : i1 to vector<16xi1>
    %reduce_sum3A_489 = tpu.scan <sum>, %select_n3A_486 masked %reduce_sum3A_488 : vector<16xf32>, vector<16xi1> -> vector<16xf32>
    %reduce_sum3A_490 = vector.extract %reduce_sum3A_489[15] : f32 from vector<16xf32>
    %get3A_491 = arith.constant 1 : i32
    %get3A_492 = arith.index_cast %get3A_491 : i32 to index
    %get3A_493 = arith.index_cast %mul3A_21 : i32 to index
    %get3A_494 = tpu.vector_load %arg7[%get3A_492, %get3A_493] {strides = array<i32>} : memref<3x256xf32, #tpu.memory_space<vmem>>, vector<16xf32>,
    %jit3A_495 = arith.constant 0.000000e+00 : f32
    %broadcast_in_dim3A_496 = vector.broadcast %jit3A_495 : f32 to vector<16xf32>
    %select_n3A_497 = arith.select %eq3A_479, %get3A_494, %broadcast_in_dim3A_496 : vector<16xi1>, vector<16xf32>
    %reduce_sum3A_498 = arith.constant true
    %reduce_sum3A_499 = vector.broadcast %reduce_sum3A_498 : i1 to vector<16xi1>
    %reduce_sum3A_500 = tpu.scan <sum>, %select_n3A_497 masked %reduce_sum3A_499 : vector<16xf32>, vector<16xi1> -> vector<16xf32>
    %reduce_sum3A_501 = vector.extract %reduce_sum3A_500[15] : f32 from vector<16xf32>
    %get3A_502 = arith.constant 2 : i32
    %get3A_503 = arith.index_cast %get3A_502 : i32 to index
    %get3A_504 = arith.index_cast %mul3A_21 : i32 to index
    %get3A_505 = tpu.vector_load %arg7[%get3A_503, %get3A_504] {strides = array<i32>} : memref<3x256xf32, #tpu.memory_space<vmem>>, vector<16xf32>,
    %jit3A_506 = arith.constant 0.000000e+00 : f32
    %broadcast_in_dim3A_507 = vector.broadcast %jit3A_506 : f32 to vector<16xf32>
    %select_n3A_508 = arith.select %eq3A_479, %get3A_505, %broadcast_in_dim3A_507 : vector<16xi1>, vector<16xf32>
    %reduce_sum3A_509 = arith.constant true
    %reduce_sum3A_510 = vector.broadcast %reduce_sum3A_509 : i1 to vector<16xi1>
    %reduce_sum3A_511 = tpu.scan <sum>, %select_n3A_508 masked %reduce_sum3A_510 : vector<16xf32>, vector<16xi1> -> vector<16xf32>
    %reduce_sum3A_512 = vector.extract %reduce_sum3A_511[15] : f32 from vector<16xf32>
    %broadcast_in_dim3A_513 = arith.constant -3.000000e+38 : f32
    %broadcast_in_dim3A_514 = vector.broadcast %broadcast_in_dim3A_513 : f32 to vector<16xf32>
    %broadcast_in_dim3A_515 = arith.constant 0.000000e+00 : f32
    %broadcast_in_dim3A_516 = vector.broadcast %broadcast_in_dim3A_515 : f32 to vector<16xf32>
    %scan3A_517 = arith.constant 0 : i32
    %scan3A_518 = arith.constant 16 : i32
    %scan3A_519 = arith.addi %scan3A_517, %scan3A_518 : i32
    %scan3A_520 = arith.constant 1 : i32
    %scan3A_521:2 = scf.for %scan3A_1066 = %scan3A_517 to %scan3A_519 step %scan3A_520 iter_args(%scan3A_1067 = %broadcast_in_dim3A_514, %scan3A_1068 = %broadcast_in_dim3A_516) -> (vector<16xf32>, vector<16xf32>)  : i32 {
      %mul3A_1069 = arith.constant 16 : i32
      %mul3A_1070 = arith.muli %scan3A_1066, %mul3A_1069 : i32
      %get3A_1071 = arith.constant 0 : i32
      %get3A_1072 = arith.index_cast %get3A_1071 : i32 to index
      %get3A_1073 = arith.index_cast %mul3A_1070 : i32 to index
      %get3A_1074 = tpu.vector_load %arg9[%get3A_1072, %get3A_1073] {strides = array<i32>} : memref<6x256xf32, #tpu.memory_space<vmem>>, vector<16xf32>,
      %get3A_1075 = arith.constant 1 : i32
      %get3A_1076 = arith.index_cast %get3A_1075 : i32 to index
      %get3A_1077 = arith.index_cast %mul3A_1070 : i32 to index
      %get3A_1078 = tpu.vector_load %arg9[%get3A_1076, %get3A_1077] {strides = array<i32>} : memref<6x256xf32, #tpu.memory_space<vmem>>, vector<16xf32>,
      %get3A_1079 = arith.constant 2 : i32
      %get3A_1080 = arith.index_cast %get3A_1079 : i32 to index
      %get3A_1081 = arith.index_cast %mul3A_1070 : i32 to index
      %get3A_1082 = tpu.vector_load %arg9[%get3A_1080, %get3A_1081] {strides = array<i32>} : memref<6x256xf32, #tpu.memory_space<vmem>>, vector<16xf32>,
      %get3A_1083 = arith.constant 3 : i32
      %get3A_1084 = arith.index_cast %get3A_1083 : i32 to index
      %get3A_1085 = arith.index_cast %mul3A_1070 : i32 to index
      %get3A_1086 = tpu.vector_load %arg9[%get3A_1084, %get3A_1085] {strides = array<i32>} : memref<6x256xf32, #tpu.memory_space<vmem>>, vector<16xf32>,
      %get3A_1087 = arith.constant 4 : i32
      %get3A_1088 = arith.index_cast %get3A_1087 : i32 to index
      %get3A_1089 = arith.index_cast %mul3A_1070 : i32 to index
      %get3A_1090 = tpu.vector_load %arg9[%get3A_1088, %get3A_1089] {strides = array<i32>} : memref<6x256xf32, #tpu.memory_space<vmem>>, vector<16xf32>,
      %get3A_1091 = arith.constant 5 : i32
      %get3A_1092 = arith.index_cast %get3A_1091 : i32 to index
      %get3A_1093 = arith.index_cast %mul3A_1070 : i32 to index
      %get3A_1094 = tpu.vector_load %arg9[%get3A_1092, %get3A_1093] {strides = array<i32>} : memref<6x256xf32, #tpu.memory_space<vmem>>, vector<16xf32>,
      %get3A_1095 = arith.constant 0 : i32
      %get3A_1096 = arith.index_cast %get3A_1095 : i32 to index
      %get3A_1097 = arith.index_cast %mul3A_1070 : i32 to index
      %get3A_1098 = tpu.vector_load %arg7[%get3A_1096, %get3A_1097] {strides = array<i32>} : memref<3x256xf32, #tpu.memory_space<vmem>>, vector<16xf32>,
      %sub3A_1099 = vector.broadcast %reduce_sum3A_490 : f32 to vector<16xf32>
      %sub3A_1100 = arith.subf %sub3A_1099, %get3A_1098 : vector<16xf32>
      %get3A_1101 = arith.constant 1 : i32
      %get3A_1102 = arith.index_cast %get3A_1101 : i32 to index
      %get3A_1103 = arith.index_cast %mul3A_1070 : i32 to index
      %get3A_1104 = tpu.vector_load %arg7[%get3A_1102, %get3A_1103] {strides = array<i32>} : memref<3x256xf32, #tpu.memory_space<vmem>>, vector<16xf32>,
      %sub3A_1105 = vector.broadcast %reduce_sum3A_501 : f32 to vector<16xf32>
      %sub3A_1106 = arith.subf %sub3A_1105, %get3A_1104 : vector<16xf32>
      %get3A_1107 = arith.constant 2 : i32
      %get3A_1108 = arith.index_cast %get3A_1107 : i32 to index
      %get3A_1109 = arith.index_cast %mul3A_1070 : i32 to index
      %get3A_1110 = tpu.vector_load %arg7[%get3A_1108, %get3A_1109] {strides = array<i32>} : memref<3x256xf32, #tpu.memory_space<vmem>>, vector<16xf32>,
      %sub3A_1111 = vector.broadcast %reduce_sum3A_512 : f32 to vector<16xf32>
      %sub3A_1112 = arith.subf %sub3A_1111, %get3A_1110 : vector<16xf32>
      %mul3A_1113 = arith.mulf %get3A_1074, %sub3A_1100 : vector<16xf32>
      %mul3A_1114 = arith.mulf %mul3A_1113, %sub3A_1100 : vector<16xf32>
      %mul3A_1115 = arith.mulf %get3A_1086, %sub3A_1106 : vector<16xf32>
      %mul3A_1116 = arith.mulf %mul3A_1115, %sub3A_1106 : vector<16xf32>
      %add3A_1117 = arith.addf %mul3A_1114, %mul3A_1116 : vector<16xf32>
      %mul3A_1118 = arith.mulf %get3A_1094, %sub3A_1112 : vector<16xf32>
      %mul3A_1119 = arith.mulf %mul3A_1118, %sub3A_1112 : vector<16xf32>
      %add3A_1120 = arith.addf %add3A_1117, %mul3A_1119 : vector<16xf32>
      %mul3A_1121 = arith.mulf %get3A_1078, %sub3A_1100 : vector<16xf32>
      %mul3A_1122 = arith.mulf %mul3A_1121, %sub3A_1106 : vector<16xf32>
      %mul3A_1123 = arith.mulf %get3A_1082, %sub3A_1100 : vector<16xf32>
      %mul3A_1124 = arith.mulf %mul3A_1123, %sub3A_1112 : vector<16xf32>
      %add3A_1125 = arith.addf %mul3A_1122, %mul3A_1124 : vector<16xf32>
      %mul3A_1126 = arith.mulf %get3A_1090, %sub3A_1106 : vector<16xf32>
      %mul3A_1127 = arith.mulf %mul3A_1126, %sub3A_1112 : vector<16xf32>
      %add3A_1128 = arith.addf %add3A_1125, %mul3A_1127 : vector<16xf32>
      %mul3A_1129 = arith.constant 2.000000e+00 : f32
      %mul3A_1130 = vector.broadcast %mul3A_1129 : f32 to vector<16xf32>
      %mul3A_1131 = arith.mulf %mul3A_1130, %add3A_1128 : vector<16xf32>
      %add3A_1132 = arith.addf %add3A_1120, %mul3A_1131 : vector<16xf32>
      %mul3A_1133 = arith.constant -5.000000e-01 : f32
      %mul3A_1134 = vector.broadcast %mul3A_1133 : f32 to vector<16xf32>
      %mul3A_1135 = arith.mulf %mul3A_1134, %add3A_1132 : vector<16xf32>
      %add3A_1136 = vector.broadcast %mul3A_1070 : i32 to vector<16xi32>
      %add3A_1137 = arith.addi %iota3A, %add3A_1136 : vector<16xi32>
      %eq3A_1138 = vector.broadcast %add3A_476 : i32 to vector<16xi32>
      %eq3A_1139 = arith.cmpi eq, %add3A_1137, %eq3A_1138 : vector<16xi32>
      %jit3A_1140 = arith.constant -1.000000e+30 : f32
      %broadcast_in_dim3A_1141 = vector.broadcast %jit3A_1140 : f32 to vector<16xf32>
      %select_n3A_1142 = arith.select %eq3A_1139, %broadcast_in_dim3A_1141, %mul3A_1135 : vector<16xi1>, vector<16xf32>
      %gt3A = arith.cmpf ogt, %select_n3A_1142, %scan3A_1067 : vector<16xf32>
      %select_n3A_1143 = arith.select %gt3A, %select_n3A_1142, %scan3A_1067 : vector<16xi1>, vector<16xf32>
      %convert_element_type3A_1144 = arith.sitofp %add3A_1137 : vector<16xi32> to vector<16xf32>
      %select_n3A_1145 = arith.select %gt3A, %convert_element_type3A_1144, %scan3A_1068 : vector<16xi1>, vector<16xf32>
      scf.yield %select_n3A_1143, %select_n3A_1145 : vector<16xf32>, vector<16xf32>
    }
    %scan3A_522 = arith.constant 16 : i32
    %reduce_max3A_523 = arith.constant true
    %reduce_max3A_524 = vector.broadcast %reduce_max3A_523 : i1 to vector<16xi1>
    %reduce_max3A_525 = tpu.scan <max>, %scan3A_521#0 masked %reduce_max3A_524 : vector<16xf32>, vector<16xi1> -> vector<16xf32>
    %reduce_max3A_526 = vector.extract %reduce_max3A_525[15] : f32 from vector<16xf32>
    %eq3A_527 = vector.broadcast %reduce_max3A_526 : f32 to vector<16xf32>
    %eq3A_528 = arith.cmpf oeq, %scan3A_521#0, %eq3A_527 : vector<16xf32>
    %jit3A_529 = arith.constant 1.000000e+09 : f32
    %broadcast_in_dim3A_530 = vector.broadcast %jit3A_529 : f32 to vector<16xf32>
    %select_n3A_531 = arith.select %eq3A_528, %scan3A_521#1, %broadcast_in_dim3A_530 : vector<16xi1>, vector<16xf32>
    %reduce_min3A_532 = arith.constant true
    %reduce_min3A_533 = vector.broadcast %reduce_min3A_532 : i1 to vector<16xi1>
    %reduce_min3A_534 = tpu.scan <min>, %select_n3A_531 masked %reduce_min3A_533 : vector<16xf32>, vector<16xi1> -> vector<16xf32>
    %reduce_min3A_535 = vector.extract %reduce_min3A_534[15] : f32 from vector<16xf32>
    %convert_element_type3A_536 = arith.fptosi %reduce_min3A_535 : f32 to i32
    %broadcast_in_dim3A_537 = vector.broadcast %convert_element_type3A_536 : i32 to vector<16xi32>
    %select_n3A_538 = arith.select %eq3A_479, %broadcast_in_dim3A_537, %select_n3A_474 : vector<16xi1>, vector<16xi32>
    %add3A_539 = arith.constant 8 : i32
    %add3A_540 = arith.addi %mul3A_21, %add3A_539 : i32
    %eq3A_541 = arith.constant 8 : i32
    %eq3A_542 = vector.broadcast %eq3A_541 : i32 to vector<16xi32>
    %eq3A_543 = arith.cmpi eq, %iota3A, %eq3A_542 : vector<16xi32>
    %get3A_544 = arith.constant 0 : i32
    %get3A_545 = arith.index_cast %get3A_544 : i32 to index
    %get3A_546 = arith.index_cast %mul3A_21 : i32 to index
    %get3A_547 = tpu.vector_load %arg7[%get3A_545, %get3A_546] {strides = array<i32>} : memref<3x256xf32, #tpu.memory_space<vmem>>, vector<16xf32>,
    %jit3A_548 = arith.constant 0.000000e+00 : f32
    %broadcast_in_dim3A_549 = vector.broadcast %jit3A_548 : f32 to vector<16xf32>
    %select_n3A_550 = arith.select %eq3A_543, %get3A_547, %broadcast_in_dim3A_549 : vector<16xi1>, vector<16xf32>
    %reduce_sum3A_551 = arith.constant true
    %reduce_sum3A_552 = vector.broadcast %reduce_sum3A_551 : i1 to vector<16xi1>
    %reduce_sum3A_553 = tpu.scan <sum>, %select_n3A_550 masked %reduce_sum3A_552 : vector<16xf32>, vector<16xi1> -> vector<16xf32>
    %reduce_sum3A_554 = vector.extract %reduce_sum3A_553[15] : f32 from vector<16xf32>
    %get3A_555 = arith.constant 1 : i32
    %get3A_556 = arith.index_cast %get3A_555 : i32 to index
    %get3A_557 = arith.index_cast %mul3A_21 : i32 to index
    %get3A_558 = tpu.vector_load %arg7[%get3A_556, %get3A_557] {strides = array<i32>} : memref<3x256xf32, #tpu.memory_space<vmem>>, vector<16xf32>,
    %jit3A_559 = arith.constant 0.000000e+00 : f32
    %broadcast_in_dim3A_560 = vector.broadcast %jit3A_559 : f32 to vector<16xf32>
    %select_n3A_561 = arith.select %eq3A_543, %get3A_558, %broadcast_in_dim3A_560 : vector<16xi1>, vector<16xf32>
    %reduce_sum3A_562 = arith.constant true
    %reduce_sum3A_563 = vector.broadcast %reduce_sum3A_562 : i1 to vector<16xi1>
    %reduce_sum3A_564 = tpu.scan <sum>, %select_n3A_561 masked %reduce_sum3A_563 : vector<16xf32>, vector<16xi1> -> vector<16xf32>
    %reduce_sum3A_565 = vector.extract %reduce_sum3A_564[15] : f32 from vector<16xf32>
    %get3A_566 = arith.constant 2 : i32
    %get3A_567 = arith.index_cast %get3A_566 : i32 to index
    %get3A_568 = arith.index_cast %mul3A_21 : i32 to index
    %get3A_569 = tpu.vector_load %arg7[%get3A_567, %get3A_568] {strides = array<i32>} : memref<3x256xf32, #tpu.memory_space<vmem>>, vector<16xf32>,
    %jit3A_570 = arith.constant 0.000000e+00 : f32
    %broadcast_in_dim3A_571 = vector.broadcast %jit3A_570 : f32 to vector<16xf32>
    %select_n3A_572 = arith.select %eq3A_543, %get3A_569, %broadcast_in_dim3A_571 : vector<16xi1>, vector<16xf32>
    %reduce_sum3A_573 = arith.constant true
    %reduce_sum3A_574 = vector.broadcast %reduce_sum3A_573 : i1 to vector<16xi1>
    %reduce_sum3A_575 = tpu.scan <sum>, %select_n3A_572 masked %reduce_sum3A_574 : vector<16xf32>, vector<16xi1> -> vector<16xf32>
    %reduce_sum3A_576 = vector.extract %reduce_sum3A_575[15] : f32 from vector<16xf32>
    %broadcast_in_dim3A_577 = arith.constant -3.000000e+38 : f32
    %broadcast_in_dim3A_578 = vector.broadcast %broadcast_in_dim3A_577 : f32 to vector<16xf32>
    %broadcast_in_dim3A_579 = arith.constant 0.000000e+00 : f32
    %broadcast_in_dim3A_580 = vector.broadcast %broadcast_in_dim3A_579 : f32 to vector<16xf32>
    %scan3A_581 = arith.constant 0 : i32
    %scan3A_582 = arith.constant 16 : i32
    %scan3A_583 = arith.addi %scan3A_581, %scan3A_582 : i32
    %scan3A_584 = arith.constant 1 : i32
    %scan3A_585:2 = scf.for %scan3A_1066 = %scan3A_581 to %scan3A_583 step %scan3A_584 iter_args(%scan3A_1067 = %broadcast_in_dim3A_578, %scan3A_1068 = %broadcast_in_dim3A_580) -> (vector<16xf32>, vector<16xf32>)  : i32 {
      %mul3A_1069 = arith.constant 16 : i32
      %mul3A_1070 = arith.muli %scan3A_1066, %mul3A_1069 : i32
      %get3A_1071 = arith.constant 0 : i32
      %get3A_1072 = arith.index_cast %get3A_1071 : i32 to index
      %get3A_1073 = arith.index_cast %mul3A_1070 : i32 to index
      %get3A_1074 = tpu.vector_load %arg9[%get3A_1072, %get3A_1073] {strides = array<i32>} : memref<6x256xf32, #tpu.memory_space<vmem>>, vector<16xf32>,
      %get3A_1075 = arith.constant 1 : i32
      %get3A_1076 = arith.index_cast %get3A_1075 : i32 to index
      %get3A_1077 = arith.index_cast %mul3A_1070 : i32 to index
      %get3A_1078 = tpu.vector_load %arg9[%get3A_1076, %get3A_1077] {strides = array<i32>} : memref<6x256xf32, #tpu.memory_space<vmem>>, vector<16xf32>,
      %get3A_1079 = arith.constant 2 : i32
      %get3A_1080 = arith.index_cast %get3A_1079 : i32 to index
      %get3A_1081 = arith.index_cast %mul3A_1070 : i32 to index
      %get3A_1082 = tpu.vector_load %arg9[%get3A_1080, %get3A_1081] {strides = array<i32>} : memref<6x256xf32, #tpu.memory_space<vmem>>, vector<16xf32>,
      %get3A_1083 = arith.constant 3 : i32
      %get3A_1084 = arith.index_cast %get3A_1083 : i32 to index
      %get3A_1085 = arith.index_cast %mul3A_1070 : i32 to index
      %get3A_1086 = tpu.vector_load %arg9[%get3A_1084, %get3A_1085] {strides = array<i32>} : memref<6x256xf32, #tpu.memory_space<vmem>>, vector<16xf32>,
      %get3A_1087 = arith.constant 4 : i32
      %get3A_1088 = arith.index_cast %get3A_1087 : i32 to index
      %get3A_1089 = arith.index_cast %mul3A_1070 : i32 to index
      %get3A_1090 = tpu.vector_load %arg9[%get3A_1088, %get3A_1089] {strides = array<i32>} : memref<6x256xf32, #tpu.memory_space<vmem>>, vector<16xf32>,
      %get3A_1091 = arith.constant 5 : i32
      %get3A_1092 = arith.index_cast %get3A_1091 : i32 to index
      %get3A_1093 = arith.index_cast %mul3A_1070 : i32 to index
      %get3A_1094 = tpu.vector_load %arg9[%get3A_1092, %get3A_1093] {strides = array<i32>} : memref<6x256xf32, #tpu.memory_space<vmem>>, vector<16xf32>,
      %get3A_1095 = arith.constant 0 : i32
      %get3A_1096 = arith.index_cast %get3A_1095 : i32 to index
      %get3A_1097 = arith.index_cast %mul3A_1070 : i32 to index
      %get3A_1098 = tpu.vector_load %arg7[%get3A_1096, %get3A_1097] {strides = array<i32>} : memref<3x256xf32, #tpu.memory_space<vmem>>, vector<16xf32>,
      %sub3A_1099 = vector.broadcast %reduce_sum3A_554 : f32 to vector<16xf32>
      %sub3A_1100 = arith.subf %sub3A_1099, %get3A_1098 : vector<16xf32>
      %get3A_1101 = arith.constant 1 : i32
      %get3A_1102 = arith.index_cast %get3A_1101 : i32 to index
      %get3A_1103 = arith.index_cast %mul3A_1070 : i32 to index
      %get3A_1104 = tpu.vector_load %arg7[%get3A_1102, %get3A_1103] {strides = array<i32>} : memref<3x256xf32, #tpu.memory_space<vmem>>, vector<16xf32>,
      %sub3A_1105 = vector.broadcast %reduce_sum3A_565 : f32 to vector<16xf32>
      %sub3A_1106 = arith.subf %sub3A_1105, %get3A_1104 : vector<16xf32>
      %get3A_1107 = arith.constant 2 : i32
      %get3A_1108 = arith.index_cast %get3A_1107 : i32 to index
      %get3A_1109 = arith.index_cast %mul3A_1070 : i32 to index
      %get3A_1110 = tpu.vector_load %arg7[%get3A_1108, %get3A_1109] {strides = array<i32>} : memref<3x256xf32, #tpu.memory_space<vmem>>, vector<16xf32>,
      %sub3A_1111 = vector.broadcast %reduce_sum3A_576 : f32 to vector<16xf32>
      %sub3A_1112 = arith.subf %sub3A_1111, %get3A_1110 : vector<16xf32>
      %mul3A_1113 = arith.mulf %get3A_1074, %sub3A_1100 : vector<16xf32>
      %mul3A_1114 = arith.mulf %mul3A_1113, %sub3A_1100 : vector<16xf32>
      %mul3A_1115 = arith.mulf %get3A_1086, %sub3A_1106 : vector<16xf32>
      %mul3A_1116 = arith.mulf %mul3A_1115, %sub3A_1106 : vector<16xf32>
      %add3A_1117 = arith.addf %mul3A_1114, %mul3A_1116 : vector<16xf32>
      %mul3A_1118 = arith.mulf %get3A_1094, %sub3A_1112 : vector<16xf32>
      %mul3A_1119 = arith.mulf %mul3A_1118, %sub3A_1112 : vector<16xf32>
      %add3A_1120 = arith.addf %add3A_1117, %mul3A_1119 : vector<16xf32>
      %mul3A_1121 = arith.mulf %get3A_1078, %sub3A_1100 : vector<16xf32>
      %mul3A_1122 = arith.mulf %mul3A_1121, %sub3A_1106 : vector<16xf32>
      %mul3A_1123 = arith.mulf %get3A_1082, %sub3A_1100 : vector<16xf32>
      %mul3A_1124 = arith.mulf %mul3A_1123, %sub3A_1112 : vector<16xf32>
      %add3A_1125 = arith.addf %mul3A_1122, %mul3A_1124 : vector<16xf32>
      %mul3A_1126 = arith.mulf %get3A_1090, %sub3A_1106 : vector<16xf32>
      %mul3A_1127 = arith.mulf %mul3A_1126, %sub3A_1112 : vector<16xf32>
      %add3A_1128 = arith.addf %add3A_1125, %mul3A_1127 : vector<16xf32>
      %mul3A_1129 = arith.constant 2.000000e+00 : f32
      %mul3A_1130 = vector.broadcast %mul3A_1129 : f32 to vector<16xf32>
      %mul3A_1131 = arith.mulf %mul3A_1130, %add3A_1128 : vector<16xf32>
      %add3A_1132 = arith.addf %add3A_1120, %mul3A_1131 : vector<16xf32>
      %mul3A_1133 = arith.constant -5.000000e-01 : f32
      %mul3A_1134 = vector.broadcast %mul3A_1133 : f32 to vector<16xf32>
      %mul3A_1135 = arith.mulf %mul3A_1134, %add3A_1132 : vector<16xf32>
      %add3A_1136 = vector.broadcast %mul3A_1070 : i32 to vector<16xi32>
      %add3A_1137 = arith.addi %iota3A, %add3A_1136 : vector<16xi32>
      %eq3A_1138 = vector.broadcast %add3A_540 : i32 to vector<16xi32>
      %eq3A_1139 = arith.cmpi eq, %add3A_1137, %eq3A_1138 : vector<16xi32>
      %jit3A_1140 = arith.constant -1.000000e+30 : f32
      %broadcast_in_dim3A_1141 = vector.broadcast %jit3A_1140 : f32 to vector<16xf32>
      %select_n3A_1142 = arith.select %eq3A_1139, %broadcast_in_dim3A_1141, %mul3A_1135 : vector<16xi1>, vector<16xf32>
      %gt3A = arith.cmpf ogt, %select_n3A_1142, %scan3A_1067 : vector<16xf32>
      %select_n3A_1143 = arith.select %gt3A, %select_n3A_1142, %scan3A_1067 : vector<16xi1>, vector<16xf32>
      %convert_element_type3A_1144 = arith.sitofp %add3A_1137 : vector<16xi32> to vector<16xf32>
      %select_n3A_1145 = arith.select %gt3A, %convert_element_type3A_1144, %scan3A_1068 : vector<16xi1>, vector<16xf32>
      scf.yield %select_n3A_1143, %select_n3A_1145 : vector<16xf32>, vector<16xf32>
    }
    %scan3A_586 = arith.constant 16 : i32
    %reduce_max3A_587 = arith.constant true
    %reduce_max3A_588 = vector.broadcast %reduce_max3A_587 : i1 to vector<16xi1>
    %reduce_max3A_589 = tpu.scan <max>, %scan3A_585#0 masked %reduce_max3A_588 : vector<16xf32>, vector<16xi1> -> vector<16xf32>
    %reduce_max3A_590 = vector.extract %reduce_max3A_589[15] : f32 from vector<16xf32>
    %eq3A_591 = vector.broadcast %reduce_max3A_590 : f32 to vector<16xf32>
    %eq3A_592 = arith.cmpf oeq, %scan3A_585#0, %eq3A_591 : vector<16xf32>
    %jit3A_593 = arith.constant 1.000000e+09 : f32
    %broadcast_in_dim3A_594 = vector.broadcast %jit3A_593 : f32 to vector<16xf32>
    %select_n3A_595 = arith.select %eq3A_592, %scan3A_585#1, %broadcast_in_dim3A_594 : vector<16xi1>, vector<16xf32>
    %reduce_min3A_596 = arith.constant true
    %reduce_min3A_597 = vector.broadcast %reduce_min3A_596 : i1 to vector<16xi1>
    %reduce_min3A_598 = tpu.scan <min>, %select_n3A_595 masked %reduce_min3A_597 : vector<16xf32>, vector<16xi1> -> vector<16xf32>
    %reduce_min3A_599 = vector.extract %reduce_min3A_598[15] : f32 from vector<16xf32>
    %convert_element_type3A_600 = arith.fptosi %reduce_min3A_599 : f32 to i32
    %broadcast_in_dim3A_601 = vector.broadcast %convert_element_type3A_600 : i32 to vector<16xi32>
    %select_n3A_602 = arith.select %eq3A_543, %broadcast_in_dim3A_601, %select_n3A_538 : vector<16xi1>, vector<16xi32>
    %add3A_603 = arith.constant 9 : i32
    %add3A_604 = arith.addi %mul3A_21, %add3A_603 : i32
    %eq3A_605 = arith.constant 9 : i32
    %eq3A_606 = vector.broadcast %eq3A_605 : i32 to vector<16xi32>
    %eq3A_607 = arith.cmpi eq, %iota3A, %eq3A_606 : vector<16xi32>
    %get3A_608 = arith.constant 0 : i32
    %get3A_609 = arith.index_cast %get3A_608 : i32 to index
    %get3A_610 = arith.index_cast %mul3A_21 : i32 to index
    %get3A_611 = tpu.vector_load %arg7[%get3A_609, %get3A_610] {strides = array<i32>} : memref<3x256xf32, #tpu.memory_space<vmem>>, vector<16xf32>,
    %jit3A_612 = arith.constant 0.000000e+00 : f32
    %broadcast_in_dim3A_613 = vector.broadcast %jit3A_612 : f32 to vector<16xf32>
    %select_n3A_614 = arith.select %eq3A_607, %get3A_611, %broadcast_in_dim3A_613 : vector<16xi1>, vector<16xf32>
    %reduce_sum3A_615 = arith.constant true
    %reduce_sum3A_616 = vector.broadcast %reduce_sum3A_615 : i1 to vector<16xi1>
    %reduce_sum3A_617 = tpu.scan <sum>, %select_n3A_614 masked %reduce_sum3A_616 : vector<16xf32>, vector<16xi1> -> vector<16xf32>
    %reduce_sum3A_618 = vector.extract %reduce_sum3A_617[15] : f32 from vector<16xf32>
    %get3A_619 = arith.constant 1 : i32
    %get3A_620 = arith.index_cast %get3A_619 : i32 to index
    %get3A_621 = arith.index_cast %mul3A_21 : i32 to index
    %get3A_622 = tpu.vector_load %arg7[%get3A_620, %get3A_621] {strides = array<i32>} : memref<3x256xf32, #tpu.memory_space<vmem>>, vector<16xf32>,
    %jit3A_623 = arith.constant 0.000000e+00 : f32
    %broadcast_in_dim3A_624 = vector.broadcast %jit3A_623 : f32 to vector<16xf32>
    %select_n3A_625 = arith.select %eq3A_607, %get3A_622, %broadcast_in_dim3A_624 : vector<16xi1>, vector<16xf32>
    %reduce_sum3A_626 = arith.constant true
    %reduce_sum3A_627 = vector.broadcast %reduce_sum3A_626 : i1 to vector<16xi1>
    %reduce_sum3A_628 = tpu.scan <sum>, %select_n3A_625 masked %reduce_sum3A_627 : vector<16xf32>, vector<16xi1> -> vector<16xf32>
    %reduce_sum3A_629 = vector.extract %reduce_sum3A_628[15] : f32 from vector<16xf32>
    %get3A_630 = arith.constant 2 : i32
    %get3A_631 = arith.index_cast %get3A_630 : i32 to index
    %get3A_632 = arith.index_cast %mul3A_21 : i32 to index
    %get3A_633 = tpu.vector_load %arg7[%get3A_631, %get3A_632] {strides = array<i32>} : memref<3x256xf32, #tpu.memory_space<vmem>>, vector<16xf32>,
    %jit3A_634 = arith.constant 0.000000e+00 : f32
    %broadcast_in_dim3A_635 = vector.broadcast %jit3A_634 : f32 to vector<16xf32>
    %select_n3A_636 = arith.select %eq3A_607, %get3A_633, %broadcast_in_dim3A_635 : vector<16xi1>, vector<16xf32>
    %reduce_sum3A_637 = arith.constant true
    %reduce_sum3A_638 = vector.broadcast %reduce_sum3A_637 : i1 to vector<16xi1>
    %reduce_sum3A_639 = tpu.scan <sum>, %select_n3A_636 masked %reduce_sum3A_638 : vector<16xf32>, vector<16xi1> -> vector<16xf32>
    %reduce_sum3A_640 = vector.extract %reduce_sum3A_639[15] : f32 from vector<16xf32>
    %broadcast_in_dim3A_641 = arith.constant -3.000000e+38 : f32
    %broadcast_in_dim3A_642 = vector.broadcast %broadcast_in_dim3A_641 : f32 to vector<16xf32>
    %broadcast_in_dim3A_643 = arith.constant 0.000000e+00 : f32
    %broadcast_in_dim3A_644 = vector.broadcast %broadcast_in_dim3A_643 : f32 to vector<16xf32>
    %scan3A_645 = arith.constant 0 : i32
    %scan3A_646 = arith.constant 16 : i32
    %scan3A_647 = arith.addi %scan3A_645, %scan3A_646 : i32
    %scan3A_648 = arith.constant 1 : i32
    %scan3A_649:2 = scf.for %scan3A_1066 = %scan3A_645 to %scan3A_647 step %scan3A_648 iter_args(%scan3A_1067 = %broadcast_in_dim3A_642, %scan3A_1068 = %broadcast_in_dim3A_644) -> (vector<16xf32>, vector<16xf32>)  : i32 {
      %mul3A_1069 = arith.constant 16 : i32
      %mul3A_1070 = arith.muli %scan3A_1066, %mul3A_1069 : i32
      %get3A_1071 = arith.constant 0 : i32
      %get3A_1072 = arith.index_cast %get3A_1071 : i32 to index
      %get3A_1073 = arith.index_cast %mul3A_1070 : i32 to index
      %get3A_1074 = tpu.vector_load %arg9[%get3A_1072, %get3A_1073] {strides = array<i32>} : memref<6x256xf32, #tpu.memory_space<vmem>>, vector<16xf32>,
      %get3A_1075 = arith.constant 1 : i32
      %get3A_1076 = arith.index_cast %get3A_1075 : i32 to index
      %get3A_1077 = arith.index_cast %mul3A_1070 : i32 to index
      %get3A_1078 = tpu.vector_load %arg9[%get3A_1076, %get3A_1077] {strides = array<i32>} : memref<6x256xf32, #tpu.memory_space<vmem>>, vector<16xf32>,
      %get3A_1079 = arith.constant 2 : i32
      %get3A_1080 = arith.index_cast %get3A_1079 : i32 to index
      %get3A_1081 = arith.index_cast %mul3A_1070 : i32 to index
      %get3A_1082 = tpu.vector_load %arg9[%get3A_1080, %get3A_1081] {strides = array<i32>} : memref<6x256xf32, #tpu.memory_space<vmem>>, vector<16xf32>,
      %get3A_1083 = arith.constant 3 : i32
      %get3A_1084 = arith.index_cast %get3A_1083 : i32 to index
      %get3A_1085 = arith.index_cast %mul3A_1070 : i32 to index
      %get3A_1086 = tpu.vector_load %arg9[%get3A_1084, %get3A_1085] {strides = array<i32>} : memref<6x256xf32, #tpu.memory_space<vmem>>, vector<16xf32>,
      %get3A_1087 = arith.constant 4 : i32
      %get3A_1088 = arith.index_cast %get3A_1087 : i32 to index
      %get3A_1089 = arith.index_cast %mul3A_1070 : i32 to index
      %get3A_1090 = tpu.vector_load %arg9[%get3A_1088, %get3A_1089] {strides = array<i32>} : memref<6x256xf32, #tpu.memory_space<vmem>>, vector<16xf32>,
      %get3A_1091 = arith.constant 5 : i32
      %get3A_1092 = arith.index_cast %get3A_1091 : i32 to index
      %get3A_1093 = arith.index_cast %mul3A_1070 : i32 to index
      %get3A_1094 = tpu.vector_load %arg9[%get3A_1092, %get3A_1093] {strides = array<i32>} : memref<6x256xf32, #tpu.memory_space<vmem>>, vector<16xf32>,
      %get3A_1095 = arith.constant 0 : i32
      %get3A_1096 = arith.index_cast %get3A_1095 : i32 to index
      %get3A_1097 = arith.index_cast %mul3A_1070 : i32 to index
      %get3A_1098 = tpu.vector_load %arg7[%get3A_1096, %get3A_1097] {strides = array<i32>} : memref<3x256xf32, #tpu.memory_space<vmem>>, vector<16xf32>,
      %sub3A_1099 = vector.broadcast %reduce_sum3A_618 : f32 to vector<16xf32>
      %sub3A_1100 = arith.subf %sub3A_1099, %get3A_1098 : vector<16xf32>
      %get3A_1101 = arith.constant 1 : i32
      %get3A_1102 = arith.index_cast %get3A_1101 : i32 to index
      %get3A_1103 = arith.index_cast %mul3A_1070 : i32 to index
      %get3A_1104 = tpu.vector_load %arg7[%get3A_1102, %get3A_1103] {strides = array<i32>} : memref<3x256xf32, #tpu.memory_space<vmem>>, vector<16xf32>,
      %sub3A_1105 = vector.broadcast %reduce_sum3A_629 : f32 to vector<16xf32>
      %sub3A_1106 = arith.subf %sub3A_1105, %get3A_1104 : vector<16xf32>
      %get3A_1107 = arith.constant 2 : i32
      %get3A_1108 = arith.index_cast %get3A_1107 : i32 to index
      %get3A_1109 = arith.index_cast %mul3A_1070 : i32 to index
      %get3A_1110 = tpu.vector_load %arg7[%get3A_1108, %get3A_1109] {strides = array<i32>} : memref<3x256xf32, #tpu.memory_space<vmem>>, vector<16xf32>,
      %sub3A_1111 = vector.broadcast %reduce_sum3A_640 : f32 to vector<16xf32>
      %sub3A_1112 = arith.subf %sub3A_1111, %get3A_1110 : vector<16xf32>
      %mul3A_1113 = arith.mulf %get3A_1074, %sub3A_1100 : vector<16xf32>
      %mul3A_1114 = arith.mulf %mul3A_1113, %sub3A_1100 : vector<16xf32>
      %mul3A_1115 = arith.mulf %get3A_1086, %sub3A_1106 : vector<16xf32>
      %mul3A_1116 = arith.mulf %mul3A_1115, %sub3A_1106 : vector<16xf32>
      %add3A_1117 = arith.addf %mul3A_1114, %mul3A_1116 : vector<16xf32>
      %mul3A_1118 = arith.mulf %get3A_1094, %sub3A_1112 : vector<16xf32>
      %mul3A_1119 = arith.mulf %mul3A_1118, %sub3A_1112 : vector<16xf32>
      %add3A_1120 = arith.addf %add3A_1117, %mul3A_1119 : vector<16xf32>
      %mul3A_1121 = arith.mulf %get3A_1078, %sub3A_1100 : vector<16xf32>
      %mul3A_1122 = arith.mulf %mul3A_1121, %sub3A_1106 : vector<16xf32>
      %mul3A_1123 = arith.mulf %get3A_1082, %sub3A_1100 : vector<16xf32>
      %mul3A_1124 = arith.mulf %mul3A_1123, %sub3A_1112 : vector<16xf32>
      %add3A_1125 = arith.addf %mul3A_1122, %mul3A_1124 : vector<16xf32>
      %mul3A_1126 = arith.mulf %get3A_1090, %sub3A_1106 : vector<16xf32>
      %mul3A_1127 = arith.mulf %mul3A_1126, %sub3A_1112 : vector<16xf32>
      %add3A_1128 = arith.addf %add3A_1125, %mul3A_1127 : vector<16xf32>
      %mul3A_1129 = arith.constant 2.000000e+00 : f32
      %mul3A_1130 = vector.broadcast %mul3A_1129 : f32 to vector<16xf32>
      %mul3A_1131 = arith.mulf %mul3A_1130, %add3A_1128 : vector<16xf32>
      %add3A_1132 = arith.addf %add3A_1120, %mul3A_1131 : vector<16xf32>
      %mul3A_1133 = arith.constant -5.000000e-01 : f32
      %mul3A_1134 = vector.broadcast %mul3A_1133 : f32 to vector<16xf32>
      %mul3A_1135 = arith.mulf %mul3A_1134, %add3A_1132 : vector<16xf32>
      %add3A_1136 = vector.broadcast %mul3A_1070 : i32 to vector<16xi32>
      %add3A_1137 = arith.addi %iota3A, %add3A_1136 : vector<16xi32>
      %eq3A_1138 = vector.broadcast %add3A_604 : i32 to vector<16xi32>
      %eq3A_1139 = arith.cmpi eq, %add3A_1137, %eq3A_1138 : vector<16xi32>
      %jit3A_1140 = arith.constant -1.000000e+30 : f32
      %broadcast_in_dim3A_1141 = vector.broadcast %jit3A_1140 : f32 to vector<16xf32>
      %select_n3A_1142 = arith.select %eq3A_1139, %broadcast_in_dim3A_1141, %mul3A_1135 : vector<16xi1>, vector<16xf32>
      %gt3A = arith.cmpf ogt, %select_n3A_1142, %scan3A_1067 : vector<16xf32>
      %select_n3A_1143 = arith.select %gt3A, %select_n3A_1142, %scan3A_1067 : vector<16xi1>, vector<16xf32>
      %convert_element_type3A_1144 = arith.sitofp %add3A_1137 : vector<16xi32> to vector<16xf32>
      %select_n3A_1145 = arith.select %gt3A, %convert_element_type3A_1144, %scan3A_1068 : vector<16xi1>, vector<16xf32>
      scf.yield %select_n3A_1143, %select_n3A_1145 : vector<16xf32>, vector<16xf32>
    }
    %scan3A_650 = arith.constant 16 : i32
    %reduce_max3A_651 = arith.constant true
    %reduce_max3A_652 = vector.broadcast %reduce_max3A_651 : i1 to vector<16xi1>
    %reduce_max3A_653 = tpu.scan <max>, %scan3A_649#0 masked %reduce_max3A_652 : vector<16xf32>, vector<16xi1> -> vector<16xf32>
    %reduce_max3A_654 = vector.extract %reduce_max3A_653[15] : f32 from vector<16xf32>
    %eq3A_655 = vector.broadcast %reduce_max3A_654 : f32 to vector<16xf32>
    %eq3A_656 = arith.cmpf oeq, %scan3A_649#0, %eq3A_655 : vector<16xf32>
    %jit3A_657 = arith.constant 1.000000e+09 : f32
    %broadcast_in_dim3A_658 = vector.broadcast %jit3A_657 : f32 to vector<16xf32>
    %select_n3A_659 = arith.select %eq3A_656, %scan3A_649#1, %broadcast_in_dim3A_658 : vector<16xi1>, vector<16xf32>
    %reduce_min3A_660 = arith.constant true
    %reduce_min3A_661 = vector.broadcast %reduce_min3A_660 : i1 to vector<16xi1>
    %reduce_min3A_662 = tpu.scan <min>, %select_n3A_659 masked %reduce_min3A_661 : vector<16xf32>, vector<16xi1> -> vector<16xf32>
    %reduce_min3A_663 = vector.extract %reduce_min3A_662[15] : f32 from vector<16xf32>
    %convert_element_type3A_664 = arith.fptosi %reduce_min3A_663 : f32 to i32
    %broadcast_in_dim3A_665 = vector.broadcast %convert_element_type3A_664 : i32 to vector<16xi32>
    %select_n3A_666 = arith.select %eq3A_607, %broadcast_in_dim3A_665, %select_n3A_602 : vector<16xi1>, vector<16xi32>
    %add3A_667 = arith.constant 10 : i32
    %add3A_668 = arith.addi %mul3A_21, %add3A_667 : i32
    %eq3A_669 = arith.constant 10 : i32
    %eq3A_670 = vector.broadcast %eq3A_669 : i32 to vector<16xi32>
    %eq3A_671 = arith.cmpi eq, %iota3A, %eq3A_670 : vector<16xi32>
    %get3A_672 = arith.constant 0 : i32
    %get3A_673 = arith.index_cast %get3A_672 : i32 to index
    %get3A_674 = arith.index_cast %mul3A_21 : i32 to index
    %get3A_675 = tpu.vector_load %arg7[%get3A_673, %get3A_674] {strides = array<i32>} : memref<3x256xf32, #tpu.memory_space<vmem>>, vector<16xf32>,
    %jit3A_676 = arith.constant 0.000000e+00 : f32
    %broadcast_in_dim3A_677 = vector.broadcast %jit3A_676 : f32 to vector<16xf32>
    %select_n3A_678 = arith.select %eq3A_671, %get3A_675, %broadcast_in_dim3A_677 : vector<16xi1>, vector<16xf32>
    %reduce_sum3A_679 = arith.constant true
    %reduce_sum3A_680 = vector.broadcast %reduce_sum3A_679 : i1 to vector<16xi1>
    %reduce_sum3A_681 = tpu.scan <sum>, %select_n3A_678 masked %reduce_sum3A_680 : vector<16xf32>, vector<16xi1> -> vector<16xf32>
    %reduce_sum3A_682 = vector.extract %reduce_sum3A_681[15] : f32 from vector<16xf32>
    %get3A_683 = arith.constant 1 : i32
    %get3A_684 = arith.index_cast %get3A_683 : i32 to index
    %get3A_685 = arith.index_cast %mul3A_21 : i32 to index
    %get3A_686 = tpu.vector_load %arg7[%get3A_684, %get3A_685] {strides = array<i32>} : memref<3x256xf32, #tpu.memory_space<vmem>>, vector<16xf32>,
    %jit3A_687 = arith.constant 0.000000e+00 : f32
    %broadcast_in_dim3A_688 = vector.broadcast %jit3A_687 : f32 to vector<16xf32>
    %select_n3A_689 = arith.select %eq3A_671, %get3A_686, %broadcast_in_dim3A_688 : vector<16xi1>, vector<16xf32>
    %reduce_sum3A_690 = arith.constant true
    %reduce_sum3A_691 = vector.broadcast %reduce_sum3A_690 : i1 to vector<16xi1>
    %reduce_sum3A_692 = tpu.scan <sum>, %select_n3A_689 masked %reduce_sum3A_691 : vector<16xf32>, vector<16xi1> -> vector<16xf32>
    %reduce_sum3A_693 = vector.extract %reduce_sum3A_692[15] : f32 from vector<16xf32>
    %get3A_694 = arith.constant 2 : i32
    %get3A_695 = arith.index_cast %get3A_694 : i32 to index
    %get3A_696 = arith.index_cast %mul3A_21 : i32 to index
    %get3A_697 = tpu.vector_load %arg7[%get3A_695, %get3A_696] {strides = array<i32>} : memref<3x256xf32, #tpu.memory_space<vmem>>, vector<16xf32>,
    %jit3A_698 = arith.constant 0.000000e+00 : f32
    %broadcast_in_dim3A_699 = vector.broadcast %jit3A_698 : f32 to vector<16xf32>
    %select_n3A_700 = arith.select %eq3A_671, %get3A_697, %broadcast_in_dim3A_699 : vector<16xi1>, vector<16xf32>
    %reduce_sum3A_701 = arith.constant true
    %reduce_sum3A_702 = vector.broadcast %reduce_sum3A_701 : i1 to vector<16xi1>
    %reduce_sum3A_703 = tpu.scan <sum>, %select_n3A_700 masked %reduce_sum3A_702 : vector<16xf32>, vector<16xi1> -> vector<16xf32>
    %reduce_sum3A_704 = vector.extract %reduce_sum3A_703[15] : f32 from vector<16xf32>
    %broadcast_in_dim3A_705 = arith.constant -3.000000e+38 : f32
    %broadcast_in_dim3A_706 = vector.broadcast %broadcast_in_dim3A_705 : f32 to vector<16xf32>
    %broadcast_in_dim3A_707 = arith.constant 0.000000e+00 : f32
    %broadcast_in_dim3A_708 = vector.broadcast %broadcast_in_dim3A_707 : f32 to vector<16xf32>
    %scan3A_709 = arith.constant 0 : i32
    %scan3A_710 = arith.constant 16 : i32
    %scan3A_711 = arith.addi %scan3A_709, %scan3A_710 : i32
    %scan3A_712 = arith.constant 1 : i32
    %scan3A_713:2 = scf.for %scan3A_1066 = %scan3A_709 to %scan3A_711 step %scan3A_712 iter_args(%scan3A_1067 = %broadcast_in_dim3A_706, %scan3A_1068 = %broadcast_in_dim3A_708) -> (vector<16xf32>, vector<16xf32>)  : i32 {
      %mul3A_1069 = arith.constant 16 : i32
      %mul3A_1070 = arith.muli %scan3A_1066, %mul3A_1069 : i32
      %get3A_1071 = arith.constant 0 : i32
      %get3A_1072 = arith.index_cast %get3A_1071 : i32 to index
      %get3A_1073 = arith.index_cast %mul3A_1070 : i32 to index
      %get3A_1074 = tpu.vector_load %arg9[%get3A_1072, %get3A_1073] {strides = array<i32>} : memref<6x256xf32, #tpu.memory_space<vmem>>, vector<16xf32>,
      %get3A_1075 = arith.constant 1 : i32
      %get3A_1076 = arith.index_cast %get3A_1075 : i32 to index
      %get3A_1077 = arith.index_cast %mul3A_1070 : i32 to index
      %get3A_1078 = tpu.vector_load %arg9[%get3A_1076, %get3A_1077] {strides = array<i32>} : memref<6x256xf32, #tpu.memory_space<vmem>>, vector<16xf32>,
      %get3A_1079 = arith.constant 2 : i32
      %get3A_1080 = arith.index_cast %get3A_1079 : i32 to index
      %get3A_1081 = arith.index_cast %mul3A_1070 : i32 to index
      %get3A_1082 = tpu.vector_load %arg9[%get3A_1080, %get3A_1081] {strides = array<i32>} : memref<6x256xf32, #tpu.memory_space<vmem>>, vector<16xf32>,
      %get3A_1083 = arith.constant 3 : i32
      %get3A_1084 = arith.index_cast %get3A_1083 : i32 to index
      %get3A_1085 = arith.index_cast %mul3A_1070 : i32 to index
      %get3A_1086 = tpu.vector_load %arg9[%get3A_1084, %get3A_1085] {strides = array<i32>} : memref<6x256xf32, #tpu.memory_space<vmem>>, vector<16xf32>,
      %get3A_1087 = arith.constant 4 : i32
      %get3A_1088 = arith.index_cast %get3A_1087 : i32 to index
      %get3A_1089 = arith.index_cast %mul3A_1070 : i32 to index
      %get3A_1090 = tpu.vector_load %arg9[%get3A_1088, %get3A_1089] {strides = array<i32>} : memref<6x256xf32, #tpu.memory_space<vmem>>, vector<16xf32>,
      %get3A_1091 = arith.constant 5 : i32
      %get3A_1092 = arith.index_cast %get3A_1091 : i32 to index
      %get3A_1093 = arith.index_cast %mul3A_1070 : i32 to index
      %get3A_1094 = tpu.vector_load %arg9[%get3A_1092, %get3A_1093] {strides = array<i32>} : memref<6x256xf32, #tpu.memory_space<vmem>>, vector<16xf32>,
      %get3A_1095 = arith.constant 0 : i32
      %get3A_1096 = arith.index_cast %get3A_1095 : i32 to index
      %get3A_1097 = arith.index_cast %mul3A_1070 : i32 to index
      %get3A_1098 = tpu.vector_load %arg7[%get3A_1096, %get3A_1097] {strides = array<i32>} : memref<3x256xf32, #tpu.memory_space<vmem>>, vector<16xf32>,
      %sub3A_1099 = vector.broadcast %reduce_sum3A_682 : f32 to vector<16xf32>
      %sub3A_1100 = arith.subf %sub3A_1099, %get3A_1098 : vector<16xf32>
      %get3A_1101 = arith.constant 1 : i32
      %get3A_1102 = arith.index_cast %get3A_1101 : i32 to index
      %get3A_1103 = arith.index_cast %mul3A_1070 : i32 to index
      %get3A_1104 = tpu.vector_load %arg7[%get3A_1102, %get3A_1103] {strides = array<i32>} : memref<3x256xf32, #tpu.memory_space<vmem>>, vector<16xf32>,
      %sub3A_1105 = vector.broadcast %reduce_sum3A_693 : f32 to vector<16xf32>
      %sub3A_1106 = arith.subf %sub3A_1105, %get3A_1104 : vector<16xf32>
      %get3A_1107 = arith.constant 2 : i32
      %get3A_1108 = arith.index_cast %get3A_1107 : i32 to index
      %get3A_1109 = arith.index_cast %mul3A_1070 : i32 to index
      %get3A_1110 = tpu.vector_load %arg7[%get3A_1108, %get3A_1109] {strides = array<i32>} : memref<3x256xf32, #tpu.memory_space<vmem>>, vector<16xf32>,
      %sub3A_1111 = vector.broadcast %reduce_sum3A_704 : f32 to vector<16xf32>
      %sub3A_1112 = arith.subf %sub3A_1111, %get3A_1110 : vector<16xf32>
      %mul3A_1113 = arith.mulf %get3A_1074, %sub3A_1100 : vector<16xf32>
      %mul3A_1114 = arith.mulf %mul3A_1113, %sub3A_1100 : vector<16xf32>
      %mul3A_1115 = arith.mulf %get3A_1086, %sub3A_1106 : vector<16xf32>
      %mul3A_1116 = arith.mulf %mul3A_1115, %sub3A_1106 : vector<16xf32>
      %add3A_1117 = arith.addf %mul3A_1114, %mul3A_1116 : vector<16xf32>
      %mul3A_1118 = arith.mulf %get3A_1094, %sub3A_1112 : vector<16xf32>
      %mul3A_1119 = arith.mulf %mul3A_1118, %sub3A_1112 : vector<16xf32>
      %add3A_1120 = arith.addf %add3A_1117, %mul3A_1119 : vector<16xf32>
      %mul3A_1121 = arith.mulf %get3A_1078, %sub3A_1100 : vector<16xf32>
      %mul3A_1122 = arith.mulf %mul3A_1121, %sub3A_1106 : vector<16xf32>
      %mul3A_1123 = arith.mulf %get3A_1082, %sub3A_1100 : vector<16xf32>
      %mul3A_1124 = arith.mulf %mul3A_1123, %sub3A_1112 : vector<16xf32>
      %add3A_1125 = arith.addf %mul3A_1122, %mul3A_1124 : vector<16xf32>
      %mul3A_1126 = arith.mulf %get3A_1090, %sub3A_1106 : vector<16xf32>
      %mul3A_1127 = arith.mulf %mul3A_1126, %sub3A_1112 : vector<16xf32>
      %add3A_1128 = arith.addf %add3A_1125, %mul3A_1127 : vector<16xf32>
      %mul3A_1129 = arith.constant 2.000000e+00 : f32
      %mul3A_1130 = vector.broadcast %mul3A_1129 : f32 to vector<16xf32>
      %mul3A_1131 = arith.mulf %mul3A_1130, %add3A_1128 : vector<16xf32>
      %add3A_1132 = arith.addf %add3A_1120, %mul3A_1131 : vector<16xf32>
      %mul3A_1133 = arith.constant -5.000000e-01 : f32
      %mul3A_1134 = vector.broadcast %mul3A_1133 : f32 to vector<16xf32>
      %mul3A_1135 = arith.mulf %mul3A_1134, %add3A_1132 : vector<16xf32>
      %add3A_1136 = vector.broadcast %mul3A_1070 : i32 to vector<16xi32>
      %add3A_1137 = arith.addi %iota3A, %add3A_1136 : vector<16xi32>
      %eq3A_1138 = vector.broadcast %add3A_668 : i32 to vector<16xi32>
      %eq3A_1139 = arith.cmpi eq, %add3A_1137, %eq3A_1138 : vector<16xi32>
      %jit3A_1140 = arith.constant -1.000000e+30 : f32
      %broadcast_in_dim3A_1141 = vector.broadcast %jit3A_1140 : f32 to vector<16xf32>
      %select_n3A_1142 = arith.select %eq3A_1139, %broadcast_in_dim3A_1141, %mul3A_1135 : vector<16xi1>, vector<16xf32>
      %gt3A = arith.cmpf ogt, %select_n3A_1142, %scan3A_1067 : vector<16xf32>
      %select_n3A_1143 = arith.select %gt3A, %select_n3A_1142, %scan3A_1067 : vector<16xi1>, vector<16xf32>
      %convert_element_type3A_1144 = arith.sitofp %add3A_1137 : vector<16xi32> to vector<16xf32>
      %select_n3A_1145 = arith.select %gt3A, %convert_element_type3A_1144, %scan3A_1068 : vector<16xi1>, vector<16xf32>
      scf.yield %select_n3A_1143, %select_n3A_1145 : vector<16xf32>, vector<16xf32>
    }
    %scan3A_714 = arith.constant 16 : i32
    %reduce_max3A_715 = arith.constant true
    %reduce_max3A_716 = vector.broadcast %reduce_max3A_715 : i1 to vector<16xi1>
    %reduce_max3A_717 = tpu.scan <max>, %scan3A_713#0 masked %reduce_max3A_716 : vector<16xf32>, vector<16xi1> -> vector<16xf32>
    %reduce_max3A_718 = vector.extract %reduce_max3A_717[15] : f32 from vector<16xf32>
    %eq3A_719 = vector.broadcast %reduce_max3A_718 : f32 to vector<16xf32>
    %eq3A_720 = arith.cmpf oeq, %scan3A_713#0, %eq3A_719 : vector<16xf32>
    %jit3A_721 = arith.constant 1.000000e+09 : f32
    %broadcast_in_dim3A_722 = vector.broadcast %jit3A_721 : f32 to vector<16xf32>
    %select_n3A_723 = arith.select %eq3A_720, %scan3A_713#1, %broadcast_in_dim3A_722 : vector<16xi1>, vector<16xf32>
    %reduce_min3A_724 = arith.constant true
    %reduce_min3A_725 = vector.broadcast %reduce_min3A_724 : i1 to vector<16xi1>
    %reduce_min3A_726 = tpu.scan <min>, %select_n3A_723 masked %reduce_min3A_725 : vector<16xf32>, vector<16xi1> -> vector<16xf32>
    %reduce_min3A_727 = vector.extract %reduce_min3A_726[15] : f32 from vector<16xf32>
    %convert_element_type3A_728 = arith.fptosi %reduce_min3A_727 : f32 to i32
    %broadcast_in_dim3A_729 = vector.broadcast %convert_element_type3A_728 : i32 to vector<16xi32>
    %select_n3A_730 = arith.select %eq3A_671, %broadcast_in_dim3A_729, %select_n3A_666 : vector<16xi1>, vector<16xi32>
    %add3A_731 = arith.constant 11 : i32
    %add3A_732 = arith.addi %mul3A_21, %add3A_731 : i32
    %eq3A_733 = arith.constant 11 : i32
    %eq3A_734 = vector.broadcast %eq3A_733 : i32 to vector<16xi32>
    %eq3A_735 = arith.cmpi eq, %iota3A, %eq3A_734 : vector<16xi32>
    %get3A_736 = arith.constant 0 : i32
    %get3A_737 = arith.index_cast %get3A_736 : i32 to index
    %get3A_738 = arith.index_cast %mul3A_21 : i32 to index
    %get3A_739 = tpu.vector_load %arg7[%get3A_737, %get3A_738] {strides = array<i32>} : memref<3x256xf32, #tpu.memory_space<vmem>>, vector<16xf32>,
    %jit3A_740 = arith.constant 0.000000e+00 : f32
    %broadcast_in_dim3A_741 = vector.broadcast %jit3A_740 : f32 to vector<16xf32>
    %select_n3A_742 = arith.select %eq3A_735, %get3A_739, %broadcast_in_dim3A_741 : vector<16xi1>, vector<16xf32>
    %reduce_sum3A_743 = arith.constant true
    %reduce_sum3A_744 = vector.broadcast %reduce_sum3A_743 : i1 to vector<16xi1>
    %reduce_sum3A_745 = tpu.scan <sum>, %select_n3A_742 masked %reduce_sum3A_744 : vector<16xf32>, vector<16xi1> -> vector<16xf32>
    %reduce_sum3A_746 = vector.extract %reduce_sum3A_745[15] : f32 from vector<16xf32>
    %get3A_747 = arith.constant 1 : i32
    %get3A_748 = arith.index_cast %get3A_747 : i32 to index
    %get3A_749 = arith.index_cast %mul3A_21 : i32 to index
    %get3A_750 = tpu.vector_load %arg7[%get3A_748, %get3A_749] {strides = array<i32>} : memref<3x256xf32, #tpu.memory_space<vmem>>, vector<16xf32>,
    %jit3A_751 = arith.constant 0.000000e+00 : f32
    %broadcast_in_dim3A_752 = vector.broadcast %jit3A_751 : f32 to vector<16xf32>
    %select_n3A_753 = arith.select %eq3A_735, %get3A_750, %broadcast_in_dim3A_752 : vector<16xi1>, vector<16xf32>
    %reduce_sum3A_754 = arith.constant true
    %reduce_sum3A_755 = vector.broadcast %reduce_sum3A_754 : i1 to vector<16xi1>
    %reduce_sum3A_756 = tpu.scan <sum>, %select_n3A_753 masked %reduce_sum3A_755 : vector<16xf32>, vector<16xi1> -> vector<16xf32>
    %reduce_sum3A_757 = vector.extract %reduce_sum3A_756[15] : f32 from vector<16xf32>
    %get3A_758 = arith.constant 2 : i32
    %get3A_759 = arith.index_cast %get3A_758 : i32 to index
    %get3A_760 = arith.index_cast %mul3A_21 : i32 to index
    %get3A_761 = tpu.vector_load %arg7[%get3A_759, %get3A_760] {strides = array<i32>} : memref<3x256xf32, #tpu.memory_space<vmem>>, vector<16xf32>,
    %jit3A_762 = arith.constant 0.000000e+00 : f32
    %broadcast_in_dim3A_763 = vector.broadcast %jit3A_762 : f32 to vector<16xf32>
    %select_n3A_764 = arith.select %eq3A_735, %get3A_761, %broadcast_in_dim3A_763 : vector<16xi1>, vector<16xf32>
    %reduce_sum3A_765 = arith.constant true
    %reduce_sum3A_766 = vector.broadcast %reduce_sum3A_765 : i1 to vector<16xi1>
    %reduce_sum3A_767 = tpu.scan <sum>, %select_n3A_764 masked %reduce_sum3A_766 : vector<16xf32>, vector<16xi1> -> vector<16xf32>
    %reduce_sum3A_768 = vector.extract %reduce_sum3A_767[15] : f32 from vector<16xf32>
    %broadcast_in_dim3A_769 = arith.constant -3.000000e+38 : f32
    %broadcast_in_dim3A_770 = vector.broadcast %broadcast_in_dim3A_769 : f32 to vector<16xf32>
    %broadcast_in_dim3A_771 = arith.constant 0.000000e+00 : f32
    %broadcast_in_dim3A_772 = vector.broadcast %broadcast_in_dim3A_771 : f32 to vector<16xf32>
    %scan3A_773 = arith.constant 0 : i32
    %scan3A_774 = arith.constant 16 : i32
    %scan3A_775 = arith.addi %scan3A_773, %scan3A_774 : i32
    %scan3A_776 = arith.constant 1 : i32
    %scan3A_777:2 = scf.for %scan3A_1066 = %scan3A_773 to %scan3A_775 step %scan3A_776 iter_args(%scan3A_1067 = %broadcast_in_dim3A_770, %scan3A_1068 = %broadcast_in_dim3A_772) -> (vector<16xf32>, vector<16xf32>)  : i32 {
      %mul3A_1069 = arith.constant 16 : i32
      %mul3A_1070 = arith.muli %scan3A_1066, %mul3A_1069 : i32
      %get3A_1071 = arith.constant 0 : i32
      %get3A_1072 = arith.index_cast %get3A_1071 : i32 to index
      %get3A_1073 = arith.index_cast %mul3A_1070 : i32 to index
      %get3A_1074 = tpu.vector_load %arg9[%get3A_1072, %get3A_1073] {strides = array<i32>} : memref<6x256xf32, #tpu.memory_space<vmem>>, vector<16xf32>,
      %get3A_1075 = arith.constant 1 : i32
      %get3A_1076 = arith.index_cast %get3A_1075 : i32 to index
      %get3A_1077 = arith.index_cast %mul3A_1070 : i32 to index
      %get3A_1078 = tpu.vector_load %arg9[%get3A_1076, %get3A_1077] {strides = array<i32>} : memref<6x256xf32, #tpu.memory_space<vmem>>, vector<16xf32>,
      %get3A_1079 = arith.constant 2 : i32
      %get3A_1080 = arith.index_cast %get3A_1079 : i32 to index
      %get3A_1081 = arith.index_cast %mul3A_1070 : i32 to index
      %get3A_1082 = tpu.vector_load %arg9[%get3A_1080, %get3A_1081] {strides = array<i32>} : memref<6x256xf32, #tpu.memory_space<vmem>>, vector<16xf32>,
      %get3A_1083 = arith.constant 3 : i32
      %get3A_1084 = arith.index_cast %get3A_1083 : i32 to index
      %get3A_1085 = arith.index_cast %mul3A_1070 : i32 to index
      %get3A_1086 = tpu.vector_load %arg9[%get3A_1084, %get3A_1085] {strides = array<i32>} : memref<6x256xf32, #tpu.memory_space<vmem>>, vector<16xf32>,
      %get3A_1087 = arith.constant 4 : i32
      %get3A_1088 = arith.index_cast %get3A_1087 : i32 to index
      %get3A_1089 = arith.index_cast %mul3A_1070 : i32 to index
      %get3A_1090 = tpu.vector_load %arg9[%get3A_1088, %get3A_1089] {strides = array<i32>} : memref<6x256xf32, #tpu.memory_space<vmem>>, vector<16xf32>,
      %get3A_1091 = arith.constant 5 : i32
      %get3A_1092 = arith.index_cast %get3A_1091 : i32 to index
      %get3A_1093 = arith.index_cast %mul3A_1070 : i32 to index
      %get3A_1094 = tpu.vector_load %arg9[%get3A_1092, %get3A_1093] {strides = array<i32>} : memref<6x256xf32, #tpu.memory_space<vmem>>, vector<16xf32>,
      %get3A_1095 = arith.constant 0 : i32
      %get3A_1096 = arith.index_cast %get3A_1095 : i32 to index
      %get3A_1097 = arith.index_cast %mul3A_1070 : i32 to index
      %get3A_1098 = tpu.vector_load %arg7[%get3A_1096, %get3A_1097] {strides = array<i32>} : memref<3x256xf32, #tpu.memory_space<vmem>>, vector<16xf32>,
      %sub3A_1099 = vector.broadcast %reduce_sum3A_746 : f32 to vector<16xf32>
      %sub3A_1100 = arith.subf %sub3A_1099, %get3A_1098 : vector<16xf32>
      %get3A_1101 = arith.constant 1 : i32
      %get3A_1102 = arith.index_cast %get3A_1101 : i32 to index
      %get3A_1103 = arith.index_cast %mul3A_1070 : i32 to index
      %get3A_1104 = tpu.vector_load %arg7[%get3A_1102, %get3A_1103] {strides = array<i32>} : memref<3x256xf32, #tpu.memory_space<vmem>>, vector<16xf32>,
      %sub3A_1105 = vector.broadcast %reduce_sum3A_757 : f32 to vector<16xf32>
      %sub3A_1106 = arith.subf %sub3A_1105, %get3A_1104 : vector<16xf32>
      %get3A_1107 = arith.constant 2 : i32
      %get3A_1108 = arith.index_cast %get3A_1107 : i32 to index
      %get3A_1109 = arith.index_cast %mul3A_1070 : i32 to index
      %get3A_1110 = tpu.vector_load %arg7[%get3A_1108, %get3A_1109] {strides = array<i32>} : memref<3x256xf32, #tpu.memory_space<vmem>>, vector<16xf32>,
      %sub3A_1111 = vector.broadcast %reduce_sum3A_768 : f32 to vector<16xf32>
      %sub3A_1112 = arith.subf %sub3A_1111, %get3A_1110 : vector<16xf32>
      %mul3A_1113 = arith.mulf %get3A_1074, %sub3A_1100 : vector<16xf32>
      %mul3A_1114 = arith.mulf %mul3A_1113, %sub3A_1100 : vector<16xf32>
      %mul3A_1115 = arith.mulf %get3A_1086, %sub3A_1106 : vector<16xf32>
      %mul3A_1116 = arith.mulf %mul3A_1115, %sub3A_1106 : vector<16xf32>
      %add3A_1117 = arith.addf %mul3A_1114, %mul3A_1116 : vector<16xf32>
      %mul3A_1118 = arith.mulf %get3A_1094, %sub3A_1112 : vector<16xf32>
      %mul3A_1119 = arith.mulf %mul3A_1118, %sub3A_1112 : vector<16xf32>
      %add3A_1120 = arith.addf %add3A_1117, %mul3A_1119 : vector<16xf32>
      %mul3A_1121 = arith.mulf %get3A_1078, %sub3A_1100 : vector<16xf32>
      %mul3A_1122 = arith.mulf %mul3A_1121, %sub3A_1106 : vector<16xf32>
      %mul3A_1123 = arith.mulf %get3A_1082, %sub3A_1100 : vector<16xf32>
      %mul3A_1124 = arith.mulf %mul3A_1123, %sub3A_1112 : vector<16xf32>
      %add3A_1125 = arith.addf %mul3A_1122, %mul3A_1124 : vector<16xf32>
      %mul3A_1126 = arith.mulf %get3A_1090, %sub3A_1106 : vector<16xf32>
      %mul3A_1127 = arith.mulf %mul3A_1126, %sub3A_1112 : vector<16xf32>
      %add3A_1128 = arith.addf %add3A_1125, %mul3A_1127 : vector<16xf32>
      %mul3A_1129 = arith.constant 2.000000e+00 : f32
      %mul3A_1130 = vector.broadcast %mul3A_1129 : f32 to vector<16xf32>
      %mul3A_1131 = arith.mulf %mul3A_1130, %add3A_1128 : vector<16xf32>
      %add3A_1132 = arith.addf %add3A_1120, %mul3A_1131 : vector<16xf32>
      %mul3A_1133 = arith.constant -5.000000e-01 : f32
      %mul3A_1134 = vector.broadcast %mul3A_1133 : f32 to vector<16xf32>
      %mul3A_1135 = arith.mulf %mul3A_1134, %add3A_1132 : vector<16xf32>
      %add3A_1136 = vector.broadcast %mul3A_1070 : i32 to vector<16xi32>
      %add3A_1137 = arith.addi %iota3A, %add3A_1136 : vector<16xi32>
      %eq3A_1138 = vector.broadcast %add3A_732 : i32 to vector<16xi32>
      %eq3A_1139 = arith.cmpi eq, %add3A_1137, %eq3A_1138 : vector<16xi32>
      %jit3A_1140 = arith.constant -1.000000e+30 : f32
      %broadcast_in_dim3A_1141 = vector.broadcast %jit3A_1140 : f32 to vector<16xf32>
      %select_n3A_1142 = arith.select %eq3A_1139, %broadcast_in_dim3A_1141, %mul3A_1135 : vector<16xi1>, vector<16xf32>
      %gt3A = arith.cmpf ogt, %select_n3A_1142, %scan3A_1067 : vector<16xf32>
      %select_n3A_1143 = arith.select %gt3A, %select_n3A_1142, %scan3A_1067 : vector<16xi1>, vector<16xf32>
      %convert_element_type3A_1144 = arith.sitofp %add3A_1137 : vector<16xi32> to vector<16xf32>
      %select_n3A_1145 = arith.select %gt3A, %convert_element_type3A_1144, %scan3A_1068 : vector<16xi1>, vector<16xf32>
      scf.yield %select_n3A_1143, %select_n3A_1145 : vector<16xf32>, vector<16xf32>
    }
    %scan3A_778 = arith.constant 16 : i32
    %reduce_max3A_779 = arith.constant true
    %reduce_max3A_780 = vector.broadcast %reduce_max3A_779 : i1 to vector<16xi1>
    %reduce_max3A_781 = tpu.scan <max>, %scan3A_777#0 masked %reduce_max3A_780 : vector<16xf32>, vector<16xi1> -> vector<16xf32>
    %reduce_max3A_782 = vector.extract %reduce_max3A_781[15] : f32 from vector<16xf32>
    %eq3A_783 = vector.broadcast %reduce_max3A_782 : f32 to vector<16xf32>
    %eq3A_784 = arith.cmpf oeq, %scan3A_777#0, %eq3A_783 : vector<16xf32>
    %jit3A_785 = arith.constant 1.000000e+09 : f32
    %broadcast_in_dim3A_786 = vector.broadcast %jit3A_785 : f32 to vector<16xf32>
    %select_n3A_787 = arith.select %eq3A_784, %scan3A_777#1, %broadcast_in_dim3A_786 : vector<16xi1>, vector<16xf32>
    %reduce_min3A_788 = arith.constant true
    %reduce_min3A_789 = vector.broadcast %reduce_min3A_788 : i1 to vector<16xi1>
    %reduce_min3A_790 = tpu.scan <min>, %select_n3A_787 masked %reduce_min3A_789 : vector<16xf32>, vector<16xi1> -> vector<16xf32>
    %reduce_min3A_791 = vector.extract %reduce_min3A_790[15] : f32 from vector<16xf32>
    %convert_element_type3A_792 = arith.fptosi %reduce_min3A_791 : f32 to i32
    %broadcast_in_dim3A_793 = vector.broadcast %convert_element_type3A_792 : i32 to vector<16xi32>
    %select_n3A_794 = arith.select %eq3A_735, %broadcast_in_dim3A_793, %select_n3A_730 : vector<16xi1>, vector<16xi32>
    %add3A_795 = arith.constant 12 : i32
    %add3A_796 = arith.addi %mul3A_21, %add3A_795 : i32
    %eq3A_797 = arith.constant 12 : i32
    %eq3A_798 = vector.broadcast %eq3A_797 : i32 to vector<16xi32>
    %eq3A_799 = arith.cmpi eq, %iota3A, %eq3A_798 : vector<16xi32>
    %get3A_800 = arith.constant 0 : i32
    %get3A_801 = arith.index_cast %get3A_800 : i32 to index
    %get3A_802 = arith.index_cast %mul3A_21 : i32 to index
    %get3A_803 = tpu.vector_load %arg7[%get3A_801, %get3A_802] {strides = array<i32>} : memref<3x256xf32, #tpu.memory_space<vmem>>, vector<16xf32>,
    %jit3A_804 = arith.constant 0.000000e+00 : f32
    %broadcast_in_dim3A_805 = vector.broadcast %jit3A_804 : f32 to vector<16xf32>
    %select_n3A_806 = arith.select %eq3A_799, %get3A_803, %broadcast_in_dim3A_805 : vector<16xi1>, vector<16xf32>
    %reduce_sum3A_807 = arith.constant true
    %reduce_sum3A_808 = vector.broadcast %reduce_sum3A_807 : i1 to vector<16xi1>
    %reduce_sum3A_809 = tpu.scan <sum>, %select_n3A_806 masked %reduce_sum3A_808 : vector<16xf32>, vector<16xi1> -> vector<16xf32>
    %reduce_sum3A_810 = vector.extract %reduce_sum3A_809[15] : f32 from vector<16xf32>
    %get3A_811 = arith.constant 1 : i32
    %get3A_812 = arith.index_cast %get3A_811 : i32 to index
    %get3A_813 = arith.index_cast %mul3A_21 : i32 to index
    %get3A_814 = tpu.vector_load %arg7[%get3A_812, %get3A_813] {strides = array<i32>} : memref<3x256xf32, #tpu.memory_space<vmem>>, vector<16xf32>,
    %jit3A_815 = arith.constant 0.000000e+00 : f32
    %broadcast_in_dim3A_816 = vector.broadcast %jit3A_815 : f32 to vector<16xf32>
    %select_n3A_817 = arith.select %eq3A_799, %get3A_814, %broadcast_in_dim3A_816 : vector<16xi1>, vector<16xf32>
    %reduce_sum3A_818 = arith.constant true
    %reduce_sum3A_819 = vector.broadcast %reduce_sum3A_818 : i1 to vector<16xi1>
    %reduce_sum3A_820 = tpu.scan <sum>, %select_n3A_817 masked %reduce_sum3A_819 : vector<16xf32>, vector<16xi1> -> vector<16xf32>
    %reduce_sum3A_821 = vector.extract %reduce_sum3A_820[15] : f32 from vector<16xf32>
    %get3A_822 = arith.constant 2 : i32
    %get3A_823 = arith.index_cast %get3A_822 : i32 to index
    %get3A_824 = arith.index_cast %mul3A_21 : i32 to index
    %get3A_825 = tpu.vector_load %arg7[%get3A_823, %get3A_824] {strides = array<i32>} : memref<3x256xf32, #tpu.memory_space<vmem>>, vector<16xf32>,
    %jit3A_826 = arith.constant 0.000000e+00 : f32
    %broadcast_in_dim3A_827 = vector.broadcast %jit3A_826 : f32 to vector<16xf32>
    %select_n3A_828 = arith.select %eq3A_799, %get3A_825, %broadcast_in_dim3A_827 : vector<16xi1>, vector<16xf32>
    %reduce_sum3A_829 = arith.constant true
    %reduce_sum3A_830 = vector.broadcast %reduce_sum3A_829 : i1 to vector<16xi1>
    %reduce_sum3A_831 = tpu.scan <sum>, %select_n3A_828 masked %reduce_sum3A_830 : vector<16xf32>, vector<16xi1> -> vector<16xf32>
    %reduce_sum3A_832 = vector.extract %reduce_sum3A_831[15] : f32 from vector<16xf32>
    %broadcast_in_dim3A_833 = arith.constant -3.000000e+38 : f32
    %broadcast_in_dim3A_834 = vector.broadcast %broadcast_in_dim3A_833 : f32 to vector<16xf32>
    %broadcast_in_dim3A_835 = arith.constant 0.000000e+00 : f32
    %broadcast_in_dim3A_836 = vector.broadcast %broadcast_in_dim3A_835 : f32 to vector<16xf32>
    %scan3A_837 = arith.constant 0 : i32
    %scan3A_838 = arith.constant 16 : i32
    %scan3A_839 = arith.addi %scan3A_837, %scan3A_838 : i32
    %scan3A_840 = arith.constant 1 : i32
    %scan3A_841:2 = scf.for %scan3A_1066 = %scan3A_837 to %scan3A_839 step %scan3A_840 iter_args(%scan3A_1067 = %broadcast_in_dim3A_834, %scan3A_1068 = %broadcast_in_dim3A_836) -> (vector<16xf32>, vector<16xf32>)  : i32 {
      %mul3A_1069 = arith.constant 16 : i32
      %mul3A_1070 = arith.muli %scan3A_1066, %mul3A_1069 : i32
      %get3A_1071 = arith.constant 0 : i32
      %get3A_1072 = arith.index_cast %get3A_1071 : i32 to index
      %get3A_1073 = arith.index_cast %mul3A_1070 : i32 to index
      %get3A_1074 = tpu.vector_load %arg9[%get3A_1072, %get3A_1073] {strides = array<i32>} : memref<6x256xf32, #tpu.memory_space<vmem>>, vector<16xf32>,
      %get3A_1075 = arith.constant 1 : i32
      %get3A_1076 = arith.index_cast %get3A_1075 : i32 to index
      %get3A_1077 = arith.index_cast %mul3A_1070 : i32 to index
      %get3A_1078 = tpu.vector_load %arg9[%get3A_1076, %get3A_1077] {strides = array<i32>} : memref<6x256xf32, #tpu.memory_space<vmem>>, vector<16xf32>,
      %get3A_1079 = arith.constant 2 : i32
      %get3A_1080 = arith.index_cast %get3A_1079 : i32 to index
      %get3A_1081 = arith.index_cast %mul3A_1070 : i32 to index
      %get3A_1082 = tpu.vector_load %arg9[%get3A_1080, %get3A_1081] {strides = array<i32>} : memref<6x256xf32, #tpu.memory_space<vmem>>, vector<16xf32>,
      %get3A_1083 = arith.constant 3 : i32
      %get3A_1084 = arith.index_cast %get3A_1083 : i32 to index
      %get3A_1085 = arith.index_cast %mul3A_1070 : i32 to index
      %get3A_1086 = tpu.vector_load %arg9[%get3A_1084, %get3A_1085] {strides = array<i32>} : memref<6x256xf32, #tpu.memory_space<vmem>>, vector<16xf32>,
      %get3A_1087 = arith.constant 4 : i32
      %get3A_1088 = arith.index_cast %get3A_1087 : i32 to index
      %get3A_1089 = arith.index_cast %mul3A_1070 : i32 to index
      %get3A_1090 = tpu.vector_load %arg9[%get3A_1088, %get3A_1089] {strides = array<i32>} : memref<6x256xf32, #tpu.memory_space<vmem>>, vector<16xf32>,
      %get3A_1091 = arith.constant 5 : i32
      %get3A_1092 = arith.index_cast %get3A_1091 : i32 to index
      %get3A_1093 = arith.index_cast %mul3A_1070 : i32 to index
      %get3A_1094 = tpu.vector_load %arg9[%get3A_1092, %get3A_1093] {strides = array<i32>} : memref<6x256xf32, #tpu.memory_space<vmem>>, vector<16xf32>,
      %get3A_1095 = arith.constant 0 : i32
      %get3A_1096 = arith.index_cast %get3A_1095 : i32 to index
      %get3A_1097 = arith.index_cast %mul3A_1070 : i32 to index
      %get3A_1098 = tpu.vector_load %arg7[%get3A_1096, %get3A_1097] {strides = array<i32>} : memref<3x256xf32, #tpu.memory_space<vmem>>, vector<16xf32>,
      %sub3A_1099 = vector.broadcast %reduce_sum3A_810 : f32 to vector<16xf32>
      %sub3A_1100 = arith.subf %sub3A_1099, %get3A_1098 : vector<16xf32>
      %get3A_1101 = arith.constant 1 : i32
      %get3A_1102 = arith.index_cast %get3A_1101 : i32 to index
      %get3A_1103 = arith.index_cast %mul3A_1070 : i32 to index
      %get3A_1104 = tpu.vector_load %arg7[%get3A_1102, %get3A_1103] {strides = array<i32>} : memref<3x256xf32, #tpu.memory_space<vmem>>, vector<16xf32>,
      %sub3A_1105 = vector.broadcast %reduce_sum3A_821 : f32 to vector<16xf32>
      %sub3A_1106 = arith.subf %sub3A_1105, %get3A_1104 : vector<16xf32>
      %get3A_1107 = arith.constant 2 : i32
      %get3A_1108 = arith.index_cast %get3A_1107 : i32 to index
      %get3A_1109 = arith.index_cast %mul3A_1070 : i32 to index
      %get3A_1110 = tpu.vector_load %arg7[%get3A_1108, %get3A_1109] {strides = array<i32>} : memref<3x256xf32, #tpu.memory_space<vmem>>, vector<16xf32>,
      %sub3A_1111 = vector.broadcast %reduce_sum3A_832 : f32 to vector<16xf32>
      %sub3A_1112 = arith.subf %sub3A_1111, %get3A_1110 : vector<16xf32>
      %mul3A_1113 = arith.mulf %get3A_1074, %sub3A_1100 : vector<16xf32>
      %mul3A_1114 = arith.mulf %mul3A_1113, %sub3A_1100 : vector<16xf32>
      %mul3A_1115 = arith.mulf %get3A_1086, %sub3A_1106 : vector<16xf32>
      %mul3A_1116 = arith.mulf %mul3A_1115, %sub3A_1106 : vector<16xf32>
      %add3A_1117 = arith.addf %mul3A_1114, %mul3A_1116 : vector<16xf32>
      %mul3A_1118 = arith.mulf %get3A_1094, %sub3A_1112 : vector<16xf32>
      %mul3A_1119 = arith.mulf %mul3A_1118, %sub3A_1112 : vector<16xf32>
      %add3A_1120 = arith.addf %add3A_1117, %mul3A_1119 : vector<16xf32>
      %mul3A_1121 = arith.mulf %get3A_1078, %sub3A_1100 : vector<16xf32>
      %mul3A_1122 = arith.mulf %mul3A_1121, %sub3A_1106 : vector<16xf32>
      %mul3A_1123 = arith.mulf %get3A_1082, %sub3A_1100 : vector<16xf32>
      %mul3A_1124 = arith.mulf %mul3A_1123, %sub3A_1112 : vector<16xf32>
      %add3A_1125 = arith.addf %mul3A_1122, %mul3A_1124 : vector<16xf32>
      %mul3A_1126 = arith.mulf %get3A_1090, %sub3A_1106 : vector<16xf32>
      %mul3A_1127 = arith.mulf %mul3A_1126, %sub3A_1112 : vector<16xf32>
      %add3A_1128 = arith.addf %add3A_1125, %mul3A_1127 : vector<16xf32>
      %mul3A_1129 = arith.constant 2.000000e+00 : f32
      %mul3A_1130 = vector.broadcast %mul3A_1129 : f32 to vector<16xf32>
      %mul3A_1131 = arith.mulf %mul3A_1130, %add3A_1128 : vector<16xf32>
      %add3A_1132 = arith.addf %add3A_1120, %mul3A_1131 : vector<16xf32>
      %mul3A_1133 = arith.constant -5.000000e-01 : f32
      %mul3A_1134 = vector.broadcast %mul3A_1133 : f32 to vector<16xf32>
      %mul3A_1135 = arith.mulf %mul3A_1134, %add3A_1132 : vector<16xf32>
      %add3A_1136 = vector.broadcast %mul3A_1070 : i32 to vector<16xi32>
      %add3A_1137 = arith.addi %iota3A, %add3A_1136 : vector<16xi32>
      %eq3A_1138 = vector.broadcast %add3A_796 : i32 to vector<16xi32>
      %eq3A_1139 = arith.cmpi eq, %add3A_1137, %eq3A_1138 : vector<16xi32>
      %jit3A_1140 = arith.constant -1.000000e+30 : f32
      %broadcast_in_dim3A_1141 = vector.broadcast %jit3A_1140 : f32 to vector<16xf32>
      %select_n3A_1142 = arith.select %eq3A_1139, %broadcast_in_dim3A_1141, %mul3A_1135 : vector<16xi1>, vector<16xf32>
      %gt3A = arith.cmpf ogt, %select_n3A_1142, %scan3A_1067 : vector<16xf32>
      %select_n3A_1143 = arith.select %gt3A, %select_n3A_1142, %scan3A_1067 : vector<16xi1>, vector<16xf32>
      %convert_element_type3A_1144 = arith.sitofp %add3A_1137 : vector<16xi32> to vector<16xf32>
      %select_n3A_1145 = arith.select %gt3A, %convert_element_type3A_1144, %scan3A_1068 : vector<16xi1>, vector<16xf32>
      scf.yield %select_n3A_1143, %select_n3A_1145 : vector<16xf32>, vector<16xf32>
    }
    %scan3A_842 = arith.constant 16 : i32
    %reduce_max3A_843 = arith.constant true
    %reduce_max3A_844 = vector.broadcast %reduce_max3A_843 : i1 to vector<16xi1>
    %reduce_max3A_845 = tpu.scan <max>, %scan3A_841#0 masked %reduce_max3A_844 : vector<16xf32>, vector<16xi1> -> vector<16xf32>
    %reduce_max3A_846 = vector.extract %reduce_max3A_845[15] : f32 from vector<16xf32>
    %eq3A_847 = vector.broadcast %reduce_max3A_846 : f32 to vector<16xf32>
    %eq3A_848 = arith.cmpf oeq, %scan3A_841#0, %eq3A_847 : vector<16xf32>
    %jit3A_849 = arith.constant 1.000000e+09 : f32
    %broadcast_in_dim3A_850 = vector.broadcast %jit3A_849 : f32 to vector<16xf32>
    %select_n3A_851 = arith.select %eq3A_848, %scan3A_841#1, %broadcast_in_dim3A_850 : vector<16xi1>, vector<16xf32>
    %reduce_min3A_852 = arith.constant true
    %reduce_min3A_853 = vector.broadcast %reduce_min3A_852 : i1 to vector<16xi1>
    %reduce_min3A_854 = tpu.scan <min>, %select_n3A_851 masked %reduce_min3A_853 : vector<16xf32>, vector<16xi1> -> vector<16xf32>
    %reduce_min3A_855 = vector.extract %reduce_min3A_854[15] : f32 from vector<16xf32>
    %convert_element_type3A_856 = arith.fptosi %reduce_min3A_855 : f32 to i32
    %broadcast_in_dim3A_857 = vector.broadcast %convert_element_type3A_856 : i32 to vector<16xi32>
    %select_n3A_858 = arith.select %eq3A_799, %broadcast_in_dim3A_857, %select_n3A_794 : vector<16xi1>, vector<16xi32>
    %add3A_859 = arith.constant 13 : i32
    %add3A_860 = arith.addi %mul3A_21, %add3A_859 : i32
    %eq3A_861 = arith.constant 13 : i32
    %eq3A_862 = vector.broadcast %eq3A_861 : i32 to vector<16xi32>
    %eq3A_863 = arith.cmpi eq, %iota3A, %eq3A_862 : vector<16xi32>
    %get3A_864 = arith.constant 0 : i32
    %get3A_865 = arith.index_cast %get3A_864 : i32 to index
    %get3A_866 = arith.index_cast %mul3A_21 : i32 to index
    %get3A_867 = tpu.vector_load %arg7[%get3A_865, %get3A_866] {strides = array<i32>} : memref<3x256xf32, #tpu.memory_space<vmem>>, vector<16xf32>,
    %jit3A_868 = arith.constant 0.000000e+00 : f32
    %broadcast_in_dim3A_869 = vector.broadcast %jit3A_868 : f32 to vector<16xf32>
    %select_n3A_870 = arith.select %eq3A_863, %get3A_867, %broadcast_in_dim3A_869 : vector<16xi1>, vector<16xf32>
    %reduce_sum3A_871 = arith.constant true
    %reduce_sum3A_872 = vector.broadcast %reduce_sum3A_871 : i1 to vector<16xi1>
    %reduce_sum3A_873 = tpu.scan <sum>, %select_n3A_870 masked %reduce_sum3A_872 : vector<16xf32>, vector<16xi1> -> vector<16xf32>
    %reduce_sum3A_874 = vector.extract %reduce_sum3A_873[15] : f32 from vector<16xf32>
    %get3A_875 = arith.constant 1 : i32
    %get3A_876 = arith.index_cast %get3A_875 : i32 to index
    %get3A_877 = arith.index_cast %mul3A_21 : i32 to index
    %get3A_878 = tpu.vector_load %arg7[%get3A_876, %get3A_877] {strides = array<i32>} : memref<3x256xf32, #tpu.memory_space<vmem>>, vector<16xf32>,
    %jit3A_879 = arith.constant 0.000000e+00 : f32
    %broadcast_in_dim3A_880 = vector.broadcast %jit3A_879 : f32 to vector<16xf32>
    %select_n3A_881 = arith.select %eq3A_863, %get3A_878, %broadcast_in_dim3A_880 : vector<16xi1>, vector<16xf32>
    %reduce_sum3A_882 = arith.constant true
    %reduce_sum3A_883 = vector.broadcast %reduce_sum3A_882 : i1 to vector<16xi1>
    %reduce_sum3A_884 = tpu.scan <sum>, %select_n3A_881 masked %reduce_sum3A_883 : vector<16xf32>, vector<16xi1> -> vector<16xf32>
    %reduce_sum3A_885 = vector.extract %reduce_sum3A_884[15] : f32 from vector<16xf32>
    %get3A_886 = arith.constant 2 : i32
    %get3A_887 = arith.index_cast %get3A_886 : i32 to index
    %get3A_888 = arith.index_cast %mul3A_21 : i32 to index
    %get3A_889 = tpu.vector_load %arg7[%get3A_887, %get3A_888] {strides = array<i32>} : memref<3x256xf32, #tpu.memory_space<vmem>>, vector<16xf32>,
    %jit3A_890 = arith.constant 0.000000e+00 : f32
    %broadcast_in_dim3A_891 = vector.broadcast %jit3A_890 : f32 to vector<16xf32>
    %select_n3A_892 = arith.select %eq3A_863, %get3A_889, %broadcast_in_dim3A_891 : vector<16xi1>, vector<16xf32>
    %reduce_sum3A_893 = arith.constant true
    %reduce_sum3A_894 = vector.broadcast %reduce_sum3A_893 : i1 to vector<16xi1>
    %reduce_sum3A_895 = tpu.scan <sum>, %select_n3A_892 masked %reduce_sum3A_894 : vector<16xf32>, vector<16xi1> -> vector<16xf32>
    %reduce_sum3A_896 = vector.extract %reduce_sum3A_895[15] : f32 from vector<16xf32>
    %broadcast_in_dim3A_897 = arith.constant -3.000000e+38 : f32
    %broadcast_in_dim3A_898 = vector.broadcast %broadcast_in_dim3A_897 : f32 to vector<16xf32>
    %broadcast_in_dim3A_899 = arith.constant 0.000000e+00 : f32
    %broadcast_in_dim3A_900 = vector.broadcast %broadcast_in_dim3A_899 : f32 to vector<16xf32>
    %scan3A_901 = arith.constant 0 : i32
    %scan3A_902 = arith.constant 16 : i32
    %scan3A_903 = arith.addi %scan3A_901, %scan3A_902 : i32
    %scan3A_904 = arith.constant 1 : i32
    %scan3A_905:2 = scf.for %scan3A_1066 = %scan3A_901 to %scan3A_903 step %scan3A_904 iter_args(%scan3A_1067 = %broadcast_in_dim3A_898, %scan3A_1068 = %broadcast_in_dim3A_900) -> (vector<16xf32>, vector<16xf32>)  : i32 {
      %mul3A_1069 = arith.constant 16 : i32
      %mul3A_1070 = arith.muli %scan3A_1066, %mul3A_1069 : i32
      %get3A_1071 = arith.constant 0 : i32
      %get3A_1072 = arith.index_cast %get3A_1071 : i32 to index
      %get3A_1073 = arith.index_cast %mul3A_1070 : i32 to index
      %get3A_1074 = tpu.vector_load %arg9[%get3A_1072, %get3A_1073] {strides = array<i32>} : memref<6x256xf32, #tpu.memory_space<vmem>>, vector<16xf32>,
      %get3A_1075 = arith.constant 1 : i32
      %get3A_1076 = arith.index_cast %get3A_1075 : i32 to index
      %get3A_1077 = arith.index_cast %mul3A_1070 : i32 to index
      %get3A_1078 = tpu.vector_load %arg9[%get3A_1076, %get3A_1077] {strides = array<i32>} : memref<6x256xf32, #tpu.memory_space<vmem>>, vector<16xf32>,
      %get3A_1079 = arith.constant 2 : i32
      %get3A_1080 = arith.index_cast %get3A_1079 : i32 to index
      %get3A_1081 = arith.index_cast %mul3A_1070 : i32 to index
      %get3A_1082 = tpu.vector_load %arg9[%get3A_1080, %get3A_1081] {strides = array<i32>} : memref<6x256xf32, #tpu.memory_space<vmem>>, vector<16xf32>,
      %get3A_1083 = arith.constant 3 : i32
      %get3A_1084 = arith.index_cast %get3A_1083 : i32 to index
      %get3A_1085 = arith.index_cast %mul3A_1070 : i32 to index
      %get3A_1086 = tpu.vector_load %arg9[%get3A_1084, %get3A_1085] {strides = array<i32>} : memref<6x256xf32, #tpu.memory_space<vmem>>, vector<16xf32>,
      %get3A_1087 = arith.constant 4 : i32
      %get3A_1088 = arith.index_cast %get3A_1087 : i32 to index
      %get3A_1089 = arith.index_cast %mul3A_1070 : i32 to index
      %get3A_1090 = tpu.vector_load %arg9[%get3A_1088, %get3A_1089] {strides = array<i32>} : memref<6x256xf32, #tpu.memory_space<vmem>>, vector<16xf32>,
      %get3A_1091 = arith.constant 5 : i32
      %get3A_1092 = arith.index_cast %get3A_1091 : i32 to index
      %get3A_1093 = arith.index_cast %mul3A_1070 : i32 to index
      %get3A_1094 = tpu.vector_load %arg9[%get3A_1092, %get3A_1093] {strides = array<i32>} : memref<6x256xf32, #tpu.memory_space<vmem>>, vector<16xf32>,
      %get3A_1095 = arith.constant 0 : i32
      %get3A_1096 = arith.index_cast %get3A_1095 : i32 to index
      %get3A_1097 = arith.index_cast %mul3A_1070 : i32 to index
      %get3A_1098 = tpu.vector_load %arg7[%get3A_1096, %get3A_1097] {strides = array<i32>} : memref<3x256xf32, #tpu.memory_space<vmem>>, vector<16xf32>,
      %sub3A_1099 = vector.broadcast %reduce_sum3A_874 : f32 to vector<16xf32>
      %sub3A_1100 = arith.subf %sub3A_1099, %get3A_1098 : vector<16xf32>
      %get3A_1101 = arith.constant 1 : i32
      %get3A_1102 = arith.index_cast %get3A_1101 : i32 to index
      %get3A_1103 = arith.index_cast %mul3A_1070 : i32 to index
      %get3A_1104 = tpu.vector_load %arg7[%get3A_1102, %get3A_1103] {strides = array<i32>} : memref<3x256xf32, #tpu.memory_space<vmem>>, vector<16xf32>,
      %sub3A_1105 = vector.broadcast %reduce_sum3A_885 : f32 to vector<16xf32>
      %sub3A_1106 = arith.subf %sub3A_1105, %get3A_1104 : vector<16xf32>
      %get3A_1107 = arith.constant 2 : i32
      %get3A_1108 = arith.index_cast %get3A_1107 : i32 to index
      %get3A_1109 = arith.index_cast %mul3A_1070 : i32 to index
      %get3A_1110 = tpu.vector_load %arg7[%get3A_1108, %get3A_1109] {strides = array<i32>} : memref<3x256xf32, #tpu.memory_space<vmem>>, vector<16xf32>,
      %sub3A_1111 = vector.broadcast %reduce_sum3A_896 : f32 to vector<16xf32>
      %sub3A_1112 = arith.subf %sub3A_1111, %get3A_1110 : vector<16xf32>
      %mul3A_1113 = arith.mulf %get3A_1074, %sub3A_1100 : vector<16xf32>
      %mul3A_1114 = arith.mulf %mul3A_1113, %sub3A_1100 : vector<16xf32>
      %mul3A_1115 = arith.mulf %get3A_1086, %sub3A_1106 : vector<16xf32>
      %mul3A_1116 = arith.mulf %mul3A_1115, %sub3A_1106 : vector<16xf32>
      %add3A_1117 = arith.addf %mul3A_1114, %mul3A_1116 : vector<16xf32>
      %mul3A_1118 = arith.mulf %get3A_1094, %sub3A_1112 : vector<16xf32>
      %mul3A_1119 = arith.mulf %mul3A_1118, %sub3A_1112 : vector<16xf32>
      %add3A_1120 = arith.addf %add3A_1117, %mul3A_1119 : vector<16xf32>
      %mul3A_1121 = arith.mulf %get3A_1078, %sub3A_1100 : vector<16xf32>
      %mul3A_1122 = arith.mulf %mul3A_1121, %sub3A_1106 : vector<16xf32>
      %mul3A_1123 = arith.mulf %get3A_1082, %sub3A_1100 : vector<16xf32>
      %mul3A_1124 = arith.mulf %mul3A_1123, %sub3A_1112 : vector<16xf32>
      %add3A_1125 = arith.addf %mul3A_1122, %mul3A_1124 : vector<16xf32>
      %mul3A_1126 = arith.mulf %get3A_1090, %sub3A_1106 : vector<16xf32>
      %mul3A_1127 = arith.mulf %mul3A_1126, %sub3A_1112 : vector<16xf32>
      %add3A_1128 = arith.addf %add3A_1125, %mul3A_1127 : vector<16xf32>
      %mul3A_1129 = arith.constant 2.000000e+00 : f32
      %mul3A_1130 = vector.broadcast %mul3A_1129 : f32 to vector<16xf32>
      %mul3A_1131 = arith.mulf %mul3A_1130, %add3A_1128 : vector<16xf32>
      %add3A_1132 = arith.addf %add3A_1120, %mul3A_1131 : vector<16xf32>
      %mul3A_1133 = arith.constant -5.000000e-01 : f32
      %mul3A_1134 = vector.broadcast %mul3A_1133 : f32 to vector<16xf32>
      %mul3A_1135 = arith.mulf %mul3A_1134, %add3A_1132 : vector<16xf32>
      %add3A_1136 = vector.broadcast %mul3A_1070 : i32 to vector<16xi32>
      %add3A_1137 = arith.addi %iota3A, %add3A_1136 : vector<16xi32>
      %eq3A_1138 = vector.broadcast %add3A_860 : i32 to vector<16xi32>
      %eq3A_1139 = arith.cmpi eq, %add3A_1137, %eq3A_1138 : vector<16xi32>
      %jit3A_1140 = arith.constant -1.000000e+30 : f32
      %broadcast_in_dim3A_1141 = vector.broadcast %jit3A_1140 : f32 to vector<16xf32>
      %select_n3A_1142 = arith.select %eq3A_1139, %broadcast_in_dim3A_1141, %mul3A_1135 : vector<16xi1>, vector<16xf32>
      %gt3A = arith.cmpf ogt, %select_n3A_1142, %scan3A_1067 : vector<16xf32>
      %select_n3A_1143 = arith.select %gt3A, %select_n3A_1142, %scan3A_1067 : vector<16xi1>, vector<16xf32>
      %convert_element_type3A_1144 = arith.sitofp %add3A_1137 : vector<16xi32> to vector<16xf32>
      %select_n3A_1145 = arith.select %gt3A, %convert_element_type3A_1144, %scan3A_1068 : vector<16xi1>, vector<16xf32>
      scf.yield %select_n3A_1143, %select_n3A_1145 : vector<16xf32>, vector<16xf32>
    }
    %scan3A_906 = arith.constant 16 : i32
    %reduce_max3A_907 = arith.constant true
    %reduce_max3A_908 = vector.broadcast %reduce_max3A_907 : i1 to vector<16xi1>
    %reduce_max3A_909 = tpu.scan <max>, %scan3A_905#0 masked %reduce_max3A_908 : vector<16xf32>, vector<16xi1> -> vector<16xf32>
    %reduce_max3A_910 = vector.extract %reduce_max3A_909[15] : f32 from vector<16xf32>
    %eq3A_911 = vector.broadcast %reduce_max3A_910 : f32 to vector<16xf32>
    %eq3A_912 = arith.cmpf oeq, %scan3A_905#0, %eq3A_911 : vector<16xf32>
    %jit3A_913 = arith.constant 1.000000e+09 : f32
    %broadcast_in_dim3A_914 = vector.broadcast %jit3A_913 : f32 to vector<16xf32>
    %select_n3A_915 = arith.select %eq3A_912, %scan3A_905#1, %broadcast_in_dim3A_914 : vector<16xi1>, vector<16xf32>
    %reduce_min3A_916 = arith.constant true
    %reduce_min3A_917 = vector.broadcast %reduce_min3A_916 : i1 to vector<16xi1>
    %reduce_min3A_918 = tpu.scan <min>, %select_n3A_915 masked %reduce_min3A_917 : vector<16xf32>, vector<16xi1> -> vector<16xf32>
    %reduce_min3A_919 = vector.extract %reduce_min3A_918[15] : f32 from vector<16xf32>
    %convert_element_type3A_920 = arith.fptosi %reduce_min3A_919 : f32 to i32
    %broadcast_in_dim3A_921 = vector.broadcast %convert_element_type3A_920 : i32 to vector<16xi32>
    %select_n3A_922 = arith.select %eq3A_863, %broadcast_in_dim3A_921, %select_n3A_858 : vector<16xi1>, vector<16xi32>
    %add3A_923 = arith.constant 14 : i32
    %add3A_924 = arith.addi %mul3A_21, %add3A_923 : i32
    %eq3A_925 = arith.constant 14 : i32
    %eq3A_926 = vector.broadcast %eq3A_925 : i32 to vector<16xi32>
    %eq3A_927 = arith.cmpi eq, %iota3A, %eq3A_926 : vector<16xi32>
    %get3A_928 = arith.constant 0 : i32
    %get3A_929 = arith.index_cast %get3A_928 : i32 to index
    %get3A_930 = arith.index_cast %mul3A_21 : i32 to index
    %get3A_931 = tpu.vector_load %arg7[%get3A_929, %get3A_930] {strides = array<i32>} : memref<3x256xf32, #tpu.memory_space<vmem>>, vector<16xf32>,
    %jit3A_932 = arith.constant 0.000000e+00 : f32
    %broadcast_in_dim3A_933 = vector.broadcast %jit3A_932 : f32 to vector<16xf32>
    %select_n3A_934 = arith.select %eq3A_927, %get3A_931, %broadcast_in_dim3A_933 : vector<16xi1>, vector<16xf32>
    %reduce_sum3A_935 = arith.constant true
    %reduce_sum3A_936 = vector.broadcast %reduce_sum3A_935 : i1 to vector<16xi1>
    %reduce_sum3A_937 = tpu.scan <sum>, %select_n3A_934 masked %reduce_sum3A_936 : vector<16xf32>, vector<16xi1> -> vector<16xf32>
    %reduce_sum3A_938 = vector.extract %reduce_sum3A_937[15] : f32 from vector<16xf32>
    %get3A_939 = arith.constant 1 : i32
    %get3A_940 = arith.index_cast %get3A_939 : i32 to index
    %get3A_941 = arith.index_cast %mul3A_21 : i32 to index
    %get3A_942 = tpu.vector_load %arg7[%get3A_940, %get3A_941] {strides = array<i32>} : memref<3x256xf32, #tpu.memory_space<vmem>>, vector<16xf32>,
    %jit3A_943 = arith.constant 0.000000e+00 : f32
    %broadcast_in_dim3A_944 = vector.broadcast %jit3A_943 : f32 to vector<16xf32>
    %select_n3A_945 = arith.select %eq3A_927, %get3A_942, %broadcast_in_dim3A_944 : vector<16xi1>, vector<16xf32>
    %reduce_sum3A_946 = arith.constant true
    %reduce_sum3A_947 = vector.broadcast %reduce_sum3A_946 : i1 to vector<16xi1>
    %reduce_sum3A_948 = tpu.scan <sum>, %select_n3A_945 masked %reduce_sum3A_947 : vector<16xf32>, vector<16xi1> -> vector<16xf32>
    %reduce_sum3A_949 = vector.extract %reduce_sum3A_948[15] : f32 from vector<16xf32>
    %get3A_950 = arith.constant 2 : i32
    %get3A_951 = arith.index_cast %get3A_950 : i32 to index
    %get3A_952 = arith.index_cast %mul3A_21 : i32 to index
    %get3A_953 = tpu.vector_load %arg7[%get3A_951, %get3A_952] {strides = array<i32>} : memref<3x256xf32, #tpu.memory_space<vmem>>, vector<16xf32>,
    %jit3A_954 = arith.constant 0.000000e+00 : f32
    %broadcast_in_dim3A_955 = vector.broadcast %jit3A_954 : f32 to vector<16xf32>
    %select_n3A_956 = arith.select %eq3A_927, %get3A_953, %broadcast_in_dim3A_955 : vector<16xi1>, vector<16xf32>
    %reduce_sum3A_957 = arith.constant true
    %reduce_sum3A_958 = vector.broadcast %reduce_sum3A_957 : i1 to vector<16xi1>
    %reduce_sum3A_959 = tpu.scan <sum>, %select_n3A_956 masked %reduce_sum3A_958 : vector<16xf32>, vector<16xi1> -> vector<16xf32>
    %reduce_sum3A_960 = vector.extract %reduce_sum3A_959[15] : f32 from vector<16xf32>
    %broadcast_in_dim3A_961 = arith.constant -3.000000e+38 : f32
    %broadcast_in_dim3A_962 = vector.broadcast %broadcast_in_dim3A_961 : f32 to vector<16xf32>
    %broadcast_in_dim3A_963 = arith.constant 0.000000e+00 : f32
    %broadcast_in_dim3A_964 = vector.broadcast %broadcast_in_dim3A_963 : f32 to vector<16xf32>
    %scan3A_965 = arith.constant 0 : i32
    %scan3A_966 = arith.constant 16 : i32
    %scan3A_967 = arith.addi %scan3A_965, %scan3A_966 : i32
    %scan3A_968 = arith.constant 1 : i32
    %scan3A_969:2 = scf.for %scan3A_1066 = %scan3A_965 to %scan3A_967 step %scan3A_968 iter_args(%scan3A_1067 = %broadcast_in_dim3A_962, %scan3A_1068 = %broadcast_in_dim3A_964) -> (vector<16xf32>, vector<16xf32>)  : i32 {
      %mul3A_1069 = arith.constant 16 : i32
      %mul3A_1070 = arith.muli %scan3A_1066, %mul3A_1069 : i32
      %get3A_1071 = arith.constant 0 : i32
      %get3A_1072 = arith.index_cast %get3A_1071 : i32 to index
      %get3A_1073 = arith.index_cast %mul3A_1070 : i32 to index
      %get3A_1074 = tpu.vector_load %arg9[%get3A_1072, %get3A_1073] {strides = array<i32>} : memref<6x256xf32, #tpu.memory_space<vmem>>, vector<16xf32>,
      %get3A_1075 = arith.constant 1 : i32
      %get3A_1076 = arith.index_cast %get3A_1075 : i32 to index
      %get3A_1077 = arith.index_cast %mul3A_1070 : i32 to index
      %get3A_1078 = tpu.vector_load %arg9[%get3A_1076, %get3A_1077] {strides = array<i32>} : memref<6x256xf32, #tpu.memory_space<vmem>>, vector<16xf32>,
      %get3A_1079 = arith.constant 2 : i32
      %get3A_1080 = arith.index_cast %get3A_1079 : i32 to index
      %get3A_1081 = arith.index_cast %mul3A_1070 : i32 to index
      %get3A_1082 = tpu.vector_load %arg9[%get3A_1080, %get3A_1081] {strides = array<i32>} : memref<6x256xf32, #tpu.memory_space<vmem>>, vector<16xf32>,
      %get3A_1083 = arith.constant 3 : i32
      %get3A_1084 = arith.index_cast %get3A_1083 : i32 to index
      %get3A_1085 = arith.index_cast %mul3A_1070 : i32 to index
      %get3A_1086 = tpu.vector_load %arg9[%get3A_1084, %get3A_1085] {strides = array<i32>} : memref<6x256xf32, #tpu.memory_space<vmem>>, vector<16xf32>,
      %get3A_1087 = arith.constant 4 : i32
      %get3A_1088 = arith.index_cast %get3A_1087 : i32 to index
      %get3A_1089 = arith.index_cast %mul3A_1070 : i32 to index
      %get3A_1090 = tpu.vector_load %arg9[%get3A_1088, %get3A_1089] {strides = array<i32>} : memref<6x256xf32, #tpu.memory_space<vmem>>, vector<16xf32>,
      %get3A_1091 = arith.constant 5 : i32
      %get3A_1092 = arith.index_cast %get3A_1091 : i32 to index
      %get3A_1093 = arith.index_cast %mul3A_1070 : i32 to index
      %get3A_1094 = tpu.vector_load %arg9[%get3A_1092, %get3A_1093] {strides = array<i32>} : memref<6x256xf32, #tpu.memory_space<vmem>>, vector<16xf32>,
      %get3A_1095 = arith.constant 0 : i32
      %get3A_1096 = arith.index_cast %get3A_1095 : i32 to index
      %get3A_1097 = arith.index_cast %mul3A_1070 : i32 to index
      %get3A_1098 = tpu.vector_load %arg7[%get3A_1096, %get3A_1097] {strides = array<i32>} : memref<3x256xf32, #tpu.memory_space<vmem>>, vector<16xf32>,
      %sub3A_1099 = vector.broadcast %reduce_sum3A_938 : f32 to vector<16xf32>
      %sub3A_1100 = arith.subf %sub3A_1099, %get3A_1098 : vector<16xf32>
      %get3A_1101 = arith.constant 1 : i32
      %get3A_1102 = arith.index_cast %get3A_1101 : i32 to index
      %get3A_1103 = arith.index_cast %mul3A_1070 : i32 to index
      %get3A_1104 = tpu.vector_load %arg7[%get3A_1102, %get3A_1103] {strides = array<i32>} : memref<3x256xf32, #tpu.memory_space<vmem>>, vector<16xf32>,
      %sub3A_1105 = vector.broadcast %reduce_sum3A_949 : f32 to vector<16xf32>
      %sub3A_1106 = arith.subf %sub3A_1105, %get3A_1104 : vector<16xf32>
      %get3A_1107 = arith.constant 2 : i32
      %get3A_1108 = arith.index_cast %get3A_1107 : i32 to index
      %get3A_1109 = arith.index_cast %mul3A_1070 : i32 to index
      %get3A_1110 = tpu.vector_load %arg7[%get3A_1108, %get3A_1109] {strides = array<i32>} : memref<3x256xf32, #tpu.memory_space<vmem>>, vector<16xf32>,
      %sub3A_1111 = vector.broadcast %reduce_sum3A_960 : f32 to vector<16xf32>
      %sub3A_1112 = arith.subf %sub3A_1111, %get3A_1110 : vector<16xf32>
      %mul3A_1113 = arith.mulf %get3A_1074, %sub3A_1100 : vector<16xf32>
      %mul3A_1114 = arith.mulf %mul3A_1113, %sub3A_1100 : vector<16xf32>
      %mul3A_1115 = arith.mulf %get3A_1086, %sub3A_1106 : vector<16xf32>
      %mul3A_1116 = arith.mulf %mul3A_1115, %sub3A_1106 : vector<16xf32>
      %add3A_1117 = arith.addf %mul3A_1114, %mul3A_1116 : vector<16xf32>
      %mul3A_1118 = arith.mulf %get3A_1094, %sub3A_1112 : vector<16xf32>
      %mul3A_1119 = arith.mulf %mul3A_1118, %sub3A_1112 : vector<16xf32>
      %add3A_1120 = arith.addf %add3A_1117, %mul3A_1119 : vector<16xf32>
      %mul3A_1121 = arith.mulf %get3A_1078, %sub3A_1100 : vector<16xf32>
      %mul3A_1122 = arith.mulf %mul3A_1121, %sub3A_1106 : vector<16xf32>
      %mul3A_1123 = arith.mulf %get3A_1082, %sub3A_1100 : vector<16xf32>
      %mul3A_1124 = arith.mulf %mul3A_1123, %sub3A_1112 : vector<16xf32>
      %add3A_1125 = arith.addf %mul3A_1122, %mul3A_1124 : vector<16xf32>
      %mul3A_1126 = arith.mulf %get3A_1090, %sub3A_1106 : vector<16xf32>
      %mul3A_1127 = arith.mulf %mul3A_1126, %sub3A_1112 : vector<16xf32>
      %add3A_1128 = arith.addf %add3A_1125, %mul3A_1127 : vector<16xf32>
      %mul3A_1129 = arith.constant 2.000000e+00 : f32
      %mul3A_1130 = vector.broadcast %mul3A_1129 : f32 to vector<16xf32>
      %mul3A_1131 = arith.mulf %mul3A_1130, %add3A_1128 : vector<16xf32>
      %add3A_1132 = arith.addf %add3A_1120, %mul3A_1131 : vector<16xf32>
      %mul3A_1133 = arith.constant -5.000000e-01 : f32
      %mul3A_1134 = vector.broadcast %mul3A_1133 : f32 to vector<16xf32>
      %mul3A_1135 = arith.mulf %mul3A_1134, %add3A_1132 : vector<16xf32>
      %add3A_1136 = vector.broadcast %mul3A_1070 : i32 to vector<16xi32>
      %add3A_1137 = arith.addi %iota3A, %add3A_1136 : vector<16xi32>
      %eq3A_1138 = vector.broadcast %add3A_924 : i32 to vector<16xi32>
      %eq3A_1139 = arith.cmpi eq, %add3A_1137, %eq3A_1138 : vector<16xi32>
      %jit3A_1140 = arith.constant -1.000000e+30 : f32
      %broadcast_in_dim3A_1141 = vector.broadcast %jit3A_1140 : f32 to vector<16xf32>
      %select_n3A_1142 = arith.select %eq3A_1139, %broadcast_in_dim3A_1141, %mul3A_1135 : vector<16xi1>, vector<16xf32>
      %gt3A = arith.cmpf ogt, %select_n3A_1142, %scan3A_1067 : vector<16xf32>
      %select_n3A_1143 = arith.select %gt3A, %select_n3A_1142, %scan3A_1067 : vector<16xi1>, vector<16xf32>
      %convert_element_type3A_1144 = arith.sitofp %add3A_1137 : vector<16xi32> to vector<16xf32>
      %select_n3A_1145 = arith.select %gt3A, %convert_element_type3A_1144, %scan3A_1068 : vector<16xi1>, vector<16xf32>
      scf.yield %select_n3A_1143, %select_n3A_1145 : vector<16xf32>, vector<16xf32>
    }
    %scan3A_970 = arith.constant 16 : i32
    %reduce_max3A_971 = arith.constant true
    %reduce_max3A_972 = vector.broadcast %reduce_max3A_971 : i1 to vector<16xi1>
    %reduce_max3A_973 = tpu.scan <max>, %scan3A_969#0 masked %reduce_max3A_972 : vector<16xf32>, vector<16xi1> -> vector<16xf32>
    %reduce_max3A_974 = vector.extract %reduce_max3A_973[15] : f32 from vector<16xf32>
    %eq3A_975 = vector.broadcast %reduce_max3A_974 : f32 to vector<16xf32>
    %eq3A_976 = arith.cmpf oeq, %scan3A_969#0, %eq3A_975 : vector<16xf32>
    %jit3A_977 = arith.constant 1.000000e+09 : f32
    %broadcast_in_dim3A_978 = vector.broadcast %jit3A_977 : f32 to vector<16xf32>
    %select_n3A_979 = arith.select %eq3A_976, %scan3A_969#1, %broadcast_in_dim3A_978 : vector<16xi1>, vector<16xf32>
    %reduce_min3A_980 = arith.constant true
    %reduce_min3A_981 = vector.broadcast %reduce_min3A_980 : i1 to vector<16xi1>
    %reduce_min3A_982 = tpu.scan <min>, %select_n3A_979 masked %reduce_min3A_981 : vector<16xf32>, vector<16xi1> -> vector<16xf32>
    %reduce_min3A_983 = vector.extract %reduce_min3A_982[15] : f32 from vector<16xf32>
    %convert_element_type3A_984 = arith.fptosi %reduce_min3A_983 : f32 to i32
    %broadcast_in_dim3A_985 = vector.broadcast %convert_element_type3A_984 : i32 to vector<16xi32>
    %select_n3A_986 = arith.select %eq3A_927, %broadcast_in_dim3A_985, %select_n3A_922 : vector<16xi1>, vector<16xi32>
    %add3A_987 = arith.constant 15 : i32
    %add3A_988 = arith.addi %mul3A_21, %add3A_987 : i32
    %eq3A_989 = arith.constant 15 : i32
    %eq3A_990 = vector.broadcast %eq3A_989 : i32 to vector<16xi32>
    %eq3A_991 = arith.cmpi eq, %iota3A, %eq3A_990 : vector<16xi32>
    %get3A_992 = arith.constant 0 : i32
    %get3A_993 = arith.index_cast %get3A_992 : i32 to index
    %get3A_994 = arith.index_cast %mul3A_21 : i32 to index
    %get3A_995 = tpu.vector_load %arg7[%get3A_993, %get3A_994] {strides = array<i32>} : memref<3x256xf32, #tpu.memory_space<vmem>>, vector<16xf32>,
    %jit3A_996 = arith.constant 0.000000e+00 : f32
    %broadcast_in_dim3A_997 = vector.broadcast %jit3A_996 : f32 to vector<16xf32>
    %select_n3A_998 = arith.select %eq3A_991, %get3A_995, %broadcast_in_dim3A_997 : vector<16xi1>, vector<16xf32>
    %reduce_sum3A_999 = arith.constant true
    %reduce_sum3A_1000 = vector.broadcast %reduce_sum3A_999 : i1 to vector<16xi1>
    %reduce_sum3A_1001 = tpu.scan <sum>, %select_n3A_998 masked %reduce_sum3A_1000 : vector<16xf32>, vector<16xi1> -> vector<16xf32>
    %reduce_sum3A_1002 = vector.extract %reduce_sum3A_1001[15] : f32 from vector<16xf32>
    %get3A_1003 = arith.constant 1 : i32
    %get3A_1004 = arith.index_cast %get3A_1003 : i32 to index
    %get3A_1005 = arith.index_cast %mul3A_21 : i32 to index
    %get3A_1006 = tpu.vector_load %arg7[%get3A_1004, %get3A_1005] {strides = array<i32>} : memref<3x256xf32, #tpu.memory_space<vmem>>, vector<16xf32>,
    %jit3A_1007 = arith.constant 0.000000e+00 : f32
    %broadcast_in_dim3A_1008 = vector.broadcast %jit3A_1007 : f32 to vector<16xf32>
    %select_n3A_1009 = arith.select %eq3A_991, %get3A_1006, %broadcast_in_dim3A_1008 : vector<16xi1>, vector<16xf32>
    %reduce_sum3A_1010 = arith.constant true
    %reduce_sum3A_1011 = vector.broadcast %reduce_sum3A_1010 : i1 to vector<16xi1>
    %reduce_sum3A_1012 = tpu.scan <sum>, %select_n3A_1009 masked %reduce_sum3A_1011 : vector<16xf32>, vector<16xi1> -> vector<16xf32>
    %reduce_sum3A_1013 = vector.extract %reduce_sum3A_1012[15] : f32 from vector<16xf32>
    %get3A_1014 = arith.constant 2 : i32
    %get3A_1015 = arith.index_cast %get3A_1014 : i32 to index
    %get3A_1016 = arith.index_cast %mul3A_21 : i32 to index
    %get3A_1017 = tpu.vector_load %arg7[%get3A_1015, %get3A_1016] {strides = array<i32>} : memref<3x256xf32, #tpu.memory_space<vmem>>, vector<16xf32>,
    %jit3A_1018 = arith.constant 0.000000e+00 : f32
    %broadcast_in_dim3A_1019 = vector.broadcast %jit3A_1018 : f32 to vector<16xf32>
    %select_n3A_1020 = arith.select %eq3A_991, %get3A_1017, %broadcast_in_dim3A_1019 : vector<16xi1>, vector<16xf32>
    %reduce_sum3A_1021 = arith.constant true
    %reduce_sum3A_1022 = vector.broadcast %reduce_sum3A_1021 : i1 to vector<16xi1>
    %reduce_sum3A_1023 = tpu.scan <sum>, %select_n3A_1020 masked %reduce_sum3A_1022 : vector<16xf32>, vector<16xi1> -> vector<16xf32>
    %reduce_sum3A_1024 = vector.extract %reduce_sum3A_1023[15] : f32 from vector<16xf32>
    %broadcast_in_dim3A_1025 = arith.constant -3.000000e+38 : f32
    %broadcast_in_dim3A_1026 = vector.broadcast %broadcast_in_dim3A_1025 : f32 to vector<16xf32>
    %broadcast_in_dim3A_1027 = arith.constant 0.000000e+00 : f32
    %broadcast_in_dim3A_1028 = vector.broadcast %broadcast_in_dim3A_1027 : f32 to vector<16xf32>
    %scan3A_1029 = arith.constant 0 : i32
    %scan3A_1030 = arith.constant 16 : i32
    %scan3A_1031 = arith.addi %scan3A_1029, %scan3A_1030 : i32
    %scan3A_1032 = arith.constant 1 : i32
    %scan3A_1033:2 = scf.for %scan3A_1066 = %scan3A_1029 to %scan3A_1031 step %scan3A_1032 iter_args(%scan3A_1067 = %broadcast_in_dim3A_1026, %scan3A_1068 = %broadcast_in_dim3A_1028) -> (vector<16xf32>, vector<16xf32>)  : i32 {
      %mul3A_1069 = arith.constant 16 : i32
      %mul3A_1070 = arith.muli %scan3A_1066, %mul3A_1069 : i32
      %get3A_1071 = arith.constant 0 : i32
      %get3A_1072 = arith.index_cast %get3A_1071 : i32 to index
      %get3A_1073 = arith.index_cast %mul3A_1070 : i32 to index
      %get3A_1074 = tpu.vector_load %arg9[%get3A_1072, %get3A_1073] {strides = array<i32>} : memref<6x256xf32, #tpu.memory_space<vmem>>, vector<16xf32>,
      %get3A_1075 = arith.constant 1 : i32
      %get3A_1076 = arith.index_cast %get3A_1075 : i32 to index
      %get3A_1077 = arith.index_cast %mul3A_1070 : i32 to index
      %get3A_1078 = tpu.vector_load %arg9[%get3A_1076, %get3A_1077] {strides = array<i32>} : memref<6x256xf32, #tpu.memory_space<vmem>>, vector<16xf32>,
      %get3A_1079 = arith.constant 2 : i32
      %get3A_1080 = arith.index_cast %get3A_1079 : i32 to index
      %get3A_1081 = arith.index_cast %mul3A_1070 : i32 to index
      %get3A_1082 = tpu.vector_load %arg9[%get3A_1080, %get3A_1081] {strides = array<i32>} : memref<6x256xf32, #tpu.memory_space<vmem>>, vector<16xf32>,
      %get3A_1083 = arith.constant 3 : i32
      %get3A_1084 = arith.index_cast %get3A_1083 : i32 to index
      %get3A_1085 = arith.index_cast %mul3A_1070 : i32 to index
      %get3A_1086 = tpu.vector_load %arg9[%get3A_1084, %get3A_1085] {strides = array<i32>} : memref<6x256xf32, #tpu.memory_space<vmem>>, vector<16xf32>,
      %get3A_1087 = arith.constant 4 : i32
      %get3A_1088 = arith.index_cast %get3A_1087 : i32 to index
      %get3A_1089 = arith.index_cast %mul3A_1070 : i32 to index
      %get3A_1090 = tpu.vector_load %arg9[%get3A_1088, %get3A_1089] {strides = array<i32>} : memref<6x256xf32, #tpu.memory_space<vmem>>, vector<16xf32>,
      %get3A_1091 = arith.constant 5 : i32
      %get3A_1092 = arith.index_cast %get3A_1091 : i32 to index
      %get3A_1093 = arith.index_cast %mul3A_1070 : i32 to index
      %get3A_1094 = tpu.vector_load %arg9[%get3A_1092, %get3A_1093] {strides = array<i32>} : memref<6x256xf32, #tpu.memory_space<vmem>>, vector<16xf32>,
      %get3A_1095 = arith.constant 0 : i32
      %get3A_1096 = arith.index_cast %get3A_1095 : i32 to index
      %get3A_1097 = arith.index_cast %mul3A_1070 : i32 to index
      %get3A_1098 = tpu.vector_load %arg7[%get3A_1096, %get3A_1097] {strides = array<i32>} : memref<3x256xf32, #tpu.memory_space<vmem>>, vector<16xf32>,
      %sub3A_1099 = vector.broadcast %reduce_sum3A_1002 : f32 to vector<16xf32>
      %sub3A_1100 = arith.subf %sub3A_1099, %get3A_1098 : vector<16xf32>
      %get3A_1101 = arith.constant 1 : i32
      %get3A_1102 = arith.index_cast %get3A_1101 : i32 to index
      %get3A_1103 = arith.index_cast %mul3A_1070 : i32 to index
      %get3A_1104 = tpu.vector_load %arg7[%get3A_1102, %get3A_1103] {strides = array<i32>} : memref<3x256xf32, #tpu.memory_space<vmem>>, vector<16xf32>,
      %sub3A_1105 = vector.broadcast %reduce_sum3A_1013 : f32 to vector<16xf32>
      %sub3A_1106 = arith.subf %sub3A_1105, %get3A_1104 : vector<16xf32>
      %get3A_1107 = arith.constant 2 : i32
      %get3A_1108 = arith.index_cast %get3A_1107 : i32 to index
      %get3A_1109 = arith.index_cast %mul3A_1070 : i32 to index
      %get3A_1110 = tpu.vector_load %arg7[%get3A_1108, %get3A_1109] {strides = array<i32>} : memref<3x256xf32, #tpu.memory_space<vmem>>, vector<16xf32>,
      %sub3A_1111 = vector.broadcast %reduce_sum3A_1024 : f32 to vector<16xf32>
      %sub3A_1112 = arith.subf %sub3A_1111, %get3A_1110 : vector<16xf32>
      %mul3A_1113 = arith.mulf %get3A_1074, %sub3A_1100 : vector<16xf32>
      %mul3A_1114 = arith.mulf %mul3A_1113, %sub3A_1100 : vector<16xf32>
      %mul3A_1115 = arith.mulf %get3A_1086, %sub3A_1106 : vector<16xf32>
      %mul3A_1116 = arith.mulf %mul3A_1115, %sub3A_1106 : vector<16xf32>
      %add3A_1117 = arith.addf %mul3A_1114, %mul3A_1116 : vector<16xf32>
      %mul3A_1118 = arith.mulf %get3A_1094, %sub3A_1112 : vector<16xf32>
      %mul3A_1119 = arith.mulf %mul3A_1118, %sub3A_1112 : vector<16xf32>
      %add3A_1120 = arith.addf %add3A_1117, %mul3A_1119 : vector<16xf32>
      %mul3A_1121 = arith.mulf %get3A_1078, %sub3A_1100 : vector<16xf32>
      %mul3A_1122 = arith.mulf %mul3A_1121, %sub3A_1106 : vector<16xf32>
      %mul3A_1123 = arith.mulf %get3A_1082, %sub3A_1100 : vector<16xf32>
      %mul3A_1124 = arith.mulf %mul3A_1123, %sub3A_1112 : vector<16xf32>
      %add3A_1125 = arith.addf %mul3A_1122, %mul3A_1124 : vector<16xf32>
      %mul3A_1126 = arith.mulf %get3A_1090, %sub3A_1106 : vector<16xf32>
      %mul3A_1127 = arith.mulf %mul3A_1126, %sub3A_1112 : vector<16xf32>
      %add3A_1128 = arith.addf %add3A_1125, %mul3A_1127 : vector<16xf32>
      %mul3A_1129 = arith.constant 2.000000e+00 : f32
      %mul3A_1130 = vector.broadcast %mul3A_1129 : f32 to vector<16xf32>
      %mul3A_1131 = arith.mulf %mul3A_1130, %add3A_1128 : vector<16xf32>
      %add3A_1132 = arith.addf %add3A_1120, %mul3A_1131 : vector<16xf32>
      %mul3A_1133 = arith.constant -5.000000e-01 : f32
      %mul3A_1134 = vector.broadcast %mul3A_1133 : f32 to vector<16xf32>
      %mul3A_1135 = arith.mulf %mul3A_1134, %add3A_1132 : vector<16xf32>
      %add3A_1136 = vector.broadcast %mul3A_1070 : i32 to vector<16xi32>
      %add3A_1137 = arith.addi %iota3A, %add3A_1136 : vector<16xi32>
      %eq3A_1138 = vector.broadcast %add3A_988 : i32 to vector<16xi32>
      %eq3A_1139 = arith.cmpi eq, %add3A_1137, %eq3A_1138 : vector<16xi32>
      %jit3A_1140 = arith.constant -1.000000e+30 : f32
      %broadcast_in_dim3A_1141 = vector.broadcast %jit3A_1140 : f32 to vector<16xf32>
      %select_n3A_1142 = arith.select %eq3A_1139, %broadcast_in_dim3A_1141, %mul3A_1135 : vector<16xi1>, vector<16xf32>
      %gt3A = arith.cmpf ogt, %select_n3A_1142, %scan3A_1067 : vector<16xf32>
      %select_n3A_1143 = arith.select %gt3A, %select_n3A_1142, %scan3A_1067 : vector<16xi1>, vector<16xf32>
      %convert_element_type3A_1144 = arith.sitofp %add3A_1137 : vector<16xi32> to vector<16xf32>
      %select_n3A_1145 = arith.select %gt3A, %convert_element_type3A_1144, %scan3A_1068 : vector<16xi1>, vector<16xf32>
      scf.yield %select_n3A_1143, %select_n3A_1145 : vector<16xf32>, vector<16xf32>
    }
    %scan3A_1034 = arith.constant 16 : i32
    %reduce_max3A_1035 = arith.constant true
    %reduce_max3A_1036 = vector.broadcast %reduce_max3A_1035 : i1 to vector<16xi1>
    %reduce_max3A_1037 = tpu.scan <max>, %scan3A_1033#0 masked %reduce_max3A_1036 : vector<16xf32>, vector<16xi1> -> vector<16xf32>
    %reduce_max3A_1038 = vector.extract %reduce_max3A_1037[15] : f32 from vector<16xf32>
    %eq3A_1039 = vector.broadcast %reduce_max3A_1038 : f32 to vector<16xf32>
    %eq3A_1040 = arith.cmpf oeq, %scan3A_1033#0, %eq3A_1039 : vector<16xf32>
    %jit3A_1041 = arith.constant 1.000000e+09 : f32
    %broadcast_in_dim3A_1042 = vector.broadcast %jit3A_1041 : f32 to vector<16xf32>
    %select_n3A_1043 = arith.select %eq3A_1040, %scan3A_1033#1, %broadcast_in_dim3A_1042 : vector<16xi1>, vector<16xf32>
    %reduce_min3A_1044 = arith.constant true
    %reduce_min3A_1045 = vector.broadcast %reduce_min3A_1044 : i1 to vector<16xi1>
    %reduce_min3A_1046 = tpu.scan <min>, %select_n3A_1043 masked %reduce_min3A_1045 : vector<16xf32>, vector<16xi1> -> vector<16xf32>
    %reduce_min3A_1047 = vector.extract %reduce_min3A_1046[15] : f32 from vector<16xf32>
    %convert_element_type3A_1048 = arith.fptosi %reduce_min3A_1047 : f32 to i32
    %broadcast_in_dim3A_1049 = vector.broadcast %convert_element_type3A_1048 : i32 to vector<16xi32>
    %select_n3A_1050 = arith.select %eq3A_991, %broadcast_in_dim3A_1049, %select_n3A_986 : vector<16xi1>, vector<16xi32>
    %swap3A = arith.constant 0 : index
    %swap3A_1051 = tpu.vector_load %arg12[%swap3A] {strides = array<i32>} : memref<16xi32, #tpu.memory_space<vmem>>, vector<16xi32>,
    tpu.vector_store %arg12[%swap3A], %select_n3A_1050 {strides = array<i32>} : memref<16xi32, #tpu.memory_space<vmem>>, vector<16xi32>,
    %mul3A_1052 = arith.constant 16 : i32
    %mul3A_1053 = arith.muli %add3A, %mul3A_1052 : i32
    "tpu.region"() ({
      %run_scoped3A = tpu.sem_alloc : memref<!tpu.dma_semaphore, #tpu.memory_space<semaphore_mem>>
      %dma_start3A_1066 = tpu.memref_slice %arg5[%mul3A_1053] : memref<512xi32, #tpu.memory_space<hbm>> -> memref<16xi32, #tpu.memory_space<hbm>>
      %dma_start3A_1067 = tpu.memref_slice %arg5[%mul3A_1053] : memref<512xi32, #tpu.memory_space<hbm>> -> memref<16xi32, #tpu.memory_space<hbm>>
      tpu.enqueue_dma source(%arg12 : memref<16xi32, #tpu.memory_space<vmem>>) target(%dma_start3A_1067 : memref<16xi32, #tpu.memory_space<hbm>>) target_semaphore(%run_scoped3A : memref<!tpu.dma_semaphore, #tpu.memory_space<semaphore_mem>>)
      %dma_wait3A_1068 = tpu.memref_slice %arg5[%mul3A_1053] : memref<512xi32, #tpu.memory_space<hbm>> -> memref<16xi32, #tpu.memory_space<hbm>>
      %dma_wait3A_1069 = tpu.memref_slice %arg5[%mul3A_1053] : memref<512xi32, #tpu.memory_space<hbm>> -> memref<16xi32, #tpu.memory_space<hbm>>
      tpu.wait_dma2 semaphore(%run_scoped3A : memref<!tpu.dma_semaphore, #tpu.memory_space<semaphore_mem>>) src(%arg12 : memref<16xi32, #tpu.memory_space<vmem>>) dst(%dma_wait3A_1069 : memref<16xi32, #tpu.memory_space<hbm>>)
      tpu.yield
    }) : () -> ()
    %mul3A_1054 = arith.constant 256 : i32
    %mul3A_1055 = arith.muli %select_n3A, %mul3A_1054 : i32
    %add3A_1056 = vector.broadcast %mul3A_1055 : i32 to vector<16xi32>
    %add3A_1057 = arith.addi %select_n3A_1050, %add3A_1056 : vector<16xi32>
    %swap3A_1058 = arith.constant 0 : index
    %swap3A_1059 = tpu.vector_load %arg10[%swap3A_1058] {strides = array<i32>} : memref<16xi32, #tpu.memory_space<vmem>>, vector<16xi32>,
    tpu.vector_store %arg10[%swap3A_1058], %add3A_1057 {strides = array<i32>} : memref<16xi32, #tpu.memory_space<vmem>>, vector<16xi32>,
    %dma_start3A = arith.constant 0 : i32
    %dma_start3A_1060 = arith.constant 0 : i32
    %dma_start3A_1061 = tpu.memref_slice %arg4[%dma_start3A, %dma_start3A_1060] : memref<512x512xf32, #tpu.memory_space<hbm>> -> memref<512x512xf32, #tpu.memory_space<hbm>>
    tpu.enqueue_indirect_dma source(%dma_start3A_1061 : memref<512x512xf32, #tpu.memory_space<hbm>>) target(%arg11 : memref<16x512xf32, #tpu.memory_space<vmem>>) offsets(%arg10 : memref<16xi32, #tpu.memory_space<vmem>>) semaphore(%arg13 : memref<!tpu.dma_semaphore, #tpu.memory_space<semaphore_mem>>)
    %dma_wait3A = arith.constant 0 : i32
    %dma_wait3A_1062 = arith.constant 0 : i32
    %dma_wait3A_1063 = tpu.memref_slice %arg4[%dma_wait3A, %dma_wait3A_1062] : memref<512x512xf32, #tpu.memory_space<hbm>> -> memref<512x512xf32, #tpu.memory_space<hbm>>
    tpu.wait_indirect_dma semaphore(%arg13 : memref<!tpu.dma_semaphore, #tpu.memory_space<semaphore_mem>>) src(%dma_wait3A_1063 : memref<512x512xf32, #tpu.memory_space<hbm>>) dst(%arg11 : memref<16x512xf32, #tpu.memory_space<vmem>>)
    %mul3A_1064 = arith.constant 16 : i32
    %mul3A_1065 = arith.muli %add3A, %mul3A_1064 : i32
    "tpu.region"() ({
      %run_scoped3A = tpu.sem_alloc : memref<!tpu.dma_semaphore, #tpu.memory_space<semaphore_mem>>
      %dma_start3A_1066 = arith.constant 0 : i32
      %dma_start3A_1067 = tpu.memref_slice %arg6[%mul3A_1065, %dma_start3A_1066] : memref<512x512xf32, #tpu.memory_space<hbm>> -> memref<16x512xf32, #tpu.memory_space<hbm>>
      %dma_start3A_1068 = arith.constant 0 : i32
      %dma_start3A_1069 = tpu.memref_slice %arg6[%mul3A_1065, %dma_start3A_1068] : memref<512x512xf32, #tpu.memory_space<hbm>> -> memref<16x512xf32, #tpu.memory_space<hbm>>
      tpu.enqueue_dma source(%arg11 : memref<16x512xf32, #tpu.memory_space<vmem>>) target(%dma_start3A_1069 : memref<16x512xf32, #tpu.memory_space<hbm>>) target_semaphore(%run_scoped3A : memref<!tpu.dma_semaphore, #tpu.memory_space<semaphore_mem>>)
      %dma_wait3A_1070 = arith.constant 0 : i32
      %dma_wait3A_1071 = tpu.memref_slice %arg6[%mul3A_1065, %dma_wait3A_1070] : memref<512x512xf32, #tpu.memory_space<hbm>> -> memref<16x512xf32, #tpu.memory_space<hbm>>
      %dma_wait3A_1072 = arith.constant 0 : i32
      %dma_wait3A_1073 = tpu.memref_slice %arg6[%mul3A_1065, %dma_wait3A_1072] : memref<512x512xf32, #tpu.memory_space<hbm>> -> memref<16x512xf32, #tpu.memory_space<hbm>>
      tpu.wait_dma2 semaphore(%run_scoped3A : memref<!tpu.dma_semaphore, #tpu.memory_space<semaphore_mem>>) src(%arg11 : memref<16x512xf32, #tpu.memory_space<vmem>>) dst(%dma_wait3A_1073 : memref<16x512xf32, #tpu.memory_space<hbm>>)
      tpu.yield
    }) : () -> ()
    return
  }
}

module attributes {stable_mosaic.version = 14 : i64} {
  func.func @_body(%arg0: i32, %arg1: memref<128x512xf32, #tpu.memory_space<vmem>>, %arg2: memref<128x3xf32, #tpu.memory_space<vmem>>, %arg3: memref<256x3xf32, #tpu.memory_space<vmem>>, %arg4: memref<128x9xf32, #tpu.memory_space<vmem>>, %arg5: memref<256x9xf32, #tpu.memory_space<vmem>>, %arg6: memref<128x1xf32, #tpu.memory_space<vmem>>, %arg7: memref<1024x3xf32, #tpu.memory_space<vmem>>, %arg8: memref<8x512xf32, #tpu.memory_space<vmem>>, %arg9: memref<128x1xi32, #tpu.memory_space<vmem>>, %arg10: memref<128x512xf32, #tpu.memory_space<vmem>>, %arg11: memref<1x512xf32, #tpu.memory_space<vmem>>, %arg12: memref<1x512xf32, #tpu.memory_space<vmem>>, %arg13: memref<512x512xf32, #tpu.memory_space<vmem>>, %arg14: memref<1x512xf32, #tpu.memory_space<vmem>>, %arg15: memref<512x1xf32, #tpu.memory_space<vmem>>, %arg16: memref<1x1xf32, #tpu.memory_space<vmem>>, %arg17: memref<1x512xf32, #tpu.memory_space<vmem>>, %arg18: memref<1x512xf32, #tpu.memory_space<vmem>>, %arg19: memref<512x512xf32, #tpu.memory_space<vmem>>, %arg20: memref<1x512xf32, #tpu.memory_space<vmem>>, %arg21: memref<512x1xf32, #tpu.memory_space<vmem>>, %arg22: memref<1x1xf32, #tpu.memory_space<vmem>>, %arg23: memref<512x3xf32, #tpu.memory_space<vmem>>, %arg24: memref<1x3xf32, #tpu.memory_space<vmem>>, %arg25: memref<1024x512xf32, #tpu.memory_space<vmem>>, %arg26: memref<1024x3xf32, #tpu.memory_space<vmem>>, %arg27: memref<1024x9xf32, #tpu.memory_space<vmem>>, %arg28: memref<1024x1xf32, #tpu.memory_space<vmem>>, %arg29: memref<2x1xf32, #tpu.memory_space<vmem>>, %arg30: memref<1x1xf32, #tpu.memory_space<vmem>>) attributes {dimension_semantics = [#tpu.dimension_semantics<arbitrary>], iteration_bounds = array<i64: 4>, scalar_prefetch = 0 : i64, scratch_operands = 0 : i64, tpu.core_type = #tpu.core_type<tc>, window_params = [{transform_indices = @transform_0, window_bounds = array<i64: 128, 512>}, {transform_indices = @transform_1, window_bounds = array<i64: 128, 3>}, {transform_indices = @transform_2, window_bounds = array<i64: 256, 3>}, {transform_indices = @transform_3, window_bounds = array<i64: 128, 9>}, {transform_indices = @transform_4, window_bounds = array<i64: 256, 9>}, {transform_indices = @transform_5, window_bounds = array<i64: 128, 1>}, {transform_indices = @transform_6, window_bounds = array<i64: 1024, 3>}, {pipeline_mode = #tpu.pipeline_mode<synchronous>, transform_indices = @transform_7, window_bounds = array<i64: 8, 512>}, {transform_indices = @transform_8, window_bounds = array<i64: 128, 1>}, {transform_indices = @transform_9, window_bounds = array<i64: 128, 512>}, {pipeline_mode = #tpu.pipeline_mode<synchronous>, transform_indices = @transform_10, window_bounds = array<i64: 1, 512>}, {pipeline_mode = #tpu.pipeline_mode<synchronous>, transform_indices = @transform_11, window_bounds = array<i64: 1, 512>}, {pipeline_mode = #tpu.pipeline_mode<synchronous>, transform_indices = @transform_12, window_bounds = array<i64: 512, 512>}, {pipeline_mode = #tpu.pipeline_mode<synchronous>, transform_indices = @transform_13, window_bounds = array<i64: 1, 512>}, {pipeline_mode = #tpu.pipeline_mode<synchronous>, transform_indices = @transform_14, window_bounds = array<i64: 512, 1>}, {pipeline_mode = #tpu.pipeline_mode<synchronous>, transform_indices = @transform_15, window_bounds = array<i64: 1, 1>}, {pipeline_mode = #tpu.pipeline_mode<synchronous>, transform_indices = @transform_16, window_bounds = array<i64: 1, 512>}, {pipeline_mode = #tpu.pipeline_mode<synchronous>, transform_indices = @transform_17, window_bounds = array<i64: 1, 512>}, {pipeline_mode = #tpu.pipeline_mode<synchronous>, transform_indices = @transform_18, window_bounds = array<i64: 512, 512>}, {pipeline_mode = #tpu.pipeline_mode<synchronous>, transform_indices = @transform_19, window_bounds = array<i64: 1, 512>}, {pipeline_mode = #tpu.pipeline_mode<synchronous>, transform_indices = @transform_20, window_bounds = array<i64: 512, 1>}, {pipeline_mode = #tpu.pipeline_mode<synchronous>, transform_indices = @transform_21, window_bounds = array<i64: 1, 1>}, {pipeline_mode = #tpu.pipeline_mode<synchronous>, transform_indices = @transform_22, window_bounds = array<i64: 512, 3>}, {pipeline_mode = #tpu.pipeline_mode<synchronous>, transform_indices = @transform_23, window_bounds = array<i64: 1, 3>}, {transform_indices = @transform_24, window_bounds = array<i64: 1024, 512>}, {transform_indices = @transform_25, window_bounds = array<i64: 1024, 3>}, {transform_indices = @transform_26, window_bounds = array<i64: 1024, 9>}, {transform_indices = @transform_27, window_bounds = array<i64: 1024, 1>}, {pipeline_mode = #tpu.pipeline_mode<synchronous>, transform_indices = @transform_28, window_bounds = array<i64: 2, 1>}, {pipeline_mode = #tpu.pipeline_mode<synchronous>, transform_indices = @transform_29, window_bounds = array<i64: 1, 1>}]} {
    %jit3A = arith.constant 2 : i32
    %div3A = arith.divsi %arg0, %jit3A : i32
    %sign3A = arith.constant 0 : i32
    %sign3A_0 = arith.cmpi sgt, %arg0, %sign3A : i32
    %sign3A_1 = arith.extui %sign3A_0 : i1 to i32
    %sign3A_2 = arith.constant 0 : i32
    %sign3A_3 = arith.cmpi slt, %arg0, %sign3A_2 : i32
    %sign3A_4 = arith.extui %sign3A_3 : i1 to i32
    %sign3A_5 = arith.subi %sign3A_1, %sign3A_4 : i32
    %sign3A_6 = arith.constant 0 : i32
    %sign3A_7 = arith.cmpi sgt, %jit3A, %sign3A_6 : i32
    %sign3A_8 = arith.extui %sign3A_7 : i1 to i32
    %sign3A_9 = arith.constant 0 : i32
    %sign3A_10 = arith.cmpi slt, %jit3A, %sign3A_9 : i32
    %sign3A_11 = arith.extui %sign3A_10 : i1 to i32
    %sign3A_12 = arith.subi %sign3A_8, %sign3A_11 : i32
    %ne3A = arith.cmpi ne, %sign3A_5, %sign3A_12 : i32
    %rem3A = arith.remsi %arg0, %jit3A : i32
    %ne3A_13 = arith.constant 0 : i32
    %ne3A_14 = arith.cmpi ne, %rem3A, %ne3A_13 : i32
    %and3A = arith.andi %ne3A, %ne3A_14 : i1
    %sub3A = arith.constant 1 : i32
    %sub3A_15 = arith.subi %div3A, %sub3A : i32
    %select_n3A = arith.select %and3A, %sub3A_15, %div3A : i32
    %get3A = arith.constant 0 : index
    %get3A_16 = arith.constant 0 : index
    %get3A_17 = vector.load %arg1[%get3A, %get3A_16] : memref<128x512xf32, #tpu.memory_space<vmem>>, vector<128x512xf32>
    %get3A_18 = arith.constant 0 : index
    %get3A_19 = arith.constant 0 : index
    %get3A_20 = vector.load %arg2[%get3A_18, %get3A_19] : memref<128x3xf32, #tpu.memory_space<vmem>>, vector<128x3xf32>
    %get3A_21 = arith.constant 0 : index
    %get3A_22 = arith.constant 0 : index
    %get3A_23 = vector.load %arg3[%get3A_21, %get3A_22] : memref<256x3xf32, #tpu.memory_space<vmem>>, vector<256x3xf32>
    %get3A_24 = arith.constant 0 : index
    %get3A_25 = arith.constant 0 : index
    %get3A_26 = vector.load %arg4[%get3A_24, %get3A_25] : memref<128x9xf32, #tpu.memory_space<vmem>>, vector<128x9xf32>
    %get3A_27 = arith.constant 0 : index
    %get3A_28 = arith.constant 0 : index
    %get3A_29 = vector.load %arg5[%get3A_27, %get3A_28] : memref<256x9xf32, #tpu.memory_space<vmem>>, vector<256x9xf32>
    %get3A_30 = arith.constant 0 : index
    %get3A_31 = arith.constant 0 : index
    %get3A_32 = vector.load %arg6[%get3A_30, %get3A_31] : memref<128x1xf32, #tpu.memory_space<vmem>>, vector<128x1xf32>
    %get3A_33 = arith.constant 0 : index
    %get3A_34 = arith.constant 0 : index
    %get3A_35 = vector.load %arg7[%get3A_33, %get3A_34] : memref<1024x3xf32, #tpu.memory_space<vmem>>, vector<1024x3xf32>
    %get3A_36 = arith.constant 0 : index
    %get3A_37 = arith.constant 0 : index
    %get3A_38 = vector.load %arg8[%get3A_36, %get3A_37] : memref<8x512xf32, #tpu.memory_space<vmem>>, vector<8x512xf32>
    %get3A_39 = arith.constant 0 : index
    %get3A_40 = arith.constant 0 : index
    %get3A_41 = vector.load %arg9[%get3A_39, %get3A_40] : memref<128x1xi32, #tpu.memory_space<vmem>>, vector<128x1xi32>
    %get3A_42 = arith.constant 0 : index
    %get3A_43 = arith.constant 0 : index
    %get3A_44 = vector.load %arg10[%get3A_42, %get3A_43] : memref<128x512xf32, #tpu.memory_space<vmem>>, vector<128x512xf32>
    %get3A_45 = arith.constant 0 : index
    %get3A_46 = arith.constant 0 : index
    %get3A_47 = vector.load %arg11[%get3A_45, %get3A_46] : memref<1x512xf32, #tpu.memory_space<vmem>>, vector<1x512xf32>
    %get3A_48 = arith.constant 0 : index
    %get3A_49 = arith.constant 0 : index
    %get3A_50 = vector.load %arg12[%get3A_48, %get3A_49] : memref<1x512xf32, #tpu.memory_space<vmem>>, vector<1x512xf32>
    %get3A_51 = arith.constant 0 : index
    %get3A_52 = arith.constant 0 : index
    %get3A_53 = vector.load %arg13[%get3A_51, %get3A_52] : memref<512x512xf32, #tpu.memory_space<vmem>>, vector<512x512xf32>
    %get3A_54 = arith.constant 0 : index
    %get3A_55 = arith.constant 0 : index
    %get3A_56 = vector.load %arg14[%get3A_54, %get3A_55] : memref<1x512xf32, #tpu.memory_space<vmem>>, vector<1x512xf32>
    %get3A_57 = arith.constant 0 : index
    %get3A_58 = arith.constant 0 : index
    %get3A_59 = vector.load %arg15[%get3A_57, %get3A_58] : memref<512x1xf32, #tpu.memory_space<vmem>>, vector<512x1xf32>
    %get3A_60 = arith.constant 0 : index
    %get3A_61 = arith.constant 0 : index
    %get3A_62 = vector.load %arg16[%get3A_60, %get3A_61] : memref<1x1xf32, #tpu.memory_space<vmem>>, vector<1x1xf32>
    %get3A_63 = arith.constant 0 : index
    %get3A_64 = arith.constant 0 : index
    %get3A_65 = vector.load %arg17[%get3A_63, %get3A_64] : memref<1x512xf32, #tpu.memory_space<vmem>>, vector<1x512xf32>
    %get3A_66 = arith.constant 0 : index
    %get3A_67 = arith.constant 0 : index
    %get3A_68 = vector.load %arg18[%get3A_66, %get3A_67] : memref<1x512xf32, #tpu.memory_space<vmem>>, vector<1x512xf32>
    %get3A_69 = arith.constant 0 : index
    %get3A_70 = arith.constant 0 : index
    %get3A_71 = vector.load %arg19[%get3A_69, %get3A_70] : memref<512x512xf32, #tpu.memory_space<vmem>>, vector<512x512xf32>
    %get3A_72 = arith.constant 0 : index
    %get3A_73 = arith.constant 0 : index
    %get3A_74 = vector.load %arg20[%get3A_72, %get3A_73] : memref<1x512xf32, #tpu.memory_space<vmem>>, vector<1x512xf32>
    %get3A_75 = arith.constant 0 : index
    %get3A_76 = arith.constant 0 : index
    %get3A_77 = vector.load %arg21[%get3A_75, %get3A_76] : memref<512x1xf32, #tpu.memory_space<vmem>>, vector<512x1xf32>
    %get3A_78 = arith.constant 0 : index
    %get3A_79 = arith.constant 0 : index
    %get3A_80 = vector.load %arg22[%get3A_78, %get3A_79] : memref<1x1xf32, #tpu.memory_space<vmem>>, vector<1x1xf32>
    %get3A_81 = arith.constant 0 : index
    %get3A_82 = arith.constant 0 : index
    %get3A_83 = vector.load %arg23[%get3A_81, %get3A_82] : memref<512x3xf32, #tpu.memory_space<vmem>>, vector<512x3xf32>
    %get3A_84 = arith.constant 0 : index
    %get3A_85 = arith.constant 0 : index
    %get3A_86 = vector.load %arg24[%get3A_84, %get3A_85] : memref<1x3xf32, #tpu.memory_space<vmem>>, vector<1x3xf32>
    %iota3A = tpu.iota {dimensions = array<i32: 1>} : vector<128x256xi32>
    %eq3A = vector.broadcast %get3A_41 : vector<128x1xi32> to vector<128x256xi32>
    %eq3A_87 = arith.cmpi eq, %iota3A, %eq3A : vector<128x256xi32>
    %jit3A_88 = arith.constant 1.000000e+00 : f32
    %jit3A_89 = arith.constant 0.000000e+00 : f32
    %broadcast_in_dim3A = vector.broadcast %jit3A_88 : f32 to vector<128x256xf32>
    %broadcast_in_dim3A_90 = vector.broadcast %jit3A_89 : f32 to vector<128x256xf32>
    %select_n3A_91 = arith.select %eq3A_87, %broadcast_in_dim3A, %broadcast_in_dim3A_90 : vector<128x256xi1>, vector<128x256xf32>
    %dot_general3A = arith.constant dense<0.000000e+00> : vector<128x3xf32>
    %dot_general3A_92 = tpu.matmul %select_n3A_91, %get3A_23, %dot_general3A {dimension_numbers = #tpu.dot_dimension_numbers<[1], [0], [0], [1], [0, 0, 1, 1], [], []>, precision = #tpu.contract_precision<fp32>, transpose_lhs_hint = false} : vector<128x256xf32>, vector<256x3xf32>, vector<128x3xf32> -> vector<128x3xf32>
    %dot_general3A_93 = arith.constant dense<0.000000e+00> : vector<128x9xf32>
    %dot_general3A_94 = tpu.matmul %select_n3A_91, %get3A_29, %dot_general3A_93 {dimension_numbers = #tpu.dot_dimension_numbers<[1], [0], [0], [1], [0, 0, 1, 1], [], []>, precision = #tpu.contract_precision<fp32>, transpose_lhs_hint = false} : vector<128x256xf32>, vector<256x9xf32>, vector<128x9xf32> -> vector<128x9xf32>
    %slice3A = vector.extract_strided_slice %get3A_26 {offsets = [0, 0], sizes = [128, 1], strides = [1, 1]} : vector<128x9xf32> to vector<128x1xf32>
    %slice3A_95 = vector.extract_strided_slice %get3A_26 {offsets = [0, 1], sizes = [128, 1], strides = [1, 1]} : vector<128x9xf32> to vector<128x1xf32>
    %slice3A_96 = vector.extract_strided_slice %get3A_26 {offsets = [0, 2], sizes = [128, 1], strides = [1, 1]} : vector<128x9xf32> to vector<128x1xf32>
    %slice3A_97 = vector.extract_strided_slice %get3A_26 {offsets = [0, 4], sizes = [128, 1], strides = [1, 1]} : vector<128x9xf32> to vector<128x1xf32>
    %slice3A_98 = vector.extract_strided_slice %get3A_26 {offsets = [0, 5], sizes = [128, 1], strides = [1, 1]} : vector<128x9xf32> to vector<128x1xf32>
    %slice3A_99 = vector.extract_strided_slice %get3A_26 {offsets = [0, 8], sizes = [128, 1], strides = [1, 1]} : vector<128x9xf32> to vector<128x1xf32>
    %mul3A = arith.mulf %slice3A_97, %slice3A_99 : vector<128x1xf32>
    %mul3A_100 = arith.mulf %slice3A_98, %slice3A_98 : vector<128x1xf32>
    %sub3A_101 = arith.subf %mul3A, %mul3A_100 : vector<128x1xf32>
    %mul3A_102 = arith.mulf %slice3A_96, %slice3A_98 : vector<128x1xf32>
    %mul3A_103 = arith.mulf %slice3A_95, %slice3A_99 : vector<128x1xf32>
    %sub3A_104 = arith.subf %mul3A_102, %mul3A_103 : vector<128x1xf32>
    %mul3A_105 = arith.mulf %slice3A_95, %slice3A_98 : vector<128x1xf32>
    %mul3A_106 = arith.mulf %slice3A_96, %slice3A_97 : vector<128x1xf32>
    %sub3A_107 = arith.subf %mul3A_105, %mul3A_106 : vector<128x1xf32>
    %mul3A_108 = arith.mulf %slice3A, %slice3A_99 : vector<128x1xf32>
    %mul3A_109 = arith.mulf %slice3A_96, %slice3A_96 : vector<128x1xf32>
    %sub3A_110 = arith.subf %mul3A_108, %mul3A_109 : vector<128x1xf32>
    %mul3A_111 = arith.mulf %slice3A_95, %slice3A_96 : vector<128x1xf32>
    %mul3A_112 = arith.mulf %slice3A, %slice3A_98 : vector<128x1xf32>
    %sub3A_113 = arith.subf %mul3A_111, %mul3A_112 : vector<128x1xf32>
    %mul3A_114 = arith.mulf %slice3A, %slice3A_97 : vector<128x1xf32>
    %mul3A_115 = arith.mulf %slice3A_95, %slice3A_95 : vector<128x1xf32>
    %sub3A_116 = arith.subf %mul3A_114, %mul3A_115 : vector<128x1xf32>
    %mul3A_117 = arith.mulf %slice3A, %sub3A_101 : vector<128x1xf32>
    %mul3A_118 = arith.mulf %slice3A_95, %sub3A_104 : vector<128x1xf32>
    %add3A = arith.addf %mul3A_117, %mul3A_118 : vector<128x1xf32>
    %mul3A_119 = arith.mulf %slice3A_96, %sub3A_107 : vector<128x1xf32>
    %add3A_120 = arith.addf %add3A, %mul3A_119 : vector<128x1xf32>
    %div3A_121 = arith.constant 1.000000e+00 : f32
    %div3A_122 = vector.broadcast %div3A_121 : f32 to vector<128x1xf32>
    %div3A_123 = arith.divf %div3A_122, %add3A_120 : vector<128x1xf32>
    %mul3A_124 = arith.mulf %sub3A_101, %div3A_123 : vector<128x1xf32>
    %mul3A_125 = arith.mulf %sub3A_104, %div3A_123 : vector<128x1xf32>
    %mul3A_126 = arith.mulf %sub3A_107, %div3A_123 : vector<128x1xf32>
    %mul3A_127 = arith.mulf %sub3A_110, %div3A_123 : vector<128x1xf32>
    %mul3A_128 = arith.mulf %sub3A_113, %div3A_123 : vector<128x1xf32>
    %mul3A_129 = arith.mulf %sub3A_116, %div3A_123 : vector<128x1xf32>
    %slice3A_130 = vector.extract_strided_slice %dot_general3A_94 {offsets = [0, 0], sizes = [128, 1], strides = [1, 1]} : vector<128x9xf32> to vector<128x1xf32>
    %slice3A_131 = vector.extract_strided_slice %dot_general3A_94 {offsets = [0, 1], sizes = [128, 1], strides = [1, 1]} : vector<128x9xf32> to vector<128x1xf32>
    %slice3A_132 = vector.extract_strided_slice %dot_general3A_94 {offsets = [0, 2], sizes = [128, 1], strides = [1, 1]} : vector<128x9xf32> to vector<128x1xf32>
    %slice3A_133 = vector.extract_strided_slice %dot_general3A_94 {offsets = [0, 4], sizes = [128, 1], strides = [1, 1]} : vector<128x9xf32> to vector<128x1xf32>
    %slice3A_134 = vector.extract_strided_slice %dot_general3A_94 {offsets = [0, 5], sizes = [128, 1], strides = [1, 1]} : vector<128x9xf32> to vector<128x1xf32>
    %slice3A_135 = vector.extract_strided_slice %dot_general3A_94 {offsets = [0, 8], sizes = [128, 1], strides = [1, 1]} : vector<128x9xf32> to vector<128x1xf32>
    %mul3A_136 = arith.mulf %slice3A_133, %slice3A_135 : vector<128x1xf32>
    %mul3A_137 = arith.mulf %slice3A_134, %slice3A_134 : vector<128x1xf32>
    %sub3A_138 = arith.subf %mul3A_136, %mul3A_137 : vector<128x1xf32>
    %mul3A_139 = arith.mulf %slice3A_132, %slice3A_134 : vector<128x1xf32>
    %mul3A_140 = arith.mulf %slice3A_131, %slice3A_135 : vector<128x1xf32>
    %sub3A_141 = arith.subf %mul3A_139, %mul3A_140 : vector<128x1xf32>
    %mul3A_142 = arith.mulf %slice3A_131, %slice3A_134 : vector<128x1xf32>
    %mul3A_143 = arith.mulf %slice3A_132, %slice3A_133 : vector<128x1xf32>
    %sub3A_144 = arith.subf %mul3A_142, %mul3A_143 : vector<128x1xf32>
    %mul3A_145 = arith.mulf %slice3A_130, %slice3A_135 : vector<128x1xf32>
    %mul3A_146 = arith.mulf %slice3A_132, %slice3A_132 : vector<128x1xf32>
    %sub3A_147 = arith.subf %mul3A_145, %mul3A_146 : vector<128x1xf32>
    %mul3A_148 = arith.mulf %slice3A_131, %slice3A_132 : vector<128x1xf32>
    %mul3A_149 = arith.mulf %slice3A_130, %slice3A_134 : vector<128x1xf32>
    %sub3A_150 = arith.subf %mul3A_148, %mul3A_149 : vector<128x1xf32>
    %mul3A_151 = arith.mulf %slice3A_130, %slice3A_133 : vector<128x1xf32>
    %mul3A_152 = arith.mulf %slice3A_131, %slice3A_131 : vector<128x1xf32>
    %sub3A_153 = arith.subf %mul3A_151, %mul3A_152 : vector<128x1xf32>
    %mul3A_154 = arith.mulf %slice3A_130, %sub3A_138 : vector<128x1xf32>
    %mul3A_155 = arith.mulf %slice3A_131, %sub3A_141 : vector<128x1xf32>
    %add3A_156 = arith.addf %mul3A_154, %mul3A_155 : vector<128x1xf32>
    %mul3A_157 = arith.mulf %slice3A_132, %sub3A_144 : vector<128x1xf32>
    %add3A_158 = arith.addf %add3A_156, %mul3A_157 : vector<128x1xf32>
    %div3A_159 = arith.constant 1.000000e+00 : f32
    %div3A_160 = vector.broadcast %div3A_159 : f32 to vector<128x1xf32>
    %div3A_161 = arith.divf %div3A_160, %add3A_158 : vector<128x1xf32>
    %mul3A_162 = arith.mulf %sub3A_138, %div3A_161 : vector<128x1xf32>
    %mul3A_163 = arith.mulf %sub3A_141, %div3A_161 : vector<128x1xf32>
    %mul3A_164 = arith.mulf %sub3A_144, %div3A_161 : vector<128x1xf32>
    %mul3A_165 = arith.mulf %sub3A_147, %div3A_161 : vector<128x1xf32>
    %mul3A_166 = arith.mulf %sub3A_150, %div3A_161 : vector<128x1xf32>
    %mul3A_167 = arith.mulf %sub3A_153, %div3A_161 : vector<128x1xf32>
    %add3A_168 = arith.constant 9.99999997E-7 : f32
    %add3A_169 = vector.broadcast %add3A_168 : f32 to vector<128x1xf32>
    %add3A_170 = arith.addf %slice3A, %add3A_169 : vector<128x1xf32>
    %add3A_171 = arith.constant 9.99999997E-7 : f32
    %add3A_172 = vector.broadcast %add3A_171 : f32 to vector<128x1xf32>
    %add3A_173 = arith.addf %slice3A_97, %add3A_172 : vector<128x1xf32>
    %add3A_174 = arith.constant 9.99999997E-7 : f32
    %add3A_175 = vector.broadcast %add3A_174 : f32 to vector<128x1xf32>
    %add3A_176 = arith.addf %slice3A_99, %add3A_175 : vector<128x1xf32>
    %sqrt3A = math.sqrt %add3A_170 : vector<128x1xf32>
    %div3A_177 = arith.divf %slice3A_95, %sqrt3A : vector<128x1xf32>
    %div3A_178 = arith.divf %slice3A_96, %sqrt3A : vector<128x1xf32>
    %mul3A_179 = arith.mulf %div3A_177, %div3A_177 : vector<128x1xf32>
    %sub3A_180 = arith.subf %add3A_173, %mul3A_179 : vector<128x1xf32>
    %sqrt3A_181 = math.sqrt %sub3A_180 : vector<128x1xf32>
    %mul3A_182 = arith.mulf %div3A_178, %div3A_177 : vector<128x1xf32>
    %sub3A_183 = arith.subf %slice3A_98, %mul3A_182 : vector<128x1xf32>
    %div3A_184 = arith.divf %sub3A_183, %sqrt3A_181 : vector<128x1xf32>
    %mul3A_185 = arith.mulf %div3A_178, %div3A_178 : vector<128x1xf32>
    %sub3A_186 = arith.subf %add3A_176, %mul3A_185 : vector<128x1xf32>
    %mul3A_187 = arith.mulf %div3A_184, %div3A_184 : vector<128x1xf32>
    %sub3A_188 = arith.subf %sub3A_186, %mul3A_187 : vector<128x1xf32>
    %sqrt3A_189 = math.sqrt %sub3A_188 : vector<128x1xf32>
    %reduce_sum3A = arith.constant dense<0.000000e+00> : vector<128xf32>
    %reduce_sum3A_190 = vector.multi_reduction <add>, %get3A_17, %reduce_sum3A [1] : vector<128x512xf32> to vector<128xf32>
    %broadcast_in_dim3A_191 = vector.shape_cast %reduce_sum3A_190 : vector<128xf32> to vector<128x1xf32>
    %div3A_192 = arith.constant 5.120000e+02 : f32
    %div3A_193 = vector.broadcast %div3A_192 : f32 to vector<128x1xf32>
    %div3A_194 = arith.divf %broadcast_in_dim3A_191, %div3A_193 : vector<128x1xf32>
    %sub3A_195 = vector.broadcast %div3A_194 : vector<128x1xf32> to vector<128x512xf32>
    %sub3A_196 = arith.subf %get3A_17, %sub3A_195 : vector<128x512xf32>
    %integer_pow3A = arith.mulf %sub3A_196, %sub3A_196 : vector<128x512xf32>
    %reduce_sum3A_197 = arith.constant dense<0.000000e+00> : vector<128xf32>
    %reduce_sum3A_198 = vector.multi_reduction <add>, %integer_pow3A, %reduce_sum3A_197 [1] : vector<128x512xf32> to vector<128xf32>
    %broadcast_in_dim3A_199 = vector.shape_cast %reduce_sum3A_198 : vector<128xf32> to vector<128x1xf32>
    %div3A_200 = arith.constant 5.120000e+02 : f32
    %div3A_201 = vector.broadcast %div3A_200 : f32 to vector<128x1xf32>
    %div3A_202 = arith.divf %broadcast_in_dim3A_199, %div3A_201 : vector<128x1xf32>
    %sub3A_203 = vector.broadcast %div3A_194 : vector<128x1xf32> to vector<128x512xf32>
    %sub3A_204 = arith.subf %get3A_17, %sub3A_203 : vector<128x512xf32>
    %add3A_205 = arith.constant 9.99999974E-6 : f32
    %add3A_206 = vector.broadcast %add3A_205 : f32 to vector<128x1xf32>
    %add3A_207 = arith.addf %div3A_202, %add3A_206 : vector<128x1xf32>
    %sqrt3A_208 = math.sqrt %add3A_207 : vector<128x1xf32>
    %div3A_209 = vector.broadcast %sqrt3A_208 : vector<128x1xf32> to vector<128x512xf32>
    %div3A_210 = arith.divf %sub3A_204, %div3A_209 : vector<128x512xf32>
    %mul3A_211 = vector.broadcast %get3A_65 : vector<1x512xf32> to vector<128x512xf32>
    %mul3A_212 = arith.mulf %div3A_210, %mul3A_211 : vector<128x512xf32>
    %add3A_213 = vector.broadcast %get3A_68 : vector<1x512xf32> to vector<128x512xf32>
    %add3A_214 = arith.addf %mul3A_212, %add3A_213 : vector<128x512xf32>
    %dot_general3A_215 = arith.constant dense<0.000000e+00> : vector<128x512xf32>
    %dot_general3A_216 = tpu.matmul %add3A_214, %get3A_71, %dot_general3A_215 {dimension_numbers = #tpu.dot_dimension_numbers<[1], [0], [0], [1], [0, 0, 1, 1], [], []>, transpose_lhs_hint = false} : vector<128x512xf32>, vector<512x512xf32>, vector<128x512xf32> -> vector<128x512xf32>
    %add3A_217 = vector.broadcast %get3A_74 : vector<1x512xf32> to vector<128x512xf32>
    %add3A_218 = arith.addf %dot_general3A_216, %add3A_217 : vector<128x512xf32>
    %neg3A = arith.constant 0.000000e+00 : f32
    %neg3A_219 = vector.broadcast %neg3A : f32 to vector<128x512xf32>
    %neg3A_220 = arith.subf %neg3A_219, %add3A_218 : vector<128x512xf32>
    %exp3A = math.exp %neg3A_220 : vector<128x512xf32>
    %add3A_221 = arith.constant 1.000000e+00 : f32
    %add3A_222 = vector.broadcast %add3A_221 : f32 to vector<128x512xf32>
    %add3A_223 = arith.addf %add3A_222, %exp3A : vector<128x512xf32>
    %div3A_224 = arith.constant 1.000000e+00 : f32
    %div3A_225 = vector.broadcast %div3A_224 : f32 to vector<128x512xf32>
    %div3A_226 = arith.divf %div3A_225, %add3A_223 : vector<128x512xf32>
    %mul3A_227 = arith.mulf %add3A_218, %div3A_226 : vector<128x512xf32>
    %dot_general3A_228 = arith.constant dense<0.000000e+00> : vector<128x1xf32>
    %dot_general3A_229 = tpu.matmul %mul3A_227, %get3A_77, %dot_general3A_228 {dimension_numbers = #tpu.dot_dimension_numbers<[1], [0], [0], [1], [0, 0, 1, 1], [], []>, transpose_lhs_hint = false} : vector<128x512xf32>, vector<512x1xf32>, vector<128x1xf32> -> vector<128x1xf32>
    %add3A_230 = vector.broadcast %get3A_80 : vector<1x1xf32> to vector<128x1xf32>
    %add3A_231 = arith.addf %dot_general3A_229, %add3A_230 : vector<128x1xf32>
    %max3A = arith.constant 0.000000e+00 : f32
    %max3A_232 = vector.broadcast %max3A : f32 to vector<128x1xf32>
    %max3A_233 = arith.maximumf %add3A_231, %max3A_232 : vector<128x1xf32>
    %abs3A = math.absf %add3A_231 : vector<128x1xf32>
    %neg3A_234 = arith.constant 0.000000e+00 : f32
    %neg3A_235 = vector.broadcast %neg3A_234 : f32 to vector<128x1xf32>
    %neg3A_236 = arith.subf %neg3A_235, %abs3A : vector<128x1xf32>
    %exp3A_237 = math.exp %neg3A_236 : vector<128x1xf32>
    %add3A_238 = arith.constant 1.000000e+00 : f32
    %add3A_239 = vector.broadcast %add3A_238 : f32 to vector<128x1xf32>
    %add3A_240 = arith.addf %add3A_239, %exp3A_237 : vector<128x1xf32>
    %log3A = math.log %add3A_240 : vector<128x1xf32>
    %add3A_241 = arith.addf %max3A_233, %log3A : vector<128x1xf32>
    %add3A_242 = arith.constant 9.99999993E-9 : f32
    %add3A_243 = vector.broadcast %add3A_242 : f32 to vector<128x1xf32>
    %add3A_244 = arith.addf %add3A_241, %add3A_243 : vector<128x1xf32>
    %log3A_245 = math.log %add3A_244 : vector<128x1xf32>
    %broadcast_in_dim3A_246 = vector.shape_cast %get3A_17 : vector<128x512xf32> to vector<128x1x512xf32>
    %broadcast_in_dim3A_247 = vector.shape_cast %get3A_38 : vector<8x512xf32> to vector<1x8x512xf32>
    %add3A_248 = vector.broadcast %broadcast_in_dim3A_246 : vector<128x1x512xf32> to vector<128x8x512xf32>
    %add3A_249 = vector.broadcast %broadcast_in_dim3A_247 : vector<1x8x512xf32> to vector<128x8x512xf32>
    %add3A_250 = arith.addf %add3A_248, %add3A_249 : vector<128x8x512xf32>
    %reshape3A = vector.shape_cast %add3A_250 : vector<128x8x512xf32> to vector<1024x512xf32>
    %reduce_sum3A_251 = arith.constant dense<0.000000e+00> : vector<1024xf32>
    %reduce_sum3A_252 = vector.multi_reduction <add>, %reshape3A, %reduce_sum3A_251 [1] : vector<1024x512xf32> to vector<1024xf32>
    %broadcast_in_dim3A_253 = vector.shape_cast %reduce_sum3A_252 : vector<1024xf32> to vector<1024x1xf32>
    %div3A_254 = arith.constant 5.120000e+02 : f32
    %div3A_255 = vector.broadcast %div3A_254 : f32 to vector<1024x1xf32>
    %div3A_256 = arith.divf %broadcast_in_dim3A_253, %div3A_255 : vector<1024x1xf32>
    %sub3A_257 = vector.broadcast %div3A_256 : vector<1024x1xf32> to vector<1024x512xf32>
    %sub3A_258 = arith.subf %reshape3A, %sub3A_257 : vector<1024x512xf32>
    %integer_pow3A_259 = arith.mulf %sub3A_258, %sub3A_258 : vector<1024x512xf32>
    %reduce_sum3A_260 = arith.constant dense<0.000000e+00> : vector<1024xf32>
    %reduce_sum3A_261 = vector.multi_reduction <add>, %integer_pow3A_259, %reduce_sum3A_260 [1] : vector<1024x512xf32> to vector<1024xf32>
    %broadcast_in_dim3A_262 = vector.shape_cast %reduce_sum3A_261 : vector<1024xf32> to vector<1024x1xf32>
    %div3A_263 = arith.constant 5.120000e+02 : f32
    %div3A_264 = vector.broadcast %div3A_263 : f32 to vector<1024x1xf32>
    %div3A_265 = arith.divf %broadcast_in_dim3A_262, %div3A_264 : vector<1024x1xf32>
    %sub3A_266 = vector.broadcast %div3A_256 : vector<1024x1xf32> to vector<1024x512xf32>
    %sub3A_267 = arith.subf %reshape3A, %sub3A_266 : vector<1024x512xf32>
    %add3A_268 = arith.constant 9.99999974E-6 : f32
    %add3A_269 = vector.broadcast %add3A_268 : f32 to vector<1024x1xf32>
    %add3A_270 = arith.addf %div3A_265, %add3A_269 : vector<1024x1xf32>
    %sqrt3A_271 = math.sqrt %add3A_270 : vector<1024x1xf32>
    %div3A_272 = vector.broadcast %sqrt3A_271 : vector<1024x1xf32> to vector<1024x512xf32>
    %div3A_273 = arith.divf %sub3A_267, %div3A_272 : vector<1024x512xf32>
    %mul3A_274 = vector.broadcast %get3A_47 : vector<1x512xf32> to vector<1024x512xf32>
    %mul3A_275 = arith.mulf %div3A_273, %mul3A_274 : vector<1024x512xf32>
    %add3A_276 = vector.broadcast %get3A_50 : vector<1x512xf32> to vector<1024x512xf32>
    %add3A_277 = arith.addf %mul3A_275, %add3A_276 : vector<1024x512xf32>
    %dot_general3A_278 = arith.constant dense<0.000000e+00> : vector<1024x512xf32>
    %dot_general3A_279 = tpu.matmul %add3A_277, %get3A_53, %dot_general3A_278 {dimension_numbers = #tpu.dot_dimension_numbers<[1], [0], [0], [1], [0, 0, 1, 1], [], []>, transpose_lhs_hint = false} : vector<1024x512xf32>, vector<512x512xf32>, vector<1024x512xf32> -> vector<1024x512xf32>
    %add3A_280 = vector.broadcast %get3A_56 : vector<1x512xf32> to vector<1024x512xf32>
    %add3A_281 = arith.addf %dot_general3A_279, %add3A_280 : vector<1024x512xf32>
    %neg3A_282 = arith.constant 0.000000e+00 : f32
    %neg3A_283 = vector.broadcast %neg3A_282 : f32 to vector<1024x512xf32>
    %neg3A_284 = arith.subf %neg3A_283, %add3A_281 : vector<1024x512xf32>
    %exp3A_285 = math.exp %neg3A_284 : vector<1024x512xf32>
    %add3A_286 = arith.constant 1.000000e+00 : f32
    %add3A_287 = vector.broadcast %add3A_286 : f32 to vector<1024x512xf32>
    %add3A_288 = arith.addf %add3A_287, %exp3A_285 : vector<1024x512xf32>
    %div3A_289 = arith.constant 1.000000e+00 : f32
    %div3A_290 = vector.broadcast %div3A_289 : f32 to vector<1024x512xf32>
    %div3A_291 = arith.divf %div3A_290, %add3A_288 : vector<1024x512xf32>
    %mul3A_292 = arith.mulf %add3A_281, %div3A_291 : vector<1024x512xf32>
    %dot_general3A_293 = arith.constant dense<0.000000e+00> : vector<1024x1xf32>
    %dot_general3A_294 = tpu.matmul %mul3A_292, %get3A_59, %dot_general3A_293 {dimension_numbers = #tpu.dot_dimension_numbers<[1], [0], [0], [1], [0, 0, 1, 1], [], []>, transpose_lhs_hint = false} : vector<1024x512xf32>, vector<512x1xf32>, vector<1024x1xf32> -> vector<1024x1xf32>
    %add3A_295 = vector.broadcast %get3A_62 : vector<1x1xf32> to vector<1024x1xf32>
    %add3A_296 = arith.addf %dot_general3A_294, %add3A_295 : vector<1024x1xf32>
    %broadcast_in_dim3A_297 = vector.shape_cast %log3A_245 : vector<128x1xf32> to vector<128x1x1xf32>
    %broadcast_in_dim3A_298 = vector.shape_cast %broadcast_in_dim3A_297 : vector<128x1x1xf32> to vector<128x1x1xf32>
    %broadcast_in_dim3A_299 = vector.broadcast %broadcast_in_dim3A_298 : vector<128x1x1xf32> to vector<128x8x1xf32>
    %reshape3A_300 = vector.shape_cast %broadcast_in_dim3A_299 : vector<128x8x1xf32> to vector<1024x1xf32>
    %mul3A_301 = arith.constant 5.000000e-01 : f32
    %mul3A_302 = vector.broadcast %mul3A_301 : f32 to vector<1024x1xf32>
    %mul3A_303 = arith.mulf %mul3A_302, %reshape3A_300 : vector<1024x1xf32>
    %add3A_304 = arith.addf %add3A_296, %mul3A_303 : vector<1024x1xf32>
    %neg3A_305 = arith.constant 0.000000e+00 : f32
    %neg3A_306 = vector.broadcast %neg3A_305 : f32 to vector<1024x1xf32>
    %neg3A_307 = arith.subf %neg3A_306, %add3A_304 : vector<1024x1xf32>
    %exp3A_308 = math.exp %neg3A_307 : vector<1024x1xf32>
    %add3A_309 = arith.constant 1.000000e+00 : f32
    %add3A_310 = vector.broadcast %add3A_309 : f32 to vector<1024x1xf32>
    %add3A_311 = arith.addf %add3A_310, %exp3A_308 : vector<1024x1xf32>
    %div3A_312 = arith.constant 1.000000e+00 : f32
    %div3A_313 = vector.broadcast %div3A_312 : f32 to vector<1024x1xf32>
    %div3A_314 = arith.divf %div3A_313, %add3A_311 : vector<1024x1xf32>
    %broadcast_in_dim3A_315 = vector.shape_cast %get3A_32 : vector<128x1xf32> to vector<128x1x1xf32>
    %broadcast_in_dim3A_316 = vector.shape_cast %broadcast_in_dim3A_315 : vector<128x1x1xf32> to vector<128x1x1xf32>
    %broadcast_in_dim3A_317 = vector.broadcast %broadcast_in_dim3A_316 : vector<128x1x1xf32> to vector<128x8x1xf32>
    %reshape3A_318 = vector.shape_cast %broadcast_in_dim3A_317 : vector<128x8x1xf32> to vector<1024x1xf32>
    %mul3A_319 = arith.mulf %div3A_314, %reshape3A_318 : vector<1024x1xf32>
    %dot_general3A_320 = arith.constant dense<0.000000e+00> : vector<8x3xf32>
    %dot_general3A_321 = tpu.matmul %get3A_38, %get3A_83, %dot_general3A_320 {dimension_numbers = #tpu.dot_dimension_numbers<[1], [0], [0], [1], [0, 0, 1, 1], [], []>, precision = #tpu.contract_precision<fp32>, transpose_lhs_hint = false} : vector<8x512xf32>, vector<512x3xf32>, vector<8x3xf32> -> vector<8x3xf32>
    %add3A_322 = vector.broadcast %get3A_86 : vector<1x3xf32> to vector<8x3xf32>
    %add3A_323 = arith.addf %dot_general3A_321, %add3A_322 : vector<8x3xf32>
    %broadcast_in_dim3A_324 = vector.shape_cast %add3A_323 : vector<8x3xf32> to vector<1x8x3xf32>
    %broadcast_in_dim3A_325 = vector.shape_cast %broadcast_in_dim3A_324 : vector<1x8x3xf32> to vector<1x8x3xf32>
    %broadcast_in_dim3A_326 = vector.broadcast %broadcast_in_dim3A_325 : vector<1x8x3xf32> to vector<128x8x3xf32>
    %reshape3A_327 = vector.shape_cast %broadcast_in_dim3A_326 : vector<128x8x3xf32> to vector<1024x3xf32>
    %add3A_328 = arith.addf %get3A_35, %reshape3A_327 : vector<1024x3xf32>
    %slice3A_329 = vector.extract_strided_slice %add3A_328 {offsets = [0, 0], sizes = [1024, 1], strides = [1, 1]} : vector<1024x3xf32> to vector<1024x1xf32>
    %slice3A_330 = vector.extract_strided_slice %add3A_328 {offsets = [0, 1], sizes = [1024, 1], strides = [1, 1]} : vector<1024x3xf32> to vector<1024x1xf32>
    %slice3A_331 = vector.extract_strided_slice %add3A_328 {offsets = [0, 2], sizes = [1024, 1], strides = [1, 1]} : vector<1024x3xf32> to vector<1024x1xf32>
    %concatenate3A = tpu.concatenate %sqrt3A, %div3A_177, %sqrt3A_181, %div3A_178, %div3A_184, %sqrt3A_189 in 1 : vector<128x1xf32>, vector<128x1xf32>, vector<128x1xf32>, vector<128x1xf32>, vector<128x1xf32>, vector<128x1xf32> -> vector<128x6xf32>
    %broadcast_in_dim3A_332 = vector.shape_cast %concatenate3A : vector<128x6xf32> to vector<128x1x6xf32>
    %broadcast_in_dim3A_333 = vector.shape_cast %broadcast_in_dim3A_332 : vector<128x1x6xf32> to vector<128x1x6xf32>
    %broadcast_in_dim3A_334 = vector.broadcast %broadcast_in_dim3A_333 : vector<128x1x6xf32> to vector<128x8x6xf32>
    %reshape3A_335 = vector.shape_cast %broadcast_in_dim3A_334 : vector<128x8x6xf32> to vector<1024x6xf32>
    %broadcast_in_dim3A_336 = vector.shape_cast %get3A_20 : vector<128x3xf32> to vector<128x1x3xf32>
    %broadcast_in_dim3A_337 = vector.shape_cast %broadcast_in_dim3A_336 : vector<128x1x3xf32> to vector<128x1x3xf32>
    %broadcast_in_dim3A_338 = vector.broadcast %broadcast_in_dim3A_337 : vector<128x1x3xf32> to vector<128x8x3xf32>
    %reshape3A_339 = vector.shape_cast %broadcast_in_dim3A_338 : vector<128x8x3xf32> to vector<1024x3xf32>
    %slice3A_340 = vector.extract_strided_slice %reshape3A_339 {offsets = [0, 0], sizes = [1024, 1], strides = [1, 1]} : vector<1024x3xf32> to vector<1024x1xf32>
    %slice3A_341 = vector.extract_strided_slice %reshape3A_335 {offsets = [0, 0], sizes = [1024, 1], strides = [1, 1]} : vector<1024x6xf32> to vector<1024x1xf32>
    %mul3A_342 = arith.mulf %slice3A_341, %slice3A_329 : vector<1024x1xf32>
    %add3A_343 = arith.addf %slice3A_340, %mul3A_342 : vector<1024x1xf32>
    %slice3A_344 = vector.extract_strided_slice %reshape3A_339 {offsets = [0, 1], sizes = [1024, 1], strides = [1, 1]} : vector<1024x3xf32> to vector<1024x1xf32>
    %slice3A_345 = vector.extract_strided_slice %reshape3A_335 {offsets = [0, 1], sizes = [1024, 1], strides = [1, 1]} : vector<1024x6xf32> to vector<1024x1xf32>
    %mul3A_346 = arith.mulf %slice3A_345, %slice3A_329 : vector<1024x1xf32>
    %add3A_347 = arith.addf %slice3A_344, %mul3A_346 : vector<1024x1xf32>
    %slice3A_348 = vector.extract_strided_slice %reshape3A_335 {offsets = [0, 2], sizes = [1024, 1], strides = [1, 1]} : vector<1024x6xf32> to vector<1024x1xf32>
    %mul3A_349 = arith.mulf %slice3A_348, %slice3A_330 : vector<1024x1xf32>
    %add3A_350 = arith.addf %add3A_347, %mul3A_349 : vector<1024x1xf32>
    %slice3A_351 = vector.extract_strided_slice %reshape3A_339 {offsets = [0, 2], sizes = [1024, 1], strides = [1, 1]} : vector<1024x3xf32> to vector<1024x1xf32>
    %slice3A_352 = vector.extract_strided_slice %reshape3A_335 {offsets = [0, 3], sizes = [1024, 1], strides = [1, 1]} : vector<1024x6xf32> to vector<1024x1xf32>
    %mul3A_353 = arith.mulf %slice3A_352, %slice3A_329 : vector<1024x1xf32>
    %add3A_354 = arith.addf %slice3A_351, %mul3A_353 : vector<1024x1xf32>
    %slice3A_355 = vector.extract_strided_slice %reshape3A_335 {offsets = [0, 4], sizes = [1024, 1], strides = [1, 1]} : vector<1024x6xf32> to vector<1024x1xf32>
    %mul3A_356 = arith.mulf %slice3A_355, %slice3A_330 : vector<1024x1xf32>
    %add3A_357 = arith.addf %add3A_354, %mul3A_356 : vector<1024x1xf32>
    %slice3A_358 = vector.extract_strided_slice %reshape3A_335 {offsets = [0, 5], sizes = [1024, 1], strides = [1, 1]} : vector<1024x6xf32> to vector<1024x1xf32>
    %mul3A_359 = arith.mulf %slice3A_358, %slice3A_331 : vector<1024x1xf32>
    %add3A_360 = arith.addf %add3A_357, %mul3A_359 : vector<1024x1xf32>
    %concatenate3A_361 = tpu.concatenate %mul3A_124, %mul3A_125, %mul3A_126, %mul3A_127, %mul3A_128, %mul3A_129 in 1 : vector<128x1xf32>, vector<128x1xf32>, vector<128x1xf32>, vector<128x1xf32>, vector<128x1xf32>, vector<128x1xf32> -> vector<128x6xf32>
    %broadcast_in_dim3A_362 = vector.shape_cast %concatenate3A_361 : vector<128x6xf32> to vector<128x1x6xf32>
    %broadcast_in_dim3A_363 = vector.shape_cast %broadcast_in_dim3A_362 : vector<128x1x6xf32> to vector<128x1x6xf32>
    %broadcast_in_dim3A_364 = vector.broadcast %broadcast_in_dim3A_363 : vector<128x1x6xf32> to vector<128x8x6xf32>
    %reshape3A_365 = vector.shape_cast %broadcast_in_dim3A_364 : vector<128x8x6xf32> to vector<1024x6xf32>
    %concatenate3A_366 = tpu.concatenate %mul3A_162, %mul3A_163, %mul3A_164, %mul3A_165, %mul3A_166, %mul3A_167 in 1 : vector<128x1xf32>, vector<128x1xf32>, vector<128x1xf32>, vector<128x1xf32>, vector<128x1xf32>, vector<128x1xf32> -> vector<128x6xf32>
    %broadcast_in_dim3A_367 = vector.shape_cast %concatenate3A_366 : vector<128x6xf32> to vector<128x1x6xf32>
    %broadcast_in_dim3A_368 = vector.shape_cast %broadcast_in_dim3A_367 : vector<128x1x6xf32> to vector<128x1x6xf32>
    %broadcast_in_dim3A_369 = vector.broadcast %broadcast_in_dim3A_368 : vector<128x1x6xf32> to vector<128x8x6xf32>
    %reshape3A_370 = vector.shape_cast %broadcast_in_dim3A_369 : vector<128x8x6xf32> to vector<1024x6xf32>
    %broadcast_in_dim3A_371 = vector.shape_cast %dot_general3A_92 : vector<128x3xf32> to vector<128x1x3xf32>
    %broadcast_in_dim3A_372 = vector.shape_cast %broadcast_in_dim3A_371 : vector<128x1x3xf32> to vector<128x1x3xf32>
    %broadcast_in_dim3A_373 = vector.broadcast %broadcast_in_dim3A_372 : vector<128x1x3xf32> to vector<128x8x3xf32>
    %reshape3A_374 = vector.shape_cast %broadcast_in_dim3A_373 : vector<128x8x3xf32> to vector<1024x3xf32>
    %slice3A_375 = vector.extract_strided_slice %reshape3A_339 {offsets = [0, 0], sizes = [1024, 1], strides = [1, 1]} : vector<1024x3xf32> to vector<1024x1xf32>
    %sub3A_376 = arith.subf %add3A_343, %slice3A_375 : vector<1024x1xf32>
    %slice3A_377 = vector.extract_strided_slice %reshape3A_339 {offsets = [0, 1], sizes = [1024, 1], strides = [1, 1]} : vector<1024x3xf32> to vector<1024x1xf32>
    %sub3A_378 = arith.subf %add3A_350, %slice3A_377 : vector<1024x1xf32>
    %slice3A_379 = vector.extract_strided_slice %reshape3A_339 {offsets = [0, 2], sizes = [1024, 1], strides = [1, 1]} : vector<1024x3xf32> to vector<1024x1xf32>
    %sub3A_380 = arith.subf %add3A_360, %slice3A_379 : vector<1024x1xf32>
    %slice3A_381 = vector.extract_strided_slice %reshape3A_374 {offsets = [0, 0], sizes = [1024, 1], strides = [1, 1]} : vector<1024x3xf32> to vector<1024x1xf32>
    %sub3A_382 = arith.subf %add3A_343, %slice3A_381 : vector<1024x1xf32>
    %slice3A_383 = vector.extract_strided_slice %reshape3A_374 {offsets = [0, 1], sizes = [1024, 1], strides = [1, 1]} : vector<1024x3xf32> to vector<1024x1xf32>
    %sub3A_384 = arith.subf %add3A_350, %slice3A_383 : vector<1024x1xf32>
    %slice3A_385 = vector.extract_strided_slice %reshape3A_374 {offsets = [0, 2], sizes = [1024, 1], strides = [1, 1]} : vector<1024x3xf32> to vector<1024x1xf32>
    %sub3A_386 = arith.subf %add3A_360, %slice3A_385 : vector<1024x1xf32>
    %slice3A_387 = vector.extract_strided_slice %reshape3A_365 {offsets = [0, 0], sizes = [1024, 1], strides = [1, 1]} : vector<1024x6xf32> to vector<1024x1xf32>
    %slice3A_388 = vector.extract_strided_slice %reshape3A_365 {offsets = [0, 1], sizes = [1024, 1], strides = [1, 1]} : vector<1024x6xf32> to vector<1024x1xf32>
    %slice3A_389 = vector.extract_strided_slice %reshape3A_365 {offsets = [0, 2], sizes = [1024, 1], strides = [1, 1]} : vector<1024x6xf32> to vector<1024x1xf32>
    %slice3A_390 = vector.extract_strided_slice %reshape3A_365 {offsets = [0, 3], sizes = [1024, 1], strides = [1, 1]} : vector<1024x6xf32> to vector<1024x1xf32>
    %slice3A_391 = vector.extract_strided_slice %reshape3A_365 {offsets = [0, 4], sizes = [1024, 1], strides = [1, 1]} : vector<1024x6xf32> to vector<1024x1xf32>
    %slice3A_392 = vector.extract_strided_slice %reshape3A_365 {offsets = [0, 5], sizes = [1024, 1], strides = [1, 1]} : vector<1024x6xf32> to vector<1024x1xf32>
    %mul3A_393 = arith.mulf %slice3A_387, %sub3A_376 : vector<1024x1xf32>
    %mul3A_394 = arith.mulf %mul3A_393, %sub3A_376 : vector<1024x1xf32>
    %mul3A_395 = arith.mulf %slice3A_390, %sub3A_378 : vector<1024x1xf32>
    %mul3A_396 = arith.mulf %mul3A_395, %sub3A_378 : vector<1024x1xf32>
    %add3A_397 = arith.addf %mul3A_394, %mul3A_396 : vector<1024x1xf32>
    %mul3A_398 = arith.mulf %slice3A_392, %sub3A_380 : vector<1024x1xf32>
    %mul3A_399 = arith.mulf %mul3A_398, %sub3A_380 : vector<1024x1xf32>
    %add3A_400 = arith.addf %add3A_397, %mul3A_399 : vector<1024x1xf32>
    %mul3A_401 = arith.mulf %slice3A_388, %sub3A_376 : vector<1024x1xf32>
    %mul3A_402 = arith.mulf %mul3A_401, %sub3A_378 : vector<1024x1xf32>
    %mul3A_403 = arith.mulf %slice3A_389, %sub3A_376 : vector<1024x1xf32>
    %mul3A_404 = arith.mulf %mul3A_403, %sub3A_380 : vector<1024x1xf32>
    %add3A_405 = arith.addf %mul3A_402, %mul3A_404 : vector<1024x1xf32>
    %mul3A_406 = arith.mulf %slice3A_391, %sub3A_378 : vector<1024x1xf32>
    %mul3A_407 = arith.mulf %mul3A_406, %sub3A_380 : vector<1024x1xf32>
    %add3A_408 = arith.addf %add3A_405, %mul3A_407 : vector<1024x1xf32>
    %mul3A_409 = arith.constant 2.000000e+00 : f32
    %mul3A_410 = vector.broadcast %mul3A_409 : f32 to vector<1024x1xf32>
    %mul3A_411 = arith.mulf %mul3A_410, %add3A_408 : vector<1024x1xf32>
    %add3A_412 = arith.addf %add3A_400, %mul3A_411 : vector<1024x1xf32>
    %mul3A_413 = arith.constant -5.000000e-01 : f32
    %mul3A_414 = vector.broadcast %mul3A_413 : f32 to vector<1024x1xf32>
    %mul3A_415 = arith.mulf %mul3A_414, %add3A_412 : vector<1024x1xf32>
    %slice3A_416 = vector.extract_strided_slice %reshape3A_370 {offsets = [0, 0], sizes = [1024, 1], strides = [1, 1]} : vector<1024x6xf32> to vector<1024x1xf32>
    %slice3A_417 = vector.extract_strided_slice %reshape3A_370 {offsets = [0, 1], sizes = [1024, 1], strides = [1, 1]} : vector<1024x6xf32> to vector<1024x1xf32>
    %slice3A_418 = vector.extract_strided_slice %reshape3A_370 {offsets = [0, 2], sizes = [1024, 1], strides = [1, 1]} : vector<1024x6xf32> to vector<1024x1xf32>
    %slice3A_419 = vector.extract_strided_slice %reshape3A_370 {offsets = [0, 3], sizes = [1024, 1], strides = [1, 1]} : vector<1024x6xf32> to vector<1024x1xf32>
    %slice3A_420 = vector.extract_strided_slice %reshape3A_370 {offsets = [0, 4], sizes = [1024, 1], strides = [1, 1]} : vector<1024x6xf32> to vector<1024x1xf32>
    %slice3A_421 = vector.extract_strided_slice %reshape3A_370 {offsets = [0, 5], sizes = [1024, 1], strides = [1, 1]} : vector<1024x6xf32> to vector<1024x1xf32>
    %mul3A_422 = arith.mulf %slice3A_416, %sub3A_382 : vector<1024x1xf32>
    %mul3A_423 = arith.mulf %mul3A_422, %sub3A_382 : vector<1024x1xf32>
    %mul3A_424 = arith.mulf %slice3A_419, %sub3A_384 : vector<1024x1xf32>
    %mul3A_425 = arith.mulf %mul3A_424, %sub3A_384 : vector<1024x1xf32>
    %add3A_426 = arith.addf %mul3A_423, %mul3A_425 : vector<1024x1xf32>
    %mul3A_427 = arith.mulf %slice3A_421, %sub3A_386 : vector<1024x1xf32>
    %mul3A_428 = arith.mulf %mul3A_427, %sub3A_386 : vector<1024x1xf32>
    %add3A_429 = arith.addf %add3A_426, %mul3A_428 : vector<1024x1xf32>
    %mul3A_430 = arith.mulf %slice3A_417, %sub3A_382 : vector<1024x1xf32>
    %mul3A_431 = arith.mulf %mul3A_430, %sub3A_384 : vector<1024x1xf32>
    %mul3A_432 = arith.mulf %slice3A_418, %sub3A_382 : vector<1024x1xf32>
    %mul3A_433 = arith.mulf %mul3A_432, %sub3A_386 : vector<1024x1xf32>
    %add3A_434 = arith.addf %mul3A_431, %mul3A_433 : vector<1024x1xf32>
    %mul3A_435 = arith.mulf %slice3A_420, %sub3A_384 : vector<1024x1xf32>
    %mul3A_436 = arith.mulf %mul3A_435, %sub3A_386 : vector<1024x1xf32>
    %add3A_437 = arith.addf %add3A_434, %mul3A_436 : vector<1024x1xf32>
    %mul3A_438 = arith.constant 2.000000e+00 : f32
    %mul3A_439 = vector.broadcast %mul3A_438 : f32 to vector<1024x1xf32>
    %mul3A_440 = arith.mulf %mul3A_439, %add3A_437 : vector<1024x1xf32>
    %add3A_441 = arith.addf %add3A_429, %mul3A_440 : vector<1024x1xf32>
    %mul3A_442 = arith.constant -5.000000e-01 : f32
    %mul3A_443 = vector.broadcast %mul3A_442 : f32 to vector<1024x1xf32>
    %mul3A_444 = arith.mulf %mul3A_443, %add3A_441 : vector<1024x1xf32>
    %sub3A_445 = arith.subf %mul3A_415, %mul3A_444 : vector<1024x1xf32>
    %neg3A_446 = arith.constant 0.000000e+00 : f32
    %neg3A_447 = vector.broadcast %neg3A_446 : f32 to vector<1024x1xf32>
    %neg3A_448 = arith.subf %neg3A_447, %sub3A_445 : vector<1024x1xf32>
    %exp3A_449 = math.exp %neg3A_448 : vector<1024x1xf32>
    %add3A_450 = arith.constant 1.000000e+00 : f32
    %add3A_451 = vector.broadcast %add3A_450 : f32 to vector<1024x1xf32>
    %add3A_452 = arith.addf %add3A_451, %exp3A_449 : vector<1024x1xf32>
    %div3A_453 = arith.constant 1.000000e+00 : f32
    %div3A_454 = vector.broadcast %div3A_453 : f32 to vector<1024x1xf32>
    %div3A_455 = arith.divf %div3A_454, %add3A_452 : vector<1024x1xf32>
    %sub3A_456 = arith.constant 1.000000e+00 : f32
    %sub3A_457 = vector.broadcast %sub3A_456 : f32 to vector<1024x1xf32>
    %sub3A_458 = arith.subf %sub3A_457, %div3A_455 : vector<1024x1xf32>
    %slice3A_459 = vector.extract_strided_slice %reshape3A_339 {offsets = [0, 0], sizes = [1024, 1], strides = [1, 1]} : vector<1024x3xf32> to vector<1024x1xf32>
    %mul3A_460 = arith.mulf %div3A_455, %slice3A_459 : vector<1024x1xf32>
    %slice3A_461 = vector.extract_strided_slice %reshape3A_374 {offsets = [0, 0], sizes = [1024, 1], strides = [1, 1]} : vector<1024x3xf32> to vector<1024x1xf32>
    %mul3A_462 = arith.mulf %sub3A_458, %slice3A_461 : vector<1024x1xf32>
    %add3A_463 = arith.addf %mul3A_460, %mul3A_462 : vector<1024x1xf32>
    %slice3A_464 = vector.extract_strided_slice %reshape3A_339 {offsets = [0, 1], sizes = [1024, 1], strides = [1, 1]} : vector<1024x3xf32> to vector<1024x1xf32>
    %mul3A_465 = arith.mulf %div3A_455, %slice3A_464 : vector<1024x1xf32>
    %slice3A_466 = vector.extract_strided_slice %reshape3A_374 {offsets = [0, 1], sizes = [1024, 1], strides = [1, 1]} : vector<1024x3xf32> to vector<1024x1xf32>
    %mul3A_467 = arith.mulf %sub3A_458, %slice3A_466 : vector<1024x1xf32>
    %add3A_468 = arith.addf %mul3A_465, %mul3A_467 : vector<1024x1xf32>
    %slice3A_469 = vector.extract_strided_slice %reshape3A_339 {offsets = [0, 2], sizes = [1024, 1], strides = [1, 1]} : vector<1024x3xf32> to vector<1024x1xf32>
    %mul3A_470 = arith.mulf %div3A_455, %slice3A_469 : vector<1024x1xf32>
    %slice3A_471 = vector.extract_strided_slice %reshape3A_374 {offsets = [0, 2], sizes = [1024, 1], strides = [1, 1]} : vector<1024x3xf32> to vector<1024x1xf32>
    %mul3A_472 = arith.mulf %sub3A_458, %slice3A_471 : vector<1024x1xf32>
    %add3A_473 = arith.addf %mul3A_470, %mul3A_472 : vector<1024x1xf32>
    %swap3A = arith.constant 0 : index
    %swap3A_474 = arith.constant 0 : index
    %swap3A_475 = vector.load %arg26[%swap3A, %swap3A_474] : memref<1024x3xf32, #tpu.memory_space<vmem>>, vector<1024x1xf32>
    tpu.vector_store %arg26[%swap3A, %swap3A_474], %add3A_463 {strides = array<i32>} : memref<1024x3xf32, #tpu.memory_space<vmem>>, vector<1024x1xf32>,
    %swap3A_476 = arith.constant 0 : index
    %swap3A_477 = arith.constant 1 : index
    %swap3A_478 = vector.load %arg26[%swap3A_476, %swap3A_477] : memref<1024x3xf32, #tpu.memory_space<vmem>>, vector<1024x1xf32>
    tpu.vector_store %arg26[%swap3A_476, %swap3A_477], %add3A_468 {strides = array<i32>} : memref<1024x3xf32, #tpu.memory_space<vmem>>, vector<1024x1xf32>,
    %swap3A_479 = arith.constant 0 : index
    %swap3A_480 = arith.constant 2 : index
    %swap3A_481 = vector.load %arg26[%swap3A_479, %swap3A_480] : memref<1024x3xf32, #tpu.memory_space<vmem>>, vector<1024x1xf32>
    tpu.vector_store %arg26[%swap3A_479, %swap3A_480], %add3A_473 {strides = array<i32>} : memref<1024x3xf32, #tpu.memory_space<vmem>>, vector<1024x1xf32>,
    %concatenate3A_482 = tpu.concatenate %slice3A, %slice3A_95, %slice3A_96, %slice3A_97, %slice3A_98, %slice3A_99 in 1 : vector<128x1xf32>, vector<128x1xf32>, vector<128x1xf32>, vector<128x1xf32>, vector<128x1xf32>, vector<128x1xf32> -> vector<128x6xf32>
    %broadcast_in_dim3A_483 = vector.shape_cast %concatenate3A_482 : vector<128x6xf32> to vector<128x1x6xf32>
    %broadcast_in_dim3A_484 = vector.shape_cast %broadcast_in_dim3A_483 : vector<128x1x6xf32> to vector<128x1x6xf32>
    %broadcast_in_dim3A_485 = vector.broadcast %broadcast_in_dim3A_484 : vector<128x1x6xf32> to vector<128x8x6xf32>
    %reshape3A_486 = vector.shape_cast %broadcast_in_dim3A_485 : vector<128x8x6xf32> to vector<1024x6xf32>
    %concatenate3A_487 = tpu.concatenate %slice3A_130, %slice3A_131, %slice3A_132, %slice3A_133, %slice3A_134, %slice3A_135 in 1 : vector<128x1xf32>, vector<128x1xf32>, vector<128x1xf32>, vector<128x1xf32>, vector<128x1xf32>, vector<128x1xf32> -> vector<128x6xf32>
    %broadcast_in_dim3A_488 = vector.shape_cast %concatenate3A_487 : vector<128x6xf32> to vector<128x1x6xf32>
    %broadcast_in_dim3A_489 = vector.shape_cast %broadcast_in_dim3A_488 : vector<128x1x6xf32> to vector<128x1x6xf32>
    %broadcast_in_dim3A_490 = vector.broadcast %broadcast_in_dim3A_489 : vector<128x1x6xf32> to vector<128x8x6xf32>
    %reshape3A_491 = vector.shape_cast %broadcast_in_dim3A_490 : vector<128x8x6xf32> to vector<1024x6xf32>
    %slice3A_492 = vector.extract_strided_slice %reshape3A_339 {offsets = [0, 0], sizes = [1024, 1], strides = [1, 1]} : vector<1024x3xf32> to vector<1024x1xf32>
    %sub3A_493 = arith.subf %slice3A_492, %add3A_463 : vector<1024x1xf32>
    %slice3A_494 = vector.extract_strided_slice %reshape3A_339 {offsets = [0, 1], sizes = [1024, 1], strides = [1, 1]} : vector<1024x3xf32> to vector<1024x1xf32>
    %sub3A_495 = arith.subf %slice3A_494, %add3A_468 : vector<1024x1xf32>
    %slice3A_496 = vector.extract_strided_slice %reshape3A_339 {offsets = [0, 2], sizes = [1024, 1], strides = [1, 1]} : vector<1024x3xf32> to vector<1024x1xf32>
    %sub3A_497 = arith.subf %slice3A_496, %add3A_473 : vector<1024x1xf32>
    %slice3A_498 = vector.extract_strided_slice %reshape3A_374 {offsets = [0, 0], sizes = [1024, 1], strides = [1, 1]} : vector<1024x3xf32> to vector<1024x1xf32>
    %sub3A_499 = arith.subf %slice3A_498, %add3A_463 : vector<1024x1xf32>
    %slice3A_500 = vector.extract_strided_slice %reshape3A_374 {offsets = [0, 1], sizes = [1024, 1], strides = [1, 1]} : vector<1024x3xf32> to vector<1024x1xf32>
    %sub3A_501 = arith.subf %slice3A_500, %add3A_468 : vector<1024x1xf32>
    %slice3A_502 = vector.extract_strided_slice %reshape3A_374 {offsets = [0, 2], sizes = [1024, 1], strides = [1, 1]} : vector<1024x3xf32> to vector<1024x1xf32>
    %sub3A_503 = arith.subf %slice3A_502, %add3A_473 : vector<1024x1xf32>
    %mul3A_504 = vector.broadcast %div3A_455 : vector<1024x1xf32> to vector<1024x6xf32>
    %mul3A_505 = arith.mulf %mul3A_504, %reshape3A_486 : vector<1024x6xf32>
    %mul3A_506 = vector.broadcast %sub3A_458 : vector<1024x1xf32> to vector<1024x6xf32>
    %mul3A_507 = arith.mulf %mul3A_506, %reshape3A_491 : vector<1024x6xf32>
    %add3A_508 = arith.addf %mul3A_505, %mul3A_507 : vector<1024x6xf32>
    %mul3A_509 = arith.constant 3.906250e-01 : f32
    %mul3A_510 = vector.broadcast %mul3A_509 : f32 to vector<1024x6xf32>
    %mul3A_511 = arith.mulf %add3A_508, %mul3A_510 : vector<1024x6xf32>
    %slice3A_512 = vector.extract_strided_slice %mul3A_511 {offsets = [0, 0], sizes = [1024, 1], strides = [1, 1]} : vector<1024x6xf32> to vector<1024x1xf32>
    %mul3A_513 = arith.mulf %div3A_455, %sub3A_493 : vector<1024x1xf32>
    %mul3A_514 = arith.mulf %mul3A_513, %sub3A_493 : vector<1024x1xf32>
    %add3A_515 = arith.addf %slice3A_512, %mul3A_514 : vector<1024x1xf32>
    %mul3A_516 = arith.mulf %sub3A_458, %sub3A_499 : vector<1024x1xf32>
    %mul3A_517 = arith.mulf %mul3A_516, %sub3A_499 : vector<1024x1xf32>
    %add3A_518 = arith.addf %add3A_515, %mul3A_517 : vector<1024x1xf32>
    %add3A_519 = arith.constant 9.99999974E-5 : f32
    %add3A_520 = vector.broadcast %add3A_519 : f32 to vector<1024x1xf32>
    %add3A_521 = arith.addf %add3A_518, %add3A_520 : vector<1024x1xf32>
    %slice3A_522 = vector.extract_strided_slice %mul3A_511 {offsets = [0, 1], sizes = [1024, 1], strides = [1, 1]} : vector<1024x6xf32> to vector<1024x1xf32>
    %mul3A_523 = arith.mulf %div3A_455, %sub3A_493 : vector<1024x1xf32>
    %mul3A_524 = arith.mulf %mul3A_523, %sub3A_495 : vector<1024x1xf32>
    %add3A_525 = arith.addf %slice3A_522, %mul3A_524 : vector<1024x1xf32>
    %mul3A_526 = arith.mulf %sub3A_458, %sub3A_499 : vector<1024x1xf32>
    %mul3A_527 = arith.mulf %mul3A_526, %sub3A_501 : vector<1024x1xf32>
    %add3A_528 = arith.addf %add3A_525, %mul3A_527 : vector<1024x1xf32>
    %slice3A_529 = vector.extract_strided_slice %mul3A_511 {offsets = [0, 2], sizes = [1024, 1], strides = [1, 1]} : vector<1024x6xf32> to vector<1024x1xf32>
    %mul3A_530 = arith.mulf %div3A_455, %sub3A_493 : vector<1024x1xf32>
    %mul3A_531 = arith.mulf %mul3A_530, %sub3A_497 : vector<1024x1xf32>
    %add3A_532 = arith.addf %slice3A_529, %mul3A_531 : vector<1024x1xf32>
    %mul3A_533 = arith.mulf %sub3A_458, %sub3A_499 : vector<1024x1xf32>
    %mul3A_534 = arith.mulf %mul3A_533, %sub3A_503 : vector<1024x1xf32>
    %add3A_535 = arith.addf %add3A_532, %mul3A_534 : vector<1024x1xf32>
    %slice3A_536 = vector.extract_strided_slice %mul3A_511 {offsets = [0, 3], sizes = [1024, 1], strides = [1, 1]} : vector<1024x6xf32> to vector<1024x1xf32>
    %mul3A_537 = arith.mulf %div3A_455, %sub3A_495 : vector<1024x1xf32>
    %mul3A_538 = arith.mulf %mul3A_537, %sub3A_495 : vector<1024x1xf32>
    %add3A_539 = arith.addf %slice3A_536, %mul3A_538 : vector<1024x1xf32>
    %mul3A_540 = arith.mulf %sub3A_458, %sub3A_501 : vector<1024x1xf32>
    %mul3A_541 = arith.mulf %mul3A_540, %sub3A_501 : vector<1024x1xf32>
    %add3A_542 = arith.addf %add3A_539, %mul3A_541 : vector<1024x1xf32>
    %add3A_543 = arith.constant 9.99999974E-5 : f32
    %add3A_544 = vector.broadcast %add3A_543 : f32 to vector<1024x1xf32>
    %add3A_545 = arith.addf %add3A_542, %add3A_544 : vector<1024x1xf32>
    %slice3A_546 = vector.extract_strided_slice %mul3A_511 {offsets = [0, 4], sizes = [1024, 1], strides = [1, 1]} : vector<1024x6xf32> to vector<1024x1xf32>
    %mul3A_547 = arith.mulf %div3A_455, %sub3A_495 : vector<1024x1xf32>
    %mul3A_548 = arith.mulf %mul3A_547, %sub3A_497 : vector<1024x1xf32>
    %add3A_549 = arith.addf %slice3A_546, %mul3A_548 : vector<1024x1xf32>
    %mul3A_550 = arith.mulf %sub3A_458, %sub3A_501 : vector<1024x1xf32>
    %mul3A_551 = arith.mulf %mul3A_550, %sub3A_503 : vector<1024x1xf32>
    %add3A_552 = arith.addf %add3A_549, %mul3A_551 : vector<1024x1xf32>
    %slice3A_553 = vector.extract_strided_slice %mul3A_511 {offsets = [0, 5], sizes = [1024, 1], strides = [1, 1]} : vector<1024x6xf32> to vector<1024x1xf32>
    %mul3A_554 = arith.mulf %div3A_455, %sub3A_497 : vector<1024x1xf32>
    %mul3A_555 = arith.mulf %mul3A_554, %sub3A_497 : vector<1024x1xf32>
    %add3A_556 = arith.addf %slice3A_553, %mul3A_555 : vector<1024x1xf32>
    %mul3A_557 = arith.mulf %sub3A_458, %sub3A_503 : vector<1024x1xf32>
    %mul3A_558 = arith.mulf %mul3A_557, %sub3A_503 : vector<1024x1xf32>
    %add3A_559 = arith.addf %add3A_556, %mul3A_558 : vector<1024x1xf32>
    %add3A_560 = arith.constant 9.99999974E-5 : f32
    %add3A_561 = vector.broadcast %add3A_560 : f32 to vector<1024x1xf32>
    %add3A_562 = arith.addf %add3A_559, %add3A_561 : vector<1024x1xf32>
    %swap3A_563 = arith.constant 0 : index
    %swap3A_564 = arith.constant 0 : index
    %swap3A_565 = vector.load %arg27[%swap3A_563, %swap3A_564] : memref<1024x9xf32, #tpu.memory_space<vmem>>, vector<1024x1xf32>
    tpu.vector_store %arg27[%swap3A_563, %swap3A_564], %add3A_521 {strides = array<i32>} : memref<1024x9xf32, #tpu.memory_space<vmem>>, vector<1024x1xf32>,
    %swap3A_566 = arith.constant 0 : index
    %swap3A_567 = arith.constant 1 : index
    %swap3A_568 = vector.load %arg27[%swap3A_566, %swap3A_567] : memref<1024x9xf32, #tpu.memory_space<vmem>>, vector<1024x1xf32>
    tpu.vector_store %arg27[%swap3A_566, %swap3A_567], %add3A_528 {strides = array<i32>} : memref<1024x9xf32, #tpu.memory_space<vmem>>, vector<1024x1xf32>,
    %swap3A_569 = arith.constant 0 : index
    %swap3A_570 = arith.constant 2 : index
    %swap3A_571 = vector.load %arg27[%swap3A_569, %swap3A_570] : memref<1024x9xf32, #tpu.memory_space<vmem>>, vector<1024x1xf32>
    tpu.vector_store %arg27[%swap3A_569, %swap3A_570], %add3A_535 {strides = array<i32>} : memref<1024x9xf32, #tpu.memory_space<vmem>>, vector<1024x1xf32>,
    %swap3A_572 = arith.constant 0 : index
    %swap3A_573 = arith.constant 3 : index
    %swap3A_574 = vector.load %arg27[%swap3A_572, %swap3A_573] : memref<1024x9xf32, #tpu.memory_space<vmem>>, vector<1024x1xf32>
    tpu.vector_store %arg27[%swap3A_572, %swap3A_573], %add3A_528 {strides = array<i32>} : memref<1024x9xf32, #tpu.memory_space<vmem>>, vector<1024x1xf32>,
    %swap3A_575 = arith.constant 0 : index
    %swap3A_576 = arith.constant 4 : index
    %swap3A_577 = vector.load %arg27[%swap3A_575, %swap3A_576] : memref<1024x9xf32, #tpu.memory_space<vmem>>, vector<1024x1xf32>
    tpu.vector_store %arg27[%swap3A_575, %swap3A_576], %add3A_545 {strides = array<i32>} : memref<1024x9xf32, #tpu.memory_space<vmem>>, vector<1024x1xf32>,
    %swap3A_578 = arith.constant 0 : index
    %swap3A_579 = arith.constant 5 : index
    %swap3A_580 = vector.load %arg27[%swap3A_578, %swap3A_579] : memref<1024x9xf32, #tpu.memory_space<vmem>>, vector<1024x1xf32>
    tpu.vector_store %arg27[%swap3A_578, %swap3A_579], %add3A_552 {strides = array<i32>} : memref<1024x9xf32, #tpu.memory_space<vmem>>, vector<1024x1xf32>,
    %swap3A_581 = arith.constant 0 : index
    %swap3A_582 = arith.constant 6 : index
    %swap3A_583 = vector.load %arg27[%swap3A_581, %swap3A_582] : memref<1024x9xf32, #tpu.memory_space<vmem>>, vector<1024x1xf32>
    tpu.vector_store %arg27[%swap3A_581, %swap3A_582], %add3A_535 {strides = array<i32>} : memref<1024x9xf32, #tpu.memory_space<vmem>>, vector<1024x1xf32>,
    %swap3A_584 = arith.constant 0 : index
    %swap3A_585 = arith.constant 7 : index
    %swap3A_586 = vector.load %arg27[%swap3A_584, %swap3A_585] : memref<1024x9xf32, #tpu.memory_space<vmem>>, vector<1024x1xf32>
    tpu.vector_store %arg27[%swap3A_584, %swap3A_585], %add3A_552 {strides = array<i32>} : memref<1024x9xf32, #tpu.memory_space<vmem>>, vector<1024x1xf32>,
    %swap3A_587 = arith.constant 0 : index
    %swap3A_588 = arith.constant 8 : index
    %swap3A_589 = vector.load %arg27[%swap3A_587, %swap3A_588] : memref<1024x9xf32, #tpu.memory_space<vmem>>, vector<1024x1xf32>
    tpu.vector_store %arg27[%swap3A_587, %swap3A_588], %add3A_562 {strides = array<i32>} : memref<1024x9xf32, #tpu.memory_space<vmem>>, vector<1024x1xf32>,
    %broadcast_in_dim3A_590 = vector.shape_cast %get3A_17 : vector<128x512xf32> to vector<128x1x512xf32>
    %broadcast_in_dim3A_591 = vector.shape_cast %broadcast_in_dim3A_590 : vector<128x1x512xf32> to vector<128x1x512xf32>
    %broadcast_in_dim3A_592 = vector.broadcast %broadcast_in_dim3A_591 : vector<128x1x512xf32> to vector<128x8x512xf32>
    %reshape3A_593 = vector.shape_cast %broadcast_in_dim3A_592 : vector<128x8x512xf32> to vector<1024x512xf32>
    %mul3A_594 = vector.broadcast %div3A_455 : vector<1024x1xf32> to vector<1024x512xf32>
    %mul3A_595 = arith.mulf %mul3A_594, %reshape3A_593 : vector<1024x512xf32>
    %broadcast_in_dim3A_596 = vector.shape_cast %get3A_44 : vector<128x512xf32> to vector<128x1x512xf32>
    %broadcast_in_dim3A_597 = vector.shape_cast %broadcast_in_dim3A_596 : vector<128x1x512xf32> to vector<128x1x512xf32>
    %broadcast_in_dim3A_598 = vector.broadcast %broadcast_in_dim3A_597 : vector<128x1x512xf32> to vector<128x8x512xf32>
    %reshape3A_599 = vector.shape_cast %broadcast_in_dim3A_598 : vector<128x8x512xf32> to vector<1024x512xf32>
    %mul3A_600 = vector.broadcast %sub3A_458 : vector<1024x1xf32> to vector<1024x512xf32>
    %mul3A_601 = arith.mulf %mul3A_600, %reshape3A_599 : vector<1024x512xf32>
    %add3A_602 = arith.addf %mul3A_595, %mul3A_601 : vector<1024x512xf32>
    %mul3A_603 = vector.broadcast %mul3A_319 : vector<1024x1xf32> to vector<1024x512xf32>
    %mul3A_604 = arith.mulf %mul3A_603, %add3A_602 : vector<1024x512xf32>
    %swap3A_605 = arith.constant 0 : index
    %swap3A_606 = arith.constant 0 : index
    %swap3A_607 = vector.load %arg25[%swap3A_605, %swap3A_606] : memref<1024x512xf32, #tpu.memory_space<vmem>>, vector<1024x512xf32>
    tpu.vector_store %arg25[%swap3A_605, %swap3A_606], %mul3A_604 {strides = array<i32>} : memref<1024x512xf32, #tpu.memory_space<vmem>>, vector<1024x512xf32>,
    %swap3A_608 = arith.constant 0 : index
    %swap3A_609 = arith.constant 0 : index
    %swap3A_610 = vector.load %arg28[%swap3A_608, %swap3A_609] : memref<1024x1xf32, #tpu.memory_space<vmem>>, vector<1024x1xf32>
    tpu.vector_store %arg28[%swap3A_608, %swap3A_609], %mul3A_319 {strides = array<i32>} : memref<1024x1xf32, #tpu.memory_space<vmem>>, vector<1024x1xf32>,
    %eq3A_611 = arith.constant 0 : i32
    %eq3A_612 = arith.cmpi eq, %arg0, %eq3A_611 : i32
    %convert_element_type3A = arith.extui %eq3A_612 : i1 to i32
    %cond3A = arith.constant 0 : i32
    %cond3A_613 = arith.cmpi ne, %convert_element_type3A, %cond3A : i32
    scf.if %cond3A_613 {
      %broadcast_in_dim3A_638 = arith.constant 0.000000e+00 : f32
      %broadcast_in_dim3A_639 = vector.broadcast %broadcast_in_dim3A_638 : f32 to vector<2x1xf32>
      %swap3A_640 = arith.constant 0 : index
      %swap3A_641 = arith.constant 0 : index
      %swap3A_642 = vector.load %arg29[%swap3A_640, %swap3A_641] : memref<2x1xf32, #tpu.memory_space<vmem>>, vector<2x1xf32>
      tpu.vector_store %arg29[%swap3A_640, %swap3A_641], %broadcast_in_dim3A_639 {strides = array<i32>} : memref<2x1xf32, #tpu.memory_space<vmem>>, vector<2x1xf32>,
    } else {
    }
    %iota3A_614 = tpu.iota {dimensions = array<i32: 0>} : vector<2x1xi32>
    %get3A_615 = arith.constant 0 : index
    %get3A_616 = arith.constant 0 : index
    %get3A_617 = vector.load %arg29[%get3A_615, %get3A_616] : memref<2x1xf32, #tpu.memory_space<vmem>>, vector<2x1xf32>
    %eq3A_618 = vector.broadcast %select_n3A : i32 to vector<2x1xi32>
    %eq3A_619 = arith.cmpi eq, %iota3A_614, %eq3A_618 : vector<2x1xi32>
    %reduce_sum3A_620 = vector.shape_cast %mul3A_319 : vector<1024x1xf32> to vector<1x1024x1xf32>
    %reduce_sum3A_621 = arith.constant dense<0.000000e+00> : vector<1xf32>
    %reduce_sum3A_622 = vector.multi_reduction <add>, %reduce_sum3A_620, %reduce_sum3A_621 [1, 2] : vector<1x1024x1xf32> to vector<1xf32>
    %reduce_sum3A_623 = vector.shape_cast %reduce_sum3A_622 : vector<1xf32> to vector<1x1x1xf32>
    %reduce_sum3A_624 = vector.extract %reduce_sum3A_623[0, 0, 0] : f32 from vector<1x1x1xf32>
    %jit3A_625 = arith.constant 0.000000e+00 : f32
    %broadcast_in_dim3A_626 = vector.broadcast %reduce_sum3A_624 : f32 to vector<2x1xf32>
    %broadcast_in_dim3A_627 = vector.broadcast %jit3A_625 : f32 to vector<2x1xf32>
    %select_n3A_628 = arith.select %eq3A_619, %broadcast_in_dim3A_626, %broadcast_in_dim3A_627 : vector<2x1xi1>, vector<2x1xf32>
    %add3A_629 = arith.addf %get3A_617, %select_n3A_628 : vector<2x1xf32>
    %swap3A_630 = arith.constant 0 : index
    %swap3A_631 = arith.constant 0 : index
    %swap3A_632 = vector.load %arg29[%swap3A_630, %swap3A_631] : memref<2x1xf32, #tpu.memory_space<vmem>>, vector<2x1xf32>
    tpu.vector_store %arg29[%swap3A_630, %swap3A_631], %add3A_629 {strides = array<i32>} : memref<2x1xf32, #tpu.memory_space<vmem>>, vector<2x1xf32>,
    %eq3A_633 = arith.constant 3 : i32
    %eq3A_634 = arith.cmpi eq, %arg0, %eq3A_633 : i32
    %convert_element_type3A_635 = arith.extui %eq3A_634 : i1 to i32
    %cond3A_636 = arith.constant 0 : i32
    %cond3A_637 = arith.cmpi ne, %convert_element_type3A_635, %cond3A_636 : i32
    scf.if %cond3A_637 {
      %get3A_638 = arith.constant 0 : index
      %get3A_639 = arith.constant 0 : index
      %get3A_640 = vector.load %arg29[%get3A_638, %get3A_639] : memref<2x1xf32, #tpu.memory_space<vmem>>, vector<2x1xf32>
      %sub3A_641 = arith.constant 1.024000e+03 : f32
      %sub3A_642 = vector.broadcast %sub3A_641 : f32 to vector<2x1xf32>
      %sub3A_643 = arith.subf %get3A_640, %sub3A_642 : vector<2x1xf32>
      %mul3A_644 = arith.mulf %sub3A_643, %sub3A_643 : vector<2x1xf32>
      %reduce_sum3A_645 = arith.constant dense<0.000000e+00> : vector<1xf32>
      %reduce_sum3A_646 = vector.multi_reduction <add>, %mul3A_644, %reduce_sum3A_645 [0] : vector<2x1xf32> to vector<1xf32>
      %broadcast_in_dim3A_647 = vector.shape_cast %reduce_sum3A_646 : vector<1xf32> to vector<1x1xf32>
      %mul3A_648 = arith.constant 5.000000e-01 : f32
      %mul3A_649 = vector.broadcast %mul3A_648 : f32 to vector<1x1xf32>
      %mul3A_650 = arith.mulf %broadcast_in_dim3A_647, %mul3A_649 : vector<1x1xf32>
      %swap3A_651 = arith.constant 0 : index
      %swap3A_652 = arith.constant 0 : index
      %swap3A_653 = vector.load %arg30[%swap3A_651, %swap3A_652] : memref<1x1xf32, #tpu.memory_space<vmem>>, vector<1x1xf32>
      tpu.vector_store %arg30[%swap3A_651, %swap3A_652], %mul3A_650 {strides = array<i32>} : memref<1x1xf32, #tpu.memory_space<vmem>>, vector<1x1xf32>,
    } else {
    }
    return
  }
  func.func @transform_0(%arg0: i32) -> (i32, i32) {
    %c0_i32 = arith.constant 0 : i32
    %c0_i32_0 = arith.constant 0 : i32
    return %arg0, %c0_i32 : i32, i32
  }
  func.func @transform_1(%arg0: i32) -> (i32, i32) {
    %c0_i32 = arith.constant 0 : i32
    %c0_i32_0 = arith.constant 0 : i32
    return %arg0, %c0_i32 : i32, i32
  }
  func.func @transform_2(%arg0: i32) -> (i32, i32) {
    %jit3A = arith.constant 2 : i32
    %div3A = arith.divsi %arg0, %jit3A : i32
    %sign3A = arith.constant 0 : i32
    %sign3A_0 = arith.cmpi sgt, %arg0, %sign3A : i32
    %sign3A_1 = arith.extui %sign3A_0 : i1 to i32
    %sign3A_2 = arith.constant 0 : i32
    %sign3A_3 = arith.cmpi slt, %arg0, %sign3A_2 : i32
    %sign3A_4 = arith.extui %sign3A_3 : i1 to i32
    %sign3A_5 = arith.subi %sign3A_1, %sign3A_4 : i32
    %sign3A_6 = arith.constant 0 : i32
    %sign3A_7 = arith.cmpi sgt, %jit3A, %sign3A_6 : i32
    %sign3A_8 = arith.extui %sign3A_7 : i1 to i32
    %sign3A_9 = arith.constant 0 : i32
    %sign3A_10 = arith.cmpi slt, %jit3A, %sign3A_9 : i32
    %sign3A_11 = arith.extui %sign3A_10 : i1 to i32
    %sign3A_12 = arith.subi %sign3A_8, %sign3A_11 : i32
    %ne3A = arith.cmpi ne, %sign3A_5, %sign3A_12 : i32
    %rem3A = arith.remsi %arg0, %jit3A : i32
    %ne3A_13 = arith.constant 0 : i32
    %ne3A_14 = arith.cmpi ne, %rem3A, %ne3A_13 : i32
    %and3A = arith.andi %ne3A, %ne3A_14 : i1
    %sub3A = arith.constant 1 : i32
    %sub3A_15 = arith.subi %div3A, %sub3A : i32
    %select_n3A = arith.select %and3A, %sub3A_15, %div3A : i32
    %c0_i32 = arith.constant 0 : i32
    %c0_i32_16 = arith.constant 0 : i32
    return %select_n3A, %c0_i32 : i32, i32
  }
  func.func @transform_3(%arg0: i32) -> (i32, i32) {
    %c0_i32 = arith.constant 0 : i32
    %c0_i32_0 = arith.constant 0 : i32
    return %arg0, %c0_i32 : i32, i32
  }
  func.func @transform_4(%arg0: i32) -> (i32, i32) {
    %jit3A = arith.constant 2 : i32
    %div3A = arith.divsi %arg0, %jit3A : i32
    %sign3A = arith.constant 0 : i32
    %sign3A_0 = arith.cmpi sgt, %arg0, %sign3A : i32
    %sign3A_1 = arith.extui %sign3A_0 : i1 to i32
    %sign3A_2 = arith.constant 0 : i32
    %sign3A_3 = arith.cmpi slt, %arg0, %sign3A_2 : i32
    %sign3A_4 = arith.extui %sign3A_3 : i1 to i32
    %sign3A_5 = arith.subi %sign3A_1, %sign3A_4 : i32
    %sign3A_6 = arith.constant 0 : i32
    %sign3A_7 = arith.cmpi sgt, %jit3A, %sign3A_6 : i32
    %sign3A_8 = arith.extui %sign3A_7 : i1 to i32
    %sign3A_9 = arith.constant 0 : i32
    %sign3A_10 = arith.cmpi slt, %jit3A, %sign3A_9 : i32
    %sign3A_11 = arith.extui %sign3A_10 : i1 to i32
    %sign3A_12 = arith.subi %sign3A_8, %sign3A_11 : i32
    %ne3A = arith.cmpi ne, %sign3A_5, %sign3A_12 : i32
    %rem3A = arith.remsi %arg0, %jit3A : i32
    %ne3A_13 = arith.constant 0 : i32
    %ne3A_14 = arith.cmpi ne, %rem3A, %ne3A_13 : i32
    %and3A = arith.andi %ne3A, %ne3A_14 : i1
    %sub3A = arith.constant 1 : i32
    %sub3A_15 = arith.subi %div3A, %sub3A : i32
    %select_n3A = arith.select %and3A, %sub3A_15, %div3A : i32
    %c0_i32 = arith.constant 0 : i32
    %c0_i32_16 = arith.constant 0 : i32
    return %select_n3A, %c0_i32 : i32, i32
  }
  func.func @transform_5(%arg0: i32) -> (i32, i32) {
    %c0_i32 = arith.constant 0 : i32
    %c0_i32_0 = arith.constant 0 : i32
    return %arg0, %c0_i32 : i32, i32
  }
  func.func @transform_6(%arg0: i32) -> (i32, i32) {
    %c0_i32 = arith.constant 0 : i32
    %c0_i32_0 = arith.constant 0 : i32
    return %arg0, %c0_i32 : i32, i32
  }
  func.func @transform_7(%arg0: i32) -> (i32, i32) {
    %c0_i32 = arith.constant 0 : i32
    %c0_i32_0 = arith.constant 0 : i32
    %c0_i32_1 = arith.constant 0 : i32
    return %c0_i32, %c0_i32_0 : i32, i32
  }
  func.func @transform_8(%arg0: i32) -> (i32, i32) {
    %c0_i32 = arith.constant 0 : i32
    %c0_i32_0 = arith.constant 0 : i32
    return %arg0, %c0_i32 : i32, i32
  }
  func.func @transform_9(%arg0: i32) -> (i32, i32) {
    %c0_i32 = arith.constant 0 : i32
    %c0_i32_0 = arith.constant 0 : i32
    return %arg0, %c0_i32 : i32, i32
  }
  func.func @transform_10(%arg0: i32) -> (i32, i32) {
    %c0_i32 = arith.constant 0 : i32
    %c0_i32_0 = arith.constant 0 : i32
    %c0_i32_1 = arith.constant 0 : i32
    return %c0_i32, %c0_i32_0 : i32, i32
  }
  func.func @transform_11(%arg0: i32) -> (i32, i32) {
    %c0_i32 = arith.constant 0 : i32
    %c0_i32_0 = arith.constant 0 : i32
    %c0_i32_1 = arith.constant 0 : i32
    return %c0_i32, %c0_i32_0 : i32, i32
  }
  func.func @transform_12(%arg0: i32) -> (i32, i32) {
    %c0_i32 = arith.constant 0 : i32
    %c0_i32_0 = arith.constant 0 : i32
    %c0_i32_1 = arith.constant 0 : i32
    return %c0_i32, %c0_i32_0 : i32, i32
  }
  func.func @transform_13(%arg0: i32) -> (i32, i32) {
    %c0_i32 = arith.constant 0 : i32
    %c0_i32_0 = arith.constant 0 : i32
    %c0_i32_1 = arith.constant 0 : i32
    return %c0_i32, %c0_i32_0 : i32, i32
  }
  func.func @transform_14(%arg0: i32) -> (i32, i32) {
    %c0_i32 = arith.constant 0 : i32
    %c0_i32_0 = arith.constant 0 : i32
    %c0_i32_1 = arith.constant 0 : i32
    return %c0_i32, %c0_i32_0 : i32, i32
  }
  func.func @transform_15(%arg0: i32) -> (i32, i32) {
    %c0_i32 = arith.constant 0 : i32
    %c0_i32_0 = arith.constant 0 : i32
    %c0_i32_1 = arith.constant 0 : i32
    return %c0_i32, %c0_i32_0 : i32, i32
  }
  func.func @transform_16(%arg0: i32) -> (i32, i32) {
    %c0_i32 = arith.constant 0 : i32
    %c0_i32_0 = arith.constant 0 : i32
    %c0_i32_1 = arith.constant 0 : i32
    return %c0_i32, %c0_i32_0 : i32, i32
  }
  func.func @transform_17(%arg0: i32) -> (i32, i32) {
    %c0_i32 = arith.constant 0 : i32
    %c0_i32_0 = arith.constant 0 : i32
    %c0_i32_1 = arith.constant 0 : i32
    return %c0_i32, %c0_i32_0 : i32, i32
  }
  func.func @transform_18(%arg0: i32) -> (i32, i32) {
    %c0_i32 = arith.constant 0 : i32
    %c0_i32_0 = arith.constant 0 : i32
    %c0_i32_1 = arith.constant 0 : i32
    return %c0_i32, %c0_i32_0 : i32, i32
  }
  func.func @transform_19(%arg0: i32) -> (i32, i32) {
    %c0_i32 = arith.constant 0 : i32
    %c0_i32_0 = arith.constant 0 : i32
    %c0_i32_1 = arith.constant 0 : i32
    return %c0_i32, %c0_i32_0 : i32, i32
  }
  func.func @transform_20(%arg0: i32) -> (i32, i32) {
    %c0_i32 = arith.constant 0 : i32
    %c0_i32_0 = arith.constant 0 : i32
    %c0_i32_1 = arith.constant 0 : i32
    return %c0_i32, %c0_i32_0 : i32, i32
  }
  func.func @transform_21(%arg0: i32) -> (i32, i32) {
    %c0_i32 = arith.constant 0 : i32
    %c0_i32_0 = arith.constant 0 : i32
    %c0_i32_1 = arith.constant 0 : i32
    return %c0_i32, %c0_i32_0 : i32, i32
  }
  func.func @transform_22(%arg0: i32) -> (i32, i32) {
    %c0_i32 = arith.constant 0 : i32
    %c0_i32_0 = arith.constant 0 : i32
    %c0_i32_1 = arith.constant 0 : i32
    return %c0_i32, %c0_i32_0 : i32, i32
  }
  func.func @transform_23(%arg0: i32) -> (i32, i32) {
    %c0_i32 = arith.constant 0 : i32
    %c0_i32_0 = arith.constant 0 : i32
    %c0_i32_1 = arith.constant 0 : i32
    return %c0_i32, %c0_i32_0 : i32, i32
  }
  func.func @transform_24(%arg0: i32) -> (i32, i32) {
    %c0_i32 = arith.constant 0 : i32
    %c0_i32_0 = arith.constant 0 : i32
    return %arg0, %c0_i32 : i32, i32
  }
  func.func @transform_25(%arg0: i32) -> (i32, i32) {
    %c0_i32 = arith.constant 0 : i32
    %c0_i32_0 = arith.constant 0 : i32
    return %arg0, %c0_i32 : i32, i32
  }
  func.func @transform_26(%arg0: i32) -> (i32, i32) {
    %c0_i32 = arith.constant 0 : i32
    %c0_i32_0 = arith.constant 0 : i32
    return %arg0, %c0_i32 : i32, i32
  }
  func.func @transform_27(%arg0: i32) -> (i32, i32) {
    %c0_i32 = arith.constant 0 : i32
    %c0_i32_0 = arith.constant 0 : i32
    return %arg0, %c0_i32 : i32, i32
  }
  func.func @transform_28(%arg0: i32) -> (i32, i32) {
    %c0_i32 = arith.constant 0 : i32
    %c0_i32_0 = arith.constant 0 : i32
    %c0_i32_1 = arith.constant 0 : i32
    return %c0_i32, %c0_i32_0 : i32, i32
  }
  func.func @transform_29(%arg0: i32) -> (i32, i32) {
    %c0_i32 = arith.constant 0 : i32
    %c0_i32_0 = arith.constant 0 : i32
    %c0_i32_1 = arith.constant 0 : i32
    return %c0_i32, %c0_i32_0 : i32, i32
  }
}

</mosaic_0001>

<sc_bundles>
// kernel: kernel.4.cloned.1.call-start
scs
__scs_entry_jumppad:
0x0: {  	(pc) =	sbr.rel $0x88, $3  }
0x1: {  	(tag) =	ssettag $0x0;
	lr =	simm.s32 $0x1  }
0x2: {  	[smem:$0x3F8D] =	sst lr;
	_ =	strace $0xD0000000  }
0x3: {  	_ = 	snop  }
0x4: {  	_ = 	snop  }
0x5: {  	_ = 	snop  }
0x6: {  	_ = 	snop  }
0x7: {  	_ = 	snop  }
__scs_overlays_trampoline_lowered:
0x8: {  	[smem:$0x3F9C] =	sst s0  }
0x9: {  	[smem:$0x3F9D] =	sst s1  }
0xa: {  	[smem:$0x3F9E] =	sst s2  }
0xb: {  	[smem:$0x3F9F] =	sst s3  }
0xc: {  	[smem:$0x3FA0] =	sst s4  }
0xd: {  	[smem:$0x3FA1] =	sst s5  }
0xe: {  	[smem:$0x3FA2] =	sst s6  }
0xf: {  	[smem:$0x3FA3] =	sst s7  }
0x10: {  	[smem:$0x3FA4] =	sst s8  }
0x11: {  	[smem:$0x3FA5] =	sst s9;
	s0 =	simm.s32 @!p0 $0x0  }
0x12: {  	s1 =	sld [smem:$0x3F8B];
	s0 =	simm.s32 @p0 $0x1  }
0x13: {  	[smem:$0x3FA6] =	sst s0;
	s0 =	simm.s32 @!p1 $0x0  }
0x14: {  	s2 =	sld [smem:$0x3F8A];
	s0 =	simm.s32 @p1 $0x1  }
0x15: {  	[smem:$0x3FA7] =	sst s0;
	s0 =	simm.s32 @!p2 $0x0  }
0x16: {  	s3 =	sld [smem:$0x3FDB];
	s0 =	simm.s32 @p2 $0x1  }
0x17: {  	s4 =	simm.s32 $0x1BF5;
	[smem:$0x3FA9] =	sst s0  }
0x18: {  	s0 =	sld [smem:$0x3F8C];
	_ =	swait.ge [sflag:s4], $0x0  }
0x19: {  	s7 =	sld [smem:$0x3F8D]  }
0x1a: {  	s8 =	sadd.s32 $0xFFFFE003, lr  }
0x1b: {  	s9 =	sadd.s32 $0xFFFFFEF7, lr;
	s5 =	simm.s32 $0xFFFFFFFF;
	p2 =	slt.u32 s8, $0xFFFFF086  }
0x1c: {  	p1 =	slt.u32 s9, $0xF7A;
	s5 =	simm.s32 @!p2 $0x0  }
0x1d: {  	s5 =	simm.s32 @p1 $0x1;
	p0 =	seq.s32 s7, s2  }
0x1e: {  	s7 =	smul.u32 @!p0 $0xF7A, s2;
	p2 =	seq.s32 @!p0 s5, $0x0  }
0x1f: {  	s9 =	smul.u32 $0xF7A, s1;
	s8 =	simm.s32 @!p0 $0x1BF5;
	p2 =	por !p2, p0  }
0x20: {  	[sflag:s8] =	ssyncset.s32 @!p0 $0xFFFFF086;
	s6 =	sadd.s32 @!p0 s3, s7;
	s7 =	simm.s32 @!p0 $0x108  }
0x21: {  	s3 =	sadd.s32 s3, s9;
	s6 =	sadd.s32 @!p0 $0x88, s6;
	s7 =	simm.s32 @p2 $0x1082  }
0x22: {  	[simem:s7], [sflag:s8] =	dma.local @!p0 [hbm:s6], $0xF7A  }
0x23: {  	s9 =	sor.u32 $0xD0000000, s2;
	s6 =	simm.s32 $0x108;
	_ =	swait.ge @!p0 [sflag:s8], $0x0  }
0x24: {  	s3 =	sadd.s32 $0x88, s3;
	s6 =	simm.s32 @!p1 $0x1082;
	[sflag:s4] =	ssyncset.s32 $0xFFFFF086  }
0x25: {  	[simem:s6], [sflag:s4] =	dma.local [hbm:s3], $0xF7A  }
0x26: {  	[smem:$0x3F8D] =	sst s1;
	(tag) =	ssettag s2;
	_ =	strace s9  }
0x27: {  	s1 =	sld [smem:$0x3F9D]  }
0x28: {  	s2 =	sld [smem:$0x3F9E]  }
0x29: {  	s4 =	sld [smem:$0x3FA0]  }
0x2a: {  	p0 =	seq.s32 s5, $0x0;
	s5 =	sld [smem:$0x3FA1]  }
0x2b: {  	s6 =	sld [smem:$0x3FA2]  }
0x2c: {  	s7 =	sld [smem:$0x3FA3]  }
0x2d: {  	s3 =	simm.s32 $0x108;
	s8 =	sld [smem:$0x3FA4]  }
0x2e: {  	s3 =	simm.s32 @!p0 $0x1082;
	s9 =	sld [smem:$0x3FA5]  }
0x2f: {  	lr =	sadd.s32 s0, s3;
	s0 =	sld [smem:$0x3F9C]  }
0x30: {  	s3 =	sld [smem:$0x3F9F]  }
0x31: {  	[smem:$0x3FA8] =	sst s10  }
0x32: {  	s10 =	sld [smem:$0x3FA6];
	_ =	sdelay $0x3  }
0x33: {  	p0 =	seq.s32 s10, $0x1;
	s10 =	sld [smem:$0x3FA8];
	_ =	sdelay $0x3  }
0x34: {  	[smem:$0x3FA8] =	sst s10  }
0x35: {  	s10 =	sld [smem:$0x3FA7];
	_ =	sdelay $0x3  }
0x36: {  	p1 =	seq.s32 s10, $0x1;
	s10 =	sld [smem:$0x3FA8];
	_ =	sdelay $0x3  }
0x37: {  	[smem:$0x3FA8] =	sst s10  }
0x38: {  	s10 =	sld [smem:$0x3FA9]  }
0x39: {  	_ = 	snop;
	(pc) =	sbr.ind lr, $3  }
0x3a: {  	_ = 	snop  }
0x3b: {  	_ = 	snop  }
0x3c: {  	p2 =	seq.s32 s10, $0x1;
	s10 =	sld [smem:$0x3FA8]  }
0x3d: {  	_ =	shalt  }
0x3e: {  	_ =	shalt  }
0x3f: {  	_ =	shalt  }
0x40: {  	_ =	shalt  }
0x41: {  	_ =	shalt  }
0x42: {  	_ =	shalt  }
0x43: {  	_ =	shalt  }
0x44: {  	_ =	shalt  }
0x45: {  	_ =	shalt  }
0x46: {  	_ =	shalt  }
0x47: {  	_ =	shalt  }
0x48: {  	_ =	shalt  }
0x49: {  	_ =	shalt  }
0x4a: {  	_ =	shalt  }
0x4b: {  	_ =	shalt  }
0x4c: {  	_ =	shalt  }
0x4d: {  	_ =	shalt  }
0x4e: {  	_ =	shalt  }
0x4f: {  	_ =	shalt  }
0x50: {  	_ =	shalt  }
0x51: {  	_ =	shalt  }
0x52: {  	_ =	shalt  }
0x53: {  	_ =	shalt  }
0x54: {  	_ =	shalt  }
0x55: {  	_ =	shalt  }
0x56: {  	_ =	shalt  }
0x57: {  	_ =	shalt  }
0x58: {  	_ =	shalt  }
0x59: {  	_ =	shalt  }
0x5a: {  	_ =	shalt  }
0x5b: {  	_ =	shalt  }
0x5c: {  	_ =	shalt  }
0x5d: {  	_ =	shalt  }
0x5e: {  	_ =	shalt  }
0x5f: {  	_ =	shalt  }
0x60: {  	_ =	shalt  }
0x61: {  	_ =	shalt  }
0x62: {  	_ =	shalt  }
0x63: {  	_ =	shalt  }
0x64: {  	_ =	shalt  }
0x65: {  	_ =	shalt  }
0x66: {  	_ =	shalt  }
0x67: {  	_ =	shalt  }
0x68: {  	_ =	shalt  }
0x69: {  	_ =	shalt  }
0x6a: {  	_ =	shalt  }
0x6b: {  	_ =	shalt  }
0x6c: {  	_ =	shalt  }
0x6d: {  	_ =	shalt  }
0x6e: {  	_ =	shalt  }
0x6f: {  	_ =	shalt  }
0x70: {  	_ =	shalt  }
0x71: {  	_ =	shalt  }
0x72: {  	_ =	shalt  }
0x73: {  	_ =	shalt  }
0x74: {  	_ =	shalt  }
0x75: {  	_ =	shalt  }
0x76: {  	_ =	shalt  }
0x77: {  	_ =	shalt  }
0x78: {  	_ =	shalt  }
0x79: {  	_ =	shalt  }
0x7a: {  	_ =	shalt  }
0x7b: {  	_ =	shalt  }
0x7c: {  	_ =	shalt  }
0x7d: {  	_ =	shalt  }
0x7e: {  	_ =	shalt  }
0x7f: {  	_ =	shalt  }
0x80: {  	_ =	shalt  }
0x81: {  	_ =	shalt  }
0x82: {  	_ =	shalt  }
0x83: {  	_ =	shalt  }
0x84: {  	_ =	shalt  }
0x85: {  	_ =	shalt  }
0x86: {  	_ =	shalt  }
0x87: {  	_ =	shalt  }
.Lfunc_end0:
.L_simem_size_0:
called_computation_lowered:
.L_overlay_start_0:
0x88: {  	s2 =	sld [smem:$0x3FD9]  }
0x89: {  	s3 =	sld [smem:$0x3FFE];
	_ =	sdelay $0x1  }
0x8a: {  	s1 =	srdreg.scid  }
0x8b: {  	s0 =	sand.u32 $0x1, s1  }
0x8c: {  	s14 =	sshll.u32 s0, $0xA;
	s2 =	sadd.s32 s3, s2  }
0x8d: {  	s2 =	sadd.s32 s2, s14  }
0x8e: {  	[smem:$0x3FB4] =	sst s2  }
0x8f: {  	_ = 	snop  }
0x90: {  	s2 =	sld [smem:$0x3FD0];
	_ =	sdelay $0x2  }
0x91: {  	s15 =	simm.s32 $0xA;
	s4 =	simm.s32 $0x10  }
0x92: {  	[smem:s4], [sflag:s15] =	dma.local [hbm:s2], $0x1  }
0x93: {  	_ =	swait.eq [sflag:s15], $0x1  }
0x94: {  	s16 =	sld [smem:$0x10]  }
0x95: {  	s17 =	sld [smem:$0x11];
	[sflag:s15] =	ssyncset.done $0x0  }
0x96: {  	s5 =	sld [smem:$0x12];
	[sflag:s15] =	ssyncadd.s32 $0xFFFFFFFF  }
0x97: {  	s18 =	sld [smem:$0x13];
	(tm) =	ssettm $0x1  }
0x98: {  	s6 =	sld [smem:$0x3FFB];
	_ =	sdelay $0x3  }
0x99: {  	_ =	strace s6  }
0x9a: {  	s6 =	sld [smem:$0x3FFC];
	_ =	sdelay $0x3  }
0x9b: {  	_ =	strace s6  }
0x9c: {  	s6 =	sld [smem:$0x3FFD];
	_ =	sdelay $0x3  }
0x9d: {  	_ =	strace s6  }
0x9e: {  	_ =	strace $0x8FFFFFFF  }
0x9f: {  	s19 =	sld [smem:$0x3FDB];
	_ =	sdelay $0x1  }
0xa0: {  	s7 =	simm.s32 $_scs_section_size  }
0xa1: {  	s8 =	simm.s32 $_size__tile_overlayer_lowered;
	s9 =	simm.s32 $_tile_overlayer_lowered  }
0xa2: {  	s22 =	simm.s32 $0x1BFF;
	s21 =	sshll.u32 s9, $0x1;
	s6 =	sadd.s32 s7, s19  }
0xa3: {  	s10 =	simm.s32 $0x0;
	s20 =	sshll.u32 s8, $0x1;
	s8 =	sadd.s32 s21, s6  }
0xa4: {  	[timem:s10], [sflag:s22] =	dma.local [hbm:s8], s20  }
0xa5: {  	_ =	swait.ge [sflag:s22], s20  }
0xa6: {  	s7 =	ssub.s32 $0x0, s20;
	[sflag:s22] =	ssyncset.done $0x0  }
0xa7: {  	[sflag:s22] =	ssyncadd.s32 s7;
	_ =	sdelay $0x1  }
0xa8: {  	s23 =	simm.s32 $0x1B8B  }
0xa9: {  	_ =	swait.ge [sflag:s23], $0x1  }
0xaa: {  	[sflag:s23] =	ssyncset.done $0x0  }
0xab: {  	s25 =	simm.s32 $0x1B8E;
	s24 =	sld [smem:$0x3FFE];
	[sflag:s23] =	ssyncadd.s32 $0xFFFFFFFF  }
0xac: {  	s26 =	simm.s32 $execute0_lowered;
	[smem:$0x3FD2] =	sst s25  }
0xad: {  	s8 =	sshll.u32 s26, $0x1;
	_ =	strace $0x80000046;
	[dreg:$0x1] =	wrdreg $0xFFFFFFFF  }
0xae: {  	s28 =	simm.s32 $_size_execute0_lowered;
	s6 =	sadd.s32 s6, s8;
	[dreg:$0x0] =	wrdreg $0x0  }
0xaf: {  	s8 =	sshll.u32 s28, $0x1;
	[dreg:$0x2] =	wrdreg s6  }
0xb0: {  	[dreg:$0x3] =	wrdreg s8  }
0xb1: {  	[dreg:$0x4] =	wrdreg $0xC0  }
0xb2: {  	_ =	task [dreg:s10], $0x5FFFF  }
0xb3: {  	[dreg:$0x1] =	wrdreg $0xFFFFFFFF  }
0xb4: {  	[dreg:$0x0] =	wrdreg $0x60  }
0xb5: {  	[dreg:$0x2] =	wrdreg s18  }
0xb6: {  	[dreg:$0x3] =	wrdreg s17  }
0xb7: {  	[dreg:$0x4] =	wrdreg s16  }
0xb8: {  	[dreg:$0x5] =	wrdreg s5  }
0xb9: {  	[dreg:$0x6] =	wrdreg s24  }
0xba: {  	[dreg:$0x7] =	wrdreg $0x9  }
0xbb: {  	_ =	task.clear_ibuf [dreg:s10], $0x8FFFF;
	_ =	strace $0x90000046  }
0xbc: {  	s29 =	simm.s32 $0x9;
	_ =	strace $0x80000048  }
0xbd: {  	_ =	swait.ge [sflag:s29], $0x1  }
0xbe: {  	[sflag:s29] =	ssyncadd.s32 $0xFFFFFFFF  }
0xbf: {  	_ =	strace $0x90000048  }
0xc0: {  	_ =	sfence  }
0xc1: {  	s30 =	sld [smem:$0x0];
	_ =	sdelay $0x2  }
0xc2: {  	s31 =	sshll.u32 s1, $0xD;
	s1 =	sshrl.u32 s1, $0x2  }
0xc3: {  	s3 =	sand.u32 $0x4000, s31;
	s1 =	sadd.s32 s1, s30  }
0xc4: {  	s0 =	sor.u32 s3, s0;
	s1 =	sshll.u32 s1, $0x11  }
0xc5: {  	s0 =	sor.u32 s1, s0  }
0xc6: {  	s0 =	sadd.s32 $0x8F2B, s0  }
0xc7: {  	[sflag:s0] =	ssyncadd.remote.s32 $0x1  }
0xc8: {  	_ =	sfence.sel $0xFFFF  }
0xc9: {  	[dreg:$0x0] =	wrdreg $0xFFFFFFFF;
	(pc) =	sbr.abs _section_cstart, $3  }
0xca: {  	[dreg:$0x1] =	wrdreg $0xFFFFFFFF  }
0xcb: {  	_ =	task.clear_ibuf [dreg:s10], $0x2FFFF;
	_ =	strace $0x9FFFFFFF  }
0xcc: {  	(tm) =	ssettm $0x7FFFFFFF  }
0xcd: {  	_ =	shalt  }
tec
execute0_lowered:
.L_overlay_start_1:
0x0: {  	(tag) =	ssettag $0x1  }
0x1: {  	s1 =	srdreg.scid;
	s5 =	rddreg [dreg:$0x0]  }
0x2: {  	s0 =	stileid.u32;
	s7 =	rddreg [dreg:$0x1]  }
0x3: {  	s12 =	rddreg [dreg:$0x3];
	s9 =	sand.u32 $0x1, s1;
	s14 =	sshll.u32 s0, $0x1  }
0x4: {  	s28 =	rddreg [dreg:$0x4];
	s8 =	sshrl.u32 s0, $0x3;
	s6 =	sor.u32 s9, s14  }
0x5: {  	s3 =	sshll.u32 s8, $0x8;
	s9 =	ssub.s32 $0x2, s9;
	s13 =	smul.u32 $0x60, s8  }
0x6: {  	s8 =	smul.u32 $0x120, s8;
	s14 =	simm.s32 $0x1200;
	s1 =	sshll.u32 s6, $0x4  }
0x7: {  	s29 =	sshll.u32 s6, $0xA;
	s30 =	sshrl.u32 s9, $0x1;
	s31 =	sshll.u32 s6, $0x1  }
0x8: {  	vm0 =	vmmov $0x1;
	s1 =	ssub.s32 s1, s3;
	s9 =	ssub.s32 s9, s30;
	s5 =	sadd.s32 s5, s13  }
0x9: {  	v17 =	vlaneseq.u32;
	vm3 =	vcmask $0xB10;
	vm4 =	vcmask $0xF14;
	s6 =	sadd.s32 s7, s8;
	s7 =	sadd.s32 s12, s31;
	s12 =	simm.s32 $0x3210  }
0xa: {  	vm5 =	vcmask $0x1318;
	vm6 =	vcmask $0x171C;
	vm7 =	vcmask $0x1B20;
	s13 =	simm.s32 $0x10;
	s4 =	sor.u32 $0x1, s1;
	s10 =	sor.u32 $0x2, s1  }
0xb: {  	vm8 =	vcmask $0x1F24;
	vm9 =	vcmask $0x2328;
	vm10 =	vcmask $0x272C;
	s15 =	sor.u32 $0x3, s1;
	s16 =	sor.u32 $0x4, s1;
	s11 =	sor.u32 $0x5, s1  }
0xc: {  	vm11 =	vcmask $0x2B30;
	vm12 =	vcmask $0x2F34;
	vm13 =	vcmask $0x3338;
	s17 =	sor.u32 $0x6, s1;
	s18 =	sor.u32 $0x7, s1;
	s19 =	sor.u32 $0x8, s1  }
0xd: {  	vm14 =	vcmask $0x373C;
	v16 =	vmov s3;
	v0 =	vmov s1;
	s20 =	sor.u32 $0x9, s1;
	s21 =	sor.u32 $0xA, s1;
	s22 =	sor.u32 $0xB, s1  }
0xe: {  	s23 =	sor.u32 $0xC, s1;
	s24 =	sor.u32 $0xD, s1;
	s25 =	sor.u32 $0xE, s1;
	v1 =	vmov s4;
	v2 =	vmov s10;
	v3 =	vmov s15  }
0xf: {  	s26 =	sor.u32 $0xF, s1;
	s9 =	smax.u32 s9, $0x1;
	v4 =	vmov s16;
	v5 =	vmov s11;
	v6 =	vmov s17;
	s4 =	simm.s32 $0x0  }
0x10: {  	v7 =	vmov s18;
	v8 =	vmov s19;
	v9 =	vmov s20;
	s10 =	sadd.s32 s29, s28;
	s11 =	simm.s32 $0x300;
	s15 =	simm.s32 $0x1210  }
0x11: {  	[tilespmem:$0x1FFF0] =	vst v16;
	v10 =	vmov s21;
	v11 =	vmov s22;
	v12 =	vmov s23;
	s16 =	simm.s32 $0x1;
	s17 =	simm.s32 $0x0;
	[smem:$0x7FF] =	sst s4  }
0x12: {  	v13 =	vmov s24;
	v14 =	vmov s25;
	v15 =	vmov s26;
	s8 =	sadd.s32 $0x2C00, s10;
	s10 =	simm.s32 $0x2;
	_ =	strace $0x80000047  }
.LBB2_1:
0x13: {  	[tilespmem:s4], [sflag:$0x2] =	stream.linear.gather [hbm4b:s5+s4], $0x300, $0x38;
	[tilespmem:$0x3220] =	vst v63  }
0x14: {  	_ =	swait.ge [sflag:s10], $0x300  }
0x15: {  	[sflag:s10] =	ssyncset.done $0x0  }
0x16: {  	[sflag:s10] =	ssyncadd.s32 $0xFFFFFD00  }
0x17: {  	[tilespmem:s11], [sflag:$0x2] =	stream.linear.gather [hbm4b:s6+s4], $0x900, $0x38;
	[tilespmem:$0x3220] =	vst v63  }
0x18: {  	_ =	swait.ge [sflag:s10], $0x900  }
0x19: {  	[sflag:s10] =	ssyncset.done $0x0  }
0x1a: {  	s20 =	simm.s32 $0x0;
	[sflag:s10] =	ssyncadd.s32 $0xFFFFF700  }
0x1b: {  	v16 =	vld [tilespmem:s20+$0x400]  }
0x1c: {  	v19 =	vld [tilespmem:s20+$0x700]  }
0x1d: {  	v22 =	vld [tilespmem:s20+$0x800]  }
0x1e: {  	v18 =	vld [tilespmem:s20+$0xB00]  }
0x1f: {  	v20 =	vld [tilespmem:s20+$0x500];
	_ =	sdelay $0x3  }
0x20: {  	v24 =	vld [tilespmem:s20+$0x300];
	v21 =	vmul.f32 v18, v19;
	v23 =	vmul.f32 v22, v22  }
0x21: {  	v25 =	vmul.f32 v22, v20;
	v26 =	vmul.f32 v18, v16  }
0x22: {  	v27 =	vmul.f32 v22, v16  }
0x23: {  	s18 =	simm.s32 $0x10;
	v28 =	vsub.f32 v21, v23;
	v26 =	vsub.f32 v25, v26;
	v21 =	vmul.f32 v19, v20  }
0x24: {  	v32 =	vld [tilespmem:s18+$0x700]  }
0x25: {  	v31 =	vld [tilespmem:s18+$0xB00];
	v27 =	vsub.f32 v27, v21;
	v21 =	vmul.f32 v28, v24;
	v23 =	vmul.f32 v26, v16  }
0x26: {  	v29 =	vld [tilespmem:s18+$0x400]  }
0x27: {  	v30 =	vld [tilespmem:s18+$0x800];
	v21 =	vadd.f32 v23, v21;
	v23 =	vmul.f32 v27, v20  }
0x28: {  	v33 =	vld [tilespmem:s18+$0x500]  }
0x29: {  	v34 =	vmul.f32 v20, v20;
	v21 =	vadd.f32 v21, v23  }
0x2a: {  	v35 =	vmul.f32 v18, v24;
	v18 =	vmul.f32 v31, v32  }
0x2b: {  	v37 =	vmul.f32 v20, v16;
	(erf) = vrcp.f32 v21  }
0x2c: {  	v36 =	vld [tilespmem:s18+$0x300];
	v38 =	vmul.f32 v30, v29;
	v25 =	vmul.f32 v31, v29  }
0x2d: {  	v23 =	vmul.f32 v30, v33;
	v21 =	vmul.f32 v30, v30  }
0x2e: {  	s19 =	simm.s32 $0x20;
	v39 =	vmul.f32 v19, v24;
	v22 =	vmul.f32 v22, v24  }
0x2f: {  	v42 =	vld [tilespmem:s19+$0xB00];
	v20 =	vsub.f32 v23, v25;
	v23 =	vmul.f32 v32, v33;
	v21 =	vsub.f32 v18, v21  }
0x30: {  	v41 =	vmul.f32 v33, v33;
	v16 =	vmul.f32 v16, v16;
	v18 =	vld [tilespmem:s19+$0x400]  }
0x31: {  	v25 =	vld [tilespmem:s19+$0x800];
	v23 =	vsub.f32 v38, v23;
	v40 =	vmul.f32 v20, v29;
	v54 =	vmul.f32 v21, v36  }
0x32: {  	v55 =	vmul.f32 v31, v36;
	v57 =	vmul.f32 v33, v29  }
0x33: {  	v43 =	vld [tilespmem:s19+$0x500];
	v24 =	vsub.f32 v39, v16;
	v56 =	vmul.f32 v23, v33;
	v31 =	vadd.f32 v40, v54  }
0x34: {  	v44 =	vmul.f32 v30, v36;
	v61 =	vmul.f32 v32, v36;
	v19 =	vld [tilespmem:s19+$0x700];
	v16 =	vpop (erf)  }
0x35: {  	v59 =	vmul.f32 v42, v18;
	v30 =	vadd.f32 v31, v56;
	v24 =	vmul.f32 v16, v24  }
0x36: {  	v34 =	vsub.f32 v35, v34;
	v31 =	vmul.f32 v25, v25;
	v28 =	vmul.f32 v16, v28  }
0x37: {  	v26 =	vmul.f32 v16, v26;
	(erf) = vrcp.f32 v30;
	[tilespmem:s20+$0x1100] =	vst v24  }
0x38: {  	v27 =	vmul.f32 v16, v27;
	v58 =	vmul.f32 v16, v34;
	v24 =	vld [tilespmem:s19+$0x300];
	[tilespmem:s20+$0xC00] =	vst v28  }
0x39: {  	v30 =	vmul.f32 v42, v19;
	v28 =	vmul.f32 v25, v43;
	[tilespmem:s20+$0xD00] =	vst v26  }
0x3a: {  	v45 =	vmul.f32 v29, v29;
	v60 =	vmul.f32 v25, v18;
	[tilespmem:s20+$0xE00] =	vst v27  }
0x3b: {  	s21 =	simm.s32 $0x30;
	v30 =	vsub.f32 v30, v31;
	v27 =	vmul.f32 v19, v43;
	[tilespmem:s20+$0xF00] =	vst v58;
	v31 =	vsub.f32 v28, v59  }
0x3c: {  	v35 =	vsub.f32 v37, v22;
	v29 =	vsub.f32 v57, v44;
	v36 =	vmul.f32 v43, v18;
	v22 =	vld [tilespmem:s21+$0x400]  }
0x3d: {  	v26 =	vld [tilespmem:s21+$0x700];
	v33 =	vsub.f32 v60, v27;
	v63 =	vmul.f32 v31, v18;
	v62 =	vmul.f32 v30, v24  }
0x3e: {  	v40 =	vsub.f32 v61, v45;
	v34 =	vmul.f32 v43, v43;
	v32 =	vld [tilespmem:s21+$0x800];
	v37 =	vmul.f32 v42, v24  }
0x3f: {  	s22 =	simm.s32 $0x100;
	v28 =	vsub.f32 v55, v41;
	v27 =	vld [tilespmem:s21+$0xB00];
	v39 =	vmul.f32 v33, v43;
	v38 =	vadd.f32 v63, v62  }
.LBB2_2:
0x40: {  	p0 =	sne.s32 s22, $0x3C0;
	v41 =	vld [tilespmem:s21+$0x500];
	v34 =	vsub.f32 v37, v34;
	v25 =	vmul.f32 v25, v24;
	v37 =	vmul.f32 v16, v35;
	v16 =	vpop (erf)  }
0x41: {  	v35 =	vmovc v29;
	v38 =	vadd.f32 v38, v39;
	v39 =	vmul.f32 v16, v21;
	v42 =	vmul.f32 v16, v40  }
0x42: {  	v40 =	vmul.f32 v16, v23;
	v29 =	vsub.f32 v36, v25;
	v36 =	vmul.f32 v16, v20;
	[tilespmem:s20+$0x1000] =	vst v37;
	s20 =	smov.u32 s18;
	s18 =	smov.u32 s19;
	s19 =	smov.u32 s21  }
0x43: {  	v21 =	vmovc v30;
	v37 =	vmul.f32 v16, v28;
	v28 =	vmovc v34;
	v20 =	vmov v31;
	(erf) = vrcp.f32 v38;
	[tilespmem:s20+$0x1100] =	vst v42  }
0x44: {  	v23 =	vmovc v33;
	v31 =	vmul.f32 v32, v32;
	v38 =	vld [tilespmem:s19+$0x300];
	v30 =	vmul.f32 v27, v26;
	[tilespmem:s20+$0xC00] =	vst v39;
	v25 =	vmov v32  }
0x45: {  	v33 =	vmul.f32 v27, v22;
	v32 =	vmul.f32 v25, v41;
	[tilespmem:s20+$0xD00] =	vst v36  }
0x46: {  	v36 =	vmul.f32 v25, v22;
	v34 =	vmul.f32 v41, v41;
	[tilespmem:s20+$0xE00] =	vst v40  }
.Ltmp0:
0x47: {  	s21 =	sshra.s32 s22, $0x2;
	v30 =	vsub.f32 v30, v31;
	v31 =	vsub.f32 v32, v33;
	v32 =	vmul.f32 v26, v41;
	[tilespmem:s20+$0xF00] =	vst v37;
	(pc) =	sbr.rel @p0 .LBB2_2-.Ltmp0, $4  }
0x48: {  	v42 =	vmul.f32 v18, v18;
	v18 =	vmovc v22;
	v40 =	vmul.f32 v19, v24;
	v19 =	vmov v26;
	v22 =	vld [tilespmem:s21+$0x400]  }
0x49: {  	v26 =	vld [tilespmem:s21+$0x700];
	v33 =	vsub.f32 v36, v32;
	v39 =	vmul.f32 v30, v38;
	v43 =	vmul.f32 v31, v18;
	v24 =	vmovc v38  }
0x4a: {  	v36 =	vmul.f32 v41, v18;
	v32 =	vld [tilespmem:s21+$0x800];
	v37 =	vmul.f32 v27, v24  }
0x4b: {  	s22 =	sadd.s32 $0x40, s22;
	v40 =	vsub.f32 v40, v42;
	v27 =	vld [tilespmem:s21+$0xB00];
	v38 =	vadd.f32 v43, v39;
	v39 =	vmul.f32 v33, v41  }
0x4c: {  	v41 =	vld [tilespmem:s21+$0x500];
	v42 =	vpop (erf);
	v16 =	vmul.f32 v16, v35  }
0x4d: {  	v58 =	vmul.f32 v42, v40  }
0x4e: {  	[tilespmem:s20+$0x1000] =	vst v16  }
0x4f: {  	[tilespmem:s18+$0x1100] =	vst v58  }
0x50: {  	v60 =	vmul.f32 v32, v32;
	v16 =	vld [tilespmem:s21+$0x300];
	v59 =	vmul.f32 v27, v26  }
0x51: {  	v44 =	vmul.f32 v27, v22;
	v43 =	vmul.f32 v32, v41  }
0x52: {  	v38 =	vadd.f32 v38, v39;
	v61 =	vmul.f32 v32, v22  }
0x53: {  	v62 =	vmul.f32 v26, v41;
	v35 =	vsub.f32 v59, v60;
	v43 =	vsub.f32 v43, v44  }
0x54: {  	(erf) = vrcp.f32 v38  }
0x55: {  	v63 =	vsub.f32 v61, v62;
	v48 =	vmul.f32 v35, v16;
	v49 =	vmul.f32 v43, v22;
	_ =	sdelay $0x1  }
0x56: {  	v51 =	vmul.f32 v63, v41;
	v50 =	vadd.f32 v49, v48;
	_ =	sdelay $0x1  }
0x57: {  	v19 =	vmul.f32 v19, v24;
	v38 =	vadd.f32 v50, v51  }
0x58: {  	v18 =	vmul.f32 v18, v18;
	v21 =	vmul.f32 v42, v21  }
0x59: {  	v20 =	vmul.f32 v42, v20;
	(erf) = vrcp.f32 v38  }
0x5a: {  	v23 =	vmul.f32 v42, v23;
	[tilespmem:s18+$0xC00] =	vst v21  }
0x5b: {  	v18 =	vsub.f32 v19, v18;
	v21 =	vmul.f32 v42, v28;
	[tilespmem:s18+$0xD00] =	vst v20  }
0x5c: {  	[tilespmem:s18+$0xE00] =	vst v23;
	v20 =	vmul.f32 v42, v29;
	v19 =	vpop (erf)  }
0x5d: {  	v23 =	vmul.f32 v25, v24;
	[tilespmem:s18+$0xF00] =	vst v21;
	v18 =	vmul.f32 v19, v18  }
0x5e: {  	v25 =	vmul.f32 v22, v22;
	[tilespmem:s18+$0x1000] =	vst v20;
	v20 =	vsub.f32 v37, v34;
	v21 =	vmul.f32 v19, v30  }
0x5f: {  	v24 =	vmul.f32 v19, v31;
	[tilespmem:s19+$0x1100] =	vst v18;
	v18 =	vmul.f32 v26, v16  }
0x60: {  	v23 =	vsub.f32 v36, v23;
	v22 =	vmul.f32 v41, v22;
	v20 =	vmul.f32 v19, v20;
	[tilespmem:s19+$0xC00] =	vst v21  }
0x61: {  	v26 =	vmul.f32 v19, v33;
	v21 =	vmul.f32 v41, v41;
	[tilespmem:s19+$0xD00] =	vst v24;
	v18 =	vsub.f32 v18, v25  }
0x62: {  	v24 =	vmul.f32 v27, v16;
	v19 =	vmul.f32 v19, v23;
	[tilespmem:s19+$0xF00] =	vst v20;
	v25 =	vpop (erf)  }
0x63: {  	v16 =	vmul.f32 v32, v16;
	[tilespmem:s19+$0xE00] =	vst v26;
	v18 =	vmul.f32 v25, v18  }
0x64: {  	[tilespmem:s19+$0x1000] =	vst v19;
	v19 =	vsub.f32 v24, v21;
	v20 =	vmul.f32 v25, v35  }
0x65: {  	v16 =	vsub.f32 v22, v16;
	v21 =	vmul.f32 v25, v43;
	[tilespmem:s21+$0x1100] =	vst v18  }
0x66: {  	v19 =	vmul.f32 v25, v19;
	[tilespmem:s21+$0xC00] =	vst v20  }
0x67: {  	v16 =	vmul.f32 v25, v16;
	[tilespmem:s21+$0xD00] =	vst v21  }
0x68: {  	v18 =	vmul.f32 v25, v63;
	[tilespmem:s21+$0xF00] =	vst v19  }
0x69: {  	[tilespmem:s21+$0x1000] =	vst v16  }
0x6a: {  	[tilespmem:s21+$0xE00] =	vst v18  }
0x6b: {  	v20 =	vld [tilespmem:s1+$0x0];
	_ =	sdelay $0x1  }
0x6c: {  	v19 =	vld [tilespmem:s1+$0x100]  }
0x6d: {  	v18 =	vld [tilespmem:s1+$0x200];
	_ =	sdelay $0x1  }
0x6e: {  	v16 =	vnsel vm0, $0x0, v20  }
0x6f: {  	(xrf2) =	vadd.scan.msk.f32 $0xffff, v16  }
0x70: {  	v16 =	vnsel vm0, $0x0, v19  }
0x71: {  	(xrf2) =	vadd.scan.msk.f32 $0xffff, v16;
	v16 =	vnsel vm0, $0x0, v18  }
0x72: {  	s26 =	simm.s32 $0xF00;
	(xrf2) =	vadd.scan.msk.f32 $0xffff, v16  }
0x73: {  	s28 =	simm.s32 $0x100;
	v24 =	vld [tilespmem:s26+$0xFFFFFD00]  }
0x74: {  	v25 =	vld [tilespmem:s28+$0x100]  }
0x75: {  	v23 =	vld [tilespmem:s28+$0xFFFFFF00]  }
0x76: {  	v26 =	vld [tilespmem:s28+$0x0]  }
0x77: {  	v27 =	vld [tilespmem:s26+$0xFFFFFE00]  }
0x78: {  	v28 =	vld [tilespmem:s26+$0xFFFFFF00]  }
0x79: {  	v29 =	vld [tilespmem:s26+$0x0];
	v21, _, _ =	vpop (xrf2)  }
0x7a: {  	s29 =	simm.s32 $0xF10;
	v31 =	vld [tilespmem:s26+$0x100];
	v21 =	vbroadcast v21, $0xF  }
0x7b: {  	s30 =	simm.s32 $0x110;
	v53 =	vld [tilespmem:s29+$0xFFFFFD00];
	v22, _, _ =	vpop (xrf2)  }
0x7c: {  	v55 =	vld [tilespmem:s30+$0x0];
	v30, _, _ =	vpop (xrf2);
	v22 =	vbroadcast v22, $0xF;
	v52 =	vsub.f32 v21, v23  }
0x7d: {  	v16 =	vld [tilespmem:s26+$0x200];
	v23 =	vbroadcast v30, $0xF  }
0x7e: {  	v56 =	vld [tilespmem:s30+$0xFFFFFF00];
	v26 =	vsub.f32 v22, v26;
	v27 =	vmul.f32 v52, v27  }
0x7f: {  	v57 =	vld [tilespmem:s29+$0x0];
	v54 =	vsub.f32 v23, v25;
	v24 =	vmul.f32 v52, v24;
	v28 =	vmul.f32 v52, v28  }
0x80: {  	v58 =	vld [tilespmem:s29+$0xFFFFFE00];
	v29 =	vmul.f32 v26, v29;
	v31 =	vmul.f32 v26, v31  }
0x81: {  	v25 =	vld [tilespmem:s30+$0x100];
	v27 =	vmul.f32 v26, v27;
	v28 =	vmul.f32 v54, v28  }
0x82: {  	v59 =	vld [tilespmem:s29+$0x100];
	v16 =	vmul.f32 v54, v16;
	v24 =	vmul.f32 v24, v52  }
0x83: {  	v30 =	vld [tilespmem:s29+$0x200];
	v26 =	vmul.f32 v29, v26;
	v27 =	vadd.f32 v28, v27;
	v28 =	vmul.f32 v54, v31  }
0x84: {  	v36 =	vsub.f32 v21, v56;
	v60 =	vsub.f32 v22, v55;
	v31 =	vld [tilespmem:s29+$0xFFFFFF00]  }
0x85: {  	v16 =	vmul.f32 v16, v54;
	v24 =	vadd.f32 v26, v24;
	v27 =	vadd.f32 v27, v28  }
0x86: {  	s21 =	simm.s32 $0x120;
	v61 =	vmul.f32 v36, v53;
	v25 =	vsub.f32 v23, v25  }
0x87: {  	v32 =	vld [tilespmem:s21+$0x100];
	v62 =	vmul.f32 v60, v57;
	v16 =	vadd.f32 v16, v24;
	v28 =	vadd.f32 v27, v27  }
0x88: {  	s20 =	simm.s32 $0xF20;
	v33 =	vld [tilespmem:s21+$0xFFFFFF00];
	v29 =	vmul.f32 v25, v30;
	v30 =	vmul.f32 v36, v58  }
0x89: {  	v35 =	vmul.f32 v60, v59;
	v26 =	vld [tilespmem:s20+$0x200];
	v63 =	vmul.f32 v36, v31;
	v28 =	vadd.f32 v28, v16  }
0x8a: {  	s31 =	simm.s32 $0x0;
	v38 =	vmul.f32 v62, v60;
	v24 =	vimm.f32 $-3.000000010e+38;
	v27 =	vld [tilespmem:s20+$0xFFFFFD00];
	v34 =	vmul.f32 v60, v30  }
0x8b: {  	v31 =	vld [tilespmem:s21+$0x0];
	v39 =	vmul.f32 v25, v63;
	v37 =	vmul.f32 $-5.000000000e-01, v28;
	v28 =	vor.u32 s31, v17  }
0x8c: {  	s22 =	simm.s32 $0x30;
	s18 =	simm.s32 $0x20;
	s19 =	simm.s32 $0x10;
	v30 =	vld [tilespmem:s20+$0x0];
	v36 =	vmul.f32 v61, v36;
	v16 =	vimm.f32 $0.0e+00;
	vm15 =	veq.s32 v28, v0  }
.LBB2_4:
0x8d: {  	p0 =	sne.s32 s22, $0xF0;
	v40 =	vld [tilespmem:s20+$0xFFFFFE00];
	v34 =	vadd.f32 v39, v34;
	v35 =	vmul.f32 v25, v35;
	v37 =	vsel vm15, $0xF149F2CA, v37  }
0x8e: {  	v41 =	vmul.f32 v29, v25;
	v39 =	vld [tilespmem:s20+$0xFFFFFF00];
	v25 =	vsub.f32 v23, v32;
	vm15 =	vgt.f32 v37, v24  }
0x8f: {  	v32 =	vadd.f32 v38, v36;
	v42 =	vld [tilespmem:s20+$0x100];
	v34 =	vadd.f32 v34, v35;
	v24 =	vsel vm15, v37, v24  }
0x90: {  	v28 =	vcvt.s32.f32 v28;
	v38 =	vsub.f32 v22, v31;
	s20 =	sadd.s32 $0x10, s20;
	v36 =	vsub.f32 v21, v33  }
0x91: {  	v29 =	vmul.f32 v25, v26;
	v31 =	vadd.f32 v41, v32;
	v26 =	vld [tilespmem:s20+$0x200];
	v33 =	vadd.f32 v34, v34  }
.Ltmp1:
0x92: {  	s21 =	sadd.s32 $0x10, s21;
	v16 =	vsel vm15, v28, v16;
	v41 =	vmul.f32 v36, v27;
	v27 =	vld [tilespmem:s20+$0xFFFFFD00];
	v34 =	vmul.f32 v36, v40;
	(pc) =	sbr.rel @p0 .LBB2_4-.Ltmp1, $4  }
0x93: {  	v40 =	vmul.f32 v38, v30;
	v32 =	vld [tilespmem:s21+$0x100];
	v28 =	vmul.f32 v36, v39;
	v30 =	vadd.f32 v33, v31  }
0x94: {  	v31 =	vld [tilespmem:s21+$0x0];
	v34 =	vmul.f32 v38, v34;
	v35 =	vmul.f32 v38, v42  }
0x95: {  	v33 =	vld [tilespmem:s21+$0xFFFFFF00];
	v39 =	vmul.f32 v25, v28;
	v37 =	vmul.f32 $-5.000000000e-01, v30;
	v28 =	vor.u32 s19, v17;
	s19 =	smov.u32 s18;
	s18 =	smov.u32 s22  }
0x96: {  	v36 =	vmul.f32 v41, v36;
	v38 =	vmul.f32 v40, v38;
	s22 =	sadd.s32 $0x10, s22;
	v30 =	vld [tilespmem:s20+$0x0];
	vm15 =	veq.s32 v28, v0  }
0x97: {  	v40 =	vld [tilespmem:s20+$0xFFFFFE00]  }
0x98: {  	v41 =	vld [tilespmem:s20+$0xFFFFFF00];
	v34 =	vadd.f32 v39, v34;
	v35 =	vmul.f32 v25, v35  }
0x99: {  	v42 =	vld [tilespmem:s20+$0x100];
	vm1 =	vcmask $0x308;
	v25 =	vmul.f32 v29, v25;
	v28 =	vcvt.s32.f32 v28  }
0x9a: {  	v23 =	vsub.f32 v23, v32;
	v43 =	vsel vm1, $0x0, v20;
	v22 =	vsub.f32 v22, v31  }
0x9b: {  	v29 =	vadd.f32 v38, v36;
	v44 =	vsel vm1, $0x0, v19;
	(xrf2) =	vadd.scan.msk.f32 $0xffff, v43;
	v21 =	vsub.f32 v21, v33  }
0x9c: {  	v46 =	vsel vm1, $0x0, v18;
	v34 =	vadd.f32 v34, v35;
	v30 =	vmul.f32 v22, v30  }
0x9d: {  	(xrf2) =	vadd.scan.msk.f32 $0xffff, v44;
	v25 =	vadd.f32 v25, v29;
	v31 =	vmul.f32 v21, v40;
	v45 =	vmul.f32 v21, v41  }
0x9e: {  	(xrf2) =	vadd.scan.msk.f32 $0xffff, v46;
	v29 =	vadd.f32 v34, v34;
	v27 =	vmul.f32 v21, v27;
	v32 =	vmul.f32 v22, v42  }
0x9f: {  	v37 =	vsel vm15, $0xF149F2CA, v37;
	s28 =	simm.s32 $0xF00;
	v31 =	vmul.f32 v22, v31;
	v47 =	vmul.f32 v23, v45  }
0xa0: {  	v48 =	vld [tilespmem:s28+$0xFFFFFD00];
	v26 =	vmul.f32 v23, v26;
	v25 =	vadd.f32 v29, v25;
	v21 =	vmul.f32 v27, v21  }
0xa1: {  	v50 =	vld [tilespmem:s28+$0xFFFFFE00];
	v22 =	vmul.f32 v30, v22;
	v30 =	vadd.f32 v47, v31;
	v31 =	vmul.f32 v23, v32  }
0xa2: {  	s21 =	simm.s32 $0x100;
	vm15 =	vgt.f32 v37, v24;
	v53 =	vld [tilespmem:s28+$0x100];
	v25 =	vmul.f32 $-5.000000000e-01, v25;
	v23 =	vmul.f32 v26, v23  }
0xa3: {  	v21 =	vadd.f32 v22, v21;
	v26 =	vld [tilespmem:s21+$0xFFFFFF00];
	v22 =	vadd.f32 v30, v31;
	v30 =	vor.u32 s19, v17  }
0xa4: {  	v16 =	vsel vm15, v28, v16;
	v28 =	vld [tilespmem:s28+$0xFFFFFF00];
	vm1 =	veq.s32 v30, v0  }
0xa5: {  	v31 =	vld [tilespmem:s21+$0x0];
	v21 =	vadd.f32 v23, v21;
	v49, _, _ =	vpop (xrf2);
	v22 =	vadd.f32 v22, v22;
	v25 =	vsel vm1, $0xF149F2CA, v25  }
0xa6: {  	s29 =	simm.s32 $0xF10;
	v54 =	vor.u32 s18, v17;
	v24 =	vsel vm15, v37, v24;
	v29 =	vld [tilespmem:s21+$0x100];
	v23 =	vbroadcast v49, $0xF  }
0xa7: {  	v55 =	vld [tilespmem:s29+$0xFFFFFD00];
	v60 =	vcvt.s32.f32 v54;
	v51, _, _ =	vpop (xrf2);
	vm1 =	vgt.f32 v25, v24;
	v21 =	vadd.f32 v22, v21  }
0xa8: {  	v22 =	vld [tilespmem:s28+$0x0];
	v52 =	vsel vm1, v25, v24;
	v24 =	vbroadcast v51, $0xF;
	v26 =	vsub.f32 v23, v26;
	v25, _, _ =	vpop (xrf2)  }
0xa9: {  	s30 =	simm.s32 $0x110;
	v27 =	vld [tilespmem:s28+$0x200];
	v30 =	vcvt.s32.f32 v30;
	v25 =	vbroadcast v25, $0xF  }
0xaa: {  	v57 =	vld [tilespmem:s30+$0x0];
	v21 =	vmul.f32 $-5.000000000e-01, v21;
	v31 =	vsub.f32 v24, v31;
	v34 =	vmul.f32 v26, v50  }
0xab: {  	v58 =	vld [tilespmem:s30+$0xFFFFFF00];
	v32 =	vmul.f32 v26, v48;
	v28 =	vmul.f32 v26, v28;
	v29 =	vsub.f32 v25, v29  }
0xac: {  	v56 =	vld [tilespmem:s30+$0x100];
	v16 =	vsel vm1, v30, v16;
	v34 =	vmul.f32 v31, v34;
	v33 =	vmul.f32 v31, v53  }
0xad: {  	v61 =	vld [tilespmem:s29+$0xFFFFFF00];
	vm1 =	veq.s32 v54, v0;
	v22 =	vmul.f32 v31, v22;
	v28 =	vmul.f32 v29, v28  }
0xae: {  	v59 =	vld [tilespmem:s29+$0x0];
	v21 =	vsel vm1, $0xF149F2CA, v21;
	v32 =	vmul.f32 v32, v26;
	v27 =	vmul.f32 v29, v27  }
0xaf: {  	v62 =	vld [tilespmem:s29+$0x100];
	v33 =	vmul.f32 v29, v33;
	v22 =	vmul.f32 v22, v31;
	v28 =	vadd.f32 v28, v34  }
0xb0: {  	v42 =	vsub.f32 v23, v58;
	v39 =	vsub.f32 v24, v57;
	vm1 =	vgt.f32 v21, v52;
	v31 =	vld [tilespmem:s29+$0xFFFFFE00]  }
0xb1: {  	v30 =	vld [tilespmem:s29+$0x200];
	v29 =	vmul.f32 v27, v29;
	v22 =	vadd.f32 v22, v32;
	v28 =	vadd.f32 v28, v33  }
0xb2: {  	s20 =	simm.s32 $0xF20;
	v37 =	vmul.f32 v42, v55;
	v63 =	vmul.f32 v42, v61;
	v16 =	vsel vm1, v60, v16  }
0xb3: {  	s21 =	simm.s32 $0x120;
	v41 =	vmul.f32 v39, v59;
	[tilespmem:$0x1FFE0] =	vst v16;
	v27 =	vld [tilespmem:s20+$0x200];
	v16 =	vadd.f32 v29, v22;
	v29 =	vadd.f32 v28, v28  }
0xb4: {  	v26 =	vsub.f32 v25, v56;
	v36 =	vmul.f32 v39, v62;
	v37 =	vmul.f32 v37, v42;
	v34 =	vld [tilespmem:s21+$0xFFFFFF00]  }
0xb5: {  	v21 =	vsel vm1, v21, v52;
	v33 =	vld [tilespmem:s21+$0x100];
	v31 =	vmul.f32 v42, v31;
	v29 =	vadd.f32 v29, v16  }
0xb6: {  	s31 =	simm.s32 $0x0;
	v30 =	vmul.f32 v26, v30;
	v40 =	vmul.f32 v26, v63;
	v32 =	vld [tilespmem:s21+$0x0];
	v22 =	vimm.f32 $-3.000000010e+38  }
0xb7: {  	v28 =	vld [tilespmem:s20+$0xFFFFFD00];
	v35 =	vmul.f32 v39, v31;
	v38 =	vmul.f32 $-5.000000000e-01, v29;
	v29 =	vor.u32 s31, v17  }
0xb8: {  	s18 =	simm.s32 $0x20;
	s22 =	simm.s32 $0x30;
	s19 =	simm.s32 $0x10;
	[tilespmem:$0x1FFD0] =	vst v21;
	v16 =	vimm.f32 $0.0e+00;
	v31 =	vld [tilespmem:s20+$0x0];
	v39 =	vmul.f32 v41, v39;
	vm15 =	veq.s32 v29, v1  }
.LBB2_6:
0xb9: {  	p0 =	sne.s32 s22, $0xF0;
	v41 =	vld [tilespmem:s20+$0xFFFFFE00];
	v35 =	vadd.f32 v40, v35;
	v36 =	vmul.f32 v26, v36;
	v38 =	vsel vm15, $0xF149F2CA, v38  }
0xba: {  	v42 =	vmul.f32 v30, v26;
	v40 =	vld [tilespmem:s20+$0xFFFFFF00];
	v26 =	vsub.f32 v25, v33;
	vm1 =	vgt.f32 v38, v22  }
0xbb: {  	v33 =	vadd.f32 v39, v37;
	v43 =	vld [tilespmem:s20+$0x100];
	v35 =	vadd.f32 v35, v36;
	v22 =	vsel vm1, v38, v22  }
0xbc: {  	v29 =	vcvt.s32.f32 v29;
	v39 =	vsub.f32 v24, v32;
	s20 =	sadd.s32 $0x10, s20;
	v37 =	vsub.f32 v23, v34  }
0xbd: {  	v30 =	vmul.f32 v26, v27;
	v32 =	vadd.f32 v42, v33;
	v27 =	vld [tilespmem:s20+$0x200];
	v34 =	vadd.f32 v35, v35  }
.Ltmp2:
0xbe: {  	s21 =	sadd.s32 $0x10, s21;
	v16 =	vsel vm1, v29, v16;
	v42 =	vmul.f32 v37, v28;
	v28 =	vld [tilespmem:s20+$0xFFFFFD00];
	v35 =	vmul.f32 v37, v41;
	(pc) =	sbr.rel @p0 .LBB2_6-.Ltmp2, $4  }
0xbf: {  	v41 =	vmul.f32 v39, v31;
	v33 =	vld [tilespmem:s21+$0x100];
	v29 =	vmul.f32 v37, v40;
	v31 =	vadd.f32 v34, v32  }
0xc0: {  	v32 =	vld [tilespmem:s21+$0x0];
	v35 =	vmul.f32 v39, v35;
	v36 =	vmul.f32 v39, v43  }
0xc1: {  	v34 =	vld [tilespmem:s21+$0xFFFFFF00];
	v40 =	vmul.f32 v26, v29;
	v38 =	vmul.f32 $-5.000000000e-01, v31;
	v29 =	vor.u32 s19, v17;
	s19 =	smov.u32 s18;
	s18 =	smov.u32 s22  }
0xc2: {  	v37 =	vmul.f32 v42, v37;
	v39 =	vmul.f32 v41, v39;
	s22 =	sadd.s32 $0x10, s22;
	v31 =	vld [tilespmem:s20+$0x0];
	vm15 =	veq.s32 v29, v1  }
0xc3: {  	v41 =	vld [tilespmem:s20+$0xFFFFFE00]  }
0xc4: {  	v42 =	vld [tilespmem:s20+$0xFFFFFF00];
	v35 =	vadd.f32 v40, v35;
	v36 =	vmul.f32 v26, v36  }
0xc5: {  	v38 =	vsel vm15, $0xF149F2CA, v38;
	v58 =	vld [tilespmem:s20+$0x100];
	vm1 =	vcmask $0x70C;
	v26 =	vmul.f32 v30, v26  }
0xc6: {  	v25 =	vsub.f32 v25, v33;
	v59 =	vsel vm1, $0x0, v20;
	v24 =	vsub.f32 v24, v32  }
0xc7: {  	v29 =	vcvt.s32.f32 v29;
	v30 =	vadd.f32 v39, v37;
	(xrf2) =	vadd.scan.msk.f32 $0xffff, v59;
	v23 =	vsub.f32 v23, v34  }
0xc8: {  	v61 =	vsel vm1, $0x0, v19;
	v27 =	vmul.f32 v25, v27;
	v31 =	vmul.f32 v24, v31  }
0xc9: {  	v63 =	vsel vm1, $0x0, v18;
	(xrf2) =	vadd.scan.msk.f32 $0xffff, v61;
	v60 =	vmul.f32 v23, v41;
	v62 =	vmul.f32 v23, v42  }
0xca: {  	v35 =	vadd.f32 v35, v36;
	(xrf2) =	vadd.scan.msk.f32 $0xffff, v63;
	v28 =	vmul.f32 v23, v28;
	v33 =	vmul.f32 v24, v58  }
0xcb: {  	s28 =	simm.s32 $0xF00;
	vm1 =	vgt.f32 v38, v22;
	v32 =	vmul.f32 v24, v60;
	v39 =	vmul.f32 v25, v62  }
0xcc: {  	v44 =	vld [tilespmem:s28+$0xFFFFFE00];
	v26 =	vadd.f32 v26, v30;
	v30 =	vadd.f32 v35, v35;
	v23 =	vmul.f32 v28, v23  }
0xcd: {  	v47 =	vld [tilespmem:s28+$0x100];
	v24 =	vmul.f32 v31, v24;
	v40 =	vmul.f32 v25, v33;
	v31 =	vadd.f32 v39, v32  }
0xce: {  	s21 =	simm.s32 $0x100;
	v16 =	vsel vm1, v29, v16;
	v29 =	vld [tilespmem:s28+$0xFFFFFF00];
	v26 =	vadd.f32 v30, v26  }
0xcf: {  	v25 =	vmul.f32 v27, v25;
	v27 =	vld [tilespmem:s21+$0xFFFFFF00];
	v23 =	vadd.f32 v24, v23;
	v24 =	vadd.f32 v31, v40  }
0xd0: {  	v49 =	vor.u32 s18, v17;
	v41 =	vld [tilespmem:s28+$0xFFFFFD00];
	v26 =	vmul.f32 $-5.000000000e-01, v26;
	v31 =	vor.u32 s19, v17  }
0xd1: {  	v42 =	vld [tilespmem:s21+$0x0];
	v23 =	vadd.f32 v25, v23;
	v43, _, _ =	vpop (xrf2);
	vm15 =	veq.s32 v31, v1;
	v24 =	vadd.f32 v24, v24  }
0xd2: {  	s30 =	simm.s32 $0x110;
	v22 =	vsel vm1, v38, v22;
	v30 =	vld [tilespmem:s21+$0x100];
	v26 =	vsel vm15, $0xF149F2CA, v26;
	v25 =	vbroadcast v43, $0xF  }
0xd3: {  	v52 =	vld [tilespmem:s30+$0x0];
	v31 =	vcvt.s32.f32 v31;
	v45, _, _ =	vpop (xrf2);
	vm1 =	vgt.f32 v26, v22;
	v23 =	vadd.f32 v24, v23  }
0xd4: {  	v46, _, _ =	vpop (xrf2);
	v24 =	vld [tilespmem:s28+$0x0];
	v22 =	vsel vm1, v26, v22;
	v26 =	vbroadcast v45, $0xF;
	v48 =	vsub.f32 v25, v27  }
0xd5: {  	v28 =	vld [tilespmem:s28+$0x200];
	v16 =	vsel vm1, v31, v16;
	v27 =	vbroadcast v46, $0xF;
	vm1 =	veq.s32 v49, v1  }
0xd6: {  	v51 =	vld [tilespmem:s30+$0x100];
	v23 =	vmul.f32 $-5.000000000e-01, v23;
	v32 =	vsub.f32 v26, v42;
	v35 =	vmul.f32 v48, v44  }
0xd7: {  	s29 =	simm.s32 $0xF10;
	v53 =	vld [tilespmem:s30+$0xFFFFFF00];
	v30 =	vsub.f32 v27, v30;
	v33 =	vmul.f32 v48, v41;
	v29 =	vmul.f32 v48, v29  }
0xd8: {  	v55 =	vld [tilespmem:s29+$0xFFFFFE00];
	v60 =	vsub.f32 v26, v52;
	v35 =	vmul.f32 v32, v35;
	v34 =	vmul.f32 v32, v47  }
0xd9: {  	v43 =	vld [tilespmem:s29+$0x0];
	v23 =	vsel vm1, $0xF149F2CA, v23;
	v29 =	vmul.f32 v30, v29;
	v24 =	vmul.f32 v32, v24  }
0xda: {  	v31 =	vld [tilespmem:s29+$0x200];
	v54 =	vmul.f32 v30, v28;
	v33 =	vmul.f32 v33, v48;
	vm1 =	vgt.f32 v23, v22  }
0xdb: {  	v58 =	vld [tilespmem:s29+$0x100];
	v29 =	vadd.f32 v29, v35;
	v56 =	vmul.f32 v30, v34;
	v24 =	vmul.f32 v24, v32  }
0xdc: {  	v57 =	vld [tilespmem:s29+$0xFFFFFF00];
	v28 =	vsub.f32 v27, v51;
	v21 =	vsel vm1, v23, v22;
	v22 =	vcvt.s32.f32 v49  }
0xdd: {  	v50 =	vld [tilespmem:s29+$0xFFFFFD00];
	v30 =	vmul.f32 v54, v30;
	v59 =	vadd.f32 v29, v56;
	v24 =	vadd.f32 v24, v33  }
0xde: {  	s21 =	simm.s32 $0x120;
	v43 =	vmul.f32 v60, v43;
	v16 =	vsel vm1, v22, v16;
	v22 =	vsub.f32 v25, v53  }
0xdf: {  	v36 =	vld [tilespmem:s21+$0xFFFFFF00];
	v32 =	vmul.f32 v28, v31;
	[tilespmem:$0x1FFC0] =	vst v16;
	v31 =	vadd.f32 v59, v59;
	v16 =	vadd.f32 v30, v24  }
0xe0: {  	v38 =	vmul.f32 v60, v58;
	v35 =	vld [tilespmem:s21+$0x100];
	v62 =	vmul.f32 v22, v55  }
0xe1: {  	s20 =	simm.s32 $0xF20;
	v34 =	vld [tilespmem:s21+$0x0];
	v41 =	vmul.f32 v43, v60;
	v63 =	vmul.f32 v22, v57;
	v31 =	vadd.f32 v31, v16  }
0xe2: {  	s31 =	simm.s32 $0x0;
	v29 =	vld [tilespmem:s20+$0x200];
	v61 =	vmul.f32 v22, v50;
	v24 =	vimm.f32 $-3.000000010e+38;
	v37 =	vmul.f32 v60, v62  }
0xe3: {  	v33 =	vld [tilespmem:s20+$0x0];
	v42 =	vmul.f32 v28, v63;
	v40 =	vmul.f32 $-5.000000000e-01, v31;
	v31 =	vor.u32 s31, v17  }
0xe4: {  	s18 =	simm.s32 $0x20;
	s22 =	simm.s32 $0x30;
	s19 =	simm.s32 $0x10;
	[tilespmem:$0x1FFB0] =	vst v21;
	v30 =	vld [tilespmem:s20+$0xFFFFFD00];
	v39 =	vmul.f32 v61, v22;
	v16 =	vimm.f32 $0.0e+00;
	vm15 =	veq.s32 v31, v2  }
.LBB2_8:
0xe5: {  	p0 =	sne.s32 s22, $0xF0;
	v22 =	vld [tilespmem:s20+$0xFFFFFE00];
	v37 =	vadd.f32 v42, v37;
	v38 =	vmul.f32 v28, v38;
	v40 =	vsel vm15, $0xF149F2CA, v40  }
0xe6: {  	v43 =	vmul.f32 v32, v28;
	v42 =	vld [tilespmem:s20+$0xFFFFFF00];
	v28 =	vsub.f32 v27, v35;
	vm1 =	vgt.f32 v40, v24  }
0xe7: {  	v35 =	vadd.f32 v41, v39;
	v44 =	vld [tilespmem:s20+$0x100];
	v37 =	vadd.f32 v37, v38;
	v24 =	vsel vm1, v40, v24  }
0xe8: {  	v31 =	vcvt.s32.f32 v31;
	v41 =	vsub.f32 v26, v34;
	s20 =	sadd.s32 $0x10, s20;
	v39 =	vsub.f32 v25, v36  }
0xe9: {  	v32 =	vmul.f32 v28, v29;
	v34 =	vadd.f32 v43, v35;
	v29 =	vld [tilespmem:s20+$0x200];
	v36 =	vadd.f32 v37, v37  }
.Ltmp3:
0xea: {  	s21 =	sadd.s32 $0x10, s21;
	v16 =	vsel vm1, v31, v16;
	v43 =	vmul.f32 v39, v30;
	v30 =	vld [tilespmem:s20+$0xFFFFFD00];
	v22 =	vmul.f32 v39, v22;
	(pc) =	sbr.rel @p0 .LBB2_8-.Ltmp3, $4  }
0xeb: {  	v45 =	vmul.f32 v41, v33;
	v35 =	vld [tilespmem:s21+$0x100];
	v31 =	vmul.f32 v39, v42;
	v33 =	vadd.f32 v36, v34  }
0xec: {  	v34 =	vld [tilespmem:s21+$0x0];
	v37 =	vmul.f32 v41, v22;
	v38 =	vmul.f32 v41, v44  }
0xed: {  	v36 =	vld [tilespmem:s21+$0xFFFFFF00];
	v42 =	vmul.f32 v28, v31;
	v40 =	vmul.f32 $-5.000000000e-01, v33;
	v31 =	vor.u32 s19, v17;
	s19 =	smov.u32 s18;
	s18 =	smov.u32 s22  }
0xee: {  	v39 =	vmul.f32 v43, v39;
	v41 =	vmul.f32 v45, v41;
	s22 =	sadd.s32 $0x10, s22;
	v33 =	vld [tilespmem:s20+$0x0];
	vm15 =	veq.s32 v31, v2  }
0xef: {  	v22 =	vld [tilespmem:s20+$0xFFFFFE00]  }
0xf0: {  	v43 =	vld [tilespmem:s20+$0xFFFFFF00]  }
0xf1: {  	v37 =	vadd.f32 v42, v37;
	v38 =	vmul.f32 v28, v38;
	v53 =	vld [tilespmem:s20+$0x100];
	v54 =	vsel vm3, $0x0, v20  }
0xf2: {  	v28 =	vmul.f32 v32, v28;
	v27 =	vsub.f32 v27, v35;
	(xrf2) =	vadd.scan.msk.f32 $0xffff, v54;
	v26 =	vsub.f32 v26, v34  }
0xf3: {  	v56 =	vsel vm3, $0x0, v19;
	v58 =	vsel vm3, $0x0, v18;
	v25 =	vsub.f32 v25, v36  }
0xf4: {  	v55 =	vadd.f32 v41, v39;
	(xrf2) =	vadd.scan.msk.f32 $0xffff, v56;
	v29 =	vmul.f32 v27, v29;
	v33 =	vmul.f32 v26, v33  }
0xf5: {  	v37 =	vadd.f32 v37, v38;
	(xrf2) =	vadd.scan.msk.f32 $0xffff, v58;
	v22 =	vmul.f32 v25, v22;
	v57 =	vmul.f32 v25, v43  }
0xf6: {  	s28 =	simm.s32 $0xF00;
	v28 =	vadd.f32 v28, v55;
	v30 =	vmul.f32 v25, v30;
	v59 =	vmul.f32 v26, v53  }
0xf7: {  	s21 =	simm.s32 $0x100;
	v63 =	vld [tilespmem:s28+$0xFFFFFD00];
	v61 =	vadd.f32 v37, v37;
	v22 =	vmul.f32 v26, v22;
	v60 =	vmul.f32 v27, v57  }
0xf8: {  	v40 =	vsel vm15, $0xF149F2CA, v40;
	v42 =	vld [tilespmem:s21+$0x100];
	v25 =	vmul.f32 v30, v25;
	v26 =	vmul.f32 v33, v26  }
0xf9: {  	v45 =	vld [tilespmem:s28+$0xFFFFFE00];
	v28 =	vadd.f32 v61, v28;
	v62 =	vmul.f32 v27, v59;
	v27 =	vmul.f32 v29, v27  }
0xfa: {  	v29 =	vcvt.s32.f32 v31;
	v22 =	vadd.f32 v60, v22;
	v25 =	vadd.f32 v26, v25;
	v26 =	vld [tilespmem:s21+$0xFFFFFF00]  }
0xfb: {  	vm1 =	vgt.f32 v40, v24;
	v46 =	vld [tilespmem:s28+$0xFFFFFF00];
	v31 =	vor.u32 s19, v17;
	v28 =	vmul.f32 $-5.000000000e-01, v28  }
0xfc: {  	v24 =	vsel vm1, v40, v24;
	v43 =	vld [tilespmem:s21+$0x0];
	vm15 =	veq.s32 v31, v2;
	v22 =	vadd.f32 v22, v62;
	v44, _, _ =	vpop (xrf2)  }
0xfd: {  	s30 =	simm.s32 $0x110;
	v48 =	vld [tilespmem:s28+$0x100];
	v28 =	vsel vm15, $0xF149F2CA, v28;
	v25 =	vadd.f32 v27, v25;
	v27 =	vbroadcast v44, $0xF  }
0xfe: {  	v52 =	vld [tilespmem:s30+$0x0];
	v16 =	vsel vm1, v29, v16;
	vm1 =	vgt.f32 v28, v24;
	v29, _, _ =	vpop (xrf2);
	v22 =	vadd.f32 v22, v22  }
0xff: {  	v30 =	vld [tilespmem:s28+$0x200];
	v24 =	vsel vm1, v28, v24;
	v47, _, _ =	vpop (xrf2);
	v28 =	vbroadcast v29, $0xF;
	v26 =	vsub.f32 v27, v26  }
0x100: {  	v49 =	vor.u32 s18, v17;
	v29 =	vbroadcast v47, $0xF;
	v22 =	vadd.f32 v22, v25;
	v25 =	vld [tilespmem:s28+$0x0]  }
0x101: {  	v31 =	vcvt.s32.f32 v31;
	v33 =	vsub.f32 v28, v43;
	v36 =	vmul.f32 v26, v45  }
0x102: {  	s29 =	simm.s32 $0xF10;
	v51 =	vld [tilespmem:s30+$0x100];
	v32 =	vsub.f32 v29, v42;
	v34 =	vmul.f32 v26, v63;
	v35 =	vmul.f32 v26, v46  }
0x103: {  	v54 =	vld [tilespmem:s29+$0x0];
	v16 =	vsel vm1, v31, v16;
	v22 =	vmul.f32 $-5.000000000e-01, v22;
	v38 =	vmul.f32 v33, v48  }
0x104: {  	v56 =	vld [tilespmem:s29+$0xFFFFFF00];
	vm1 =	veq.s32 v49, v2;
	v36 =	vmul.f32 v33, v36;
	v35 =	vmul.f32 v32, v35  }
0x105: {  	v53 =	vld [tilespmem:s30+$0xFFFFFF00];
	v58 =	vsub.f32 v28, v52;
	v30 =	vmul.f32 v32, v30;
	v25 =	vmul.f32 v33, v25  }
0x106: {  	v57 =	vld [tilespmem:s29+$0x100];
	v34 =	vmul.f32 v34, v26;
	v22 =	vsel vm1, $0xF149F2CA, v22;
	v55 =	vmul.f32 v32, v38  }
0x107: {  	v44 =	vld [tilespmem:s29+$0xFFFFFE00];
	vm1 =	vgt.f32 v22, v24;
	v35 =	vadd.f32 v35, v36;
	v33 =	vmul.f32 v25, v33  }
0x108: {  	v31 =	vld [tilespmem:s29+$0x200];
	v62 =	vmul.f32 v58, v54;
	v25 =	vsel vm1, v22, v24;
	v22 =	vcvt.s32.f32 v49  }
0x109: {  	v50 =	vld [tilespmem:s29+$0xFFFFFD00];
	v24 =	vmul.f32 v30, v32;
	v35 =	vadd.f32 v35, v55;
	v34 =	vadd.f32 v33, v34  }
0x10a: {  	s21 =	simm.s32 $0x120;
	v26 =	vsub.f32 v29, v51;
	v16 =	vsel vm1, v22, v16;
	v22 =	vsub.f32 v27, v53  }
0x10b: {  	v37 =	vld [tilespmem:s21+$0xFFFFFF00];
	v39 =	vmul.f32 v58, v57;
	v59 =	vadd.f32 v35, v35;
	[tilespmem:$0x1FFA0] =	vst v16;
	v16 =	vadd.f32 v24, v34  }
0x10c: {  	s20 =	simm.s32 $0xF20;
	v42 =	vmul.f32 v62, v58;
	v36 =	vld [tilespmem:s21+$0x100];
	v61 =	vmul.f32 v22, v44  }
0x10d: {  	s31 =	simm.s32 $0x0;
	v30 =	vld [tilespmem:s20+$0x200];
	v33 =	vmul.f32 v26, v31;
	v63 =	vmul.f32 v22, v56;
	v34 =	vadd.f32 v59, v16  }
0x10e: {  	v32 =	vor.u32 s31, v17;
	v31 =	vld [tilespmem:s20+$0xFFFFFD00];
	v60 =	vmul.f32 v22, v50;
	v38 =	vmul.f32 v58, v61  }
0x10f: {  	vm15 =	veq.s32 v32, v3;
	v35 =	vld [tilespmem:s21+$0x0];
	v43 =	vmul.f32 v26, v63;
	v41 =	vmul.f32 $-5.000000000e-01, v34  }
0x110: {  	s18 =	simm.s32 $0x20;
	s22 =	simm.s32 $0x30;
	s19 =	simm.s32 $0x10;
	v24 =	vimm.f32 $-3.000000010e+38;
	v16 =	vimm.f32 $0.0e+00;
	v40 =	vmul.f32 v60, v22;
	v34 =	vld [tilespmem:s20+$0x0]  }
.LBB2_10:
0x111: {  	p0 =	sne.s32 s22, $0xF0;
	v22 =	vld [tilespmem:s20+$0xFFFFFE00];
	v38 =	vadd.f32 v43, v38;
	v39 =	vmul.f32 v26, v39;
	v41 =	vsel vm15, $0xF149F2CA, v41  }
0x112: {  	v44 =	vmul.f32 v33, v26;
	v43 =	vld [tilespmem:s20+$0xFFFFFF00];
	v26 =	vsub.f32 v29, v36;
	vm1 =	vgt.f32 v41, v24  }
0x113: {  	v36 =	vadd.f32 v42, v40;
	v45 =	vld [tilespmem:s20+$0x100];
	v38 =	vadd.f32 v38, v39;
	v24 =	vsel vm1, v41, v24  }
0x114: {  	v32 =	vcvt.s32.f32 v32;
	v42 =	vsub.f32 v28, v35;
	s20 =	sadd.s32 $0x10, s20;
	v40 =	vsub.f32 v27, v37  }
0x115: {  	v33 =	vmul.f32 v26, v30;
	v35 =	vadd.f32 v44, v36;
	v30 =	vld [tilespmem:s20+$0x200];
	v37 =	vadd.f32 v38, v38  }
.Ltmp4:
0x116: {  	s21 =	sadd.s32 $0x10, s21;
	v16 =	vsel vm1, v32, v16;
	v44 =	vmul.f32 v40, v31;
	v31 =	vld [tilespmem:s20+$0xFFFFFD00];
	v22 =	vmul.f32 v40, v22;
	(pc) =	sbr.rel @p0 .LBB2_10-.Ltmp4, $4  }
0x117: {  	v46 =	vmul.f32 v42, v34;
	v36 =	vld [tilespmem:s21+$0x100];
	v32 =	vmul.f32 v40, v43;
	v34 =	vadd.f32 v37, v35  }
0x118: {  	v35 =	vld [tilespmem:s21+$0x0];
	v38 =	vmul.f32 v42, v22;
	v39 =	vmul.f32 v42, v45  }
0x119: {  	v37 =	vld [tilespmem:s21+$0xFFFFFF00];
	v43 =	vmul.f32 v26, v32;
	v41 =	vmul.f32 $-5.000000000e-01, v34;
	v32 =	vor.u32 s19, v17;
	s19 =	smov.u32 s18;
	s18 =	smov.u32 s22  }
0x11a: {  	v40 =	vmul.f32 v44, v40;
	v42 =	vmul.f32 v46, v42;
	s22 =	sadd.s32 $0x10, s22;
	v34 =	vld [tilespmem:s20+$0x0];
	vm15 =	veq.s32 v32, v3  }
0x11b: {  	v22 =	vld [tilespmem:s20+$0xFFFFFE00]  }
0x11c: {  	v44 =	vld [tilespmem:s20+$0xFFFFFF00];
	v38 =	vadd.f32 v43, v38  }
0x11d: {  	v39 =	vmul.f32 v26, v39;
	v41 =	vsel vm15, $0xF149F2CA, v41;
	v54 =	vld [tilespmem:s20+$0x100];
	v55 =	vsel vm4, $0x0, v20  }
0x11e: {  	v26 =	vmul.f32 v33, v26;
	v29 =	vsub.f32 v29, v36;
	(xrf2) =	vadd.scan.msk.f32 $0xffff, v55;
	v28 =	vsub.f32 v28, v35  }
0x11f: {  	v57 =	vsel vm4, $0x0, v19;
	v59 =	vsel vm4, $0x0, v18;
	v27 =	vsub.f32 v27, v37  }
0x120: {  	v56 =	vadd.f32 v42, v40;
	(xrf2) =	vadd.scan.msk.f32 $0xffff, v57;
	v30 =	vmul.f32 v29, v30;
	v34 =	vmul.f32 v28, v34  }
0x121: {  	v38 =	vadd.f32 v38, v39;
	v22 =	vmul.f32 v27, v22;
	v58 =	vmul.f32 v27, v44  }
0x122: {  	(xrf2) =	vadd.scan.msk.f32 $0xffff, v59;
	v26 =	vadd.f32 v26, v56;
	v31 =	vmul.f32 v27, v31;
	v60 =	vmul.f32 v28, v54  }
0x123: {  	s28 =	simm.s32 $0xF00;
	v62 =	vadd.f32 v38, v38;
	v22 =	vmul.f32 v28, v22;
	v61 =	vmul.f32 v29, v58  }
0x124: {  	s21 =	simm.s32 $0x100;
	vm1 =	vgt.f32 v41, v24;
	v45 =	vld [tilespmem:s28+$0xFFFFFD00];
	v27 =	vmul.f32 v31, v27;
	v28 =	vmul.f32 v34, v28  }
0x125: {  	v46 =	vld [tilespmem:s21+$0x100];
	v26 =	vadd.f32 v62, v26;
	v31 =	vmul.f32 v29, v60;
	v22 =	vadd.f32 v61, v22  }
0x126: {  	v29 =	vmul.f32 v30, v29;
	v30 =	vcvt.s32.f32 v32;
	v27 =	vadd.f32 v28, v27;
	v28 =	vld [tilespmem:s21+$0xFFFFFF00]  }
0x127: {  	v47 =	vld [tilespmem:s21+$0x0];
	v26 =	vmul.f32 $-5.000000000e-01, v26;
	v22 =	vadd.f32 v22, v31;
	v31 =	vor.u32 s19, v17  }
0x128: {  	v49 =	vld [tilespmem:s28+$0xFFFFFE00];
	v24 =	vsel vm1, v41, v24;
	v48, _, _ =	vpop (xrf2);
	vm15 =	veq.s32 v31, v3  }
0x129: {  	v50 =	vld [tilespmem:s28+$0xFFFFFF00];
	v27 =	vadd.f32 v29, v27;
	v29 =	vbroadcast v48, $0xF;
	v26 =	vsel vm15, $0xF149F2CA, v26  }
0x12a: {  	v51 =	vld [tilespmem:s28+$0x100];
	v16 =	vsel vm1, v30, v16;
	v30, _, _ =	vpop (xrf2);
	v31 =	vcvt.s32.f32 v31;
	v22 =	vadd.f32 v22, v22  }
0x12b: {  	v63 =	vld [tilespmem:s28+$0x200];
	v30 =	vbroadcast v30, $0xF;
	vm1 =	vgt.f32 v26, v24;
	v28 =	vsub.f32 v29, v28  }
0x12c: {  	s30 =	simm.s32 $0x110;
	v22 =	vadd.f32 v22, v27;
	v27 =	vld [tilespmem:s28+$0x0];
	v24 =	vsel vm1, v26, v24;
	v16 =	vsel vm1, v31, v16;
	v26, _, _ =	vpop (xrf2)  }
0x12d: {  	v54 =	vld [tilespmem:s30+$0x100];
	v32 =	vsub.f32 v30, v47;
	v36 =	vmul.f32 v28, v49;
	v31 =	vbroadcast v26, $0xF  }
0x12e: {  	s29 =	simm.s32 $0xF10;
	v52 =	vor.u32 s18, v17;
	v55 =	vld [tilespmem:s30+$0x0];
	v34 =	vmul.f32 v28, v45;
	v35 =	vmul.f32 v28, v50  }
0x12f: {  	v57 =	vld [tilespmem:s29+$0x0];
	v22 =	vmul.f32 $-5.000000000e-01, v22;
	v38 =	vmul.f32 v32, v51;
	v33 =	vsub.f32 v31, v46  }
0x130: {  	v56 =	vld [tilespmem:s30+$0xFFFFFF00];
	vm1 =	veq.s32 v52, v3;
	v36 =	vmul.f32 v32, v36;
	v34 =	vmul.f32 v34, v28  }
0x131: {  	v59 =	vld [tilespmem:s29+$0xFFFFFF00];
	v22 =	vsel vm1, $0xF149F2CA, v22;
	v27 =	vmul.f32 v32, v27;
	v35 =	vmul.f32 v33, v35  }
0x132: {  	v60 =	vld [tilespmem:s29+$0x100];
	v28 =	vsub.f32 v31, v54;
	vm1 =	vgt.f32 v22, v24;
	v37 =	vmul.f32 v33, v63  }
0x133: {  	v45 =	vld [tilespmem:s29+$0xFFFFFE00];
	v58 =	vmul.f32 v33, v38;
	v32 =	vmul.f32 v27, v32;
	v35 =	vadd.f32 v35, v36  }
0x134: {  	v26 =	vld [tilespmem:s29+$0x200];
	v46 =	vsub.f32 v30, v55;
	v27 =	vsel vm1, v22, v24;
	v22 =	vcvt.s32.f32 v52  }
0x135: {  	v53 =	vld [tilespmem:s29+$0xFFFFFD00];
	v33 =	vmul.f32 v37, v33;
	v34 =	vadd.f32 v32, v34;
	v36 =	vadd.f32 v35, v58  }
0x136: {  	s21 =	simm.s32 $0x120;
	v44 =	vmul.f32 v46, v57;
	v16 =	vsel vm1, v22, v16;
	v22 =	vsub.f32 v29, v56  }
0x137: {  	v39 =	vld [tilespmem:s21+$0xFFFFFF00];
	v41 =	vmul.f32 v46, v60;
	[tilespmem:$0x1FF90] =	vst v16;
	v16 =	vadd.f32 v33, v34;
	v61 =	vadd.f32 v36, v36  }
0x138: {  	v38 =	vld [tilespmem:s21+$0x100];
	v44 =	vmul.f32 v44, v46;
	v63 =	vmul.f32 v22, v45  }
0x139: {  	s20 =	simm.s32 $0xF20;
	v37 =	vld [tilespmem:s21+$0x0];
	v35 =	vmul.f32 v28, v26;
	v43 =	vmul.f32 v22, v59;
	v34 =	vadd.f32 v61, v16  }
0x13a: {  	s31 =	simm.s32 $0x0;
	v32 =	vld [tilespmem:s20+$0x200];
	v26 =	vimm.f32 $-3.000000010e+38;
	v62 =	vmul.f32 v22, v53;
	v40 =	vmul.f32 v46, v63  }
0x13b: {  	v33 =	vld [tilespmem:s20+$0xFFFFFD00];
	v45 =	vmul.f32 v28, v43;
	v43 =	vmul.f32 $-5.000000000e-01, v34;
	v34 =	vor.u32 s31, v17  }
0x13c: {  	s18 =	simm.s32 $0x20;
	s22 =	simm.s32 $0x30;
	s19 =	simm.s32 $0x10;
	v36 =	vld [tilespmem:s20+$0x0];
	v42 =	vmul.f32 v62, v22;
	v16 =	vimm.f32 $0.0e+00;
	vm15 =	veq.s32 v34, v4  }
.LBB2_12:
0x13d: {  	p0 =	sne.s32 s22, $0xF0;
	v22 =	vld [tilespmem:s20+$0xFFFFFE00];
	v40 =	vadd.f32 v45, v40;
	v41 =	vmul.f32 v28, v41;
	v43 =	vsel vm15, $0xF149F2CA, v43  }
0x13e: {  	v46 =	vmul.f32 v35, v28;
	v45 =	vld [tilespmem:s20+$0xFFFFFF00];
	v28 =	vsub.f32 v31, v38;
	vm1 =	vgt.f32 v43, v26  }
0x13f: {  	v38 =	vadd.f32 v44, v42;
	v47 =	vld [tilespmem:s20+$0x100];
	v40 =	vadd.f32 v40, v41;
	v26 =	vsel vm1, v43, v26  }
0x140: {  	v34 =	vcvt.s32.f32 v34;
	v44 =	vsub.f32 v30, v37;
	s20 =	sadd.s32 $0x10, s20;
	v42 =	vsub.f32 v29, v39  }
0x141: {  	v35 =	vmul.f32 v28, v32;
	v37 =	vadd.f32 v46, v38;
	v32 =	vld [tilespmem:s20+$0x200];
	v39 =	vadd.f32 v40, v40  }
.Ltmp5:
0x142: {  	s21 =	sadd.s32 $0x10, s21;
	v16 =	vsel vm1, v34, v16;
	v46 =	vmul.f32 v42, v33;
	v33 =	vld [tilespmem:s20+$0xFFFFFD00];
	v22 =	vmul.f32 v42, v22;
	(pc) =	sbr.rel @p0 .LBB2_12-.Ltmp5, $4  }
0x143: {  	v48 =	vmul.f32 v44, v36;
	v38 =	vld [tilespmem:s21+$0x100];
	v34 =	vmul.f32 v42, v45;
	v36 =	vadd.f32 v39, v37  }
0x144: {  	v37 =	vld [tilespmem:s21+$0x0];
	v40 =	vmul.f32 v44, v22;
	v41 =	vmul.f32 v44, v47  }
0x145: {  	v39 =	vld [tilespmem:s21+$0xFFFFFF00];
	v45 =	vmul.f32 v28, v34;
	v43 =	vmul.f32 $-5.000000000e-01, v36;
	v34 =	vor.u32 s19, v17;
	s19 =	smov.u32 s18;
	s18 =	smov.u32 s22  }
0x146: {  	v42 =	vmul.f32 v46, v42;
	v44 =	vmul.f32 v48, v44;
	s22 =	sadd.s32 $0x10, s22;
	v36 =	vld [tilespmem:s20+$0x0];
	vm15 =	veq.s32 v34, v4  }
0x147: {  	v22 =	vld [tilespmem:s20+$0xFFFFFE00]  }
0x148: {  	v46 =	vld [tilespmem:s20+$0xFFFFFF00];
	v40 =	vadd.f32 v45, v40  }
0x149: {  	v41 =	vmul.f32 v28, v41;
	v48 =	vld [tilespmem:s20+$0x100];
	v49 =	vsel vm5, $0x0, v20;
	v28 =	vmul.f32 v35, v28  }
0x14a: {  	v51 =	vsel vm5, $0x0, v19;
	v53 =	vsel vm5, $0x0, v18;
	(xrf2) =	vadd.scan.msk.f32 $0xffff, v49;
	v30 =	vsub.f32 v30, v37  }
0x14b: {  	v61 =	vcvt.s32.f32 v34;
	v50 =	vadd.f32 v44, v42;
	v29 =	vsub.f32 v29, v39  }
0x14c: {  	v31 =	vsub.f32 v31, v38;
	(xrf2) =	vadd.scan.msk.f32 $0xffff, v51;
	v40 =	vadd.f32 v40, v41;
	v36 =	vmul.f32 v30, v36  }
0x14d: {  	(xrf2) =	vadd.scan.msk.f32 $0xffff, v53;
	v28 =	vadd.f32 v28, v50;
	v22 =	vmul.f32 v29, v22;
	v52 =	vmul.f32 v29, v46  }
0x14e: {  	s28 =	simm.s32 $0xF00;
	v56 =	vadd.f32 v40, v40;
	v33 =	vmul.f32 v29, v33;
	v54 =	vmul.f32 v30, v48  }
0x14f: {  	v43 =	vsel vm15, $0xF149F2CA, v43;
	v57 =	vld [tilespmem:s28+$0x200];
	v22 =	vmul.f32 v30, v22;
	v55 =	vmul.f32 v31, v52  }
0x150: {  	s21 =	simm.s32 $0x100;
	v59 =	vld [tilespmem:s28+$0xFFFFFD00];
	v28 =	vadd.f32 v56, v28;
	v29 =	vmul.f32 v33, v29;
	v30 =	vmul.f32 v36, v30  }
0x151: {  	v62 =	vor.u32 s19, v17;
	v60 =	vld [tilespmem:s21+$0x100];
	v32 =	vmul.f32 v31, v32;
	v58 =	vmul.f32 v31, v54  }
0x152: {  	v28 =	vmul.f32 $-5.000000000e-01, v28;
	v22 =	vadd.f32 v55, v22;
	v29 =	vadd.f32 v30, v29;
	v30 =	vld [tilespmem:s21+$0xFFFFFF00]  }
0x153: {  	vm1 =	vgt.f32 v43, v26;
	v63 =	vld [tilespmem:s21+$0x0];
	vm15 =	veq.s32 v62, v4;
	v31 =	vmul.f32 v32, v31  }
0x154: {  	v45 =	vld [tilespmem:s28+$0xFFFFFE00];
	v26 =	vsel vm1, v43, v26;
	v28 =	vsel vm15, $0xF149F2CA, v28;
	v22 =	vadd.f32 v22, v58;
	v44, _, _ =	vpop (xrf2)  }
0x155: {  	v16 =	vsel vm1, v61, v16;
	v46 =	vld [tilespmem:s28+$0xFFFFFF00];
	v29 =	vadd.f32 v31, v29;
	v31 =	vbroadcast v44, $0xF  }
0x156: {  	s30 =	simm.s32 $0x110;
	v48 =	vld [tilespmem:s28+$0x100];
	v33 =	vcvt.s32.f32 v62;
	vm1 =	vgt.f32 v28, v26;
	v47, _, _ =	vpop (xrf2);
	v22 =	vadd.f32 v22, v22  }
0x157: {  	v52 =	vld [tilespmem:s30+$0x0];
	v26 =	vsel vm1, v28, v26;
	v28, _, _ =	vpop (xrf2);
	v32 =	vbroadcast v47, $0xF;
	v30 =	vsub.f32 v31, v30  }
0x158: {  	v16 =	vsel vm1, v33, v16;
	v33 =	vbroadcast v28, $0xF;
	v22 =	vadd.f32 v22, v29;
	v29 =	vld [tilespmem:s28+$0x0]  }
0x159: {  	s29 =	simm.s32 $0xF10;
	v34 =	vsub.f32 v32, v63;
	v38 =	vmul.f32 v30, v45  }
0x15a: {  	v49 =	vld [tilespmem:s29+$0x200];
	v35 =	vsub.f32 v33, v60;
	v36 =	vmul.f32 v30, v59;
	v37 =	vmul.f32 v30, v46  }
0x15b: {  	v54 =	vld [tilespmem:s29+$0x0];
	v28 =	vor.u32 s18, v17;
	v22 =	vmul.f32 $-5.000000000e-01, v22;
	v40 =	vmul.f32 v34, v48  }
0x15c: {  	v51 =	vld [tilespmem:s30+$0x100];
	vm1 =	veq.s32 v28, v4;
	v38 =	vmul.f32 v34, v38;
	v37 =	vmul.f32 v35, v37  }
0x15d: {  	v53 =	vld [tilespmem:s30+$0xFFFFFF00];
	v59 =	vsub.f32 v32, v52;
	v39 =	vmul.f32 v35, v57;
	v29 =	vmul.f32 v34, v29  }
0x15e: {  	v58 =	vld [tilespmem:s29+$0x100];
	v30 =	vmul.f32 v36, v30;
	v22 =	vsel vm1, $0xF149F2CA, v22;
	v56 =	vmul.f32 v35, v40  }
0x15f: {  	v47 =	vld [tilespmem:s29+$0xFFFFFE00];
	vm1 =	vgt.f32 v22, v26;
	v55 =	vadd.f32 v37, v38;
	v34 =	vmul.f32 v29, v34  }
0x160: {  	v57 =	vld [tilespmem:s29+$0xFFFFFF00];
	v62 =	vmul.f32 v59, v54;
	v29 =	vsel vm1, v22, v26;
	v22 =	vcvt.s32.f32 v28  }
0x161: {  	v50 =	vld [tilespmem:s29+$0xFFFFFD00];
	v26 =	vmul.f32 v39, v35;
	v37 =	vadd.f32 v55, v56;
	v34 =	vadd.f32 v34, v30  }
0x162: {  	s21 =	simm.s32 $0x120;
	v28 =	vsub.f32 v33, v51;
	v16 =	vsel vm1, v22, v16;
	v22 =	vsub.f32 v31, v53  }
0x163: {  	v42 =	vmul.f32 v59, v58;
	v40 =	vld [tilespmem:s21+$0xFFFFFF00];
	v37 =	vadd.f32 v37, v37;
	[tilespmem:$0x1FF80] =	vst v16;
	v16 =	vadd.f32 v26, v34  }
0x164: {  	v38 =	vld [tilespmem:s21+$0x0];
	v45 =	vmul.f32 v62, v59;
	v61 =	vmul.f32 v22, v47  }
0x165: {  	s20 =	simm.s32 $0xF20;
	s31 =	simm.s32 $0x0;
	v39 =	vld [tilespmem:s21+$0x100];
	v36 =	vmul.f32 v28, v49;
	v63 =	vmul.f32 v22, v57;
	v37 =	vadd.f32 v37, v16  }
0x166: {  	v35 =	vor.u32 s31, v17;
	v30 =	vld [tilespmem:s20+$0x200];
	v60 =	vmul.f32 v22, v50;
	v41 =	vmul.f32 v59, v61  }
0x167: {  	vm15 =	veq.s32 v35, v5;
	v34 =	vld [tilespmem:s20+$0xFFFFFD00];
	v46 =	vmul.f32 v28, v63;
	v44 =	vmul.f32 $-5.000000000e-01, v37  }
0x168: {  	s19 =	simm.s32 $0x10;
	s22 =	simm.s32 $0x30;
	s18 =	simm.s32 $0x20;
	v26 =	vimm.f32 $-3.000000010e+38;
	v16 =	vimm.f32 $0.0e+00;
	v43 =	vmul.f32 v60, v22;
	v37 =	vld [tilespmem:s20+$0x0]  }
.LBB2_14:
0x169: {  	p0 =	sne.s32 s22, $0xF0;
	v22 =	vld [tilespmem:s20+$0xFFFFFE00];
	v41 =	vadd.f32 v46, v41;
	v42 =	vmul.f32 v28, v42;
	v44 =	vsel vm15, $0xF149F2CA, v44  }
0x16a: {  	v47 =	vmul.f32 v36, v28;
	v46 =	vld [tilespmem:s20+$0xFFFFFF00];
	v28 =	vsub.f32 v33, v39;
	vm1 =	vgt.f32 v44, v26  }
0x16b: {  	v39 =	vadd.f32 v45, v43;
	v48 =	vld [tilespmem:s20+$0x100];
	v41 =	vadd.f32 v41, v42;
	v26 =	vsel vm1, v44, v26  }
0x16c: {  	v35 =	vcvt.s32.f32 v35;
	v45 =	vsub.f32 v32, v38;
	s20 =	sadd.s32 $0x10, s20;
	v43 =	vsub.f32 v31, v40  }
0x16d: {  	v36 =	vmul.f32 v28, v30;
	v38 =	vadd.f32 v47, v39;
	v30 =	vld [tilespmem:s20+$0x200];
	v40 =	vadd.f32 v41, v41  }
.Ltmp6:
0x16e: {  	s21 =	sadd.s32 $0x10, s21;
	v16 =	vsel vm1, v35, v16;
	v47 =	vmul.f32 v43, v34;
	v34 =	vld [tilespmem:s20+$0xFFFFFD00];
	v22 =	vmul.f32 v43, v22;
	(pc) =	sbr.rel @p0 .LBB2_14-.Ltmp6, $4  }
0x16f: {  	v49 =	vmul.f32 v45, v37;
	v39 =	vld [tilespmem:s21+$0x100];
	v35 =	vmul.f32 v43, v46;
	v37 =	vadd.f32 v40, v38  }
0x170: {  	v38 =	vld [tilespmem:s21+$0x0];
	v41 =	vmul.f32 v45, v22;
	v42 =	vmul.f32 v45, v48  }
0x171: {  	v40 =	vld [tilespmem:s21+$0xFFFFFF00];
	v46 =	vmul.f32 v28, v35;
	v44 =	vmul.f32 $-5.000000000e-01, v37;
	v35 =	vor.u32 s19, v17;
	s19 =	smov.u32 s18;
	s18 =	smov.u32 s22  }
0x172: {  	v43 =	vmul.f32 v47, v43;
	v45 =	vmul.f32 v49, v45;
	s22 =	sadd.s32 $0x10, s22;
	v37 =	vld [tilespmem:s20+$0x0];
	vm15 =	veq.s32 v35, v5  }
0x173: {  	v22 =	vld [tilespmem:s20+$0xFFFFFE00]  }
0x174: {  	v47 =	vld [tilespmem:s20+$0xFFFFFF00];
	v41 =	vadd.f32 v46, v41  }
0x175: {  	v42 =	vmul.f32 v28, v42;
	v59 =	vld [tilespmem:s20+$0x100];
	v60 =	vsel vm6, $0x0, v20;
	v28 =	vmul.f32 v36, v28  }
0x176: {  	v62 =	vsel vm6, $0x0, v19;
	v33 =	vsub.f32 v33, v39;
	(xrf2) =	vadd.scan.msk.f32 $0xffff, v60;
	v32 =	vsub.f32 v32, v38  }
0x177: {  	v61 =	vadd.f32 v45, v43;
	v45 =	vsel vm6, $0x0, v18;
	v31 =	vsub.f32 v31, v40  }
0x178: {  	(xrf2) =	vadd.scan.msk.f32 $0xffff, v62;
	v41 =	vadd.f32 v41, v42;
	v30 =	vmul.f32 v33, v30;
	v37 =	vmul.f32 v32, v37  }
0x179: {  	(xrf2) =	vadd.scan.msk.f32 $0xffff, v45;
	v28 =	vadd.f32 v28, v61;
	v22 =	vmul.f32 v31, v22;
	v63 =	vmul.f32 v31, v47  }
0x17a: {  	v48 =	vadd.f32 v41, v41;
	v34 =	vmul.f32 v31, v34;
	v46 =	vmul.f32 v32, v59  }
0x17b: {  	v44 =	vsel vm15, $0xF149F2CA, v44;
	s28 =	simm.s32 $0xF00;
	v22 =	vmul.f32 v32, v22;
	v47 =	vmul.f32 v33, v63  }
0x17c: {  	s21 =	simm.s32 $0x100;
	v51 =	vld [tilespmem:s28+$0xFFFFFD00];
	v28 =	vadd.f32 v48, v28;
	v31 =	vmul.f32 v34, v31;
	v32 =	vmul.f32 v37, v32  }
0x17d: {  	v56 =	vor.u32 s19, v17;
	v53 =	vld [tilespmem:s21+$0x100];
	v30 =	vmul.f32 v30, v33;
	v50 =	vmul.f32 v33, v46  }
0x17e: {  	v54 =	vld [tilespmem:s21+$0xFFFFFF00];
	v28 =	vmul.f32 $-5.000000000e-01, v28;
	v22 =	vadd.f32 v47, v22;
	v31 =	vadd.f32 v32, v31  }
0x17f: {  	v55 =	vcvt.s32.f32 v35;
	vm1 =	vgt.f32 v44, v26;
	v57 =	vld [tilespmem:s21+$0x0];
	vm15 =	veq.s32 v56, v5  }
0x180: {  	v28 =	vsel vm15, $0xF149F2CA, v28;
	v22 =	vadd.f32 v22, v50;
	v58, _, _ =	vpop (xrf2);
	v30 =	vadd.f32 v30, v31;
	v31 =	vld [tilespmem:s28+$0xFFFFFE00]  }
0x181: {  	v26 =	vsel vm1, v44, v26;
	v59 =	vld [tilespmem:s28+$0xFFFFFF00];
	v33 =	vbroadcast v58, $0xF  }
0x182: {  	v16 =	vsel vm1, v55, v16;
	v62 =	vld [tilespmem:s28+$0x100];
	vm1 =	vgt.f32 v28, v26;
	v60, _, _ =	vpop (xrf2);
	v22 =	vadd.f32 v22, v22  }
0x183: {  	v49 =	vld [tilespmem:s28+$0x200];
	v26 =	vsel vm1, v28, v26;
	v28, _, _ =	vpop (xrf2);
	v34 =	vbroadcast v60, $0xF;
	v32 =	vsub.f32 v33, v54  }
0x184: {  	s30 =	simm.s32 $0x110;
	v61 =	vcvt.s32.f32 v56;
	v35 =	vbroadcast v28, $0xF;
	v22 =	vadd.f32 v22, v30;
	v30 =	vld [tilespmem:s28+$0x0]  }
0x185: {  	v54 =	vld [tilespmem:s30+$0x0];
	v38 =	vsub.f32 v34, v57;
	v31 =	vmul.f32 v32, v31;
	v37 =	vmul.f32 v32, v51  }
0x186: {  	v55 =	vld [tilespmem:s30+$0xFFFFFF00];
	v36 =	vsub.f32 v35, v53;
	v39 =	vmul.f32 v32, v59;
	v22 =	vmul.f32 $-5.000000000e-01, v22  }
0x187: {  	s29 =	simm.s32 $0xF10;
	v16 =	vsel vm1, v61, v16;
	v53 =	vld [tilespmem:s30+$0x100];
	v42 =	vmul.f32 v38, v62;
	v31 =	vmul.f32 v38, v31  }
0x188: {  	v56 =	vld [tilespmem:s29+$0x0];
	v28 =	vor.u32 s18, v17;
	v39 =	vmul.f32 v36, v39;
	v40 =	vmul.f32 v36, v49  }
0x189: {  	v63 =	vld [tilespmem:s29+$0x200];
	vm1 =	veq.s32 v28, v5;
	v32 =	vmul.f32 v37, v32;
	v30 =	vmul.f32 v38, v30  }
0x18a: {  	v61 =	vld [tilespmem:s29+$0x100];
	v22 =	vsel vm1, $0xF149F2CA, v22;
	v59 =	vmul.f32 v36, v42;
	v49 =	vsub.f32 v34, v54  }
0x18b: {  	v57 =	vld [tilespmem:s29+$0xFFFFFE00];
	vm1 =	vgt.f32 v22, v26;
	v58 =	vadd.f32 v39, v31;
	v30 =	vmul.f32 v30, v38  }
0x18c: {  	v60 =	vld [tilespmem:s29+$0xFFFFFF00];
	v31 =	vsel vm1, v22, v26;
	v22 =	vcvt.s32.f32 v28;
	v28 =	vsub.f32 v35, v53  }
0x18d: {  	v52 =	vld [tilespmem:s29+$0xFFFFFD00];
	v26 =	vmul.f32 v40, v36;
	v39 =	vadd.f32 v58, v59;
	v62 =	vadd.f32 v30, v32  }
0x18e: {  	s21 =	simm.s32 $0x120;
	v47 =	vmul.f32 v49, v56;
	v16 =	vsel vm1, v22, v16;
	v22 =	vsub.f32 v33, v55  }
0x18f: {  	v41 =	vld [tilespmem:s21+$0x100];
	v44 =	vmul.f32 v49, v61;
	[tilespmem:$0x1FF70] =	vst v16;
	v39 =	vadd.f32 v39, v39;
	v16 =	vadd.f32 v26, v62  }
0x190: {  	s20 =	simm.s32 $0xF20;
	v42 =	vld [tilespmem:s21+$0xFFFFFF00];
	v38 =	vmul.f32 v28, v63;
	v37 =	vmul.f32 v22, v57  }
0x191: {  	v36 =	vld [tilespmem:s20+$0xFFFFFD00];
	v47 =	vmul.f32 v47, v49;
	v46 =	vmul.f32 v22, v60;
	v39 =	vadd.f32 v39, v16  }
0x192: {  	s31 =	simm.s32 $0x0;
	v40 =	vld [tilespmem:s21+$0x0];
	v63 =	vmul.f32 v22, v52;
	v26 =	vimm.f32 $-3.000000010e+38;
	v43 =	vmul.f32 v49, v37  }
0x193: {  	v30 =	vld [tilespmem:s20+$0x200];
	v48 =	vmul.f32 v28, v46;
	v37 =	vor.u32 s31, v17;
	v46 =	vmul.f32 $-5.000000000e-01, v39  }
0x194: {  	s19 =	simm.s32 $0x10;
	s22 =	simm.s32 $0x30;
	s18 =	simm.s32 $0x20;
	v45 =	vmul.f32 v63, v22;
	v16 =	vimm.f32 $0.0e+00;
	vm15 =	veq.s32 v37, v6;
	v39 =	vld [tilespmem:s20+$0x0]  }
.LBB2_16:
0x195: {  	p0 =	sne.s32 s22, $0xF0;
	v22 =	vld [tilespmem:s20+$0xFFFFFE00];
	v43 =	vadd.f32 v48, v43;
	v44 =	vmul.f32 v28, v44;
	v46 =	vsel vm15, $0xF149F2CA, v46  }
0x196: {  	v49 =	vmul.f32 v38, v28;
	v48 =	vld [tilespmem:s20+$0xFFFFFF00];
	v28 =	vsub.f32 v35, v41;
	vm1 =	vgt.f32 v46, v26  }
0x197: {  	v41 =	vadd.f32 v47, v45;
	v50 =	vld [tilespmem:s20+$0x100];
	v43 =	vadd.f32 v43, v44;
	v26 =	vsel vm1, v46, v26  }
0x198: {  	v37 =	vcvt.s32.f32 v37;
	v47 =	vsub.f32 v34, v40;
	s20 =	sadd.s32 $0x10, s20;
	v45 =	vsub.f32 v33, v42  }
0x199: {  	v38 =	vmul.f32 v28, v30;
	v40 =	vadd.f32 v49, v41;
	v30 =	vld [tilespmem:s20+$0x200];
	v42 =	vadd.f32 v43, v43  }
.Ltmp7:
0x19a: {  	s21 =	sadd.s32 $0x10, s21;
	v16 =	vsel vm1, v37, v16;
	v49 =	vmul.f32 v45, v36;
	v36 =	vld [tilespmem:s20+$0xFFFFFD00];
	v22 =	vmul.f32 v45, v22;
	(pc) =	sbr.rel @p0 .LBB2_16-.Ltmp7, $4  }
0x19b: {  	v51 =	vmul.f32 v47, v39;
	v41 =	vld [tilespmem:s21+$0x100];
	v37 =	vmul.f32 v45, v48;
	v39 =	vadd.f32 v42, v40  }
0x19c: {  	v40 =	vld [tilespmem:s21+$0x0];
	v43 =	vmul.f32 v47, v22;
	v44 =	vmul.f32 v47, v50  }
0x19d: {  	v42 =	vld [tilespmem:s21+$0xFFFFFF00];
	v48 =	vmul.f32 v28, v37;
	v46 =	vmul.f32 $-5.000000000e-01, v39;
	v37 =	vor.u32 s19, v17;
	s19 =	smov.u32 s18;
	s18 =	smov.u32 s22  }
0x19e: {  	v45 =	vmul.f32 v49, v45;
	v47 =	vmul.f32 v51, v47;
	s22 =	sadd.s32 $0x10, s22;
	v39 =	vld [tilespmem:s20+$0x0];
	vm15 =	veq.s32 v37, v6  }
0x19f: {  	v22 =	vld [tilespmem:s20+$0xFFFFFE00]  }
0x1a0: {  	v49 =	vld [tilespmem:s20+$0xFFFFFF00];
	v43 =	vadd.f32 v48, v43;
	v44 =	vmul.f32 v28, v44;
	v61 =	vsel vm7, $0x0, v20  }
0x1a1: {  	v46 =	vsel vm15, $0xF149F2CA, v46;
	v60 =	vld [tilespmem:s20+$0x100];
	v28 =	vmul.f32 v38, v28;
	v63 =	vsel vm7, $0x0, v19;
	(xrf2) =	vadd.scan.msk.f32 $0xffff, v61  }
0x1a2: {  	v54 =	vcvt.s32.f32 v37;
	v35 =	vsub.f32 v35, v41;
	v34 =	vsub.f32 v34, v40  }
0x1a3: {  	v55 =	vor.u32 s19, v17;
	v62 =	vadd.f32 v47, v45;
	(xrf2) =	vadd.scan.msk.f32 $0xffff, v63;
	v33 =	vsub.f32 v33, v42  }
0x1a4: {  	v45 =	vsel vm7, $0x0, v18;
	v43 =	vadd.f32 v43, v44;
	v39 =	vmul.f32 v34, v39  }
0x1a5: {  	(xrf2) =	vadd.scan.msk.f32 $0xffff, v45;
	v28 =	vadd.f32 v28, v62;
	v22 =	vmul.f32 v33, v22;
	v32 =	vmul.f32 v33, v49  }
0x1a6: {  	s28 =	simm.s32 $0xF00;
	v36 =	vmul.f32 v33, v36;
	v47 =	vmul.f32 v34, v60;
	v49 =	vadd.f32 v43, v43  }
0x1a7: {  	s21 =	simm.s32 $0x100;
	vm1 =	vgt.f32 v46, v26;
	v51 =	vld [tilespmem:s28+$0xFFFFFD00];
	v22 =	vmul.f32 v34, v22;
	v48 =	vmul.f32 v35, v32  }
0x1a8: {  	v52 =	vld [tilespmem:s21+$0x100];
	v30 =	vmul.f32 v35, v30;
	v33 =	vmul.f32 v36, v33;
	v28 =	vadd.f32 v49, v28  }
0x1a9: {  	v53 =	vld [tilespmem:s21+$0xFFFFFF00];
	v34 =	vmul.f32 v39, v34;
	v50 =	vmul.f32 v35, v47;
	v22 =	vadd.f32 v48, v22  }
0x1aa: {  	v56 =	vld [tilespmem:s21+$0x0];
	vm15 =	veq.s32 v55, v6;
	v61 =	vcvt.s32.f32 v55;
	v28 =	vmul.f32 $-5.000000000e-01, v28  }
0x1ab: {  	v58 =	vld [tilespmem:s28+$0xFFFFFE00];
	v30 =	vmul.f32 v30, v35;
	v33 =	vadd.f32 v34, v33;
	v22 =	vadd.f32 v22, v50;
	v57, _, _ =	vpop (xrf2)  }
0x1ac: {  	v59 =	vld [tilespmem:s28+$0xFFFFFF00];
	v26 =	vsel vm1, v46, v26;
	v28 =	vsel vm15, $0xF149F2CA, v28;
	v35 =	vbroadcast v57, $0xF  }
0x1ad: {  	s30 =	simm.s32 $0x110;
	v16 =	vsel vm1, v54, v16;
	v62 =	vld [tilespmem:s28+$0x100];
	v30 =	vadd.f32 v30, v33;
	v60, _, _ =	vpop (xrf2);
	v22 =	vadd.f32 v22, v22  }
0x1ae: {  	v54 =	vld [tilespmem:s30+$0x0];
	vm1 =	vgt.f32 v28, v26;
	v36 =	vbroadcast v60, $0xF;
	v34 =	vsub.f32 v35, v53  }
0x1af: {  	v26 =	vsel vm1, v28, v26;
	v16 =	vsel vm1, v61, v16;
	v28, _, _ =	vpop (xrf2);
	v22 =	vadd.f32 v22, v30;
	v30 =	vld [tilespmem:s28+$0x0]  }
0x1b0: {  	v42 =	vld [tilespmem:s28+$0x200];
	v37 =	vbroadcast v28, $0xF;
	v40 =	vsub.f32 v36, v56;
	v33 =	vmul.f32 v34, v58  }
0x1b1: {  	s29 =	simm.s32 $0xF10;
	v55 =	vld [tilespmem:s30+$0xFFFFFF00];
	v28 =	vor.u32 s18, v17;
	v39 =	vmul.f32 v34, v51;
	v41 =	vmul.f32 v34, v59  }
0x1b2: {  	v56 =	vld [tilespmem:s29+$0x0];
	v22 =	vmul.f32 $-5.000000000e-01, v22;
	v38 =	vsub.f32 v37, v52;
	v44 =	vmul.f32 v40, v62  }
0x1b3: {  	v43 =	vld [tilespmem:s29+$0x200];
	vm1 =	veq.s32 v28, v6;
	v33 =	vmul.f32 v40, v33;
	v34 =	vmul.f32 v39, v34  }
0x1b4: {  	v53 =	vld [tilespmem:s30+$0x100];
	v51 =	vsub.f32 v36, v54;
	v41 =	vmul.f32 v38, v41;
	v30 =	vmul.f32 v40, v30  }
0x1b5: {  	v61 =	vld [tilespmem:s29+$0x100];
	v22 =	vsel vm1, $0xF149F2CA, v22;
	v42 =	vmul.f32 v38, v42;
	v59 =	vmul.f32 v38, v44  }
0x1b6: {  	v57 =	vld [tilespmem:s29+$0xFFFFFE00];
	vm1 =	vgt.f32 v22, v26;
	v58 =	vadd.f32 v41, v33;
	v30 =	vmul.f32 v30, v40  }
0x1b7: {  	v60 =	vld [tilespmem:s29+$0xFFFFFF00];
	v49 =	vmul.f32 v51, v56;
	v33 =	vsel vm1, v22, v26;
	v22 =	vcvt.s32.f32 v28  }
0x1b8: {  	v63 =	vld [tilespmem:s29+$0xFFFFFD00];
	v26 =	vmul.f32 v42, v38;
	v41 =	vadd.f32 v58, v59;
	v62 =	vadd.f32 v30, v34  }
0x1b9: {  	s21 =	simm.s32 $0x120;
	v28 =	vsub.f32 v37, v53;
	v16 =	vsel vm1, v22, v16;
	v22 =	vsub.f32 v35, v55  }
0x1ba: {  	s20 =	simm.s32 $0xF20;
	v46 =	vmul.f32 v51, v61;
	v44 =	vld [tilespmem:s21+$0xFFFFFF00];
	[tilespmem:$0x1FF60] =	vst v16;
	v41 =	vadd.f32 v41, v41;
	v16 =	vadd.f32 v26, v62  }
0x1bb: {  	v38 =	vld [tilespmem:s20+$0xFFFFFD00];
	v49 =	vmul.f32 v49, v51;
	v39 =	vmul.f32 v22, v57  }
0x1bc: {  	v40 =	vmul.f32 v28, v43;
	v43 =	vld [tilespmem:s21+$0x100];
	v48 =	vmul.f32 v22, v60;
	v41 =	vadd.f32 v41, v16  }
0x1bd: {  	s31 =	simm.s32 $0x0;
	v42 =	vld [tilespmem:s21+$0x0];
	v63 =	vmul.f32 v22, v63;
	v26 =	vimm.f32 $-3.000000010e+38;
	v45 =	vmul.f32 v51, v39  }
0x1be: {  	v30 =	vld [tilespmem:s20+$0x200];
	v50 =	vmul.f32 v28, v48;
	v39 =	vor.u32 s31, v17;
	v48 =	vmul.f32 $-5.000000000e-01, v41  }
0x1bf: {  	s19 =	simm.s32 $0x10;
	s22 =	simm.s32 $0x30;
	s18 =	simm.s32 $0x20;
	v47 =	vmul.f32 v63, v22;
	v16 =	vimm.f32 $0.0e+00;
	vm15 =	veq.s32 v39, v7;
	v41 =	vld [tilespmem:s20+$0x0]  }
.LBB2_18:
0x1c0: {  	p0 =	sne.s32 s22, $0xF0;
	v22 =	vld [tilespmem:s20+$0xFFFFFE00];
	v45 =	vadd.f32 v50, v45;
	v46 =	vmul.f32 v28, v46;
	v48 =	vsel vm15, $0xF149F2CA, v48  }
0x1c1: {  	v51 =	vmul.f32 v40, v28;
	v50 =	vld [tilespmem:s20+$0xFFFFFF00];
	v28 =	vsub.f32 v37, v43;
	vm1 =	vgt.f32 v48, v26  }
0x1c2: {  	v43 =	vadd.f32 v49, v47;
	v52 =	vld [tilespmem:s20+$0x100];
	v45 =	vadd.f32 v45, v46;
	v26 =	vsel vm1, v48, v26  }
0x1c3: {  	v39 =	vcvt.s32.f32 v39;
	v49 =	vsub.f32 v36, v42;
	s20 =	sadd.s32 $0x10, s20;
	v47 =	vsub.f32 v35, v44  }
0x1c4: {  	v40 =	vmul.f32 v28, v30;
	v42 =	vadd.f32 v51, v43;
	v30 =	vld [tilespmem:s20+$0x200];
	v44 =	vadd.f32 v45, v45  }
.Ltmp8:
0x1c5: {  	s21 =	sadd.s32 $0x10, s21;
	v16 =	vsel vm1, v39, v16;
	v51 =	vmul.f32 v47, v38;
	v38 =	vld [tilespmem:s20+$0xFFFFFD00];
	v22 =	vmul.f32 v47, v22;
	(pc) =	sbr.rel @p0 .LBB2_18-.Ltmp8, $4  }
0x1c6: {  	v53 =	vmul.f32 v49, v41;
	v43 =	vld [tilespmem:s21+$0x100];
	v39 =	vmul.f32 v47, v50;
	v41 =	vadd.f32 v44, v42  }
0x1c7: {  	v42 =	vld [tilespmem:s21+$0x0];
	v45 =	vmul.f32 v49, v22;
	v46 =	vmul.f32 v49, v52  }
0x1c8: {  	v44 =	vld [tilespmem:s21+$0xFFFFFF00];
	v50 =	vmul.f32 v28, v39;
	v48 =	vmul.f32 $-5.000000000e-01, v41;
	v39 =	vor.u32 s19, v17;
	s19 =	smov.u32 s18;
	s18 =	smov.u32 s22  }
0x1c9: {  	v47 =	vmul.f32 v51, v47;
	v49 =	vmul.f32 v53, v49;
	s22 =	sadd.s32 $0x10, s22;
	v41 =	vld [tilespmem:s20+$0x0];
	vm15 =	veq.s32 v39, v7  }
0x1ca: {  	v22 =	vld [tilespmem:s20+$0xFFFFFE00];
	v45 =	vadd.f32 v50, v45;
	v46 =	vmul.f32 v28, v46  }
0x1cb: {  	v51 =	vld [tilespmem:s20+$0xFFFFFF00];
	v48 =	vsel vm15, $0xF149F2CA, v48;
	v57 =	vsel vm8, $0x0, v20;
	v28 =	vmul.f32 v40, v28  }
0x1cc: {  	v56 =	vld [tilespmem:s20+$0x100];
	v59 =	vsel vm8, $0x0, v19;
	v61 =	vsel vm8, $0x0, v18;
	v37 =	vsub.f32 v37, v43;
	(xrf2) =	vadd.scan.msk.f32 $0xffff, v57  }
0x1cd: {  	v54 =	vcvt.s32.f32 v39;
	v58 =	vadd.f32 v49, v47;
	v36 =	vsub.f32 v36, v42  }
0x1ce: {  	v55 =	vor.u32 s19, v17;
	(xrf2) =	vadd.scan.msk.f32 $0xffff, v59;
	v45 =	vadd.f32 v45, v46;
	v35 =	vsub.f32 v35, v44  }
0x1cf: {  	v30 =	vmul.f32 v37, v30;
	(xrf2) =	vadd.scan.msk.f32 $0xffff, v61;
	v28 =	vadd.f32 v28, v58;
	v41 =	vmul.f32 v36, v41  }
0x1d0: {  	s21 =	simm.s32 $0x100;
	v49 =	vadd.f32 v45, v45;
	v22 =	vmul.f32 v35, v22;
	v60 =	vmul.f32 v35, v51  }
0x1d1: {  	vm1 =	vgt.f32 v48, v26;
	v52 =	vld [tilespmem:s21+$0x100];
	v38 =	vmul.f32 v35, v38;
	v62 =	vmul.f32 v36, v56  }
0x1d2: {  	s28 =	simm.s32 $0xF00;
	v53 =	vld [tilespmem:s21+$0xFFFFFF00];
	v28 =	vadd.f32 v49, v28;
	v22 =	vmul.f32 v36, v22;
	v63 =	vmul.f32 v37, v60  }
0x1d3: {  	s30 =	simm.s32 $0x110;
	v16 =	vsel vm1, v54, v16;
	v59 =	vld [tilespmem:s28+$0xFFFFFF00];
	v35 =	vmul.f32 v38, v35;
	v36 =	vmul.f32 v41, v36  }
0x1d4: {  	v54 =	vld [tilespmem:s30+$0x0];
	v50 =	vmul.f32 v37, v62;
	v28 =	vmul.f32 $-5.000000000e-01, v28;
	v22 =	vadd.f32 v63, v22  }
0x1d5: {  	vm15 =	veq.s32 v55, v7;
	v58 =	vld [tilespmem:s28+$0xFFFFFE00];
	v30 =	vmul.f32 v30, v37  }
0x1d6: {  	v56 =	vld [tilespmem:s21+$0x0];
	v35 =	vadd.f32 v36, v35;
	v28 =	vsel vm15, $0xF149F2CA, v28;
	v22 =	vadd.f32 v22, v50;
	v57, _, _ =	vpop (xrf2)  }
0x1d7: {  	v26 =	vsel vm1, v48, v26;
	v61 =	vcvt.s32.f32 v55;
	v51 =	vld [tilespmem:s28+$0xFFFFFD00];
	v37 =	vbroadcast v57, $0xF  }
0x1d8: {  	v62 =	vld [tilespmem:s28+$0x100];
	v30 =	vadd.f32 v30, v35;
	vm1 =	vgt.f32 v28, v26;
	v60, _, _ =	vpop (xrf2);
	v22 =	vadd.f32 v22, v22  }
0x1d9: {  	v44 =	vld [tilespmem:s28+$0x200];
	v26 =	vsel vm1, v28, v26;
	v28, _, _ =	vpop (xrf2);
	v38 =	vbroadcast v60, $0xF;
	v36 =	vsub.f32 v37, v53  }
0x1da: {  	v39 =	vbroadcast v28, $0xF;
	v22 =	vadd.f32 v22, v30;
	v30 =	vld [tilespmem:s28+$0x0]  }
0x1db: {  	v16 =	vsel vm1, v61, v16;
	v42 =	vsub.f32 v38, v56;
	v35 =	vmul.f32 v36, v58  }
0x1dc: {  	s29 =	simm.s32 $0xF10;
	v55 =	vld [tilespmem:s30+$0xFFFFFF00];
	v40 =	vsub.f32 v39, v52;
	v41 =	vmul.f32 v36, v51;
	v43 =	vmul.f32 v36, v59  }
0x1dd: {  	v28 =	vor.u32 s18, v17;
	v56 =	vld [tilespmem:s29+$0x0];
	v22 =	vmul.f32 $-5.000000000e-01, v22;
	v46 =	vmul.f32 v42, v62  }
0x1de: {  	v45 =	vld [tilespmem:s29+$0x200];
	vm1 =	veq.s32 v28, v7;
	v35 =	vmul.f32 v42, v35;
	v43 =	vmul.f32 v40, v43  }
0x1df: {  	v63 =	vld [tilespmem:s30+$0x100];
	v53 =	vsub.f32 v38, v54;
	v44 =	vmul.f32 v40, v44;
	v30 =	vmul.f32 v42, v30  }
0x1e0: {  	v61 =	vld [tilespmem:s29+$0x100];
	v36 =	vmul.f32 v41, v36;
	v22 =	vsel vm1, $0xF149F2CA, v22;
	v59 =	vmul.f32 v40, v46  }
0x1e1: {  	v57 =	vld [tilespmem:s29+$0xFFFFFE00];
	vm1 =	vgt.f32 v22, v26;
	v58 =	vadd.f32 v43, v35;
	v30 =	vmul.f32 v30, v42  }
0x1e2: {  	v60 =	vld [tilespmem:s29+$0xFFFFFF00];
	v51 =	vmul.f32 v53, v56;
	v35 =	vsel vm1, v22, v26;
	v22 =	vcvt.s32.f32 v28  }
0x1e3: {  	v47 =	vld [tilespmem:s29+$0xFFFFFD00];
	v26 =	vmul.f32 v44, v40;
	v43 =	vadd.f32 v58, v59;
	v62 =	vadd.f32 v30, v36  }
0x1e4: {  	s21 =	simm.s32 $0x120;
	v28 =	vsub.f32 v39, v63;
	v36 =	vsel vm1, v22, v16;
	v22 =	vsub.f32 v37, v55  }
0x1e5: {  	s20 =	simm.s32 $0xF20;
	v48 =	vmul.f32 v53, v61;
	v46 =	vld [tilespmem:s21+$0xFFFFFF00];
	v43 =	vadd.f32 v43, v43;
	v16 =	vadd.f32 v26, v62  }
0x1e6: {  	v40 =	vld [tilespmem:s20+$0xFFFFFD00];
	v51 =	vmul.f32 v51, v53;
	v41 =	vmul.f32 v22, v57  }
0x1e7: {  	v42 =	vmul.f32 v28, v45;
	v45 =	vld [tilespmem:s21+$0x100];
	v50 =	vmul.f32 v22, v60;
	v43 =	vadd.f32 v43, v16  }
0x1e8: {  	s31 =	simm.s32 $0x0;
	v44 =	vld [tilespmem:s21+$0x0];
	v26 =	vimm.f32 $-3.000000010e+38;
	v63 =	vmul.f32 v22, v47;
	v47 =	vmul.f32 v53, v41  }
0x1e9: {  	v30 =	vld [tilespmem:s20+$0x200];
	v52 =	vmul.f32 v28, v50;
	v41 =	vor.u32 s31, v17;
	v50 =	vmul.f32 $-5.000000000e-01, v43  }
0x1ea: {  	s19 =	simm.s32 $0x10;
	s22 =	simm.s32 $0x30;
	s18 =	simm.s32 $0x20;
	v16 =	vimm.f32 $0.0e+00;
	v49 =	vmul.f32 v63, v22;
	vm15 =	veq.s32 v41, v8;
	v43 =	vld [tilespmem:s20+$0x0]  }
.LBB2_20:
0x1eb: {  	p0 =	sne.s32 s22, $0xF0;
	v22 =	vld [tilespmem:s20+$0xFFFFFE00];
	v47 =	vadd.f32 v52, v47;
	v48 =	vmul.f32 v28, v48;
	v50 =	vsel vm15, $0xF149F2CA, v50  }
0x1ec: {  	v53 =	vmul.f32 v42, v28;
	v52 =	vld [tilespmem:s20+$0xFFFFFF00];
	v28 =	vsub.f32 v39, v45;
	vm1 =	vgt.f32 v50, v26  }
0x1ed: {  	v45 =	vadd.f32 v51, v49;
	v54 =	vld [tilespmem:s20+$0x100];
	v47 =	vadd.f32 v47, v48;
	v26 =	vsel vm1, v50, v26  }
0x1ee: {  	v41 =	vcvt.s32.f32 v41;
	v51 =	vsub.f32 v38, v44;
	s20 =	sadd.s32 $0x10, s20;
	v49 =	vsub.f32 v37, v46  }
0x1ef: {  	v42 =	vmul.f32 v28, v30;
	v44 =	vadd.f32 v53, v45;
	v30 =	vld [tilespmem:s20+$0x200];
	v46 =	vadd.f32 v47, v47  }
.Ltmp9:
0x1f0: {  	s21 =	sadd.s32 $0x10, s21;
	v16 =	vsel vm1, v41, v16;
	v53 =	vmul.f32 v49, v40;
	v40 =	vld [tilespmem:s20+$0xFFFFFD00];
	v22 =	vmul.f32 v49, v22;
	(pc) =	sbr.rel @p0 .LBB2_20-.Ltmp9, $4  }
0x1f1: {  	v55 =	vmul.f32 v51, v43;
	v45 =	vld [tilespmem:s21+$0x100];
	v41 =	vmul.f32 v49, v52;
	v43 =	vadd.f32 v46, v44  }
0x1f2: {  	v44 =	vld [tilespmem:s21+$0x0];
	v47 =	vmul.f32 v51, v22;
	v48 =	vmul.f32 v51, v54  }
0x1f3: {  	v46 =	vld [tilespmem:s21+$0xFFFFFF00];
	v52 =	vmul.f32 v28, v41;
	v50 =	vmul.f32 $-5.000000000e-01, v43;
	v41 =	vor.u32 s19, v17;
	s19 =	smov.u32 s18;
	s18 =	smov.u32 s22  }
0x1f4: {  	v49 =	vmul.f32 v53, v49;
	v51 =	vmul.f32 v55, v51;
	s22 =	sadd.s32 $0x10, s22;
	v43 =	vld [tilespmem:s20+$0x0];
	vm15 =	veq.s32 v41, v8  }
0x1f5: {  	v22 =	vld [tilespmem:s20+$0xFFFFFE00];
	v47 =	vadd.f32 v52, v47  }
0x1f6: {  	v53 =	vld [tilespmem:s20+$0xFFFFFF00];
	v48 =	vmul.f32 v28, v48;
	v50 =	vsel vm15, $0xF149F2CA, v50;
	v54 =	vsel vm9, $0x0, v20  }
0x1f7: {  	v52 =	vld [tilespmem:s20+$0x100];
	v28 =	vmul.f32 v42, v28;
	v56 =	vsel vm9, $0x0, v19;
	v39 =	vsub.f32 v39, v45;
	(xrf2) =	vadd.scan.msk.f32 $0xffff, v54  }
0x1f8: {  	v58 =	vsel vm9, $0x0, v18;
	v55 =	vadd.f32 v51, v49;
	v38 =	vsub.f32 v38, v44  }
0x1f9: {  	vm1 =	vgt.f32 v50, v26;
	(xrf2) =	vadd.scan.msk.f32 $0xffff, v56;
	v47 =	vadd.f32 v47, v48;
	v37 =	vsub.f32 v37, v46  }
0x1fa: {  	v30 =	vmul.f32 v39, v30;
	(xrf2) =	vadd.scan.msk.f32 $0xffff, v58;
	v28 =	vadd.f32 v28, v55;
	v43 =	vmul.f32 v38, v43  }
0x1fb: {  	s28 =	simm.s32 $0xF00;
	v61 =	vadd.f32 v47, v47;
	v22 =	vmul.f32 v37, v22;
	v57 =	vmul.f32 v37, v53  }
0x1fc: {  	s21 =	simm.s32 $0x100;
	v63 =	vld [tilespmem:s28+$0xFFFFFD00];
	v54 =	vor.u32 s19, v17;
	v40 =	vmul.f32 v37, v40;
	v59 =	vmul.f32 v38, v52  }
0x1fd: {  	v34 =	vld [tilespmem:s21+$0x100];
	v28 =	vadd.f32 v61, v28;
	v22 =	vmul.f32 v38, v22;
	v60 =	vmul.f32 v39, v57  }
0x1fe: {  	v26 =	vsel vm1, v50, v26;
	v46 =	vld [tilespmem:s28+$0x200];
	v37 =	vmul.f32 v40, v37;
	v38 =	vmul.f32 v43, v38  }
0x1ff: {  	v52 =	vld [tilespmem:s21+$0xFFFFFF00];
	v62 =	vmul.f32 v39, v59;
	v28 =	vmul.f32 $-5.000000000e-01, v28;
	v22 =	vadd.f32 v60, v22  }
0x200: {  	vm15 =	veq.s32 v54, v8;
	v55 =	vld [tilespmem:s21+$0x0];
	v30 =	vmul.f32 v30, v39;
	v53 =	vcvt.s32.f32 v41  }
0x201: {  	v57 =	vld [tilespmem:s28+$0xFFFFFE00];
	v37 =	vadd.f32 v38, v37;
	v28 =	vsel vm15, $0xF149F2CA, v28;
	v22 =	vadd.f32 v22, v62;
	v56, _, _ =	vpop (xrf2)  }
0x202: {  	v58 =	vld [tilespmem:s28+$0xFFFFFF00];
	v16 =	vsel vm1, v53, v16;
	v60 =	vcvt.s32.f32 v54;
	v39 =	vbroadcast v56, $0xF  }
0x203: {  	s30 =	simm.s32 $0x110;
	v61 =	vld [tilespmem:s28+$0x100];
	v30 =	vadd.f32 v30, v37;
	vm1 =	vgt.f32 v28, v26;
	v59, _, _ =	vpop (xrf2);
	v22 =	vadd.f32 v22, v22  }
0x204: {  	v26 =	vsel vm1, v28, v26;
	v56 =	vld [tilespmem:s30+$0x0];
	v28, _, _ =	vpop (xrf2);
	v40 =	vbroadcast v59, $0xF;
	v38 =	vsub.f32 v39, v52  }
0x205: {  	v41 =	vbroadcast v28, $0xF;
	v22 =	vadd.f32 v22, v30;
	v30 =	vld [tilespmem:s28+$0x0]  }
0x206: {  	s29 =	simm.s32 $0xF10;
	v16 =	vsel vm1, v60, v16;
	v44 =	vsub.f32 v40, v55;
	v37 =	vmul.f32 v38, v57  }
0x207: {  	v47 =	vld [tilespmem:s29+$0x200];
	v42 =	vsub.f32 v41, v34;
	v43 =	vmul.f32 v38, v63;
	v45 =	vmul.f32 v38, v58  }
0x208: {  	v62 =	vld [tilespmem:s30+$0x100];
	v28 =	vor.u32 s18, v17;
	v22 =	vmul.f32 $-5.000000000e-01, v22;
	v48 =	vmul.f32 v44, v61  }
0x209: {  	vm1 =	veq.s32 v28, v8;
	v63 =	vld [tilespmem:s30+$0xFFFFFF00];
	v37 =	vmul.f32 v44, v37;
	v45 =	vmul.f32 v42, v45  }
0x20a: {  	v34 =	vld [tilespmem:s29+$0x0];
	v55 =	vsub.f32 v40, v56;
	v46 =	vmul.f32 v42, v46;
	v30 =	vmul.f32 v44, v30  }
0x20b: {  	v61 =	vld [tilespmem:s29+$0x100];
	v38 =	vmul.f32 v43, v38;
	v22 =	vsel vm1, $0xF149F2CA, v22;
	v59 =	vmul.f32 v42, v48  }
0x20c: {  	v57 =	vld [tilespmem:s29+$0xFFFFFE00];
	vm1 =	vgt.f32 v22, v26;
	v58 =	vadd.f32 v45, v37;
	v30 =	vmul.f32 v30, v44  }
0x20d: {  	v60 =	vld [tilespmem:s29+$0xFFFFFF00];
	v37 =	vsel vm1, v22, v26;
	v22 =	vcvt.s32.f32 v28;
	v28 =	vsub.f32 v41, v62  }
0x20e: {  	v49 =	vld [tilespmem:s29+$0xFFFFFD00];
	v26 =	vmul.f32 v46, v42;
	v45 =	vadd.f32 v58, v59;
	v62 =	vadd.f32 v30, v38  }
0x20f: {  	s21 =	simm.s32 $0x120;
	v53 =	vmul.f32 v55, v34;
	v38 =	vsel vm1, v22, v16;
	v22 =	vsub.f32 v39, v63  }
0x210: {  	s20 =	simm.s32 $0xF20;
	v48 =	vld [tilespmem:s21+$0xFFFFFF00];
	v50 =	vmul.f32 v55, v61;
	v45 =	vadd.f32 v45, v45;
	v16 =	vadd.f32 v26, v62  }
0x211: {  	v42 =	vld [tilespmem:s20+$0xFFFFFD00];
	v44 =	vmul.f32 v28, v47;
	v43 =	vmul.f32 v22, v57  }
0x212: {  	v47 =	vld [tilespmem:s21+$0x100];
	v53 =	vmul.f32 v53, v55;
	v52 =	vmul.f32 v22, v60;
	v45 =	vadd.f32 v45, v16  }
0x213: {  	s31 =	simm.s32 $0x0;
	v46 =	vld [tilespmem:s21+$0x0];
	v26 =	vimm.f32 $-3.000000010e+38;
	v63 =	vmul.f32 v22, v49;
	v49 =	vmul.f32 v55, v43  }
0x214: {  	v30 =	vld [tilespmem:s20+$0x200];
	v54 =	vmul.f32 v28, v52;
	v43 =	vor.u32 s31, v17;
	v52 =	vmul.f32 $-5.000000000e-01, v45  }
0x215: {  	s22 =	simm.s32 $0x30;
	s19 =	simm.s32 $0x10;
	s18 =	simm.s32 $0x20;
	v16 =	vimm.f32 $0.0e+00;
	v51 =	vmul.f32 v63, v22;
	vm15 =	veq.s32 v43, v9;
	v45 =	vld [tilespmem:s20+$0x0]  }
.LBB2_22:
0x216: {  	p0 =	sne.s32 s22, $0xF0;
	v22 =	vld [tilespmem:s20+$0xFFFFFE00];
	v49 =	vadd.f32 v54, v49;
	v50 =	vmul.f32 v28, v50;
	v52 =	vsel vm15, $0xF149F2CA, v52  }
0x217: {  	v55 =	vmul.f32 v44, v28;
	v54 =	vld [tilespmem:s20+$0xFFFFFF00];
	v28 =	vsub.f32 v41, v47;
	vm1 =	vgt.f32 v52, v26  }
0x218: {  	v47 =	vadd.f32 v53, v51;
	v56 =	vld [tilespmem:s20+$0x100];
	v49 =	vadd.f32 v49, v50;
	v26 =	vsel vm1, v52, v26  }
0x219: {  	v43 =	vcvt.s32.f32 v43;
	v53 =	vsub.f32 v40, v46;
	s20 =	sadd.s32 $0x10, s20;
	v51 =	vsub.f32 v39, v48  }
0x21a: {  	v44 =	vmul.f32 v28, v30;
	v46 =	vadd.f32 v55, v47;
	v30 =	vld [tilespmem:s20+$0x200];
	v48 =	vadd.f32 v49, v49  }
.Ltmp10:
0x21b: {  	s21 =	sadd.s32 $0x10, s21;
	v16 =	vsel vm1, v43, v16;
	v55 =	vmul.f32 v51, v42;
	v42 =	vld [tilespmem:s20+$0xFFFFFD00];
	v22 =	vmul.f32 v51, v22;
	(pc) =	sbr.rel @p0 .LBB2_22-.Ltmp10, $4  }
0x21c: {  	v57 =	vmul.f32 v53, v45;
	v47 =	vld [tilespmem:s21+$0x100];
	v43 =	vmul.f32 v51, v54;
	v45 =	vadd.f32 v48, v46  }
0x21d: {  	v46 =	vld [tilespmem:s21+$0x0];
	v49 =	vmul.f32 v53, v22;
	v50 =	vmul.f32 v53, v56  }
0x21e: {  	v48 =	vld [tilespmem:s21+$0xFFFFFF00];
	v54 =	vmul.f32 v28, v43;
	v52 =	vmul.f32 $-5.000000000e-01, v45;
	v43 =	vor.u32 s19, v17;
	s19 =	smov.u32 s18;
	s18 =	smov.u32 s22  }
0x21f: {  	v51 =	vmul.f32 v55, v51;
	v53 =	vmul.f32 v57, v53;
	s22 =	sadd.s32 $0x10, s22;
	v45 =	vld [tilespmem:s20+$0x0];
	vm15 =	veq.s32 v43, v9  }
0x220: {  	v22 =	vld [tilespmem:s20+$0xFFFFFE00];
	v49 =	vadd.f32 v54, v49  }
0x221: {  	v55 =	vld [tilespmem:s20+$0xFFFFFF00];
	v50 =	vmul.f32 v28, v50;
	v52 =	vsel vm15, $0xF149F2CA, v52;
	v34 =	vsel vm10, $0x0, v20  }
0x222: {  	v63 =	vld [tilespmem:s20+$0x100];
	v28 =	vmul.f32 v44, v28;
	v56 =	vsel vm10, $0x0, v19;
	v41 =	vsub.f32 v41, v47;
	(xrf2) =	vadd.scan.msk.f32 $0xffff, v34  }
0x223: {  	v58 =	vsel vm10, $0x0, v18;
	v54 =	vadd.f32 v53, v51;
	v40 =	vsub.f32 v40, v46  }
0x224: {  	vm1 =	vgt.f32 v52, v26;
	(xrf2) =	vadd.scan.msk.f32 $0xffff, v56;
	v49 =	vadd.f32 v49, v50;
	v39 =	vsub.f32 v39, v48  }
0x225: {  	v30 =	vmul.f32 v41, v30;
	(xrf2) =	vadd.scan.msk.f32 $0xffff, v58;
	v28 =	vadd.f32 v28, v54;
	v45 =	vmul.f32 v40, v45  }
0x226: {  	v61 =	vadd.f32 v49, v49;
	v22 =	vmul.f32 v39, v22;
	v57 =	vmul.f32 v39, v55  }
0x227: {  	s21 =	simm.s32 $0x100;
	v26 =	vsel vm1, v52, v26;
	v42 =	vmul.f32 v39, v42;
	v59 =	vmul.f32 v40, v63  }
0x228: {  	v34 =	vld [tilespmem:s21+$0x100];
	v28 =	vadd.f32 v61, v28;
	v22 =	vmul.f32 v40, v22;
	v60 =	vmul.f32 v41, v57  }
0x229: {  	s28 =	simm.s32 $0xF00;
	v52 =	vld [tilespmem:s21+$0xFFFFFF00];
	v54 =	vor.u32 s19, v17;
	v39 =	vmul.f32 v42, v39;
	v40 =	vmul.f32 v45, v40  }
0x22a: {  	v58 =	vld [tilespmem:s28+$0xFFFFFF00];
	v62 =	vmul.f32 v41, v59;
	v28 =	vmul.f32 $-5.000000000e-01, v28;
	v22 =	vadd.f32 v60, v22  }
0x22b: {  	v53 =	vcvt.s32.f32 v43;
	vm15 =	veq.s32 v54, v9;
	v30 =	vmul.f32 v30, v41;
	v55 =	vld [tilespmem:s21+$0x0]  }
0x22c: {  	v57 =	vld [tilespmem:s28+$0xFFFFFE00];
	v39 =	vadd.f32 v40, v39;
	v28 =	vsel vm15, $0xF149F2CA, v28;
	v22 =	vadd.f32 v22, v62;
	v56, _, _ =	vpop (xrf2)  }
0x22d: {  	v16 =	vsel vm1, v53, v16;
	v63 =	vld [tilespmem:s28+$0xFFFFFD00];
	v60 =	vcvt.s32.f32 v54;
	v41 =	vbroadcast v56, $0xF  }
0x22e: {  	v61 =	vld [tilespmem:s28+$0x100];
	v30 =	vadd.f32 v30, v39;
	vm1 =	vgt.f32 v28, v26;
	v59, _, _ =	vpop (xrf2);
	v22 =	vadd.f32 v22, v22  }
0x22f: {  	v48 =	vld [tilespmem:s28+$0x200];
	v26 =	vsel vm1, v28, v26;
	v28, _, _ =	vpop (xrf2);
	v42 =	vbroadcast v59, $0xF;
	v40 =	vsub.f32 v41, v52  }
0x230: {  	s29 =	simm.s32 $0xF10;
	v43 =	vbroadcast v28, $0xF;
	v22 =	vadd.f32 v22, v30;
	v30 =	vld [tilespmem:s28+$0x0]  }
0x231: {  	s30 =	simm.s32 $0x110;
	v49 =	vld [tilespmem:s29+$0x200];
	v16 =	vsel vm1, v60, v16;
	v46 =	vsub.f32 v42, v55;
	v39 =	vmul.f32 v40, v57  }
0x232: {  	v62 =	vld [tilespmem:s30+$0x100];
	v44 =	vsub.f32 v43, v34;
	v45 =	vmul.f32 v40, v63;
	v47 =	vmul.f32 v40, v58  }
0x233: {  	v28 =	vor.u32 s18, v17;
	v57 =	vld [tilespmem:s30+$0x0];
	v22 =	vmul.f32 $-5.000000000e-01, v22;
	v50 =	vmul.f32 v46, v61  }
0x234: {  	vm1 =	veq.s32 v28, v9;
	v55 =	vld [tilespmem:s29+$0x0];
	v39 =	vmul.f32 v46, v39;
	v47 =	vmul.f32 v44, v47  }
0x235: {  	v63 =	vld [tilespmem:s30+$0xFFFFFF00];
	v48 =	vmul.f32 v44, v48;
	v22 =	vsel vm1, $0xF149F2CA, v22;
	v30 =	vmul.f32 v46, v30  }
0x236: {  	v34 =	vld [tilespmem:s29+$0xFFFFFE00];
	v40 =	vmul.f32 v45, v40;
	v59 =	vmul.f32 v44, v50;
	vm1 =	vgt.f32 v22, v26  }
0x237: {  	v61 =	vld [tilespmem:s29+$0x100];
	v58 =	vadd.f32 v47, v39;
	v39 =	vsel vm1, v22, v26;
	v30 =	vmul.f32 v30, v46  }
0x238: {  	v60 =	vld [tilespmem:s29+$0xFFFFFF00];
	v22 =	vcvt.s32.f32 v28;
	v28 =	vsub.f32 v43, v62;
	v57 =	vsub.f32 v42, v57  }
0x239: {  	v51 =	vld [tilespmem:s29+$0xFFFFFD00];
	v26 =	vmul.f32 v48, v44;
	v47 =	vadd.f32 v58, v59;
	v62 =	vadd.f32 v30, v40  }
0x23a: {  	s21 =	simm.s32 $0x120;
	v46 =	vmul.f32 v28, v49;
	v40 =	vsel vm1, v22, v16;
	v22 =	vsub.f32 v41, v63  }
0x23b: {  	s20 =	simm.s32 $0xF20;
	v50 =	vld [tilespmem:s21+$0xFFFFFF00];
	v55 =	vmul.f32 v57, v55;
	v47 =	vadd.f32 v47, v47;
	v16 =	vadd.f32 v26, v62  }
0x23c: {  	v44 =	vld [tilespmem:s20+$0xFFFFFD00];
	v52 =	vmul.f32 v57, v61;
	v45 =	vmul.f32 v22, v34  }
0x23d: {  	v49 =	vld [tilespmem:s21+$0x100];
	v55 =	vmul.f32 v55, v57;
	v54 =	vmul.f32 v22, v60;
	v47 =	vadd.f32 v47, v16  }
0x23e: {  	s31 =	simm.s32 $0x0;
	v48 =	vld [tilespmem:s21+$0x0];
	v26 =	vimm.f32 $-3.000000010e+38;
	v63 =	vmul.f32 v22, v51;
	v51 =	vmul.f32 v57, v45  }
0x23f: {  	v30 =	vld [tilespmem:s20+$0x200];
	v56 =	vmul.f32 v28, v54;
	v45 =	vor.u32 s31, v17;
	v54 =	vmul.f32 $-5.000000000e-01, v47  }
0x240: {  	s22 =	simm.s32 $0x30;
	s19 =	simm.s32 $0x10;
	s18 =	simm.s32 $0x20;
	v16 =	vimm.f32 $0.0e+00;
	v53 =	vmul.f32 v63, v22;
	vm15 =	veq.s32 v45, v10;
	v47 =	vld [tilespmem:s20+$0x0]  }
.LBB2_24:
0x241: {  	p0 =	sne.s32 s22, $0xF0;
	v22 =	vld [tilespmem:s20+$0xFFFFFE00];
	v51 =	vadd.f32 v56, v51;
	v52 =	vmul.f32 v28, v52;
	v54 =	vsel vm15, $0xF149F2CA, v54  }
0x242: {  	v57 =	vmul.f32 v46, v28;
	v56 =	vld [tilespmem:s20+$0xFFFFFF00];
	v28 =	vsub.f32 v43, v49;
	vm1 =	vgt.f32 v54, v26  }
0x243: {  	v49 =	vadd.f32 v55, v53;
	v58 =	vld [tilespmem:s20+$0x100];
	v51 =	vadd.f32 v51, v52;
	v26 =	vsel vm1, v54, v26  }
0x244: {  	v45 =	vcvt.s32.f32 v45;
	v55 =	vsub.f32 v42, v48;
	s20 =	sadd.s32 $0x10, s20;
	v53 =	vsub.f32 v41, v50  }
0x245: {  	v46 =	vmul.f32 v28, v30;
	v48 =	vadd.f32 v57, v49;
	v30 =	vld [tilespmem:s20+$0x200];
	v50 =	vadd.f32 v51, v51  }
.Ltmp11:
0x246: {  	s21 =	sadd.s32 $0x10, s21;
	v16 =	vsel vm1, v45, v16;
	v57 =	vmul.f32 v53, v44;
	v44 =	vld [tilespmem:s20+$0xFFFFFD00];
	v22 =	vmul.f32 v53, v22;
	(pc) =	sbr.rel @p0 .LBB2_24-.Ltmp11, $4  }
0x247: {  	v59 =	vmul.f32 v55, v47;
	v49 =	vld [tilespmem:s21+$0x100];
	v45 =	vmul.f32 v53, v56;
	v47 =	vadd.f32 v50, v48  }
0x248: {  	v48 =	vld [tilespmem:s21+$0x0];
	v51 =	vmul.f32 v55, v22;
	v52 =	vmul.f32 v55, v58  }
0x249: {  	v50 =	vld [tilespmem:s21+$0xFFFFFF00];
	v56 =	vmul.f32 v28, v45;
	v54 =	vmul.f32 $-5.000000000e-01, v47;
	v45 =	vor.u32 s19, v17;
	s19 =	smov.u32 s18;
	s18 =	smov.u32 s22  }
0x24a: {  	v53 =	vmul.f32 v57, v53;
	v55 =	vmul.f32 v59, v55;
	s22 =	sadd.s32 $0x10, s22;
	v47 =	vld [tilespmem:s20+$0x0];
	vm15 =	veq.s32 v45, v10  }
0x24b: {  	v22 =	vld [tilespmem:s20+$0xFFFFFE00]  }
0x24c: {  	v57 =	vld [tilespmem:s20+$0xFFFFFF00]  }
0x24d: {  	v51 =	vadd.f32 v56, v51;
	v63 =	vld [tilespmem:s20+$0x100];
	v32 =	vsel vm11, $0x0, v20  }
0x24e: {  	v52 =	vmul.f32 v28, v52;
	v43 =	vsub.f32 v43, v49;
	(xrf2) =	vadd.scan.msk.f32 $0xffff, v32;
	v42 =	vsub.f32 v42, v48  }
0x24f: {  	v28 =	vmul.f32 v46, v28;
	v34 =	vadd.f32 v55, v53;
	v41 =	vsub.f32 v41, v50  }
0x250: {  	v55 =	vsel vm11, $0x0, v19;
	v51 =	vadd.f32 v51, v52;
	v47 =	vmul.f32 v42, v47  }
0x251: {  	(xrf2) =	vadd.scan.msk.f32 $0xffff, v55;
	v22 =	vmul.f32 v41, v22;
	v56 =	vmul.f32 v41, v57;
	v57 =	vsel vm11, $0x0, v18  }
0x252: {  	v28 =	vadd.f32 v28, v34;
	v44 =	vmul.f32 v41, v44;
	v58 =	vmul.f32 v42, v63;
	(xrf2) =	vadd.scan.msk.f32 $0xffff, v57  }
0x253: {  	s21 =	simm.s32 $0x100;
	v60 =	vadd.f32 v51, v51;
	v22 =	vmul.f32 v42, v22;
	v59 =	vmul.f32 v43, v56  }
0x254: {  	v54 =	vsel vm15, $0xF149F2CA, v54;
	v46 =	vld [tilespmem:s21+$0x100];
	v41 =	vmul.f32 v44, v41;
	v42 =	vmul.f32 v47, v42  }
0x255: {  	v62 =	vcvt.s32.f32 v45;
	v30 =	vmul.f32 v43, v30;
	v34 =	vld [tilespmem:s21+$0x0];
	v28 =	vadd.f32 v60, v28  }
0x256: {  	s28 =	simm.s32 $0xF00;
	v61 =	vmul.f32 v43, v58;
	v22 =	vadd.f32 v59, v22;
	v41 =	vadd.f32 v42, v41;
	v42 =	vld [tilespmem:s21+$0xFFFFFF00]  }
0x257: {  	vm1 =	vgt.f32 v54, v26;
	v63 =	vor.u32 s19, v17;
	v57 =	vld [tilespmem:s28+$0xFFFFFE00];
	v28 =	vmul.f32 $-5.000000000e-01, v28  }
0x258: {  	v30 =	vmul.f32 v30, v43;
	vm15 =	veq.s32 v63, v10;
	v47 =	vld [tilespmem:s28+$0xFFFFFD00];
	v22 =	vadd.f32 v22, v61;
	v56, _, _ =	vpop (xrf2)  }
0x259: {  	s29 =	simm.s32 $0xF10;
	v26 =	vsel vm1, v54, v26;
	v58 =	vld [tilespmem:s28+$0xFFFFFF00];
	v28 =	vsel vm15, $0xF149F2CA, v28;
	v43 =	vbroadcast v56, $0xF  }
0x25a: {  	v53 =	vld [tilespmem:s29+$0xFFFFFD00];
	v16 =	vsel vm1, v62, v16;
	v30 =	vadd.f32 v30, v41;
	v22 =	vadd.f32 v22, v22  }
0x25b: {  	v60 =	vcvt.s32.f32 v63;
	vm1 =	vgt.f32 v28, v26;
	v61 =	vld [tilespmem:s28+$0x100];
	v59, _, _ =	vpop (xrf2);
	v42 =	vsub.f32 v43, v42  }
0x25c: {  	v26 =	vsel vm1, v28, v26;
	v44 =	vbroadcast v59, $0xF;
	v22 =	vadd.f32 v22, v30;
	v30 =	vld [tilespmem:s28+$0x0];
	v28, _, _ =	vpop (xrf2)  }
0x25d: {  	s30 =	simm.s32 $0x110;
	v50 =	vld [tilespmem:s28+$0x200];
	v16 =	vsel vm1, v60, v16;
	v41 =	vmul.f32 v42, v57;
	v45 =	vbroadcast v28, $0xF  }
0x25e: {  	v62 =	vld [tilespmem:s30+$0x100];
	v48 =	vsub.f32 v44, v34;
	v47 =	vmul.f32 v42, v47;
	v49 =	vmul.f32 v42, v58  }
0x25f: {  	v55 =	vld [tilespmem:s30+$0x0];
	v22 =	vmul.f32 $-5.000000000e-01, v22;
	v28 =	vor.u32 s18, v17;
	v46 =	vsub.f32 v45, v46  }
0x260: {  	v51 =	vld [tilespmem:s29+$0x200];
	v52 =	vmul.f32 v48, v61;
	vm1 =	veq.s32 v28, v10;
	v41 =	vmul.f32 v48, v41  }
0x261: {  	v63 =	vld [tilespmem:s30+$0xFFFFFF00];
	v22 =	vsel vm1, $0xF149F2CA, v22;
	v30 =	vmul.f32 v48, v30;
	v49 =	vmul.f32 v46, v49  }
0x262: {  	v60 =	vld [tilespmem:s29+$0xFFFFFF00];
	v42 =	vmul.f32 v47, v42;
	vm1 =	vgt.f32 v22, v26;
	v50 =	vmul.f32 v46, v50  }
0x263: {  	v34 =	vld [tilespmem:s29+$0xFFFFFE00];
	v59 =	vmul.f32 v46, v52;
	v30 =	vmul.f32 v30, v48;
	v58 =	vadd.f32 v49, v41  }
0x264: {  	v57 =	vld [tilespmem:s29+$0x0];
	v41 =	vsel vm1, v22, v26;
	v22 =	vcvt.s32.f32 v28;
	v28 =	vsub.f32 v45, v62  }
0x265: {  	v61 =	vld [tilespmem:s29+$0x100];
	v26 =	vmul.f32 v50, v46;
	v62 =	vadd.f32 v30, v42;
	v49 =	vadd.f32 v58, v59  }
0x266: {  	s21 =	simm.s32 $0x120;
	v42 =	vsel vm1, v22, v16;
	v22 =	vsub.f32 v43, v63;
	v59 =	vsub.f32 v44, v55  }
0x267: {  	s20 =	simm.s32 $0xF20;
	v52 =	vld [tilespmem:s21+$0xFFFFFF00];
	v48 =	vmul.f32 v28, v51;
	v16 =	vadd.f32 v26, v62;
	v49 =	vadd.f32 v49, v49  }
0x268: {  	v46 =	vld [tilespmem:s20+$0xFFFFFD00];
	v26 =	vimm.f32 $-3.000000010e+38;
	v63 =	vmul.f32 v22, v53;
	v47 =	vmul.f32 v22, v34  }
0x269: {  	v51 =	vld [tilespmem:s21+$0x100];
	v57 =	vmul.f32 v59, v57;
	v56 =	vmul.f32 v22, v60;
	v49 =	vadd.f32 v49, v16  }
0x26a: {  	s31 =	simm.s32 $0x0;
	v50 =	vld [tilespmem:s21+$0x0];
	v54 =	vmul.f32 v59, v61;
	v16 =	vimm.f32 $0.0e+00;
	v53 =	vmul.f32 v59, v47  }
0x26b: {  	v30 =	vld [tilespmem:s20+$0x200];
	v58 =	vmul.f32 v28, v56;
	v47 =	vor.u32 s31, v17;
	v56 =	vmul.f32 $-5.000000000e-01, v49  }
0x26c: {  	s22 =	simm.s32 $0x30;
	s19 =	simm.s32 $0x10;
	s18 =	simm.s32 $0x20;
	v55 =	vmul.f32 v63, v22;
	v57 =	vmul.f32 v57, v59;
	vm15 =	veq.s32 v47, v11;
	v49 =	vld [tilespmem:s20+$0x0]  }
.LBB2_26:
0x26d: {  	p0 =	sne.s32 s22, $0xF0;
	v22 =	vld [tilespmem:s20+$0xFFFFFE00];
	v53 =	vadd.f32 v58, v53;
	v54 =	vmul.f32 v28, v54;
	v56 =	vsel vm15, $0xF149F2CA, v56  }
0x26e: {  	v59 =	vmul.f32 v48, v28;
	v58 =	vld [tilespmem:s20+$0xFFFFFF00];
	v28 =	vsub.f32 v45, v51;
	vm1 =	vgt.f32 v56, v26  }
0x26f: {  	v51 =	vadd.f32 v57, v55;
	v60 =	vld [tilespmem:s20+$0x100];
	v53 =	vadd.f32 v53, v54;
	v26 =	vsel vm1, v56, v26  }
0x270: {  	v47 =	vcvt.s32.f32 v47;
	v57 =	vsub.f32 v44, v50;
	s20 =	sadd.s32 $0x10, s20;
	v55 =	vsub.f32 v43, v52  }
0x271: {  	v48 =	vmul.f32 v28, v30;
	v50 =	vadd.f32 v59, v51;
	v30 =	vld [tilespmem:s20+$0x200];
	v52 =	vadd.f32 v53, v53  }
.Ltmp12:
0x272: {  	s21 =	sadd.s32 $0x10, s21;
	v16 =	vsel vm1, v47, v16;
	v59 =	vmul.f32 v55, v46;
	v46 =	vld [tilespmem:s20+$0xFFFFFD00];
	v22 =	vmul.f32 v55, v22;
	(pc) =	sbr.rel @p0 .LBB2_26-.Ltmp12, $4  }
0x273: {  	v61 =	vmul.f32 v57, v49;
	v51 =	vld [tilespmem:s21+$0x100];
	v47 =	vmul.f32 v55, v58;
	v49 =	vadd.f32 v52, v50  }
0x274: {  	v50 =	vld [tilespmem:s21+$0x0];
	v53 =	vmul.f32 v57, v22;
	v54 =	vmul.f32 v57, v60  }
0x275: {  	v52 =	vld [tilespmem:s21+$0xFFFFFF00];
	v58 =	vmul.f32 v28, v47;
	v56 =	vmul.f32 $-5.000000000e-01, v49;
	v47 =	vor.u32 s19, v17;
	s19 =	smov.u32 s18;
	s18 =	smov.u32 s22  }
0x276: {  	v55 =	vmul.f32 v59, v55;
	v57 =	vmul.f32 v61, v57;
	s22 =	sadd.s32 $0x10, s22;
	v49 =	vld [tilespmem:s20+$0x0];
	vm15 =	veq.s32 v47, v11  }
0x277: {  	v22 =	vld [tilespmem:s20+$0xFFFFFE00]  }
0x278: {  	v59 =	vld [tilespmem:s20+$0xFFFFFF00];
	v53 =	vadd.f32 v58, v53  }
0x279: {  	v54 =	vmul.f32 v28, v54;
	v56 =	vsel vm15, $0xF149F2CA, v56;
	v63 =	vld [tilespmem:s20+$0x100];
	v34 =	vsel vm12, $0x0, v20  }
0x27a: {  	v28 =	vmul.f32 v48, v28;
	v60 =	vsel vm12, $0x0, v19;
	(xrf2) =	vadd.scan.msk.f32 $0xffff, v34;
	v44 =	vsub.f32 v44, v50  }
0x27b: {  	v62 =	vsel vm12, $0x0, v18;
	v58 =	vadd.f32 v57, v55;
	v43 =	vsub.f32 v43, v52  }
0x27c: {  	v45 =	vsub.f32 v45, v51;
	(xrf2) =	vadd.scan.msk.f32 $0xffff, v60;
	v53 =	vadd.f32 v53, v54;
	v49 =	vmul.f32 v44, v49  }
0x27d: {  	(xrf2) =	vadd.scan.msk.f32 $0xffff, v62;
	v28 =	vadd.f32 v28, v58;
	v22 =	vmul.f32 v43, v22;
	v61 =	vmul.f32 v43, v59  }
0x27e: {  	v34 =	vadd.f32 v53, v53;
	v46 =	vmul.f32 v43, v46;
	v63 =	vmul.f32 v44, v63  }
0x27f: {  	s21 =	simm.s32 $0x100;
	vm1 =	vgt.f32 v56, v26;
	v22 =	vmul.f32 v44, v22;
	v32 =	vmul.f32 v45, v61  }
0x280: {  	s28 =	simm.s32 $0xF00;
	v48 =	vld [tilespmem:s21+$0x100];
	v28 =	vadd.f32 v34, v28;
	v43 =	vmul.f32 v46, v43;
	v44 =	vmul.f32 v49, v44  }
0x281: {  	v57 =	vor.u32 s19, v17;
	v60 =	vld [tilespmem:s28+$0xFFFFFE00];
	v30 =	vmul.f32 v45, v30;
	v55 =	vmul.f32 v45, v63  }
0x282: {  	v28 =	vmul.f32 $-5.000000000e-01, v28;
	v22 =	vadd.f32 v32, v22;
	v43 =	vadd.f32 v44, v43;
	v44 =	vld [tilespmem:s21+$0xFFFFFF00]  }
0x283: {  	v26 =	vsel vm1, v56, v26;
	v56 =	vcvt.s32.f32 v47;
	vm15 =	veq.s32 v57, v11;
	v58 =	vld [tilespmem:s21+$0x0]  }
0x284: {  	v30 =	vmul.f32 v30, v45;
	v49 =	vld [tilespmem:s28+$0xFFFFFD00];
	v28 =	vsel vm15, $0xF149F2CA, v28;
	v22 =	vadd.f32 v22, v55;
	v59, _, _ =	vpop (xrf2)  }
0x285: {  	v16 =	vsel vm1, v56, v16;
	v61 =	vld [tilespmem:s28+$0xFFFFFF00];
	v63 =	vcvt.s32.f32 v57;
	v45 =	vbroadcast v59, $0xF  }
0x286: {  	v34 =	vld [tilespmem:s28+$0x100];
	v30 =	vadd.f32 v30, v43;
	vm1 =	vgt.f32 v28, v26;
	v62, _, _ =	vpop (xrf2);
	v22 =	vadd.f32 v22, v22  }
0x287: {  	v52 =	vld [tilespmem:s28+$0x200];
	v26 =	vsel vm1, v28, v26;
	v28, _, _ =	vpop (xrf2);
	v46 =	vbroadcast v62, $0xF;
	v44 =	vsub.f32 v45, v44  }
0x288: {  	s29 =	simm.s32 $0xF10;
	v47 =	vbroadcast v28, $0xF;
	v22 =	vadd.f32 v22, v30;
	v30 =	vld [tilespmem:s28+$0x0]  }
0x289: {  	s30 =	simm.s32 $0x110;
	v53 =	vld [tilespmem:s29+$0x200];
	v16 =	vsel vm1, v63, v16;
	v50 =	vsub.f32 v46, v58;
	v43 =	vmul.f32 v44, v60  }
0x28a: {  	v48 =	vsub.f32 v47, v48;
	v49 =	vmul.f32 v44, v49;
	v60 =	vld [tilespmem:s30+$0x100];
	v51 =	vmul.f32 v44, v61  }
0x28b: {  	v28 =	vor.u32 s18, v17;
	v61 =	vld [tilespmem:s30+$0x0];
	v22 =	vmul.f32 $-5.000000000e-01, v22;
	v54 =	vmul.f32 v50, v34  }
0x28c: {  	v56 =	vld [tilespmem:s29+$0x100];
	vm1 =	veq.s32 v28, v11;
	v43 =	vmul.f32 v50, v43;
	v51 =	vmul.f32 v48, v51  }
0x28d: {  	v62 =	vld [tilespmem:s30+$0xFFFFFF00];
	v52 =	vmul.f32 v48, v52;
	v22 =	vsel vm1, $0xF149F2CA, v22;
	v30 =	vmul.f32 v50, v30  }
0x28e: {  	v59 =	vld [tilespmem:s29+$0x0];
	v44 =	vmul.f32 v49, v44;
	v32 =	vmul.f32 v48, v54;
	vm1 =	vgt.f32 v22, v26  }
0x28f: {  	v49 =	vld [tilespmem:s29+$0xFFFFFE00];
	v63 =	vadd.f32 v51, v43;
	v43 =	vsel vm1, v22, v26;
	v30 =	vmul.f32 v30, v50  }
0x290: {  	v54 =	vld [tilespmem:s29+$0xFFFFFF00];
	v22 =	vcvt.s32.f32 v28;
	v28 =	vsub.f32 v47, v60;
	v61 =	vsub.f32 v46, v61  }
0x291: {  	v55 =	vld [tilespmem:s29+$0xFFFFFD00];
	v26 =	vmul.f32 v52, v48;
	v51 =	vadd.f32 v63, v32;
	v34 =	vadd.f32 v30, v44  }
0x292: {  	s20 =	simm.s32 $0xF20;
	v50 =	vmul.f32 v28, v53;
	v44 =	vsel vm1, v22, v16;
	v22 =	vsub.f32 v45, v62  }
0x293: {  	s21 =	simm.s32 $0x120;
	v48 =	vld [tilespmem:s20+$0xFFFFFD00];
	v59 =	vmul.f32 v61, v59;
	v51 =	vadd.f32 v51, v51;
	v16 =	vadd.f32 v26, v34  }
0x294: {  	v52 =	vld [tilespmem:s21+$0x0];
	v56 =	vmul.f32 v61, v56;
	v49 =	vmul.f32 v22, v49  }
0x295: {  	v53 =	vld [tilespmem:s21+$0x100];
	v59 =	vmul.f32 v59, v61;
	v58 =	vmul.f32 v22, v54;
	v51 =	vadd.f32 v51, v16  }
0x296: {  	s31 =	simm.s32 $0x0;
	v30 =	vld [tilespmem:s20+$0x200];
	v26 =	vimm.f32 $-3.000000010e+38;
	v34 =	vmul.f32 v22, v55;
	v55 =	vmul.f32 v61, v49  }
0x297: {  	v54 =	vld [tilespmem:s21+$0xFFFFFF00];
	v60 =	vmul.f32 v28, v58;
	v49 =	vor.u32 s31, v17;
	v58 =	vmul.f32 $-5.000000000e-01, v51  }
0x298: {  	s22 =	simm.s32 $0x30;
	s19 =	simm.s32 $0x10;
	s18 =	simm.s32 $0x20;
	v16 =	vimm.f32 $0.0e+00;
	v57 =	vmul.f32 v34, v22;
	vm15 =	veq.s32 v49, v12;
	v51 =	vld [tilespmem:s20+$0x0]  }
.LBB2_28:
0x299: {  	p0 =	sne.s32 s22, $0xF0;
	v22 =	vld [tilespmem:s20+$0xFFFFFE00];
	v55 =	vadd.f32 v60, v55;
	v56 =	vmul.f32 v28, v56;
	v58 =	vsel vm15, $0xF149F2CA, v58  }
0x29a: {  	v61 =	vmul.f32 v50, v28;
	v60 =	vld [tilespmem:s20+$0xFFFFFF00];
	v28 =	vsub.f32 v47, v53;
	vm1 =	vgt.f32 v58, v26  }
0x29b: {  	v53 =	vadd.f32 v59, v57;
	v62 =	vld [tilespmem:s20+$0x100];
	v55 =	vadd.f32 v55, v56;
	v26 =	vsel vm1, v58, v26  }
0x29c: {  	v49 =	vcvt.s32.f32 v49;
	v59 =	vsub.f32 v46, v52;
	s20 =	sadd.s32 $0x10, s20;
	v57 =	vsub.f32 v45, v54  }
0x29d: {  	v50 =	vmul.f32 v28, v30;
	v52 =	vadd.f32 v61, v53;
	v30 =	vld [tilespmem:s20+$0x200];
	v54 =	vadd.f32 v55, v55  }
.Ltmp13:
0x29e: {  	s21 =	sadd.s32 $0x10, s21;
	v16 =	vsel vm1, v49, v16;
	v61 =	vmul.f32 v57, v48;
	v48 =	vld [tilespmem:s20+$0xFFFFFD00];
	v22 =	vmul.f32 v57, v22;
	(pc) =	sbr.rel @p0 .LBB2_28-.Ltmp13, $4  }
0x29f: {  	v63 =	vmul.f32 v59, v51;
	v53 =	vld [tilespmem:s21+$0x100];
	v49 =	vmul.f32 v57, v60;
	v51 =	vadd.f32 v54, v52  }
0x2a0: {  	v52 =	vld [tilespmem:s21+$0x0];
	v55 =	vmul.f32 v59, v22;
	v56 =	vmul.f32 v59, v62  }
0x2a1: {  	v54 =	vld [tilespmem:s21+$0xFFFFFF00];
	v60 =	vmul.f32 v28, v49;
	v58 =	vmul.f32 $-5.000000000e-01, v51;
	v49 =	vor.u32 s19, v17;
	s19 =	smov.u32 s18;
	s18 =	smov.u32 s22  }
0x2a2: {  	v57 =	vmul.f32 v61, v57;
	v59 =	vmul.f32 v63, v59;
	s22 =	sadd.s32 $0x10, s22;
	v51 =	vld [tilespmem:s20+$0x0];
	vm15 =	veq.s32 v49, v12  }
0x2a3: {  	v22 =	vld [tilespmem:s20+$0xFFFFFE00]  }
0x2a4: {  	v61 =	vld [tilespmem:s20+$0xFFFFFF00];
	v55 =	vadd.f32 v60, v55;
	v56 =	vmul.f32 v28, v56;
	v58 =	vsel vm15, $0xF149F2CA, v58  }
0x2a5: {  	v34 =	vsel vm13, $0x0, v20;
	v28 =	vmul.f32 v50, v28;
	v47 =	vsub.f32 v47, v53;
	v53 =	vld [tilespmem:s20+$0x100]  }
0x2a6: {  	v62 =	vsel vm13, $0x0, v19;
	v32 =	vsel vm13, $0x0, v18;
	(xrf2) =	vadd.scan.msk.f32 $0xffff, v34;
	v46 =	vsub.f32 v46, v52  }
0x2a7: {  	v60 =	vadd.f32 v59, v57;
	vm1 =	vgt.f32 v58, v26;
	v45 =	vsub.f32 v45, v54  }
0x2a8: {  	(xrf2) =	vadd.scan.msk.f32 $0xffff, v62;
	v55 =	vadd.f32 v55, v56;
	v30 =	vmul.f32 v47, v30;
	v51 =	vmul.f32 v46, v51  }
0x2a9: {  	(xrf2) =	vadd.scan.msk.f32 $0xffff, v32;
	v28 =	vadd.f32 v28, v60;
	v22 =	vmul.f32 v45, v22;
	v63 =	vmul.f32 v45, v61  }
0x2aa: {  	s21 =	simm.s32 $0x100;
	v59 =	vadd.f32 v55, v55;
	v48 =	vmul.f32 v45, v48;
	v34 =	vmul.f32 v46, v53  }
0x2ab: {  	v50 =	vld [tilespmem:s21+$0x100];
	v26 =	vsel vm1, v58, v26;
	v22 =	vmul.f32 v46, v22;
	v57 =	vmul.f32 v47, v63  }
0x2ac: {  	s29 =	simm.s32 $0xF10;
	v52 =	vld [tilespmem:s21+$0x0];
	v28 =	vadd.f32 v59, v28;
	v45 =	vmul.f32 v48, v45;
	v46 =	vmul.f32 v51, v46  }
0x2ad: {  	v62 =	vor.u32 s19, v17;
	v58 =	vld [tilespmem:s29+$0x100];
	v61 =	vcvt.s32.f32 v49;
	v60 =	vmul.f32 v47, v34  }
0x2ae: {  	s28 =	simm.s32 $0xF00;
	v28 =	vmul.f32 $-5.000000000e-01, v28;
	v22 =	vadd.f32 v57, v22;
	v45 =	vadd.f32 v46, v45;
	v46 =	vld [tilespmem:s21+$0xFFFFFF00]  }
0x2af: {  	vm15 =	veq.s32 v62, v12;
	v51 =	vld [tilespmem:s28+$0xFFFFFD00]  }
0x2b0: {  	v30 =	vmul.f32 v30, v47;
	v34 =	vld [tilespmem:s28+$0xFFFFFE00];
	v28 =	vsel vm15, $0xF149F2CA, v28;
	v22 =	vadd.f32 v22, v60;
	v63, _, _ =	vpop (xrf2)  }
0x2b1: {  	v62 =	vcvt.s32.f32 v62;
	v16 =	vsel vm1, v61, v16;
	v60 =	vld [tilespmem:s28+$0xFFFFFF00];
	v47 =	vbroadcast v63, $0xF  }
0x2b2: {  	v30 =	vadd.f32 v30, v45;
	vm1 =	vgt.f32 v28, v26;
	v61, _, _ =	vpop (xrf2);
	v63 =	vld [tilespmem:s28+$0x100];
	v22 =	vadd.f32 v22, v22  }
0x2b3: {  	v54 =	vld [tilespmem:s28+$0x200];
	v26 =	vsel vm1, v28, v26;
	v28, _, _ =	vpop (xrf2);
	v48 =	vbroadcast v61, $0xF;
	v46 =	vsub.f32 v47, v46  }
0x2b4: {  	v49 =	vbroadcast v28, $0xF;
	v22 =	vadd.f32 v22, v30;
	v30 =	vld [tilespmem:s28+$0x0]  }
0x2b5: {  	s30 =	simm.s32 $0x110;
	v55 =	vld [tilespmem:s29+$0x200];
	v16 =	vsel vm1, v62, v16;
	v52 =	vsub.f32 v48, v52;
	v45 =	vmul.f32 v46, v34  }
0x2b6: {  	v59 =	vld [tilespmem:s30+$0x0];
	v50 =	vsub.f32 v49, v50;
	v51 =	vmul.f32 v46, v51;
	v53 =	vmul.f32 v46, v60  }
0x2b7: {  	v28 =	vor.u32 s18, v17;
	v34 =	vld [tilespmem:s30+$0x100];
	v22 =	vmul.f32 $-5.000000000e-01, v22;
	v56 =	vmul.f32 v52, v63  }
0x2b8: {  	v57 =	vld [tilespmem:s29+$0xFFFFFD00];
	vm1 =	veq.s32 v28, v12;
	v45 =	vmul.f32 v52, v45;
	v53 =	vmul.f32 v50, v53  }
0x2b9: {  	v60 =	vld [tilespmem:s30+$0xFFFFFF00];
	v54 =	vmul.f32 v50, v54;
	v22 =	vsel vm1, $0xF149F2CA, v22;
	v30 =	vmul.f32 v52, v30  }
0x2ba: {  	v61 =	vld [tilespmem:s29+$0x0];
	v32 =	vmul.f32 v50, v56;
	vm1 =	vgt.f32 v22, v26;
	v63 =	vadd.f32 v53, v45  }
0x2bb: {  	v46 =	vmul.f32 v51, v46;
	v51 =	vld [tilespmem:s29+$0xFFFFFE00];
	v45 =	vsel vm1, v22, v26;
	v30 =	vmul.f32 v30, v52  }
0x2bc: {  	v56 =	vld [tilespmem:s29+$0xFFFFFF00];
	v22 =	vcvt.s32.f32 v28;
	v28 =	vsub.f32 v49, v34;
	v53 =	vadd.f32 v63, v32  }
0x2bd: {  	v26 =	vmul.f32 v54, v50;
	v63 =	vsub.f32 v48, v59;
	v34 =	vadd.f32 v30, v46  }
0x2be: {  	s20 =	simm.s32 $0xF20;
	v52 =	vmul.f32 v28, v55;
	v46 =	vsel vm1, v22, v16;
	v22 =	vsub.f32 v47, v60  }
0x2bf: {  	s21 =	simm.s32 $0x120;
	v50 =	vld [tilespmem:s20+$0xFFFFFD00];
	v53 =	vadd.f32 v53, v53;
	v61 =	vmul.f32 v63, v61;
	v16 =	vadd.f32 v26, v34  }
0x2c0: {  	v54 =	vld [tilespmem:s21+$0x0];
	v58 =	vmul.f32 v63, v58;
	v51 =	vmul.f32 v22, v51  }
0x2c1: {  	v55 =	vld [tilespmem:s21+$0x100];
	v34 =	vmul.f32 v22, v57;
	v60 =	vmul.f32 v22, v56;
	v53 =	vadd.f32 v53, v16  }
0x2c2: {  	s31 =	simm.s32 $0x0;
	v30 =	vld [tilespmem:s20+$0x200];
	v26 =	vimm.f32 $-3.000000010e+38;
	v61 =	vmul.f32 v61, v63;
	v57 =	vmul.f32 v63, v51  }
0x2c3: {  	v56 =	vld [tilespmem:s21+$0xFFFFFF00];
	v62 =	vmul.f32 v28, v60;
	v51 =	vor.u32 s31, v17;
	v60 =	vmul.f32 $-5.000000000e-01, v53  }
0x2c4: {  	s22 =	simm.s32 $0x30;
	s19 =	simm.s32 $0x10;
	s18 =	simm.s32 $0x20;
	v16 =	vimm.f32 $0.0e+00;
	v59 =	vmul.f32 v34, v22;
	vm15 =	veq.s32 v51, v13;
	v53 =	vld [tilespmem:s20+$0x0]  }
.LBB2_30:
0x2c5: {  	p0 =	sne.s32 s22, $0xF0;
	v22 =	vld [tilespmem:s20+$0xFFFFFE00];
	v57 =	vadd.f32 v62, v57;
	v58 =	vmul.f32 v28, v58;
	v60 =	vsel vm15, $0xF149F2CA, v60  }
0x2c6: {  	v63 =	vmul.f32 v52, v28;
	v62 =	vld [tilespmem:s20+$0xFFFFFF00];
	v28 =	vsub.f32 v49, v55;
	vm1 =	vgt.f32 v60, v26  }
0x2c7: {  	v55 =	vadd.f32 v61, v59;
	v24 =	vld [tilespmem:s20+$0x100];
	v57 =	vadd.f32 v57, v58;
	v26 =	vsel vm1, v60, v26  }
0x2c8: {  	v51 =	vcvt.s32.f32 v51;
	v61 =	vsub.f32 v48, v54;
	s20 =	sadd.s32 $0x10, s20;
	v59 =	vsub.f32 v47, v56  }
0x2c9: {  	v52 =	vmul.f32 v28, v30;
	v54 =	vadd.f32 v63, v55;
	v30 =	vld [tilespmem:s20+$0x200];
	v56 =	vadd.f32 v57, v57  }
.Ltmp14:
0x2ca: {  	s21 =	sadd.s32 $0x10, s21;
	v16 =	vsel vm1, v51, v16;
	v63 =	vmul.f32 v59, v50;
	v50 =	vld [tilespmem:s20+$0xFFFFFD00];
	v22 =	vmul.f32 v59, v22;
	(pc) =	sbr.rel @p0 .LBB2_30-.Ltmp14, $4  }
0x2cb: {  	v32 =	vmul.f32 v61, v53;
	v55 =	vld [tilespmem:s21+$0x100];
	v51 =	vmul.f32 v59, v62;
	v53 =	vadd.f32 v56, v54  }
0x2cc: {  	v54 =	vld [tilespmem:s21+$0x0];
	v57 =	vmul.f32 v61, v22;
	v58 =	vmul.f32 v61, v24  }
0x2cd: {  	v56 =	vld [tilespmem:s21+$0xFFFFFF00];
	v62 =	vmul.f32 v28, v51;
	v60 =	vmul.f32 $-5.000000000e-01, v53;
	v51 =	vor.u32 s19, v17;
	s19 =	smov.u32 s18;
	s18 =	smov.u32 s22  }
0x2ce: {  	v59 =	vmul.f32 v63, v59;
	v61 =	vmul.f32 v32, v61;
	s22 =	sadd.s32 $0x10, s22;
	v53 =	vld [tilespmem:s20+$0x0];
	vm15 =	veq.s32 v51, v13  }
0x2cf: {  	v22 =	vld [tilespmem:s20+$0xFFFFFE00]  }
0x2d0: {  	v24 =	vld [tilespmem:s20+$0xFFFFFF00];
	v32 =	vadd.f32 v62, v57;
	v57 =	vmul.f32 v28, v58  }
0x2d1: {  	v58 =	vsel vm15, $0xF149F2CA, v60;
	v60 =	vld [tilespmem:s20+$0x100];
	v62 =	vsel vm14, $0x0, v20;
	v28 =	vmul.f32 v52, v28  }
0x2d2: {  	v34 =	vsel vm14, $0x0, v19;
	v49 =	vsub.f32 v49, v55;
	(xrf2) =	vadd.scan.msk.f32 $0xffff, v62;
	v48 =	vsub.f32 v48, v54  }
0x2d3: {  	v63 =	vadd.f32 v61, v59;
	v59 =	vsel vm14, $0x0, v18;
	(xrf2) =	vadd.scan.msk.f32 $0xffff, v34;
	v47 =	vsub.f32 v47, v56  }
0x2d4: {  	v61 =	vcvt.s32.f32 v51;
	v32 =	vadd.f32 v32, v57;
	v53 =	vmul.f32 v48, v53  }
0x2d5: {  	v28 =	vadd.f32 v28, v63;
	v22 =	vmul.f32 v47, v22;
	v24 =	vmul.f32 v47, v24  }
0x2d6: {  	(xrf2) =	vadd.scan.msk.f32 $0xffff, v59;
	v32 =	vadd.f32 v32, v32;
	v50 =	vmul.f32 v47, v50;
	v60 =	vmul.f32 v48, v60  }
0x2d7: {  	s21 =	simm.s32 $0x100;
	v62 =	vor.u32 s19, v17;
	v22 =	vmul.f32 v48, v22;
	v24 =	vmul.f32 v49, v24  }
0x2d8: {  	s28 =	simm.s32 $0xF00;
	v54 =	vld [tilespmem:s21+$0x0];
	v30 =	vmul.f32 v49, v30;
	v28 =	vadd.f32 v32, v28;
	v47 =	vmul.f32 v50, v47  }
0x2d9: {  	v34 =	vld [tilespmem:s28+$0xFFFFFE00];
	v48 =	vmul.f32 v53, v48;
	v22 =	vadd.f32 v24, v22;
	v24 =	vmul.f32 v49, v60  }
0x2da: {  	vm1 =	vgt.f32 v58, v26;
	vm15 =	veq.s32 v62, v13;
	v32 =	vld [tilespmem:s21+$0x100];
	v28 =	vmul.f32 $-5.000000000e-01, v28  }
0x2db: {  	v30 =	vmul.f32 v30, v49;
	v53 =	vld [tilespmem:s28+$0xFFFFFD00];
	v47 =	vadd.f32 v48, v47;
	v22 =	vadd.f32 v22, v24  }
0x2dc: {  	v16 =	vsel vm1, v61, v16;
	v28 =	vsel vm15, $0xF149F2CA, v28;
	v24 =	vld [tilespmem:s21+$0xFFFFFF00];
	v63, _, _ =	vpop (xrf2)  }
0x2dd: {  	v30 =	vadd.f32 v30, v47;
	v49 =	vbroadcast v63, $0xF;
	v61, _, _ =	vpop (xrf2);
	v63 =	vld [tilespmem:s28+$0x100];
	v22 =	vadd.f32 v22, v22  }
0x2de: {  	v26 =	vsel vm1, v58, v26;
	v60 =	vld [tilespmem:s28+$0xFFFFFF00];
	v50 =	vbroadcast v61, $0xF  }
0x2df: {  	v62 =	vcvt.s32.f32 v62;
	vm1 =	vgt.f32 v28, v26;
	v22 =	vadd.f32 v22, v30;
	v30 =	vld [tilespmem:s28+$0x0]  }
0x2e0: {  	s29 =	simm.s32 $0xF10;
	v52 =	vld [tilespmem:s28+$0x200];
	v26 =	vsel vm1, v28, v26;
	v28, _, _ =	vpop (xrf2);
	v54 =	vsub.f32 v50, v54  }
0x2e1: {  	v57 =	vld [tilespmem:s29+$0xFFFFFD00];
	v16 =	vsel vm1, v62, v16;
	v51 =	vbroadcast v28, $0xF;
	v24 =	vsub.f32 v49, v24  }
0x2e2: {  	s30 =	simm.s32 $0x110;
	v58 =	vld [tilespmem:s29+$0x100];
	v28 =	vor.u32 s18, v17;
	v22 =	vmul.f32 $-5.000000000e-01, v22;
	v56 =	vmul.f32 v54, v63  }
0x2e3: {  	v59 =	vld [tilespmem:s30+$0x0];
	v32 =	vsub.f32 v51, v32;
	v47 =	vmul.f32 v24, v34;
	v48 =	vmul.f32 v24, v60  }
0x2e4: {  	v61 =	vld [tilespmem:s29+$0x0];
	vm1 =	veq.s32 v28, v13;
	v53 =	vmul.f32 v24, v53;
	v30 =	vmul.f32 v54, v30  }
0x2e5: {  	v60 =	vld [tilespmem:s30+$0xFFFFFF00];
	v22 =	vsel vm1, $0xF149F2CA, v22;
	v47 =	vmul.f32 v54, v47;
	v48 =	vmul.f32 v32, v48  }
0x2e6: {  	v34 =	vld [tilespmem:s30+$0x100];
	v52 =	vmul.f32 v32, v52;
	v63 =	vmul.f32 v32, v56;
	vm1 =	vgt.f32 v22, v26  }
0x2e7: {  	v24 =	vmul.f32 v53, v24;
	v53 =	vld [tilespmem:s29+$0xFFFFFE00];
	v30 =	vmul.f32 v30, v54;
	v48 =	vadd.f32 v48, v47  }
0x2e8: {  	v21 =	vsub.f32 v50, v59;
	v56 =	vld [tilespmem:s29+$0xFFFFFF00];
	v32 =	vmul.f32 v52, v32;
	v47 =	vsel vm1, v22, v26  }
0x2e9: {  	v55 =	vld [tilespmem:s29+$0x200];
	v22 =	vcvt.s32.f32 v28;
	v24 =	vadd.f32 v30, v24;
	v30 =	vadd.f32 v48, v63  }
0x2ea: {  	s21 =	simm.s32 $0x120;
	v59 =	vmul.f32 v21, v58;
	v23 =	vmul.f32 v21, v61;
	v63 =	vsub.f32 v49, v60  }
0x2eb: {  	s20 =	simm.s32 $0xF20;
	v58 =	vld [tilespmem:s21+$0xFFFFFF00];
	v48 =	vsel vm1, v22, v16;
	v22 =	vadd.f32 v32, v24;
	v24 =	vadd.f32 v30, v30  }
0x2ec: {  	v52 =	vimm.f32 $0.0e+00;
	v28 =	vld [tilespmem:s20+$0x200];
	v26 =	vsub.f32 v51, v34;
	v53 =	vmul.f32 v63, v53  }
0x2ed: {  	v32 =	vmul.f32 v63, v57;
	v57 =	vld [tilespmem:s21+$0x100];
	v34 =	vmul.f32 v63, v56;
	v24 =	vadd.f32 v24, v22  }
0x2ee: {  	s31 =	simm.s32 $0x0;
	v16 =	vimm.f32 $-3.000000010e+38;
	v54 =	vmul.f32 v26, v55;
	v55 =	vld [tilespmem:s20+$0x0];
	v60 =	vmul.f32 v21, v53  }
0x2ef: {  	v56 =	vld [tilespmem:s21+$0x0];
	v22 =	vmul.f32 v26, v34;
	v53 =	vor.u32 s31, v17;
	v62 =	vmul.f32 $-5.000000000e-01, v24  }
0x2f0: {  	s22 =	simm.s32 $0x30;
	s19 =	simm.s32 $0x10;
	s18 =	simm.s32 $0x20;
	v30 =	vld [tilespmem:s20+$0xFFFFFD00];
	v61 =	vmul.f32 v32, v63;
	v63 =	vmul.f32 v23, v21;
	vm15 =	veq.s32 v53, v14  }
.LBB2_32:
0x2f1: {  	p0 =	sne.s32 s22, $0xF0;
	v21 =	vld [tilespmem:s20+$0xFFFFFE00];
	v22 =	vadd.f32 v22, v60;
	v23 =	vmul.f32 v26, v59;
	v24 =	vsel vm15, $0xF149F2CA, v62  }
0x2f2: {  	v59 =	vmul.f32 v54, v26;
	v32 =	vld [tilespmem:s20+$0xFFFFFF00];
	v26 =	vsub.f32 v51, v57;
	vm1 =	vgt.f32 v24, v16  }
0x2f3: {  	v57 =	vadd.f32 v63, v61;
	v62 =	vld [tilespmem:s20+$0x100];
	v22 =	vadd.f32 v22, v23;
	v16 =	vsel vm1, v24, v16  }
0x2f4: {  	v53 =	vcvt.s32.f32 v53;
	v24 =	vsub.f32 v50, v56;
	s20 =	sadd.s32 $0x10, s20;
	v23 =	vsub.f32 v49, v58  }
0x2f5: {  	v54 =	vmul.f32 v26, v28;
	v56 =	vadd.f32 v59, v57;
	v28 =	vld [tilespmem:s20+$0x200];
	v22 =	vadd.f32 v22, v22  }
.Ltmp15:
0x2f6: {  	s21 =	sadd.s32 $0x10, s21;
	v52 =	vsel vm1, v53, v52;
	v61 =	vmul.f32 v23, v30;
	v30 =	vld [tilespmem:s20+$0xFFFFFD00];
	v21 =	vmul.f32 v23, v21;
	(pc) =	sbr.rel @p0 .LBB2_32-.Ltmp15, $4  }
0x2f7: {  	v63 =	vmul.f32 v24, v55;
	v57 =	vld [tilespmem:s21+$0x100];
	v32 =	vmul.f32 v23, v32;
	v53 =	vadd.f32 v22, v56  }
0x2f8: {  	v56 =	vld [tilespmem:s21+$0x0];
	v60 =	vmul.f32 v24, v21;
	v59 =	vmul.f32 v24, v62  }
0x2f9: {  	v58 =	vld [tilespmem:s21+$0xFFFFFF00];
	v22 =	vmul.f32 v26, v32;
	v62 =	vmul.f32 $-5.000000000e-01, v53;
	v53 =	vor.u32 s19, v17;
	s19 =	smov.u32 s18;
	s18 =	smov.u32 s22  }
0x2fa: {  	v63 =	vmul.f32 v63, v24;
	v61 =	vmul.f32 v61, v23;
	s22 =	sadd.s32 $0x10, s22;
	v55 =	vld [tilespmem:s20+$0x0];
	vm15 =	veq.s32 v53, v14  }
0x2fb: {  	v21 =	vld [tilespmem:s20+$0xFFFFFE00]  }
0x2fc: {  	v22 =	vadd.f32 v22, v60;
	v23 =	vld [tilespmem:s20+$0xFFFFFF00];
	v24 =	vmul.f32 v26, v59  }
0x2fd: {  	v32 =	vsel vm15, $0xF149F2CA, v62;
	vm1 =	vmmov $0x7fff;
	v62 =	vld [tilespmem:s20+$0x100];
	v26 =	vmul.f32 v54, v26  }
0x2fe: {  	v51 =	vsub.f32 v51, v57;
	v20 =	vsel vm1, $0x0, v20;
	v50 =	vsub.f32 v50, v56  }
0x2ff: {  	v34 =	vadd.f32 v63, v61;
	v19 =	vsel vm1, $0x0, v19;
	(xrf2) =	vadd.scan.msk.f32 $0xffff, v20;
	v49 =	vsub.f32 v49, v58  }
0x300: {  	v20 =	vmul.f32 v51, v28;
	(xrf2) =	vadd.scan.msk.f32 $0xffff, v19;
	v19 =	vadd.f32 v22, v24;
	v22 =	vmul.f32 v50, v55  }
0x301: {  	v18 =	vsel vm1, $0x0, v18;
	v21 =	vmul.f32 v49, v21;
	v23 =	vmul.f32 v49, v23  }
0x302: {  	v24 =	vadd.f32 v26, v34;
	(xrf2) =	vadd.scan.msk.f32 $0xffff, v18;
	v28 =	vmul.f32 v49, v30;
	v18 =	vmul.f32 v50, v62  }
0x303: {  	s28 =	simm.s32 $0xF00;
	v19 =	vadd.f32 v19, v19;
	v21 =	vmul.f32 v50, v21;
	v23 =	vmul.f32 v51, v23  }
0x304: {  	v60 =	vld [tilespmem:s28+$0xFFFFFE00];
	v22 =	vmul.f32 v22, v50;
	v26 =	vmul.f32 v28, v49  }
0x305: {  	v61 =	vld [tilespmem:s28+$0xFFFFFF00];
	v18 =	vmul.f32 v51, v18;
	v19 =	vadd.f32 v19, v24;
	v21 =	vadd.f32 v23, v21  }
0x306: {  	s21 =	simm.s32 $0x100;
	v63 =	vld [tilespmem:s28+$0x100];
	v20 =	vmul.f32 v20, v51;
	v30 =	vor.u32 s19, v17  }
0x307: {  	v22 =	vadd.f32 v22, v26;
	v19 =	vmul.f32 $-5.000000000e-01, v19;
	v18 =	vadd.f32 v21, v18;
	v21 =	vld [tilespmem:s21+$0xFFFFFF00]  }
0x308: {  	vm1 =	vgt.f32 v32, v16;
	v58 =	vld [tilespmem:s21+$0x0];
	vm15 =	veq.s32 v30, v14;
	v26 =	vcvt.s32.f32 v53  }
0x309: {  	v24 =	vld [tilespmem:s21+$0x100];
	v22 =	vadd.f32 v20, v22;
	v19 =	vsel vm15, $0xF149F2CA, v19;
	v59, _, _ =	vpop (xrf2);
	v18 =	vadd.f32 v18, v18  }
0x30a: {  	v16 =	vsel vm1, v32, v16;
	v30 =	vcvt.s32.f32 v30;
	v23 =	vld [tilespmem:s28+$0xFFFFFD00];
	v20 =	vbroadcast v59, $0xF  }
0x30b: {  	s29 =	simm.s32 $0xF10;
	v26 =	vsel vm1, v26, v52;
	vm1 =	vgt.f32 v19, v16;
	v62, _, _ =	vpop (xrf2);
	v18 =	vadd.f32 v18, v22;
	v22 =	vld [tilespmem:s28+$0x0]  }
0x30c: {  	v54 =	vld [tilespmem:s29+$0xFFFFFD00];
	v16 =	vsel vm1, v19, v16;
	v19, _, _ =	vpop (xrf2);
	v49 =	vbroadcast v62, $0xF;
	v21 =	vsub.f32 v20, v21  }
0x30d: {  	s30 =	simm.s32 $0x110;
	v28 =	vld [tilespmem:s28+$0x200];
	v26 =	vsel vm1, v30, v26;
	v51 =	vbroadcast v19, $0xF;
	v19 =	vor.u32 s18, v17  }
0x30e: {  	v55 =	vld [tilespmem:s30+$0x100];
	v32 =	vsub.f32 v49, v58;
	v18 =	vmul.f32 $-5.000000000e-01, v18;
	v50 =	vmul.f32 v21, v60  }
0x30f: {  	v30 =	vld [tilespmem:s29+$0x200];
	v24 =	vsub.f32 v51, v24;
	v23 =	vmul.f32 v21, v23;
	v52 =	vmul.f32 v21, v61  }
0x310: {  	vm1 =	veq.s32 v19, v14;
	v60 =	vld [tilespmem:s30+$0x0];
	v53 =	vmul.f32 v32, v63;
	v22 =	vmul.f32 v32, v22  }
0x311: {  	v61 =	vld [tilespmem:s30+$0xFFFFFF00];
	v18 =	vsel vm1, $0xF149F2CA, v18;
	v50 =	vmul.f32 v32, v50;
	v52 =	vmul.f32 v24, v52  }
0x312: {  	v59 =	vld [tilespmem:s29+$0xFFFFFF00];
	v28 =	vmul.f32 v24, v28;
	vm1 =	vgt.f32 v18, v16;
	v21 =	vmul.f32 v23, v21  }
0x313: {  	v23 =	vld [tilespmem:s29+$0xFFFFFE00];
	v63 =	vmul.f32 v24, v53;
	v22 =	vmul.f32 v22, v32;
	v62 =	vadd.f32 v52, v50  }
0x314: {  	v58 =	vld [tilespmem:s29+$0x0];
	v55 =	vsub.f32 v51, v55;
	v18 =	vsel vm1, v18, v16;
	v16 =	vcvt.s32.f32 v19  }
0x315: {  	v24 =	vmul.f32 v28, v24;
	v28 =	vld [tilespmem:s29+$0x100];
	v21 =	vadd.f32 v22, v21;
	v22 =	vadd.f32 v62, v63  }
0x316: {  	s20 =	simm.s32 $0xF20;
	v19 =	vsel vm1, v16, v26;
	v26 =	vsub.f32 v20, v61;
	v32 =	vsub.f32 v49, v60  }
0x317: {  	v56 =	vld [tilespmem:s20+$0xFFFFFD00];
	v57 =	vmul.f32 v55, v30;
	v16 =	vadd.f32 v24, v21;
	v21 =	vadd.f32 v22, v22  }
0x318: {  	s21 =	simm.s32 $0x120;
	v53 =	vld [tilespmem:s20+$0x200];
	v52 =	vimm.f32 $-3.000000010e+38;
	v23 =	vmul.f32 v26, v23;
	v30 =	vmul.f32 v26, v59  }
0x319: {  	v61 =	vld [tilespmem:s21+$0x100];
	v22 =	vmul.f32 v26, v54;
	v24 =	vmul.f32 v32, v58;
	v21 =	vadd.f32 v21, v16  }
0x31a: {  	s31 =	simm.s32 $0x0;
	v50 =	vimm.f32 $0.0e+00;
	v60 =	vld [tilespmem:s21+$0x0];
	v63 =	vmul.f32 v32, v28;
	v30 =	vmul.f32 v55, v30  }
0x31b: {  	v62 =	vld [tilespmem:s21+$0xFFFFFF00];
	v54 =	vor.u32 s31, v17;
	v16 =	vmul.f32 v32, v23;
	v58 =	vmul.f32 $-5.000000000e-01, v21  }
0x31c: {  	s22 =	simm.s32 $0x30;
	s19 =	simm.s32 $0x10;
	s18 =	simm.s32 $0x20;
	v59 =	vld [tilespmem:s20+$0x0];
	vm15 =	veq.s32 v54, v15;
	v26 =	vmul.f32 v22, v26;
	v28 =	vmul.f32 v24, v32  }
.LBB2_34:
0x31d: {  	p0 =	sne.s32 s22, $0xF0;
	v21 =	vld [tilespmem:s20+$0xFFFFFE00];
	v16 =	vadd.f32 v30, v16;
	v22 =	vmul.f32 v55, v63;
	v23 =	vsel vm15, $0xF149F2CA, v58  }
0x31e: {  	v30 =	vmul.f32 v57, v55;
	v24 =	vld [tilespmem:s20+$0xFFFFFF00];
	v55 =	vsub.f32 v51, v61;
	vm1 =	vgt.f32 v23, v52  }
0x31f: {  	v26 =	vadd.f32 v28, v26;
	v32 =	vld [tilespmem:s20+$0x100];
	v16 =	vadd.f32 v16, v22;
	v52 =	vsel vm1, v23, v52  }
0x320: {  	v28 =	vcvt.s32.f32 v54;
	v23 =	vsub.f32 v49, v60;
	s20 =	sadd.s32 $0x10, s20;
	v22 =	vsub.f32 v20, v62  }
0x321: {  	v57 =	vmul.f32 v55, v53;
	v26 =	vadd.f32 v30, v26;
	v53 =	vld [tilespmem:s20+$0x200];
	v16 =	vadd.f32 v16, v16  }
.Ltmp16:
0x322: {  	s21 =	sadd.s32 $0x10, s21;
	v50 =	vsel vm1, v28, v50;
	v34 =	vmul.f32 v22, v56;
	v56 =	vld [tilespmem:s20+$0xFFFFFD00];
	v21 =	vmul.f32 v22, v21;
	(pc) =	sbr.rel @p0 .LBB2_34-.Ltmp16, $4  }
0x323: {  	v28 =	vmul.f32 v23, v59;
	v61 =	vld [tilespmem:s21+$0x100];
	v24 =	vmul.f32 v22, v24;
	v26 =	vadd.f32 v16, v26  }
0x324: {  	v60 =	vld [tilespmem:s21+$0x0];
	v16 =	vmul.f32 v23, v21;
	v63 =	vmul.f32 v23, v32  }
0x325: {  	v54 =	vor.u32 s19, v17;
	s19 =	smov.u32 s18;
	s18 =	smov.u32 s22;
	v62 =	vld [tilespmem:s21+$0xFFFFFF00];
	v30 =	vmul.f32 v55, v24;
	v58 =	vmul.f32 $-5.000000000e-01, v26  }
0x326: {  	s22 =	sadd.s32 $0x10, s22;
	vm15 =	veq.s32 v54, v15;
	v28 =	vmul.f32 v28, v23;
	v26 =	vmul.f32 v34, v22;
	v59 =	vld [tilespmem:s20+$0x0]  }
0x327: {  	v22 =	vld [tilespmem:$0x1FFD0];
	_ =	sdelay $0x4  }
0x328: {  	(xrf0) =	vmax.scan.msk.f32 $0xffff, v22;
	_ =	sdelay $0x4  }
0x329: {  	v24 =	vld [tilespmem:$0x1FFE0]  }
0x32a: {  	v21, _, _ =	vpop (xrf0)  }
0x32b: {  	v23 =	vld [tilespmem:$0x1FFB0];
	v21 =	vbroadcast v21, $0xF;
	_ =	sdelay $0x1  }
0x32c: {  	vm1 =	veq.f32 v22, v21  }
0x32d: {  	v21 =	vnsel vm1, $0x4E6E6B28, v24  }
0x32e: {  	(xrf0) =	vmin.scan.msk.f32 $0xffff, v21  }
0x32f: {  	(xrf0) =	vmax.scan.msk.f32 $0xffff, v23;
	_ =	sdelay $0x4  }
0x330: {  	v34 =	vld [tilespmem:$0x1FFC0];
	v21, _, _ =	vpop (xrf0)  }
0x331: {  	v32, _, _ =	vpop (xrf0)  }
0x332: {  	v22 =	vbroadcast v32, $0xF;
	_ =	sdelay $0x1  }
0x333: {  	vm1 =	veq.f32 v23, v22  }
0x334: {  	v22 =	vnsel vm1, $0x4E6E6B28, v34  }
0x335: {  	(xrf0) =	vmin.scan.msk.f32 $0xffff, v22  }
0x336: {  	(xrf0) =	vmax.scan.msk.f32 $0xffff, v25;
	_ =	sdelay $0x4  }
0x337: {  	v22, _, _ =	vpop (xrf0)  }
0x338: {  	v24, _, _ =	vpop (xrf0)  }
0x339: {  	v23 =	vbroadcast v24, $0xF;
	_ =	sdelay $0x1  }
0x33a: {  	vm1 =	veq.f32 v25, v23;
	v25 =	vld [tilespmem:$0x1FFA0];
	_ =	sdelay $0x4  }
0x33b: {  	v23 =	vnsel vm1, $0x4E6E6B28, v25  }
0x33c: {  	(xrf0) =	vmin.scan.msk.f32 $0xffff, v23  }
0x33d: {  	(xrf0) =	vmax.scan.msk.f32 $0xffff, v27;
	_ =	sdelay $0x4  }
0x33e: {  	v32 =	vld [tilespmem:$0x1FF90];
	v23, _, _ =	vpop (xrf0)  }
0x33f: {  	v24, _, _ =	vpop (xrf0)  }
0x340: {  	v24 =	vbroadcast v24, $0xF;
	_ =	sdelay $0x1  }
0x341: {  	vm1 =	veq.f32 v27, v24  }
0x342: {  	v24 =	vnsel vm1, $0x4E6E6B28, v32  }
0x343: {  	(xrf0) =	vmin.scan.msk.f32 $0xffff, v24  }
0x344: {  	(xrf0) =	vmax.scan.msk.f32 $0xffff, v29;
	_ =	sdelay $0x4  }
0x345: {  	v32 =	vld [tilespmem:$0x1FF80];
	v24, _, _ =	vpop (xrf0)  }
0x346: {  	v34, _, _ =	vpop (xrf0)  }
0x347: {  	v25 =	vbroadcast v34, $0xF;
	_ =	sdelay $0x1  }
0x348: {  	vm1 =	veq.f32 v29, v25  }
0x349: {  	v25 =	vnsel vm1, $0x4E6E6B28, v32  }
0x34a: {  	(xrf0) =	vmin.scan.msk.f32 $0xffff, v25  }
0x34b: {  	(xrf0) =	vmax.scan.msk.f32 $0xffff, v31;
	_ =	sdelay $0x4  }
0x34c: {  	v25, _, _ =	vpop (xrf0)  }
0x34d: {  	v34, _, _ =	vpop (xrf0)  }
0x34e: {  	v27 =	vbroadcast v34, $0xF;
	_ =	sdelay $0x1  }
0x34f: {  	vm1 =	veq.f32 v31, v27;
	v31 =	vld [tilespmem:$0x1FF70];
	_ =	sdelay $0x4  }
0x350: {  	v27 =	vnsel vm1, $0x4E6E6B28, v31  }
0x351: {  	(xrf0) =	vmin.scan.msk.f32 $0xffff, v27  }
0x352: {  	(xrf0) =	vmax.scan.msk.f32 $0xffff, v33;
	_ =	sdelay $0x4  }
0x353: {  	v27, _, _ =	vpop (xrf0)  }
0x354: {  	v32, _, _ =	vpop (xrf0)  }
0x355: {  	v29 =	vbroadcast v32, $0xF;
	_ =	sdelay $0x1  }
0x356: {  	vm1 =	veq.f32 v33, v29;
	v33 =	vld [tilespmem:$0x1FF60];
	_ =	sdelay $0x4  }
0x357: {  	v29 =	vnsel vm1, $0x4E6E6B28, v33  }
0x358: {  	(xrf0) =	vmin.scan.msk.f32 $0xffff, v29  }
0x359: {  	(xrf0) =	vmax.scan.msk.f32 $0xffff, v35;
	_ =	sdelay $0x4  }
0x35a: {  	v29, _, _ =	vpop (xrf0)  }
0x35b: {  	v34, _, _ =	vpop (xrf0)  }
0x35c: {  	v31 =	vbroadcast v34, $0xF;
	_ =	sdelay $0x1  }
0x35d: {  	vm1 =	veq.f32 v35, v31  }
0x35e: {  	v31 =	vnsel vm1, $0x4E6E6B28, v36  }
0x35f: {  	(xrf0) =	vmin.scan.msk.f32 $0xffff, v31  }
0x360: {  	(xrf0) =	vmax.scan.msk.f32 $0xffff, v37;
	_ =	sdelay $0x4  }
0x361: {  	v31, _, _ =	vpop (xrf0)  }
0x362: {  	v32, _, _ =	vpop (xrf0)  }
0x363: {  	v32 =	vbroadcast v32, $0xF;
	_ =	sdelay $0x1  }
0x364: {  	vm1 =	veq.f32 v37, v32  }
0x365: {  	v32 =	vnsel vm1, $0x4E6E6B28, v38  }
0x366: {  	(xrf0) =	vmin.scan.msk.f32 $0xffff, v32  }
0x367: {  	(xrf0) =	vmax.scan.msk.f32 $0xffff, v39;
	_ =	sdelay $0x4  }
0x368: {  	v32, _, _ =	vpop (xrf0)  }
0x369: {  	v38, _, _ =	vpop (xrf0)  }
0x36a: {  	v33 =	vbroadcast v38, $0xF;
	_ =	sdelay $0x1  }
0x36b: {  	vm1 =	veq.f32 v39, v33  }
0x36c: {  	v33 =	vnsel vm1, $0x4E6E6B28, v40  }
0x36d: {  	(xrf0) =	vmin.scan.msk.f32 $0xffff, v33  }
0x36e: {  	(xrf0) =	vmax.scan.msk.f32 $0xffff, v41;
	_ =	sdelay $0x4  }
0x36f: {  	v33, _, _ =	vpop (xrf0)  }
0x370: {  	v34, _, _ =	vpop (xrf0)  }
0x371: {  	v34 =	vbroadcast v34, $0xF;
	_ =	sdelay $0x1  }
0x372: {  	vm1 =	veq.f32 v41, v34  }
0x373: {  	v34 =	vnsel vm1, $0x4E6E6B28, v42  }
0x374: {  	(xrf0) =	vmin.scan.msk.f32 $0xffff, v34  }
0x375: {  	(xrf0) =	vmax.scan.msk.f32 $0xffff, v43;
	_ =	sdelay $0x4  }
0x376: {  	v34, _, _ =	vpop (xrf0)  }
0x377: {  	v42, _, _ =	vpop (xrf0)  }
0x378: {  	v35 =	vbroadcast v42, $0xF;
	_ =	sdelay $0x1  }
0x379: {  	vm1 =	veq.f32 v43, v35  }
0x37a: {  	v35 =	vnsel vm1, $0x4E6E6B28, v44  }
0x37b: {  	(xrf0) =	vmin.scan.msk.f32 $0xffff, v35  }
0x37c: {  	(xrf0) =	vmax.scan.msk.f32 $0xffff, v45;
	_ =	sdelay $0x4  }
0x37d: {  	v35, _, _ =	vpop (xrf0)  }
0x37e: {  	v44, _, _ =	vpop (xrf0)  }
0x37f: {  	v36 =	vbroadcast v44, $0xF;
	_ =	sdelay $0x1  }
0x380: {  	vm1 =	veq.f32 v45, v36  }
0x381: {  	v36 =	vnsel vm1, $0x4E6E6B28, v46  }
0x382: {  	(xrf0) =	vmin.scan.msk.f32 $0xffff, v36  }
0x383: {  	v16 =	vadd.f32 v30, v16;
	v30 =	vld [tilespmem:s20+$0x100];
	(xrf0) =	vmax.scan.msk.f32 $0xffff, v47  }
0x384: {  	v37 =	vld [tilespmem:s20+$0xFFFFFF00]  }
0x385: {  	v46 =	vld [tilespmem:s20+$0xFFFFFE00]  }
0x386: {  	v60 =	vsub.f32 v49, v60  }
0x387: {  	v20 =	vsub.f32 v20, v62  }
0x388: {  	v57 =	vmul.f32 v57, v55;
	v30 =	vmul.f32 v60, v30;
	v41, _, _ =	vpop (xrf0)  }
0x389: {  	v38 =	vmul.f32 v55, v63;
	v63 =	vmul.f32 v20, v37;
	v39 =	vsub.f32 v51, v61;
	v62, _, _ =	vpop (xrf0)  }
0x38a: {  	v26 =	vadd.f32 v28, v26;
	v36 =	vmul.f32 v20, v46;
	v45 =	vbroadcast v62, $0xF  }
0x38b: {  	v61 =	vmul.f32 v20, v56;
	v16 =	vadd.f32 v16, v38;
	v28 =	vmul.f32 v39, v63  }
0x38c: {  	v46 =	vmul.f32 v60, v59;
	v36 =	vmul.f32 v60, v36;
	vm1 =	veq.f32 v47, v45  }
0x38d: {  	v49 =	vmul.f32 v39, v53;
	v30 =	vmul.f32 v39, v30;
	v51 =	vnsel vm1, $0x4E6E6B28, v48  }
0x38e: {  	v20 =	vmul.f32 v61, v20;
	v38 =	vmul.f32 v46, v60;
	v28 =	vadd.f32 v28, v36;
	(xrf0) =	vmin.scan.msk.f32 $0xffff, v51  }
0x38f: {  	v26 =	vadd.f32 v57, v26;
	v16 =	vadd.f32 v16, v16;
	(xrf0) =	vmax.scan.msk.f32 $0xffff, v18  }
0x390: {  	v53 =	vmul.f32 v49, v39;
	v20 =	vadd.f32 v38, v20;
	v28 =	vadd.f32 v28, v30  }
0x391: {  	v16 =	vadd.f32 v16, v26  }
0x392: {  	v20 =	vadd.f32 v53, v20;
	v55 =	vadd.f32 v28, v28  }
0x393: {  	v57 =	vor.u32 s19, v17;
	v16 =	vmul.f32 $-5.000000000e-01, v16  }
0x394: {  	v56 =	vsel vm15, $0xF149F2CA, v58;
	vm15 =	veq.s32 v57, v15;
	v20 =	vadd.f32 v55, v20;
	v58, _, _ =	vpop (xrf0)  }
0x395: {  	v16 =	vsel vm15, $0xF149F2CA, v16;
	v60 =	vor.u32 s18, v17;
	vm1 =	vgt.f32 v56, v52;
	v59, _, _ =	vpop (xrf0)  }
0x396: {  	v28 =	vsel vm1, v56, v52;
	v20 =	vmul.f32 $-5.000000000e-01, v20;
	v36 =	vbroadcast v59, $0xF  }
0x397: {  	vm2 =	veq.s32 v60, v15;
	vm15 =	vgt.f32 v16, v28  }
0x398: {  	v16 =	vsel vm15, v16, v28;
	v20 =	vsel vm2, $0xF149F2CA, v20;
	vm2 =	veq.f32 v18, v36  }
0x399: {  	v18 =	vnsel vm2, $0x4E6E6B28, v19;
	vm2 =	vgt.f32 v20, v16  }
0x39a: {  	v16 =	vsel vm2, v20, v16;
	(xrf0) =	vmin.scan.msk.f32 $0xffff, v18  }
0x39b: {  	(xrf0) =	vmax.scan.msk.f32 $0xffff, v16;
	_ =	sdelay $0x1  }
0x39c: {  	(v2sf) =	vpush v21, $0xF  }
0x39d: {  	(v2sf) =	vpush v22, $0xF  }
0x39e: {  	(v2sf) =	vpush v23, $0xF  }
0x39f: {  	(v2sf) =	vpush v24, $0xF;
	v18 =	vcvt.s32.f32 v54;
	v19, _, _ =	vpop (xrf0)  }
0x3a0: {  	(v2sf) =	vpush v25, $0xF;
	v61 =	vcvt.s32.f32 v57;
	v62, _, _ =	vpop (xrf0)  }
0x3a1: {  	v63 =	vcvt.s32.f32 v60;
	v18 =	vsel vm1, v18, v50;
	v21 =	vbroadcast v62, $0xF  }
0x3a2: {  	(v2sf) =	vpush v27, $0xF;
	v18 =	vsel vm15, v61, v18  }
0x3a3: {  	(v2sf) =	vpush v29, $0xF;
	v18 =	vsel vm2, v63, v18;
	vm1 =	veq.f32 v16, v21  }
0x3a4: {  	(v2sf) =	vpush v31, $0xF;
	v16 =	vnsel vm1, $0x4E6E6B28, v18  }
0x3a5: {  	(v2sf) =	vpush v32, $0xF;
	(xrf0) =	vmin.scan.msk.f32 $0xffff, v16  }
0x3a6: {  	(v2sf) =	vpush v33, $0xF  }
0x3a7: {  	(v2sf) =	vpush v34, $0xF  }
0x3a8: {  	(v2sf) =	vpush v35, $0xF  }
0x3a9: {  	(v2sf) =	vpush v41, $0xF  }
0x3aa: {  	(v2sf) =	vpush v58, $0xF  }
0x3ab: {  	(v2sf) =	vpush v19, $0xF;
	v16, _, _ =	vpop (xrf0)  }
0x3ac: {  	s18 =	spop (v2sf);
	(v2sf) =	vpush v16, $0xF  }
0x3ad: {  	s19 =	spop (v2sf)  }
0x3ae: {  	s20 =	spop (v2sf)  }
0x3af: {  	s21 =	spop (v2sf)  }
0x3b0: {  	s22 =	spop (v2sf)  }
0x3b1: {  	s23 =	spop (v2sf)  }
0x3b2: {  	s24 =	spop (v2sf)  }
0x3b3: {  	s25 =	spop (v2sf)  }
0x3b4: {  	s26 =	spop (v2sf)  }
0x3b5: {  	s28 =	spop (v2sf)  }
0x3b6: {  	s29 =	spop (v2sf)  }
0x3b7: {  	s30 =	spop (v2sf)  }
0x3b8: {  	s31 =	spop (v2sf)  }
0x3b9: {  	s3 =	spop (v2sf)  }
0x3ba: {  	s0 =	spop (v2sf)  }
0x3bb: {  	s2 =	spop (v2sf)  }
0x3bc: {  	s2 =	scvt.f32.s32 s2  }
0x3bd: {  	s18 =	scvt.f32.s32 s18  }
0x3be: {  	s19 =	scvt.f32.s32 s19;
	vm1 =	vcmask $0x300;
	v16 =	vmov s2  }
0x3bf: {  	s20 =	scvt.f32.s32 s20;
	v16 =	vsel vm1, s18, v16;
	vm1 =	vcmask $0x704  }
0x3c0: {  	v16 =	vsel vm1, s19, v16;
	s19 =	scvt.f32.s32 s21;
	vm1 =	vcmask $0xB08  }
0x3c1: {  	v16 =	vsel vm1, s20, v16;
	s20 =	scvt.f32.s32 s22;
	vm1 =	vcmask $0xF0C  }
0x3c2: {  	s21 =	scvt.f32.s32 s23;
	v16 =	vsel vm1, s19, v16;
	vm1 =	vcmask $0x1310  }
0x3c3: {  	s22 =	scvt.f32.s32 s24;
	v16 =	vsel vm1, s20, v16;
	vm1 =	vcmask $0x1714  }
0x3c4: {  	s23 =	scvt.f32.s32 s25;
	v16 =	vsel vm1, s21, v16;
	vm1 =	vcmask $0x1B18  }
0x3c5: {  	s24 =	scvt.f32.s32 s26;
	v16 =	vsel vm1, s22, v16;
	vm1 =	vcmask $0x1F1C  }
0x3c6: {  	s25 =	scvt.f32.s32 s28;
	v16 =	vsel vm1, s23, v16;
	vm1 =	vcmask $0x2320  }
0x3c7: {  	s26 =	scvt.f32.s32 s29;
	v16 =	vsel vm1, s24, v16;
	vm1 =	vcmask $0x2724  }
0x3c8: {  	s28 =	scvt.f32.s32 s30;
	v16 =	vsel vm1, s25, v16;
	vm1 =	vcmask $0x2B28  }
0x3c9: {  	s29 =	scvt.f32.s32 s31;
	v16 =	vsel vm1, s26, v16;
	vm1 =	vcmask $0x2F2C  }
0x3ca: {  	s30 =	scvt.f32.s32 s3;
	v16 =	vsel vm1, s28, v16;
	vm1 =	vcmask $0x3330  }
0x3cb: {  	s0 =	scvt.f32.s32 s0;
	v16 =	vsel vm1, s29, v16;
	vm1 =	vcmask $0x3734  }
0x3cc: {  	v16 =	vsel vm1, s30, v16;
	vm1 =	vcmask $0x3B38  }
0x3cd: {  	v16 =	vsel vm1, s0, v16  }
0x3ce: {  	[tilespmem:$0x3210] =	vst v16  }
0x3cf: {  	[hbm4b:s7+s4] =	stream.linear.scatter [tilespmem:s12], [sflag:$0x2], $0x10, $0x38;
	[tilespmem:$0x3220] =	vst v63  }
0x3d0: {  	_ =	swait.ge [sflag:s10], $0x10  }
0x3d1: {  	v18 =	vld [tilespmem:$0x1FFF0];
	_ =	sdelay $0x3  }
0x3d2: {  	[sflag:s10] =	ssyncset.done $0x0  }
0x3d3: {  	[sflag:s10] =	ssyncadd.s32 $0xFFFFFFF0;
	v16 =	vadd.s32 v18, v16  }
0x3d4: {  	s31 =	rddreg [dreg:$0x2];
	[tilespmem:$0x1200] =	vst v16  }
0x3d5: {  	[tilespmem:s15], [sflag:$0x1] =	stream.indirect.gather [hbm4b:s31+s13], $0x200, s14, s13, $0xb8;
	[tilespmem:$0x3220] =	vst v63  }
0x3d6: {  	s17 =	sadd.s32 $0x1, s17;
	_ =	swait.ge [sflag:s16], $0x2000  }
0x3d7: {  	p0 =	sne.s32 s17, s9;
	[sflag:s16] =	ssyncset.done $0x0  }
.Ltmp17:
0x3d8: {  	[sflag:s16] =	ssyncadd.s32 $0xFFFFE000;
	(pc) =	sbr.rel @p0 .LBB2_1-.Ltmp17, $4  }
0x3d9: {  	[hbm4b:s8+s4] =	stream.linear.scatter [tilespmem:s15], [sflag:$0x2], $0x2000, $0x38;
	[tilespmem:$0x3220] =	vst v63  }
0x3da: {  	_ =	swait.ge [sflag:s10], $0x2000  }
0x3db: {  	[sflag:s10] =	ssyncset.done $0x0  }
0x3dc: {  	[sflag:s10] =	ssyncadd.s32 $0xFFFFE000  }
0x3dd: {  	_ =	sfence.sel $0x180000  }
0x3de: {  	[bflag:$0x0] =	sbarrier.arrive $0xFFFF  }
0x3df: {  	_ =	strace $0x90000047  }
0x3e0: {  	s0 =	stileid.u32;
	[bflag:$0x2] =	sbarrier.arrive $0xFFFF  }
0x3e1: {  	p0 =	sne.s32 s0, $0x0;
	s0 =	rddreg [dreg:$0x5]  }
0x3e2: {  	s0 =	sadd.s32 @!p0 $0x100000, s0  }
0x3e3: {  	[sflag:s0] =	ssyncadd.tile.s32 @!p0 $0x1;
	_ =	shalt  }
.Lfunc_end2:
_tile_overlayer_lowered:
.L_overlay_start_2:
0x3e4: {  	(tag) =	ssettag $0x2  }
0x3e5: {  	s0 =	rddreg [dreg:$0x0];
	s2 =	stileid.u32  }
0x3e6: {  	s1 =	rddreg [dreg:$0x1];
	p0 =	sne.s32 s2, $0x0  }
0x3e7: {  	s3 =	rddreg [dreg:$0x2];
	[bflag:$0x3] =	sbarrier.arrive $0xFFFF;
	s2 =	simm.s32 @!p0 $0x1C02  }
0x3e8: {  	[timem:s3], [sflag:s2] =	dma.local @!p0 [hbm:s0], s1  }
0x3e9: {  	s0 =	simm.s32 @!p0 $0x2  }
0x3ea: {  	_ =	swait.ge @!p0 [sflag:s0], s1  }
0x3eb: {  	s1 =	ssub.s32 @!p0 $0x0, s1;
	[sflag:s0] =	ssyncset.done @!p0 $0x0  }
0x3ec: {  	[sflag:s0] =	ssyncadd.s32 @!p0 s1  }
0x3ed: {  	[bflag:$0x3] =	sbarrier.arrive $0xFFFF  }
0x3ee: {  	_ =	shalt  }

</sc_bundles>
